<compile_context>
chip_gen: v7x
topology: tpu7x:2x2x1
jax: 0.10.2.dev20260603
libtpu: 0.0.44.dev20260713+nightly
codegen_flags: <defaults>
</compile_context>

<pallas_src>
import jax
import jax.numpy as jnp
from jax import lax
from jax.experimental import pallas as pl
from jax.experimental.pallas import tpu as pltpu
from jax.experimental.pallas import tpu_sc as plsc

N = 10000
E = 320000
FIN = 128
H = 128
C = 40

NPAD = 10240
NSC = 10112
DUMMY = N
B = 48
NT = 32
E1 = E + N
CHUNKS = 216
EPT = CHUNKS * B
EPAD = EPT * NT
EIDX = EPAD + 4096
NR = NSC // 16
BM = 1024
NJ = H // 16



def _mm3_body(x_ref, wa, ba, wb, bb, wc, bc, oa, ob, oc):
    xv = x_ref[...]
    oa[...] = jnp.dot(xv, wa[...], preferred_element_type=jnp.float32) + ba[...]
    ob[...] = jnp.dot(xv, wb[...], preferred_element_type=jnp.float32) + bb[...]
    oc[...] = jnp.dot(xv, wc[...], preferred_element_type=jnp.float32) + bc[...]


def _mm3(x, wa, ba, wb, bb, wc, bc):
    k = x.shape[1]
    d = wa.shape[1]
    row = pl.BlockSpec((BM, k), lambda i: (i, 0))
    full_w = pl.BlockSpec((k, d), lambda i: (0, 0))
    full_b = pl.BlockSpec((1, d), lambda i: (0, 0))
    out = pl.BlockSpec((BM, d), lambda i: (i, 0))
    o = jax.ShapeDtypeStruct((NPAD, d), jnp.float32)
    return pl.pallas_call(
        _mm3_body,
        grid=(NPAD // BM,),
        in_specs=[row, full_w, full_b, full_w, full_b, full_w, full_b],
        out_specs=[out, out, out],
        out_shape=[o, o, o],
    )(x, wa, ba.reshape(1, d), wb, bb.reshape(1, d), wc, bc.reshape(1, d))


def _mid_body(num_ref, den_ref, lin_ref, b1_ref, wl, bl, wr, br, wn, bn,
              oxl, oxr, olin):
    num = num_ref[0] + num_ref[1]
    den = jnp.sum(den_ref[...], axis=0).reshape(-1, 1)
    conv = jnp.where(den > 0, num / den, 0.0) + b1_ref[...]
    pre = conv + lin_ref[...]
    h = jnp.where(pre > 0, pre, jnp.exp(pre) - 1.0)
    oxl[...] = jnp.dot(h, wl[...], preferred_element_type=jnp.float32) + bl[...]
    oxr[...] = jnp.dot(h, wr[...], preferred_element_type=jnp.float32) + br[...]
    olin[...] = jnp.dot(h, wn[...], preferred_element_type=jnp.float32) + bn[...]


def _tc_mid(num, den, lin1, b1, wl, bl, wr, br, wn, bn):
    d2 = wl.shape[1]
    full_w = pl.BlockSpec((H, d2), lambda i: (0, 0))
    full_b = pl.BlockSpec((1, d2), lambda i: (0, 0))
    o = jax.ShapeDtypeStruct((NPAD, d2), jnp.float32)
    return pl.pallas_call(
        _mid_body,
        grid=(NPAD // BM,),
        in_specs=[
            pl.BlockSpec((2, BM, H), lambda i: (0, i, 0)),
            pl.BlockSpec((NT, BM), lambda i: (0, i)),
            pl.BlockSpec((BM, H), lambda i: (i, 0)),
            pl.BlockSpec((1, H), lambda i: (0, 0)),
            full_w, full_b, full_w, full_b, full_w, full_b,
        ],
        out_specs=[pl.BlockSpec((BM, d2), lambda i: (i, 0))] * 3,
        out_shape=[o, o, o],
    )(num, den, lin1, b1, wl, bl, wr, br, wn, bn)


def _post_body(num_ref, den_ref, lin_ref, b2_ref, out_ref):
    d2 = lin_ref.shape[1]
    num = num_ref[0, :, :d2] + num_ref[1, :, :d2]
    den = jnp.sum(den_ref[...], axis=0).reshape(-1, 1)
    o = jnp.where(den > 0, num / den, 0.0) + b2_ref[...] + lin_ref[...]
    col = lax.broadcasted_iota(jnp.int32, (BM, d2), 1)
    mask = col < C
    om = jnp.where(mask, o, -1e30)
    m = jnp.max(om, axis=1, keepdims=True)
    ex = jnp.where(mask, jnp.exp(om - m), 0.0)
    s = jnp.sum(ex, axis=1, keepdims=True)
    out_ref[...] = o - m - jnp.log(s)


def _tc_post(num2, den2, lin2, b2):
    d2 = lin2.shape[1]
    return pl.pallas_call(
        _post_body,
        grid=(NPAD // BM,),
        in_specs=[
            pl.BlockSpec((2, BM, H), lambda i: (0, i, 0)),
            pl.BlockSpec((NT, BM), lambda i: (0, i)),
            pl.BlockSpec((BM, d2), lambda i: (i, 0)),
            pl.BlockSpec((1, d2), lambda i: (0, 0)),
        ],
        out_specs=pl.BlockSpec((BM, d2), lambda i: (i, 0)),
        out_shape=jax.ShapeDtypeStruct((NPAD, d2), jnp.float32),
    )(num2, den2, lin2, b2)



def _make_sc_fused(d):
    nj = d // 16

    def body(xl_hbm, xr_hbm, src_hbm, dst_hbm, att_hbm,
             num_hbm, den_hbm,
             src_v, dst_v, dsts0, dsts1, dstw, xl_rows, xr_rows, scaled,
             den_p, att_v, num_sh,
             s_idx0, s_idx1, s_rows0, s_rows1, s_sc0, s_sc1):
        cid = lax.axis_index("c")
        sid = lax.axis_index("s")
        wid = cid * 16 + sid
        rpt = NSC // 16
        iota = lax.iota(jnp.int32, 16)
        s_idx = (s_idx0, s_idx1)
        s_rows = (s_rows0, s_rows1)
        s_sc = (s_sc0, s_sc1)
        dsts = (dsts0, dsts1)
        pltpu.sync_copy(att_hbm, att_v)
        attv = [att_v[pl.ds(16 * j, 16)] for j in range(nj)]

        def zrow(r, carry):
            z = jnp.zeros((16,), jnp.float32)
            for j in range(H // 16):
                scaled[r, pl.ds(16 * j, 16)] = z
            return carry

        lax.fori_loop(0, 2 * B, zrow, 0)

        def zden(r, carry):
            den_p[pl.ds(r * 16, 16)] = jnp.zeros((16,), jnp.float32)
            return carry

        lax.fori_loop(0, NR, zden, 0)
        for k in range(rpt // (2 * B)):
            pltpu.sync_copy(scaled,
                            num_sh.at[pl.ds(sid * rpt + k * 2 * B, 2 * B)])
        rem = rpt % (2 * B)
        if rem:
            pltpu.sync_copy(scaled.at[pl.ds(0, rem)],
                            num_sh.at[pl.ds(sid * rpt + rpt - rem, rem)])
        plsc.subcore_barrier()

        def fire_idx(c, q):
            base = wid * EPT + c * B
            pltpu.async_copy(src_hbm.at[pl.ds(base, B)],
                             src_v.at[pl.ds(q * B, B)], s_idx[q])
            pltpu.async_copy(dst_hbm.at[pl.ds(base, B)],
                             dst_v.at[pl.ds(q * B, B)], s_idx[q])

        def wait_idx(c, q):
            base = wid * EPT + c * B
            pltpu.make_async_copy(src_hbm.at[pl.ds(base, B)],
                                  src_v.at[pl.ds(q * B, B)], s_idx[q]).wait()
            pltpu.make_async_copy(dst_hbm.at[pl.ds(base, B)],
                                  dst_v.at[pl.ds(q * B, B)], s_idx[q]).wait()

        def fire_rows(q):
            pltpu.async_copy(xl_hbm.at[src_v.at[pl.ds(q * B, B)]],
                             xl_rows.at[pl.ds(q * B, B)], s_rows[q])
            pltpu.async_copy(xr_hbm.at[dst_v.at[pl.ds(q * B, B)]],
                             xr_rows.at[pl.ds(q * B, B)], s_rows[q])

        def wait_rows(q):
            pltpu.make_async_copy(xl_hbm.at[src_v.at[pl.ds(q * B, B)]],
                                  xl_rows.at[pl.ds(q * B, B)],
                                  s_rows[q]).wait()
            pltpu.make_async_copy(xr_hbm.at[dst_v.at[pl.ds(q * B, B)]],
                                  xr_rows.at[pl.ds(q * B, B)],
                                  s_rows[q]).wait()

        def fire_sc(q):
            pltpu.async_copy(scaled.at[pl.ds(q * B, B)],
                             num_sh.at[dsts[q]], s_sc[q], add=True)

        def wait_sc(q):
            pltpu.make_async_copy(scaled.at[pl.ds(q * B, B)],
                                  num_sh.at[dsts[q]], s_sc[q]).wait()

        fire_idx(0, 0)
        fire_idx(1, 1)
        wait_idx(0, 0)
        fire_rows(0)

        def c2_body(c2, carry):
            for par in range(2):
                c = 2 * c2 + par

                @pl.when(c >= 2)
                def _():
                    wait_sc(par)

                wait_idx(c + 1, 1 - par)
                fire_rows(1 - par)
                wait_rows(par)
                for g in range(B // 16):
                    w = dst_v[pl.ds(par * B + g * 16, 16)]
                    dsts[par][pl.ds(g * 16, 16)] = w
                    dstw[pl.ds(par * B + g * 16, 16)] = w
                fire_idx(c + 2, par)

                def e_body(e, ec):
                    row = par * B + e
                    xls = []
                    acc = jnp.zeros((16,), jnp.float32)
                    for j in range(nj):
                        a = xl_rows[row, pl.ds(16 * j, 16)]
                        b = xr_rows[row, pl.ds(16 * j, 16)]
                        xls.append(a)
                        sv = a + b
                        acc = acc + jnp.maximum(sv, 0.2 * sv) * attv[j]
                    alpha = acc[0]
                    for i in range(1, 16):
                        alpha = alpha + acc[i]
                    exw = jnp.exp(jnp.full((16,), alpha, jnp.float32))
                    for j in range(nj):
                        scaled[row, pl.ds(16 * j, 16)] = xls[j] * exw
                    dd = dstw[pl.ds(row, 16)][0]
                    s0 = (dd // 16) * 16
                    lane = dd - s0
                    accd = den_p[pl.ds(s0, 16)]
                    den_p[pl.ds(s0, 16)] = accd + jnp.where(
                        iota == lane, exw, 0.0)
                    return ec

                lax.fori_loop(0, B, e_body, 0)
                fire_sc(par)
            return carry

        lax.fori_loop(0, CHUNKS // 2, c2_body, 0)
        wait_sc(0)
        wait_sc(1)
        wait_rows(0)
        wait_idx(CHUNKS + 1, 1)
        pltpu.sync_copy(den_p, den_hbm.at[wid, pl.ds(0, NR * 16)])
        plsc.subcore_barrier()
        r0 = sid * rpt
        pltpu.sync_copy(num_sh.at[pl.ds(r0, rpt)],
                        num_hbm.at[cid, pl.ds(r0, rpt)])

    return pl.kernel(
        body,
        mesh=plsc.VectorSubcoreMesh(core_axis_name="c", subcore_axis_name="s"),
        out_type=[jax.ShapeDtypeStruct((2, NPAD, H), jnp.float32),
                  jax.ShapeDtypeStruct((NT, NPAD), jnp.float32)],
        scratch_types=[
            pltpu.VMEM((2 * B,), jnp.int32),
            pltpu.VMEM((2 * B,), jnp.int32),
            pltpu.VMEM((B,), jnp.int32),
            pltpu.VMEM((B,), jnp.int32),
            pltpu.VMEM((2 * B + 16,), jnp.int32),
            pltpu.VMEM((2 * B, d), jnp.float32),
            pltpu.VMEM((2 * B, d), jnp.float32),
            pltpu.VMEM((2 * B, H), jnp.float32),
            pltpu.VMEM((NR * 16,), jnp.float32),
            pltpu.VMEM((d,), jnp.float32),
            pltpu.VMEM_SHARED((NSC, H), jnp.float32),
            pltpu.SemaphoreType.DMA,
            pltpu.SemaphoreType.DMA,
            pltpu.SemaphoreType.DMA,
            pltpu.SemaphoreType.DMA,
            pltpu.SemaphoreType.DMA,
            pltpu.SemaphoreType.DMA,
        ],
    )


_sc_fused_128 = _make_sc_fused(H)


def _edge_softmax_scatter(xl, xr, src, dst, att):
    return _sc_fused_128(xl, xr, src, dst, att)



def kernel(x, edge_index, Wl1, bl1, Wr1, br1, att1, bias1, Wlin1, blin1,
           Wl2, bl2, Wr2, br2, att2, bias2, Wlin2, blin2):
    f32 = jnp.float32
    xp = jnp.zeros((NPAD, FIN), f32).at[:N].set(x)
    loop = jnp.arange(N, dtype=jnp.int32)
    src = jnp.concatenate(
        [edge_index[0], loop, jnp.zeros((EIDX - E1,), jnp.int32)])
    dst = jnp.concatenate(
        [edge_index[1], loop, jnp.full((EIDX - E1,), DUMMY, jnp.int32)])

    D2 = H

    def padw(wmat):
        return jnp.zeros((H, D2), f32).at[:, :C].set(wmat)

    def padv(vec, w=D2):
        return jnp.zeros((w,), f32).at[:C].set(vec)

    xl1, xr1, lin1 = _mm3(xp, Wl1, bl1, Wr1, br1, Wlin1, blin1)
    num1, den1 = _edge_softmax_scatter(xl1, xr1, src, dst, att1)
    xl2, xr2, lin2 = _tc_mid(num1, den1, lin1, bias1.reshape(1, H),
                             padw(Wl2), padv(bl2).reshape(1, D2),
                             padw(Wr2), padv(br2).reshape(1, D2),
                             padw(Wlin2), padv(blin2).reshape(1, D2))
    num2, den2 = _edge_softmax_scatter(xl2, xr2, src, dst, padv(att2))
    o = _tc_post(num2, den2, lin2, padv(bias2).reshape(1, D2))
    return (o[:N, :C], edge_index)

# --- scband reference (transcript-rebuilt; emitter-appended) ---
"""Pipeline reference for scband-gatv2-convolution-81140522156082 (READ-ONLY COPY).

The authoritative reference and input builder live on the scoring server;
editing this copy changes nothing except your own understanding.
"""

import jax, jax.numpy as jnp
import numpy as np

N = 10000
E = 320000
F_IN = 128
H = 128
C = 40


def _glorot(k, shape):
    fan_in, fan_out = shape[0], shape[-1]
    s = (6.0 / (fan_in + fan_out)) ** 0.5
    return jax.random.uniform(k, shape, jnp.float32, -s, s)


def setup_inputs(seed: int = 0):
    key = jax.random.key(seed)
    ks = jax.random.split(key, 16)
    inp = {}
    inp['x'] = jax.random.normal(ks[0], (N, F_IN), jnp.float32)
    inp['edge_index'] = jax.random.randint(ks[1], (2, E), 0, N, jnp.int32)
    # conv1 (GATv2Conv: in=F_IN, out=H, heads=1)
    inp['Wl1'] = _glorot(ks[2], (F_IN, H))
    inp['bl1'] = jnp.zeros((H,), jnp.float32)
    inp['Wr1'] = _glorot(ks[3], (F_IN, H))
    inp['br1'] = jnp.zeros((H,), jnp.float32)
    inp['att1'] = _glorot(ks[4], (H,))
    inp['bias1'] = jnp.zeros((H,), jnp.float32)
    # lin1
    inp['Wlin1'] = _glorot(ks[5], (F_IN, H))
    inp['blin1'] = jnp.zeros((H,), jnp.float32)
    # conv2 (GATv2Conv: in=H, out=C, heads=1)
    inp['Wl2'] = _glorot(ks[6], (H, C))
    inp['bl2'] = jnp.zeros((C,), jnp.float32)
    inp['Wr2'] = _glorot(ks[7], (H, C))
    inp['br2'] = jnp.zeros((C,), jnp.float32)
    inp['att2'] = _glorot(ks[8], (C,))
    inp['bias2'] = jnp.zeros((C,), jnp.float32)
    # lin2
    inp['Wlin2'] = _glorot(ks[9], (H, C))
    inp['blin2'] = jnp.zeros((C,), jnp.float32)
    return inp


def _gatv2_conv(x, edge_index, Wl, bl, Wr, br, att, bias):
    # Faithful PyG GATv2Conv: heads=1, concat=True, negative_slope=0.2,
    # add_self_loops=True, share_weights=False, bias=True.
    n = x.shape[0]
    src = edge_index[0]
    dst = edge_index[1]
    loop = jnp.arange(n, dtype=edge_index.dtype)
    src = jnp.concatenate([src, loop])
    dst = jnp.concatenate([dst, loop])
    xl = x @ Wl + bl  # source transform
    xr = x @ Wr + br  # target transform
    xj = jnp.take(xl, src, axis=0)  # messages from source
    xi = jnp.take(xr, dst, axis=0)
    e = jax.nn.leaky_relu(xi + xj, negative_slope=0.2)
    alpha = e @ att  # [E]
    # segment softmax over destination nodes
    amax = jax.ops.segment_max(alpha, dst, num_segments=n)
    amax = jnp.where(jnp.isfinite(amax), amax, 0.0)
    ex = jnp.exp(alpha - jnp.take(amax, dst))
    denom = jax.ops.segment_sum(ex, dst, num_segments=n)
    a = ex / (jnp.take(denom, dst) + 1e-16)
    out = jax.ops.segment_sum(xj * a[:, None], dst, num_segments=n)
    return out + bias


def reference(x, edge_index, Wl1, bl1, Wr1, br1, att1, bias1, Wlin1, blin1,
              Wl2, bl2, Wr2, br2, att2, bias2, Wlin2, blin2):
    h = jax.nn.elu(_gatv2_conv(x, edge_index, Wl1, bl1, Wr1, br1, att1, bias1)
                   + x @ Wlin1 + blin1)
    o = _gatv2_conv(h, edge_index, Wl2, bl2, Wr2, br2, att2, bias2) + h @ Wlin2 + blin2
    return (jax.nn.log_softmax(o, axis=1), edge_index)

if __name__ == "__main__":
    import jax
    _d = setup_inputs()
    print(jax.jit(kernel)(*tuple(_d.values())))

</pallas_src>

<mosaic_0001>
#map = affine_map<(d0, d1) -> (0, 0)>
#map1 = affine_map<(d0, d1) -> (0)>
#map2 = affine_map<(d0, d1) -> (0, 0, 0)>
module attributes {stable_mosaic.version = 14 : i64} {
  func.func @body(%arg0: i32, %arg1: i32, %arg2: memref<10240x128xf32, #tpu.memory_space<hbm>>, %arg3: memref<10240x128xf32, #tpu.memory_space<hbm>>, %arg4: memref<335872xi32, #tpu.memory_space<hbm>>, %arg5: memref<335872xi32, #tpu.memory_space<hbm>>, %arg6: memref<128xf32, #tpu.memory_space<hbm>>, %arg7: memref<2x10240x128xf32, #tpu.memory_space<hbm>>, %arg8: memref<32x10240xf32, #tpu.memory_space<hbm>>, %arg9: memref<96xi32, #tpu.memory_space<vmem>>, %arg10: memref<96xi32, #tpu.memory_space<vmem>>, %arg11: memref<48xi32, #tpu.memory_space<vmem>>, %arg12: memref<48xi32, #tpu.memory_space<vmem>>, %arg13: memref<112xi32, #tpu.memory_space<vmem>>, %arg14: memref<96x128xf32, #tpu.memory_space<vmem>>, %arg15: memref<96x128xf32, #tpu.memory_space<vmem>>, %arg16: memref<96x128xf32, #tpu.memory_space<vmem>>, %arg17: memref<10112xf32, #tpu.memory_space<vmem>>, %arg18: memref<128xf32, #tpu.memory_space<vmem>>, %arg19: memref<10112x128xf32, #tpu.memory_space<vmem_shared>>, %arg20: memref<!tpu.dma_semaphore, #tpu.memory_space<semaphore_mem>>, %arg21: memref<!tpu.dma_semaphore, #tpu.memory_space<semaphore_mem>>, %arg22: memref<!tpu.dma_semaphore, #tpu.memory_space<semaphore_mem>>, %arg23: memref<!tpu.dma_semaphore, #tpu.memory_space<semaphore_mem>>, %arg24: memref<!tpu.dma_semaphore, #tpu.memory_space<semaphore_mem>>, %arg25: memref<!tpu.dma_semaphore, #tpu.memory_space<semaphore_mem>>) attributes {dimension_semantics = [#tpu.dimension_semantics<core_parallel>, #tpu.dimension_semantics<subcore_parallel>], iteration_bounds = array<i64: 2, 16>, scalar_prefetch = 0 : i64, scratch_operands = 17 : i64, tpu.core_type = #tpu.core_type<sc_vector_subcore>, window_params = [{transform_indices = #map}, {transform_indices = #map}, {transform_indices = #map1}, {transform_indices = #map1}, {transform_indices = #map1}, {transform_indices = #map2}, {transform_indices = #map}]} {
    %mul3A = arith.constant 16 : i32
    %mul3A_0 = arith.muli %arg0, %mul3A : i32
    %add3A = arith.addi %mul3A_0, %arg1 : i32
    %iota3A = tpu.iota {dimensions = array<i32: 0>} : vector<16xi32>
    "tpu.region"() ({
      %run_scoped3A = tpu.sem_alloc : memref<!tpu.dma_semaphore, #tpu.memory_space<semaphore_mem>>
      tpu.enqueue_dma source(%arg6 : memref<128xf32, #tpu.memory_space<hbm>>) target(%arg18 : memref<128xf32, #tpu.memory_space<vmem>>) target_semaphore(%run_scoped3A : memref<!tpu.dma_semaphore, #tpu.memory_space<semaphore_mem>>)
      tpu.wait_dma2 semaphore(%run_scoped3A : memref<!tpu.dma_semaphore, #tpu.memory_space<semaphore_mem>>) src(%arg6 : memref<128xf32, #tpu.memory_space<hbm>>) dst(%arg18 : memref<128xf32, #tpu.memory_space<vmem>>)
      tpu.yield
    }) : () -> ()
    %get3A = arith.constant 0 : index
    %get3A_1 = tpu.vector_load %arg18[%get3A] {strides = array<i32>} : memref<128xf32, #tpu.memory_space<vmem>>, vector<16xf32>,
    %get3A_2 = vector.shape_cast %get3A_1 : vector<16xf32> to vector<16xf32>
    %get3A_3 = arith.constant 16 : index
    %get3A_4 = tpu.vector_load %arg18[%get3A_3] {strides = array<i32>} : memref<128xf32, #tpu.memory_space<vmem>>, vector<16xf32>,
    %get3A_5 = vector.shape_cast %get3A_4 : vector<16xf32> to vector<16xf32>
    %get3A_6 = arith.constant 32 : index
    %get3A_7 = tpu.vector_load %arg18[%get3A_6] {strides = array<i32>} : memref<128xf32, #tpu.memory_space<vmem>>, vector<16xf32>,
    %get3A_8 = vector.shape_cast %get3A_7 : vector<16xf32> to vector<16xf32>
    %get3A_9 = arith.constant 48 : index
    %get3A_10 = tpu.vector_load %arg18[%get3A_9] {strides = array<i32>} : memref<128xf32, #tpu.memory_space<vmem>>, vector<16xf32>,
    %get3A_11 = vector.shape_cast %get3A_10 : vector<16xf32> to vector<16xf32>
    %get3A_12 = arith.constant 64 : index
    %get3A_13 = tpu.vector_load %arg18[%get3A_12] {strides = array<i32>} : memref<128xf32, #tpu.memory_space<vmem>>, vector<16xf32>,
    %get3A_14 = vector.shape_cast %get3A_13 : vector<16xf32> to vector<16xf32>
    %get3A_15 = arith.constant 80 : index
    %get3A_16 = tpu.vector_load %arg18[%get3A_15] {strides = array<i32>} : memref<128xf32, #tpu.memory_space<vmem>>, vector<16xf32>,
    %get3A_17 = vector.shape_cast %get3A_16 : vector<16xf32> to vector<16xf32>
    %get3A_18 = arith.constant 96 : index
    %get3A_19 = tpu.vector_load %arg18[%get3A_18] {strides = array<i32>} : memref<128xf32, #tpu.memory_space<vmem>>, vector<16xf32>,
    %get3A_20 = vector.shape_cast %get3A_19 : vector<16xf32> to vector<16xf32>
    %get3A_21 = arith.constant 112 : index
    %get3A_22 = tpu.vector_load %arg18[%get3A_21] {strides = array<i32>} : memref<128xf32, #tpu.memory_space<vmem>>, vector<16xf32>,
    %get3A_23 = vector.shape_cast %get3A_22 : vector<16xf32> to vector<16xf32>
    %scan3A = arith.constant 0 : i32
    %scan3A_24 = arith.constant 0 : i32
    %scan3A_25 = arith.constant 96 : i32
    %scan3A_26 = arith.addi %scan3A_24, %scan3A_25 : i32
    %scan3A_27 = arith.constant 1 : i32
    scf.for %scan3A_179 = %scan3A_24 to %scan3A_26 step %scan3A_27  : i32 {
      %broadcast_in_dim3A = arith.constant 0.000000e+00 : f32
      %broadcast_in_dim3A_180 = vector.broadcast %broadcast_in_dim3A : f32 to vector<16xf32>
      %swap3A = arith.index_cast %scan3A_179 : i32 to index
      %swap3A_181 = arith.constant 0 : index
      %swap3A_182 = tpu.vector_load %arg16[%swap3A, %swap3A_181] {strides = array<i32>} : memref<96x128xf32, #tpu.memory_space<vmem>>, vector<1x16xf32>,
      %swap3A_183 = vector.shape_cast %swap3A_182 : vector<1x16xf32> to vector<16xf32>
      %swap3A_184 = vector.shape_cast %broadcast_in_dim3A_180 : vector<16xf32> to vector<1x16xf32>
      tpu.vector_store %arg16[%swap3A, %swap3A_181], %swap3A_184 {strides = array<i32>} : memref<96x128xf32, #tpu.memory_space<vmem>>, vector<1x16xf32>,
      %swap3A_185 = arith.index_cast %scan3A_179 : i32 to index
      %swap3A_186 = arith.constant 16 : index
      %swap3A_187 = tpu.vector_load %arg16[%swap3A_185, %swap3A_186] {strides = array<i32>} : memref<96x128xf32, #tpu.memory_space<vmem>>, vector<1x16xf32>,
      %swap3A_188 = vector.shape_cast %swap3A_187 : vector<1x16xf32> to vector<16xf32>
      %swap3A_189 = vector.shape_cast %broadcast_in_dim3A_180 : vector<16xf32> to vector<1x16xf32>
      tpu.vector_store %arg16[%swap3A_185, %swap3A_186], %swap3A_189 {strides = array<i32>} : memref<96x128xf32, #tpu.memory_space<vmem>>, vector<1x16xf32>,
      %swap3A_190 = arith.index_cast %scan3A_179 : i32 to index
      %swap3A_191 = arith.constant 32 : index
      %swap3A_192 = tpu.vector_load %arg16[%swap3A_190, %swap3A_191] {strides = array<i32>} : memref<96x128xf32, #tpu.memory_space<vmem>>, vector<1x16xf32>,
      %swap3A_193 = vector.shape_cast %swap3A_192 : vector<1x16xf32> to vector<16xf32>
      %swap3A_194 = vector.shape_cast %broadcast_in_dim3A_180 : vector<16xf32> to vector<1x16xf32>
      tpu.vector_store %arg16[%swap3A_190, %swap3A_191], %swap3A_194 {strides = array<i32>} : memref<96x128xf32, #tpu.memory_space<vmem>>, vector<1x16xf32>,
      %swap3A_195 = arith.index_cast %scan3A_179 : i32 to index
      %swap3A_196 = arith.constant 48 : index
      %swap3A_197 = tpu.vector_load %arg16[%swap3A_195, %swap3A_196] {strides = array<i32>} : memref<96x128xf32, #tpu.memory_space<vmem>>, vector<1x16xf32>,
      %swap3A_198 = vector.shape_cast %swap3A_197 : vector<1x16xf32> to vector<16xf32>
      %swap3A_199 = vector.shape_cast %broadcast_in_dim3A_180 : vector<16xf32> to vector<1x16xf32>
      tpu.vector_store %arg16[%swap3A_195, %swap3A_196], %swap3A_199 {strides = array<i32>} : memref<96x128xf32, #tpu.memory_space<vmem>>, vector<1x16xf32>,
      %swap3A_200 = arith.index_cast %scan3A_179 : i32 to index
      %swap3A_201 = arith.constant 64 : index
      %swap3A_202 = tpu.vector_load %arg16[%swap3A_200, %swap3A_201] {strides = array<i32>} : memref<96x128xf32, #tpu.memory_space<vmem>>, vector<1x16xf32>,
      %swap3A_203 = vector.shape_cast %swap3A_202 : vector<1x16xf32> to vector<16xf32>
      %swap3A_204 = vector.shape_cast %broadcast_in_dim3A_180 : vector<16xf32> to vector<1x16xf32>
      tpu.vector_store %arg16[%swap3A_200, %swap3A_201], %swap3A_204 {strides = array<i32>} : memref<96x128xf32, #tpu.memory_space<vmem>>, vector<1x16xf32>,
      %swap3A_205 = arith.index_cast %scan3A_179 : i32 to index
      %swap3A_206 = arith.constant 80 : index
      %swap3A_207 = tpu.vector_load %arg16[%swap3A_205, %swap3A_206] {strides = array<i32>} : memref<96x128xf32, #tpu.memory_space<vmem>>, vector<1x16xf32>,
      %swap3A_208 = vector.shape_cast %swap3A_207 : vector<1x16xf32> to vector<16xf32>
      %swap3A_209 = vector.shape_cast %broadcast_in_dim3A_180 : vector<16xf32> to vector<1x16xf32>
      tpu.vector_store %arg16[%swap3A_205, %swap3A_206], %swap3A_209 {strides = array<i32>} : memref<96x128xf32, #tpu.memory_space<vmem>>, vector<1x16xf32>,
      %swap3A_210 = arith.index_cast %scan3A_179 : i32 to index
      %swap3A_211 = arith.constant 96 : index
      %swap3A_212 = tpu.vector_load %arg16[%swap3A_210, %swap3A_211] {strides = array<i32>} : memref<96x128xf32, #tpu.memory_space<vmem>>, vector<1x16xf32>,
      %swap3A_213 = vector.shape_cast %swap3A_212 : vector<1x16xf32> to vector<16xf32>
      %swap3A_214 = vector.shape_cast %broadcast_in_dim3A_180 : vector<16xf32> to vector<1x16xf32>
      tpu.vector_store %arg16[%swap3A_210, %swap3A_211], %swap3A_214 {strides = array<i32>} : memref<96x128xf32, #tpu.memory_space<vmem>>, vector<1x16xf32>,
      %swap3A_215 = arith.index_cast %scan3A_179 : i32 to index
      %swap3A_216 = arith.constant 112 : index
      %swap3A_217 = tpu.vector_load %arg16[%swap3A_215, %swap3A_216] {strides = array<i32>} : memref<96x128xf32, #tpu.memory_space<vmem>>, vector<1x16xf32>,
      %swap3A_218 = vector.shape_cast %swap3A_217 : vector<1x16xf32> to vector<16xf32>
      %swap3A_219 = vector.shape_cast %broadcast_in_dim3A_180 : vector<16xf32> to vector<1x16xf32>
      tpu.vector_store %arg16[%swap3A_215, %swap3A_216], %swap3A_219 {strides = array<i32>} : memref<96x128xf32, #tpu.memory_space<vmem>>, vector<1x16xf32>,
    }
    %scan3A_28 = arith.constant 96 : i32
    %scan3A_29 = arith.constant 0 : i32
    %scan3A_30 = arith.constant 0 : i32
    %scan3A_31 = arith.constant 632 : i32
    %scan3A_32 = arith.addi %scan3A_30, %scan3A_31 : i32
    %scan3A_33 = arith.constant 1 : i32
    scf.for %scan3A_179 = %scan3A_30 to %scan3A_32 step %scan3A_33  : i32 {
      %broadcast_in_dim3A = arith.constant 0.000000e+00 : f32
      %broadcast_in_dim3A_180 = vector.broadcast %broadcast_in_dim3A : f32 to vector<16xf32>
      %mul3A_181 = arith.constant 16 : i32
      %mul3A_182 = arith.muli %scan3A_179, %mul3A_181 : i32
      %swap3A = arith.index_cast %mul3A_182 : i32 to index
      %swap3A_183 = tpu.vector_load %arg17[%swap3A] {strides = array<i32>} : memref<10112xf32, #tpu.memory_space<vmem>>, vector<16xf32>,
      %swap3A_184 = vector.shape_cast %swap3A_183 : vector<16xf32> to vector<16xf32>
      %swap3A_185 = vector.shape_cast %broadcast_in_dim3A_180 : vector<16xf32> to vector<16xf32>
      tpu.vector_store %arg17[%swap3A], %swap3A_185 {strides = array<i32>} : memref<10112xf32, #tpu.memory_space<vmem>>, vector<16xf32>,
    }
    %scan3A_34 = arith.constant 632 : i32
    %mul3A_35 = arith.constant 632 : i32
    %mul3A_36 = arith.muli %arg1, %mul3A_35 : i32
    %add3A_37 = arith.constant 0 : i32
    %add3A_38 = arith.addi %mul3A_36, %add3A_37 : i32
    "tpu.region"() ({
      %run_scoped3A = tpu.sem_alloc : memref<!tpu.dma_semaphore, #tpu.memory_space<semaphore_mem>>
      %dma_start3A_179 = arith.constant 0 : i32
      %dma_start3A_180 = tpu.memref_slice %arg19[%add3A_38, %dma_start3A_179] : memref<10112x128xf32, #tpu.memory_space<vmem_shared>> -> memref<96x128xf32, #tpu.memory_space<vmem_shared>>
      %dma_start3A_181 = arith.constant 0 : i32
      %dma_start3A_182 = tpu.memref_slice %arg19[%add3A_38, %dma_start3A_181] : memref<10112x128xf32, #tpu.memory_space<vmem_shared>> -> memref<96x128xf32, #tpu.memory_space<vmem_shared>>
      tpu.enqueue_dma source(%arg16 : memref<96x128xf32, #tpu.memory_space<vmem>>) target(%dma_start3A_182 : memref<96x128xf32, #tpu.memory_space<vmem_shared>>) target_semaphore(%run_scoped3A : memref<!tpu.dma_semaphore, #tpu.memory_space<semaphore_mem>>)
      %dma_wait3A_183 = arith.constant 0 : i32
      %dma_wait3A_184 = tpu.memref_slice %arg19[%add3A_38, %dma_wait3A_183] : memref<10112x128xf32, #tpu.memory_space<vmem_shared>> -> memref<96x128xf32, #tpu.memory_space<vmem_shared>>
      %dma_wait3A_185 = arith.constant 0 : i32
      %dma_wait3A_186 = tpu.memref_slice %arg19[%add3A_38, %dma_wait3A_185] : memref<10112x128xf32, #tpu.memory_space<vmem_shared>> -> memref<96x128xf32, #tpu.memory_space<vmem_shared>>
      tpu.wait_dma2 semaphore(%run_scoped3A : memref<!tpu.dma_semaphore, #tpu.memory_space<semaphore_mem>>) src(%arg16 : memref<96x128xf32, #tpu.memory_space<vmem>>) dst(%dma_wait3A_186 : memref<96x128xf32, #tpu.memory_space<vmem_shared>>)
      tpu.yield
    }) : () -> ()
    %mul3A_39 = arith.constant 632 : i32
    %mul3A_40 = arith.muli %arg1, %mul3A_39 : i32
    %add3A_41 = arith.constant 96 : i32
    %add3A_42 = arith.addi %mul3A_40, %add3A_41 : i32
    "tpu.region"() ({
      %run_scoped3A = tpu.sem_alloc : memref<!tpu.dma_semaphore, #tpu.memory_space<semaphore_mem>>
      %dma_start3A_179 = arith.constant 0 : i32
      %dma_start3A_180 = tpu.memref_slice %arg19[%add3A_42, %dma_start3A_179] : memref<10112x128xf32, #tpu.memory_space<vmem_shared>> -> memref<96x128xf32, #tpu.memory_space<vmem_shared>>
      %dma_start3A_181 = arith.constant 0 : i32
      %dma_start3A_182 = tpu.memref_slice %arg19[%add3A_42, %dma_start3A_181] : memref<10112x128xf32, #tpu.memory_space<vmem_shared>> -> memref<96x128xf32, #tpu.memory_space<vmem_shared>>
      tpu.enqueue_dma source(%arg16 : memref<96x128xf32, #tpu.memory_space<vmem>>) target(%dma_start3A_182 : memref<96x128xf32, #tpu.memory_space<vmem_shared>>) target_semaphore(%run_scoped3A : memref<!tpu.dma_semaphore, #tpu.memory_space<semaphore_mem>>)
      %dma_wait3A_183 = arith.constant 0 : i32
      %dma_wait3A_184 = tpu.memref_slice %arg19[%add3A_42, %dma_wait3A_183] : memref<10112x128xf32, #tpu.memory_space<vmem_shared>> -> memref<96x128xf32, #tpu.memory_space<vmem_shared>>
      %dma_wait3A_185 = arith.constant 0 : i32
      %dma_wait3A_186 = tpu.memref_slice %arg19[%add3A_42, %dma_wait3A_185] : memref<10112x128xf32, #tpu.memory_space<vmem_shared>> -> memref<96x128xf32, #tpu.memory_space<vmem_shared>>
      tpu.wait_dma2 semaphore(%run_scoped3A : memref<!tpu.dma_semaphore, #tpu.memory_space<semaphore_mem>>) src(%arg16 : memref<96x128xf32, #tpu.memory_space<vmem>>) dst(%dma_wait3A_186 : memref<96x128xf32, #tpu.memory_space<vmem_shared>>)
      tpu.yield
    }) : () -> ()
    %mul3A_43 = arith.constant 632 : i32
    %mul3A_44 = arith.muli %arg1, %mul3A_43 : i32
    %add3A_45 = arith.constant 192 : i32
    %add3A_46 = arith.addi %mul3A_44, %add3A_45 : i32
    "tpu.region"() ({
      %run_scoped3A = tpu.sem_alloc : memref<!tpu.dma_semaphore, #tpu.memory_space<semaphore_mem>>
      %dma_start3A_179 = arith.constant 0 : i32
      %dma_start3A_180 = tpu.memref_slice %arg19[%add3A_46, %dma_start3A_179] : memref<10112x128xf32, #tpu.memory_space<vmem_shared>> -> memref<96x128xf32, #tpu.memory_space<vmem_shared>>
      %dma_start3A_181 = arith.constant 0 : i32
      %dma_start3A_182 = tpu.memref_slice %arg19[%add3A_46, %dma_start3A_181] : memref<10112x128xf32, #tpu.memory_space<vmem_shared>> -> memref<96x128xf32, #tpu.memory_space<vmem_shared>>
      tpu.enqueue_dma source(%arg16 : memref<96x128xf32, #tpu.memory_space<vmem>>) target(%dma_start3A_182 : memref<96x128xf32, #tpu.memory_space<vmem_shared>>) target_semaphore(%run_scoped3A : memref<!tpu.dma_semaphore, #tpu.memory_space<semaphore_mem>>)
      %dma_wait3A_183 = arith.constant 0 : i32
      %dma_wait3A_184 = tpu.memref_slice %arg19[%add3A_46, %dma_wait3A_183] : memref<10112x128xf32, #tpu.memory_space<vmem_shared>> -> memref<96x128xf32, #tpu.memory_space<vmem_shared>>
      %dma_wait3A_185 = arith.constant 0 : i32
      %dma_wait3A_186 = tpu.memref_slice %arg19[%add3A_46, %dma_wait3A_185] : memref<10112x128xf32, #tpu.memory_space<vmem_shared>> -> memref<96x128xf32, #tpu.memory_space<vmem_shared>>
      tpu.wait_dma2 semaphore(%run_scoped3A : memref<!tpu.dma_semaphore, #tpu.memory_space<semaphore_mem>>) src(%arg16 : memref<96x128xf32, #tpu.memory_space<vmem>>) dst(%dma_wait3A_186 : memref<96x128xf32, #tpu.memory_space<vmem_shared>>)
      tpu.yield
    }) : () -> ()
    %mul3A_47 = arith.constant 632 : i32
    %mul3A_48 = arith.muli %arg1, %mul3A_47 : i32
    %add3A_49 = arith.constant 288 : i32
    %add3A_50 = arith.addi %mul3A_48, %add3A_49 : i32
    "tpu.region"() ({
      %run_scoped3A = tpu.sem_alloc : memref<!tpu.dma_semaphore, #tpu.memory_space<semaphore_mem>>
      %dma_start3A_179 = arith.constant 0 : i32
      %dma_start3A_180 = tpu.memref_slice %arg19[%add3A_50, %dma_start3A_179] : memref<10112x128xf32, #tpu.memory_space<vmem_shared>> -> memref<96x128xf32, #tpu.memory_space<vmem_shared>>
      %dma_start3A_181 = arith.constant 0 : i32
      %dma_start3A_182 = tpu.memref_slice %arg19[%add3A_50, %dma_start3A_181] : memref<10112x128xf32, #tpu.memory_space<vmem_shared>> -> memref<96x128xf32, #tpu.memory_space<vmem_shared>>
      tpu.enqueue_dma source(%arg16 : memref<96x128xf32, #tpu.memory_space<vmem>>) target(%dma_start3A_182 : memref<96x128xf32, #tpu.memory_space<vmem_shared>>) target_semaphore(%run_scoped3A : memref<!tpu.dma_semaphore, #tpu.memory_space<semaphore_mem>>)
      %dma_wait3A_183 = arith.constant 0 : i32
      %dma_wait3A_184 = tpu.memref_slice %arg19[%add3A_50, %dma_wait3A_183] : memref<10112x128xf32, #tpu.memory_space<vmem_shared>> -> memref<96x128xf32, #tpu.memory_space<vmem_shared>>
      %dma_wait3A_185 = arith.constant 0 : i32
      %dma_wait3A_186 = tpu.memref_slice %arg19[%add3A_50, %dma_wait3A_185] : memref<10112x128xf32, #tpu.memory_space<vmem_shared>> -> memref<96x128xf32, #tpu.memory_space<vmem_shared>>
      tpu.wait_dma2 semaphore(%run_scoped3A : memref<!tpu.dma_semaphore, #tpu.memory_space<semaphore_mem>>) src(%arg16 : memref<96x128xf32, #tpu.memory_space<vmem>>) dst(%dma_wait3A_186 : memref<96x128xf32, #tpu.memory_space<vmem_shared>>)
      tpu.yield
    }) : () -> ()
    %mul3A_51 = arith.constant 632 : i32
    %mul3A_52 = arith.muli %arg1, %mul3A_51 : i32
    %add3A_53 = arith.constant 384 : i32
    %add3A_54 = arith.addi %mul3A_52, %add3A_53 : i32
    "tpu.region"() ({
      %run_scoped3A = tpu.sem_alloc : memref<!tpu.dma_semaphore, #tpu.memory_space<semaphore_mem>>
      %dma_start3A_179 = arith.constant 0 : i32
      %dma_start3A_180 = tpu.memref_slice %arg19[%add3A_54, %dma_start3A_179] : memref<10112x128xf32, #tpu.memory_space<vmem_shared>> -> memref<96x128xf32, #tpu.memory_space<vmem_shared>>
      %dma_start3A_181 = arith.constant 0 : i32
      %dma_start3A_182 = tpu.memref_slice %arg19[%add3A_54, %dma_start3A_181] : memref<10112x128xf32, #tpu.memory_space<vmem_shared>> -> memref<96x128xf32, #tpu.memory_space<vmem_shared>>
      tpu.enqueue_dma source(%arg16 : memref<96x128xf32, #tpu.memory_space<vmem>>) target(%dma_start3A_182 : memref<96x128xf32, #tpu.memory_space<vmem_shared>>) target_semaphore(%run_scoped3A : memref<!tpu.dma_semaphore, #tpu.memory_space<semaphore_mem>>)
      %dma_wait3A_183 = arith.constant 0 : i32
      %dma_wait3A_184 = tpu.memref_slice %arg19[%add3A_54, %dma_wait3A_183] : memref<10112x128xf32, #tpu.memory_space<vmem_shared>> -> memref<96x128xf32, #tpu.memory_space<vmem_shared>>
      %dma_wait3A_185 = arith.constant 0 : i32
      %dma_wait3A_186 = tpu.memref_slice %arg19[%add3A_54, %dma_wait3A_185] : memref<10112x128xf32, #tpu.memory_space<vmem_shared>> -> memref<96x128xf32, #tpu.memory_space<vmem_shared>>
      tpu.wait_dma2 semaphore(%run_scoped3A : memref<!tpu.dma_semaphore, #tpu.memory_space<semaphore_mem>>) src(%arg16 : memref<96x128xf32, #tpu.memory_space<vmem>>) dst(%dma_wait3A_186 : memref<96x128xf32, #tpu.memory_space<vmem_shared>>)
      tpu.yield
    }) : () -> ()
    %mul3A_55 = arith.constant 632 : i32
    %mul3A_56 = arith.muli %arg1, %mul3A_55 : i32
    %add3A_57 = arith.constant 480 : i32
    %add3A_58 = arith.addi %mul3A_56, %add3A_57 : i32
    "tpu.region"() ({
      %run_scoped3A = tpu.sem_alloc : memref<!tpu.dma_semaphore, #tpu.memory_space<semaphore_mem>>
      %dma_start3A_179 = arith.constant 0 : i32
      %dma_start3A_180 = tpu.memref_slice %arg19[%add3A_58, %dma_start3A_179] : memref<10112x128xf32, #tpu.memory_space<vmem_shared>> -> memref<96x128xf32, #tpu.memory_space<vmem_shared>>
      %dma_start3A_181 = arith.constant 0 : i32
      %dma_start3A_182 = tpu.memref_slice %arg19[%add3A_58, %dma_start3A_181] : memref<10112x128xf32, #tpu.memory_space<vmem_shared>> -> memref<96x128xf32, #tpu.memory_space<vmem_shared>>
      tpu.enqueue_dma source(%arg16 : memref<96x128xf32, #tpu.memory_space<vmem>>) target(%dma_start3A_182 : memref<96x128xf32, #tpu.memory_space<vmem_shared>>) target_semaphore(%run_scoped3A : memref<!tpu.dma_semaphore, #tpu.memory_space<semaphore_mem>>)
      %dma_wait3A_183 = arith.constant 0 : i32
      %dma_wait3A_184 = tpu.memref_slice %arg19[%add3A_58, %dma_wait3A_183] : memref<10112x128xf32, #tpu.memory_space<vmem_shared>> -> memref<96x128xf32, #tpu.memory_space<vmem_shared>>
      %dma_wait3A_185 = arith.constant 0 : i32
      %dma_wait3A_186 = tpu.memref_slice %arg19[%add3A_58, %dma_wait3A_185] : memref<10112x128xf32, #tpu.memory_space<vmem_shared>> -> memref<96x128xf32, #tpu.memory_space<vmem_shared>>
      tpu.wait_dma2 semaphore(%run_scoped3A : memref<!tpu.dma_semaphore, #tpu.memory_space<semaphore_mem>>) src(%arg16 : memref<96x128xf32, #tpu.memory_space<vmem>>) dst(%dma_wait3A_186 : memref<96x128xf32, #tpu.memory_space<vmem_shared>>)
      tpu.yield
    }) : () -> ()
    %mul3A_59 = arith.constant 632 : i32
    %mul3A_60 = arith.muli %arg1, %mul3A_59 : i32
    %add3A_61 = arith.constant 632 : i32
    %add3A_62 = arith.addi %mul3A_60, %add3A_61 : i32
    %sub3A = arith.constant 56 : i32
    %sub3A_63 = arith.subi %add3A_62, %sub3A : i32
    "tpu.region"() ({
      %run_scoped3A = tpu.sem_alloc : memref<!tpu.dma_semaphore, #tpu.memory_space<semaphore_mem>>
      %dma_start3A_179 = arith.constant 0 : i32
      %dma_start3A_180 = arith.constant 0 : i32
      %dma_start3A_181 = tpu.memref_slice %arg16[%dma_start3A_179, %dma_start3A_180] : memref<96x128xf32, #tpu.memory_space<vmem>> -> memref<56x128xf32, #tpu.memory_space<vmem>>
      %dma_start3A_182 = arith.constant 0 : i32
      %dma_start3A_183 = tpu.memref_slice %arg19[%sub3A_63, %dma_start3A_182] : memref<10112x128xf32, #tpu.memory_space<vmem_shared>> -> memref<56x128xf32, #tpu.memory_space<vmem_shared>>
      %dma_start3A_184 = arith.constant 0 : i32
      %dma_start3A_185 = tpu.memref_slice %arg19[%sub3A_63, %dma_start3A_184] : memref<10112x128xf32, #tpu.memory_space<vmem_shared>> -> memref<56x128xf32, #tpu.memory_space<vmem_shared>>
      %dma_start3A_186 = arith.constant 0 : i32
      %dma_start3A_187 = arith.constant 0 : i32
      %dma_start3A_188 = tpu.memref_slice %arg16[%dma_start3A_186, %dma_start3A_187] : memref<96x128xf32, #tpu.memory_space<vmem>> -> memref<56x128xf32, #tpu.memory_space<vmem>>
      tpu.enqueue_dma source(%dma_start3A_188 : memref<56x128xf32, #tpu.memory_space<vmem>>) target(%dma_start3A_185 : memref<56x128xf32, #tpu.memory_space<vmem_shared>>) target_semaphore(%run_scoped3A : memref<!tpu.dma_semaphore, #tpu.memory_space<semaphore_mem>>)
      %dma_wait3A_189 = arith.constant 0 : i32
      %dma_wait3A_190 = arith.constant 0 : i32
      %dma_wait3A_191 = tpu.memref_slice %arg16[%dma_wait3A_189, %dma_wait3A_190] : memref<96x128xf32, #tpu.memory_space<vmem>> -> memref<56x128xf32, #tpu.memory_space<vmem>>
      %dma_wait3A_192 = arith.constant 0 : i32
      %dma_wait3A_193 = tpu.memref_slice %arg19[%sub3A_63, %dma_wait3A_192] : memref<10112x128xf32, #tpu.memory_space<vmem_shared>> -> memref<56x128xf32, #tpu.memory_space<vmem_shared>>
      %dma_wait3A_194 = arith.constant 0 : i32
      %dma_wait3A_195 = tpu.memref_slice %arg19[%sub3A_63, %dma_wait3A_194] : memref<10112x128xf32, #tpu.memory_space<vmem_shared>> -> memref<56x128xf32, #tpu.memory_space<vmem_shared>>
      %dma_wait3A_196 = arith.constant 0 : i32
      %dma_wait3A_197 = arith.constant 0 : i32
      %dma_wait3A_198 = tpu.memref_slice %arg16[%dma_wait3A_196, %dma_wait3A_197] : memref<96x128xf32, #tpu.memory_space<vmem>> -> memref<56x128xf32, #tpu.memory_space<vmem>>
      tpu.wait_dma2 semaphore(%run_scoped3A : memref<!tpu.dma_semaphore, #tpu.memory_space<semaphore_mem>>) src(%dma_wait3A_198 : memref<56x128xf32, #tpu.memory_space<vmem>>) dst(%dma_wait3A_195 : memref<56x128xf32, #tpu.memory_space<vmem_shared>>)
      tpu.yield
    }) : () -> ()
    %barrier3A = arith.constant 0 : index
    tpu.barrier barrier_id(%barrier3A)
    %mul3A_64 = arith.constant 10368 : i32
    %mul3A_65 = arith.muli %add3A, %mul3A_64 : i32
    %add3A_66 = arith.constant 0 : i32
    %add3A_67 = arith.addi %mul3A_65, %add3A_66 : i32
    %dma_start3A = arith.constant 0 : i32
    %dma_start3A_68 = tpu.memref_slice %arg9[%dma_start3A] : memref<96xi32, #tpu.memory_space<vmem>> -> memref<48xi32, #tpu.memory_space<vmem>>
    %dma_start3A_69 = tpu.memref_slice %arg4[%add3A_67] : memref<335872xi32, #tpu.memory_space<hbm>> -> memref<48xi32, #tpu.memory_space<hbm>>
    %dma_start3A_70 = arith.constant 0 : i32
    %dma_start3A_71 = tpu.memref_slice %arg9[%dma_start3A_70] : memref<96xi32, #tpu.memory_space<vmem>> -> memref<48xi32, #tpu.memory_space<vmem>>
    %dma_start3A_72 = tpu.memref_slice %arg4[%add3A_67] : memref<335872xi32, #tpu.memory_space<hbm>> -> memref<48xi32, #tpu.memory_space<hbm>>
    tpu.enqueue_dma source(%dma_start3A_72 : memref<48xi32, #tpu.memory_space<hbm>>) target(%dma_start3A_71 : memref<48xi32, #tpu.memory_space<vmem>>) target_semaphore(%arg20 : memref<!tpu.dma_semaphore, #tpu.memory_space<semaphore_mem>>)
    %dma_start3A_73 = arith.constant 0 : i32
    %dma_start3A_74 = tpu.memref_slice %arg10[%dma_start3A_73] : memref<96xi32, #tpu.memory_space<vmem>> -> memref<48xi32, #tpu.memory_space<vmem>>
    %dma_start3A_75 = tpu.memref_slice %arg5[%add3A_67] : memref<335872xi32, #tpu.memory_space<hbm>> -> memref<48xi32, #tpu.memory_space<hbm>>
    %dma_start3A_76 = arith.constant 0 : i32
    %dma_start3A_77 = tpu.memref_slice %arg10[%dma_start3A_76] : memref<96xi32, #tpu.memory_space<vmem>> -> memref<48xi32, #tpu.memory_space<vmem>>
    %dma_start3A_78 = tpu.memref_slice %arg5[%add3A_67] : memref<335872xi32, #tpu.memory_space<hbm>> -> memref<48xi32, #tpu.memory_space<hbm>>
    tpu.enqueue_dma source(%dma_start3A_78 : memref<48xi32, #tpu.memory_space<hbm>>) target(%dma_start3A_77 : memref<48xi32, #tpu.memory_space<vmem>>) target_semaphore(%arg20 : memref<!tpu.dma_semaphore, #tpu.memory_space<semaphore_mem>>)
    %mul3A_79 = arith.constant 10368 : i32
    %mul3A_80 = arith.muli %add3A, %mul3A_79 : i32
    %add3A_81 = arith.constant 48 : i32
    %add3A_82 = arith.addi %mul3A_80, %add3A_81 : i32
    %dma_start3A_83 = arith.constant 48 : i32
    %dma_start3A_84 = tpu.memref_slice %arg9[%dma_start3A_83] : memref<96xi32, #tpu.memory_space<vmem>> -> memref<48xi32, #tpu.memory_space<vmem>>
    %dma_start3A_85 = tpu.memref_slice %arg4[%add3A_82] : memref<335872xi32, #tpu.memory_space<hbm>> -> memref<48xi32, #tpu.memory_space<hbm>>
    %dma_start3A_86 = arith.constant 48 : i32
    %dma_start3A_87 = tpu.memref_slice %arg9[%dma_start3A_86] : memref<96xi32, #tpu.memory_space<vmem>> -> memref<48xi32, #tpu.memory_space<vmem>>
    %dma_start3A_88 = tpu.memref_slice %arg4[%add3A_82] : memref<335872xi32, #tpu.memory_space<hbm>> -> memref<48xi32, #tpu.memory_space<hbm>>
    tpu.enqueue_dma source(%dma_start3A_88 : memref<48xi32, #tpu.memory_space<hbm>>) target(%dma_start3A_87 : memref<48xi32, #tpu.memory_space<vmem>>) target_semaphore(%arg21 : memref<!tpu.dma_semaphore, #tpu.memory_space<semaphore_mem>>)
    %dma_start3A_89 = arith.constant 48 : i32
    %dma_start3A_90 = tpu.memref_slice %arg10[%dma_start3A_89] : memref<96xi32, #tpu.memory_space<vmem>> -> memref<48xi32, #tpu.memory_space<vmem>>
    %dma_start3A_91 = tpu.memref_slice %arg5[%add3A_82] : memref<335872xi32, #tpu.memory_space<hbm>> -> memref<48xi32, #tpu.memory_space<hbm>>
    %dma_start3A_92 = arith.constant 48 : i32
    %dma_start3A_93 = tpu.memref_slice %arg10[%dma_start3A_92] : memref<96xi32, #tpu.memory_space<vmem>> -> memref<48xi32, #tpu.memory_space<vmem>>
    %dma_start3A_94 = tpu.memref_slice %arg5[%add3A_82] : memref<335872xi32, #tpu.memory_space<hbm>> -> memref<48xi32, #tpu.memory_space<hbm>>
    tpu.enqueue_dma source(%dma_start3A_94 : memref<48xi32, #tpu.memory_space<hbm>>) target(%dma_start3A_93 : memref<48xi32, #tpu.memory_space<vmem>>) target_semaphore(%arg21 : memref<!tpu.dma_semaphore, #tpu.memory_space<semaphore_mem>>)
    %mul3A_95 = arith.constant 10368 : i32
    %mul3A_96 = arith.muli %add3A, %mul3A_95 : i32
    %add3A_97 = arith.constant 0 : i32
    %add3A_98 = arith.addi %mul3A_96, %add3A_97 : i32
    %dma_wait3A = arith.constant 0 : i32
    %dma_wait3A_99 = tpu.memref_slice %arg9[%dma_wait3A] : memref<96xi32, #tpu.memory_space<vmem>> -> memref<48xi32, #tpu.memory_space<vmem>>
    %dma_wait3A_100 = tpu.memref_slice %arg4[%add3A_98] : memref<335872xi32, #tpu.memory_space<hbm>> -> memref<48xi32, #tpu.memory_space<hbm>>
    %dma_wait3A_101 = arith.constant 0 : i32
    %dma_wait3A_102 = tpu.memref_slice %arg9[%dma_wait3A_101] : memref<96xi32, #tpu.memory_space<vmem>> -> memref<48xi32, #tpu.memory_space<vmem>>
    %dma_wait3A_103 = tpu.memref_slice %arg4[%add3A_98] : memref<335872xi32, #tpu.memory_space<hbm>> -> memref<48xi32, #tpu.memory_space<hbm>>
    tpu.wait_dma2 semaphore(%arg20 : memref<!tpu.dma_semaphore, #tpu.memory_space<semaphore_mem>>) src(%dma_wait3A_103 : memref<48xi32, #tpu.memory_space<hbm>>) dst(%dma_wait3A_102 : memref<48xi32, #tpu.memory_space<vmem>>)
    %dma_wait3A_104 = arith.constant 0 : i32
    %dma_wait3A_105 = tpu.memref_slice %arg10[%dma_wait3A_104] : memref<96xi32, #tpu.memory_space<vmem>> -> memref<48xi32, #tpu.memory_space<vmem>>
    %dma_wait3A_106 = tpu.memref_slice %arg5[%add3A_98] : memref<335872xi32, #tpu.memory_space<hbm>> -> memref<48xi32, #tpu.memory_space<hbm>>
    %dma_wait3A_107 = arith.constant 0 : i32
    %dma_wait3A_108 = tpu.memref_slice %arg10[%dma_wait3A_107] : memref<96xi32, #tpu.memory_space<vmem>> -> memref<48xi32, #tpu.memory_space<vmem>>
    %dma_wait3A_109 = tpu.memref_slice %arg5[%add3A_98] : memref<335872xi32, #tpu.memory_space<hbm>> -> memref<48xi32, #tpu.memory_space<hbm>>
    tpu.wait_dma2 semaphore(%arg20 : memref<!tpu.dma_semaphore, #tpu.memory_space<semaphore_mem>>) src(%dma_wait3A_109 : memref<48xi32, #tpu.memory_space<hbm>>) dst(%dma_wait3A_108 : memref<48xi32, #tpu.memory_space<vmem>>)
    %dma_start3A_110 = arith.constant 0 : i32
    %dma_start3A_111 = arith.constant 0 : i32
    %dma_start3A_112 = tpu.memref_slice %arg14[%dma_start3A_110, %dma_start3A_111] : memref<96x128xf32, #tpu.memory_space<vmem>> -> memref<48x128xf32, #tpu.memory_space<vmem>>
    %dma_start3A_113 = arith.constant 0 : i32
    %dma_start3A_114 = tpu.memref_slice %arg9[%dma_start3A_113] : memref<96xi32, #tpu.memory_space<vmem>> -> memref<48xi32, #tpu.memory_space<vmem>>
    %dma_start3A_115 = arith.constant 0 : i32
    %dma_start3A_116 = arith.constant 0 : i32
    %dma_start3A_117 = tpu.memref_slice %arg2[%dma_start3A_115, %dma_start3A_116] : memref<10240x128xf32, #tpu.memory_space<hbm>> -> memref<10240x128xf32, #tpu.memory_space<hbm>>
    tpu.enqueue_indirect_dma source(%dma_start3A_117 : memref<10240x128xf32, #tpu.memory_space<hbm>>) target(%dma_start3A_112 : memref<48x128xf32, #tpu.memory_space<vmem>>) offsets(%dma_start3A_114 : memref<48xi32, #tpu.memory_space<vmem>>) semaphore(%arg22 : memref<!tpu.dma_semaphore, #tpu.memory_space<semaphore_mem>>)
    %dma_start3A_118 = arith.constant 0 : i32
    %dma_start3A_119 = arith.constant 0 : i32
    %dma_start3A_120 = tpu.memref_slice %arg15[%dma_start3A_118, %dma_start3A_119] : memref<96x128xf32, #tpu.memory_space<vmem>> -> memref<48x128xf32, #tpu.memory_space<vmem>>
    %dma_start3A_121 = arith.constant 0 : i32
    %dma_start3A_122 = tpu.memref_slice %arg10[%dma_start3A_121] : memref<96xi32, #tpu.memory_space<vmem>> -> memref<48xi32, #tpu.memory_space<vmem>>
    %dma_start3A_123 = arith.constant 0 : i32
    %dma_start3A_124 = arith.constant 0 : i32
    %dma_start3A_125 = tpu.memref_slice %arg3[%dma_start3A_123, %dma_start3A_124] : memref<10240x128xf32, #tpu.memory_space<hbm>> -> memref<10240x128xf32, #tpu.memory_space<hbm>>
    tpu.enqueue_indirect_dma source(%dma_start3A_125 : memref<10240x128xf32, #tpu.memory_space<hbm>>) target(%dma_start3A_120 : memref<48x128xf32, #tpu.memory_space<vmem>>) offsets(%dma_start3A_122 : memref<48xi32, #tpu.memory_space<vmem>>) semaphore(%arg22 : memref<!tpu.dma_semaphore, #tpu.memory_space<semaphore_mem>>)
    %scan3A_126 = arith.constant 0 : i32
    %scan3A_127 = arith.constant 0 : i32
    %scan3A_128 = arith.constant 108 : i32
    %scan3A_129 = arith.addi %scan3A_127, %scan3A_128 : i32
    %scan3A_130 = arith.constant 1 : i32
    scf.for %scan3A_179 = %scan3A_127 to %scan3A_129 step %scan3A_130  : i32 {
      %mul3A_180 = arith.constant 2 : i32
      %mul3A_181 = arith.muli %mul3A_180, %scan3A_179 : i32
      %add3A_182 = arith.constant 0 : i32
      %add3A_183 = arith.addi %mul3A_181, %add3A_182 : i32
      %ge3A = arith.constant 2 : i32
      %ge3A_184 = arith.cmpi sge, %add3A_183, %ge3A : i32
      %convert_element_type3A = arith.extui %ge3A_184 : i1 to i32
      %cond3A = arith.constant 0 : i32
      %cond3A_185 = arith.cmpi ne, %convert_element_type3A, %cond3A : i32
      scf.if %cond3A_185 {
        %dma_wait3A_424 = arith.constant 0 : i32
        %dma_wait3A_425 = arith.constant 0 : i32
        %dma_wait3A_426 = tpu.memref_slice %arg16[%dma_wait3A_424, %dma_wait3A_425] : memref<96x128xf32, #tpu.memory_space<vmem>> -> memref<48x128xf32, #tpu.memory_space<vmem>>
        %dma_wait3A_427 = arith.constant 0 : i32
        %dma_wait3A_428 = arith.constant 0 : i32
        %dma_wait3A_429 = tpu.memref_slice %arg19[%dma_wait3A_427, %dma_wait3A_428] : memref<10112x128xf32, #tpu.memory_space<vmem_shared>> -> memref<10112x128xf32, #tpu.memory_space<vmem_shared>>
        tpu.wait_indirect_dma semaphore(%arg24 : memref<!tpu.dma_semaphore, #tpu.memory_space<semaphore_mem>>) src(%dma_wait3A_426 : memref<48x128xf32, #tpu.memory_space<vmem>>) dst(%dma_wait3A_429 : memref<10112x128xf32, #tpu.memory_space<vmem_shared>>)
      } else {
      }
      %add3A_186 = arith.constant 1 : i32
      %add3A_187 = arith.addi %add3A_183, %add3A_186 : i32
      %mul3A_188 = arith.constant 10368 : i32
      %mul3A_189 = arith.muli %add3A, %mul3A_188 : i32
      %mul3A_190 = arith.constant 48 : i32
      %mul3A_191 = arith.muli %add3A_187, %mul3A_190 : i32
      %add3A_192 = arith.addi %mul3A_189, %mul3A_191 : i32
      %dma_wait3A_193 = arith.constant 48 : i32
      %dma_wait3A_194 = tpu.memref_slice %arg9[%dma_wait3A_193] : memref<96xi32, #tpu.memory_space<vmem>> -> memref<48xi32, #tpu.memory_space<vmem>>
      %dma_wait3A_195 = tpu.memref_slice %arg4[%add3A_192] : memref<335872xi32, #tpu.memory_space<hbm>> -> memref<48xi32, #tpu.memory_space<hbm>>
      %dma_wait3A_196 = arith.constant 48 : i32
      %dma_wait3A_197 = tpu.memref_slice %arg9[%dma_wait3A_196] : memref<96xi32, #tpu.memory_space<vmem>> -> memref<48xi32, #tpu.memory_space<vmem>>
      %dma_wait3A_198 = tpu.memref_slice %arg4[%add3A_192] : memref<335872xi32, #tpu.memory_space<hbm>> -> memref<48xi32, #tpu.memory_space<hbm>>
      tpu.wait_dma2 semaphore(%arg21 : memref<!tpu.dma_semaphore, #tpu.memory_space<semaphore_mem>>) src(%dma_wait3A_198 : memref<48xi32, #tpu.memory_space<hbm>>) dst(%dma_wait3A_197 : memref<48xi32, #tpu.memory_space<vmem>>)
      %dma_wait3A_199 = arith.constant 48 : i32
      %dma_wait3A_200 = tpu.memref_slice %arg10[%dma_wait3A_199] : memref<96xi32, #tpu.memory_space<vmem>> -> memref<48xi32, #tpu.memory_space<vmem>>
      %dma_wait3A_201 = tpu.memref_slice %arg5[%add3A_192] : memref<335872xi32, #tpu.memory_space<hbm>> -> memref<48xi32, #tpu.memory_space<hbm>>
      %dma_wait3A_202 = arith.constant 48 : i32
      %dma_wait3A_203 = tpu.memref_slice %arg10[%dma_wait3A_202] : memref<96xi32, #tpu.memory_space<vmem>> -> memref<48xi32, #tpu.memory_space<vmem>>
      %dma_wait3A_204 = tpu.memref_slice %arg5[%add3A_192] : memref<335872xi32, #tpu.memory_space<hbm>> -> memref<48xi32, #tpu.memory_space<hbm>>
      tpu.wait_dma2 semaphore(%arg21 : memref<!tpu.dma_semaphore, #tpu.memory_space<semaphore_mem>>) src(%dma_wait3A_204 : memref<48xi32, #tpu.memory_space<hbm>>) dst(%dma_wait3A_203 : memref<48xi32, #tpu.memory_space<vmem>>)
      %dma_start3A_205 = arith.constant 48 : i32
      %dma_start3A_206 = arith.constant 0 : i32
      %dma_start3A_207 = tpu.memref_slice %arg14[%dma_start3A_205, %dma_start3A_206] : memref<96x128xf32, #tpu.memory_space<vmem>> -> memref<48x128xf32, #tpu.memory_space<vmem>>
      %dma_start3A_208 = arith.constant 48 : i32
      %dma_start3A_209 = tpu.memref_slice %arg9[%dma_start3A_208] : memref<96xi32, #tpu.memory_space<vmem>> -> memref<48xi32, #tpu.memory_space<vmem>>
      %dma_start3A_210 = arith.constant 0 : i32
      %dma_start3A_211 = arith.constant 0 : i32
      %dma_start3A_212 = tpu.memref_slice %arg2[%dma_start3A_210, %dma_start3A_211] : memref<10240x128xf32, #tpu.memory_space<hbm>> -> memref<10240x128xf32, #tpu.memory_space<hbm>>
      tpu.enqueue_indirect_dma source(%dma_start3A_212 : memref<10240x128xf32, #tpu.memory_space<hbm>>) target(%dma_start3A_207 : memref<48x128xf32, #tpu.memory_space<vmem>>) offsets(%dma_start3A_209 : memref<48xi32, #tpu.memory_space<vmem>>) semaphore(%arg23 : memref<!tpu.dma_semaphore, #tpu.memory_space<semaphore_mem>>)
      %dma_start3A_213 = arith.constant 48 : i32
      %dma_start3A_214 = arith.constant 0 : i32
      %dma_start3A_215 = tpu.memref_slice %arg15[%dma_start3A_213, %dma_start3A_214] : memref<96x128xf32, #tpu.memory_space<vmem>> -> memref<48x128xf32, #tpu.memory_space<vmem>>
      %dma_start3A_216 = arith.constant 48 : i32
      %dma_start3A_217 = tpu.memref_slice %arg10[%dma_start3A_216] : memref<96xi32, #tpu.memory_space<vmem>> -> memref<48xi32, #tpu.memory_space<vmem>>
      %dma_start3A_218 = arith.constant 0 : i32
      %dma_start3A_219 = arith.constant 0 : i32
      %dma_start3A_220 = tpu.memref_slice %arg3[%dma_start3A_218, %dma_start3A_219] : memref<10240x128xf32, #tpu.memory_space<hbm>> -> memref<10240x128xf32, #tpu.memory_space<hbm>>
      tpu.enqueue_indirect_dma source(%dma_start3A_220 : memref<10240x128xf32, #tpu.memory_space<hbm>>) target(%dma_start3A_215 : memref<48x128xf32, #tpu.memory_space<vmem>>) offsets(%dma_start3A_217 : memref<48xi32, #tpu.memory_space<vmem>>) semaphore(%arg23 : memref<!tpu.dma_semaphore, #tpu.memory_space<semaphore_mem>>)
      %dma_wait3A_221 = arith.constant 0 : i32
      %dma_wait3A_222 = arith.constant 0 : i32
      %dma_wait3A_223 = tpu.memref_slice %arg14[%dma_wait3A_221, %dma_wait3A_222] : memref<96x128xf32, #tpu.memory_space<vmem>> -> memref<48x128xf32, #tpu.memory_space<vmem>>
      %dma_wait3A_224 = arith.constant 0 : i32
      %dma_wait3A_225 = tpu.memref_slice %arg9[%dma_wait3A_224] : memref<96xi32, #tpu.memory_space<vmem>> -> memref<48xi32, #tpu.memory_space<vmem>>
      %dma_wait3A_226 = arith.constant 0 : i32
      %dma_wait3A_227 = arith.constant 0 : i32
      %dma_wait3A_228 = tpu.memref_slice %arg2[%dma_wait3A_226, %dma_wait3A_227] : memref<10240x128xf32, #tpu.memory_space<hbm>> -> memref<10240x128xf32, #tpu.memory_space<hbm>>
      tpu.wait_indirect_dma semaphore(%arg22 : memref<!tpu.dma_semaphore, #tpu.memory_space<semaphore_mem>>) src(%dma_wait3A_228 : memref<10240x128xf32, #tpu.memory_space<hbm>>) dst(%dma_wait3A_223 : memref<48x128xf32, #tpu.memory_space<vmem>>)
      %dma_wait3A_229 = arith.constant 0 : i32
      %dma_wait3A_230 = arith.constant 0 : i32
      %dma_wait3A_231 = tpu.memref_slice %arg15[%dma_wait3A_229, %dma_wait3A_230] : memref<96x128xf32, #tpu.memory_space<vmem>> -> memref<48x128xf32, #tpu.memory_space<vmem>>
      %dma_wait3A_232 = arith.constant 0 : i32
      %dma_wait3A_233 = tpu.memref_slice %arg10[%dma_wait3A_232] : memref<96xi32, #tpu.memory_space<vmem>> -> memref<48xi32, #tpu.memory_space<vmem>>
      %dma_wait3A_234 = arith.constant 0 : i32
      %dma_wait3A_235 = arith.constant 0 : i32
      %dma_wait3A_236 = tpu.memref_slice %arg3[%dma_wait3A_234, %dma_wait3A_235] : memref<10240x128xf32, #tpu.memory_space<hbm>> -> memref<10240x128xf32, #tpu.memory_space<hbm>>
      tpu.wait_indirect_dma semaphore(%arg22 : memref<!tpu.dma_semaphore, #tpu.memory_space<semaphore_mem>>) src(%dma_wait3A_236 : memref<10240x128xf32, #tpu.memory_space<hbm>>) dst(%dma_wait3A_231 : memref<48x128xf32, #tpu.memory_space<vmem>>)
      %get3A_237 = arith.constant 0 : index
      %get3A_238 = tpu.vector_load %arg10[%get3A_237] {strides = array<i32>} : memref<96xi32, #tpu.memory_space<vmem>>, vector<16xi32>,
      %get3A_239 = vector.shape_cast %get3A_238 : vector<16xi32> to vector<16xi32>
      %swap3A = arith.constant 0 : index
      %swap3A_240 = tpu.vector_load %arg11[%swap3A] {strides = array<i32>} : memref<48xi32, #tpu.memory_space<vmem>>, vector<16xi32>,
      %swap3A_241 = vector.shape_cast %swap3A_240 : vector<16xi32> to vector<16xi32>
      %swap3A_242 = vector.shape_cast %get3A_239 : vector<16xi32> to vector<16xi32>
      tpu.vector_store %arg11[%swap3A], %swap3A_242 {strides = array<i32>} : memref<48xi32, #tpu.memory_space<vmem>>, vector<16xi32>,
      %swap3A_243 = arith.constant 0 : index
      %swap3A_244 = tpu.vector_load %arg13[%swap3A_243] {strides = array<i32>} : memref<112xi32, #tpu.memory_space<vmem>>, vector<16xi32>,
      %swap3A_245 = vector.shape_cast %swap3A_244 : vector<16xi32> to vector<16xi32>
      %swap3A_246 = vector.shape_cast %get3A_239 : vector<16xi32> to vector<16xi32>
      tpu.vector_store %arg13[%swap3A_243], %swap3A_246 {strides = array<i32>} : memref<112xi32, #tpu.memory_space<vmem>>, vector<16xi32>,
      %get3A_247 = arith.constant 16 : index
      %get3A_248 = tpu.vector_load %arg10[%get3A_247] {strides = array<i32>} : memref<96xi32, #tpu.memory_space<vmem>>, vector<16xi32>,
      %get3A_249 = vector.shape_cast %get3A_248 : vector<16xi32> to vector<16xi32>
      %swap3A_250 = arith.constant 16 : index
      %swap3A_251 = tpu.vector_load %arg11[%swap3A_250] {strides = array<i32>} : memref<48xi32, #tpu.memory_space<vmem>>, vector<16xi32>,
      %swap3A_252 = vector.shape_cast %swap3A_251 : vector<16xi32> to vector<16xi32>
      %swap3A_253 = vector.shape_cast %get3A_249 : vector<16xi32> to vector<16xi32>
      tpu.vector_store %arg11[%swap3A_250], %swap3A_253 {strides = array<i32>} : memref<48xi32, #tpu.memory_space<vmem>>, vector<16xi32>,
      %swap3A_254 = arith.constant 16 : index
      %swap3A_255 = tpu.vector_load %arg13[%swap3A_254] {strides = array<i32>} : memref<112xi32, #tpu.memory_space<vmem>>, vector<16xi32>,
      %swap3A_256 = vector.shape_cast %swap3A_255 : vector<16xi32> to vector<16xi32>
      %swap3A_257 = vector.shape_cast %get3A_249 : vector<16xi32> to vector<16xi32>
      tpu.vector_store %arg13[%swap3A_254], %swap3A_257 {strides = array<i32>} : memref<112xi32, #tpu.memory_space<vmem>>, vector<16xi32>,
      %get3A_258 = arith.constant 32 : index
      %get3A_259 = tpu.vector_load %arg10[%get3A_258] {strides = array<i32>} : memref<96xi32, #tpu.memory_space<vmem>>, vector<16xi32>,
      %get3A_260 = vector.shape_cast %get3A_259 : vector<16xi32> to vector<16xi32>
      %swap3A_261 = arith.constant 32 : index
      %swap3A_262 = tpu.vector_load %arg11[%swap3A_261] {strides = array<i32>} : memref<48xi32, #tpu.memory_space<vmem>>, vector<16xi32>,
      %swap3A_263 = vector.shape_cast %swap3A_262 : vector<16xi32> to vector<16xi32>
      %swap3A_264 = vector.shape_cast %get3A_260 : vector<16xi32> to vector<16xi32>
      tpu.vector_store %arg11[%swap3A_261], %swap3A_264 {strides = array<i32>} : memref<48xi32, #tpu.memory_space<vmem>>, vector<16xi32>,
      %swap3A_265 = arith.constant 32 : index
      %swap3A_266 = tpu.vector_load %arg13[%swap3A_265] {strides = array<i32>} : memref<112xi32, #tpu.memory_space<vmem>>, vector<16xi32>,
      %swap3A_267 = vector.shape_cast %swap3A_266 : vector<16xi32> to vector<16xi32>
      %swap3A_268 = vector.shape_cast %get3A_260 : vector<16xi32> to vector<16xi32>
      tpu.vector_store %arg13[%swap3A_265], %swap3A_268 {strides = array<i32>} : memref<112xi32, #tpu.memory_space<vmem>>, vector<16xi32>,
      %add3A_269 = arith.constant 2 : i32
      %add3A_270 = arith.addi %add3A_183, %add3A_269 : i32
      %mul3A_271 = arith.constant 10368 : i32
      %mul3A_272 = arith.muli %add3A, %mul3A_271 : i32
      %mul3A_273 = arith.constant 48 : i32
      %mul3A_274 = arith.muli %add3A_270, %mul3A_273 : i32
      %add3A_275 = arith.addi %mul3A_272, %mul3A_274 : i32
      %dma_start3A_276 = arith.constant 0 : i32
      %dma_start3A_277 = tpu.memref_slice %arg9[%dma_start3A_276] : memref<96xi32, #tpu.memory_space<vmem>> -> memref<48xi32, #tpu.memory_space<vmem>>
      %dma_start3A_278 = tpu.memref_slice %arg4[%add3A_275] : memref<335872xi32, #tpu.memory_space<hbm>> -> memref<48xi32, #tpu.memory_space<hbm>>
      %dma_start3A_279 = arith.constant 0 : i32
      %dma_start3A_280 = tpu.memref_slice %arg9[%dma_start3A_279] : memref<96xi32, #tpu.memory_space<vmem>> -> memref<48xi32, #tpu.memory_space<vmem>>
      %dma_start3A_281 = tpu.memref_slice %arg4[%add3A_275] : memref<335872xi32, #tpu.memory_space<hbm>> -> memref<48xi32, #tpu.memory_space<hbm>>
      tpu.enqueue_dma source(%dma_start3A_281 : memref<48xi32, #tpu.memory_space<hbm>>) target(%dma_start3A_280 : memref<48xi32, #tpu.memory_space<vmem>>) target_semaphore(%arg20 : memref<!tpu.dma_semaphore, #tpu.memory_space<semaphore_mem>>)
      %dma_start3A_282 = arith.constant 0 : i32
      %dma_start3A_283 = tpu.memref_slice %arg10[%dma_start3A_282] : memref<96xi32, #tpu.memory_space<vmem>> -> memref<48xi32, #tpu.memory_space<vmem>>
      %dma_start3A_284 = tpu.memref_slice %arg5[%add3A_275] : memref<335872xi32, #tpu.memory_space<hbm>> -> memref<48xi32, #tpu.memory_space<hbm>>
      %dma_start3A_285 = arith.constant 0 : i32
      %dma_start3A_286 = tpu.memref_slice %arg10[%dma_start3A_285] : memref<96xi32, #tpu.memory_space<vmem>> -> memref<48xi32, #tpu.memory_space<vmem>>
      %dma_start3A_287 = tpu.memref_slice %arg5[%add3A_275] : memref<335872xi32, #tpu.memory_space<hbm>> -> memref<48xi32, #tpu.memory_space<hbm>>
      tpu.enqueue_dma source(%dma_start3A_287 : memref<48xi32, #tpu.memory_space<hbm>>) target(%dma_start3A_286 : memref<48xi32, #tpu.memory_space<vmem>>) target_semaphore(%arg20 : memref<!tpu.dma_semaphore, #tpu.memory_space<semaphore_mem>>)
      %scan3A_288 = arith.constant 0 : i32
      %scan3A_289 = arith.constant 0 : i32
      %scan3A_290 = arith.constant 48 : i32
      %scan3A_291 = arith.addi %scan3A_289, %scan3A_290 : i32
      %scan3A_292 = arith.constant 1 : i32
      scf.for %scan3A_424 = %scan3A_289 to %scan3A_291 step %scan3A_292  : i32 {
        %add3A_425 = arith.constant 0 : i32
        %add3A_426 = arith.addi %add3A_425, %scan3A_424 : i32
        %broadcast_in_dim3A = arith.constant 0.000000e+00 : f32
        %broadcast_in_dim3A_427 = vector.broadcast %broadcast_in_dim3A : f32 to vector<16xf32>
        %get3A_428 = arith.index_cast %add3A_426 : i32 to index
        %get3A_429 = arith.constant 0 : index
        %get3A_430 = tpu.vector_load %arg14[%get3A_428, %get3A_429] {strides = array<i32>} : memref<96x128xf32, #tpu.memory_space<vmem>>, vector<1x16xf32>,
        %get3A_431 = vector.shape_cast %get3A_430 : vector<1x16xf32> to vector<16xf32>
        %get3A_432 = arith.index_cast %add3A_426 : i32 to index
        %get3A_433 = arith.constant 0 : index
        %get3A_434 = tpu.vector_load %arg15[%get3A_432, %get3A_433] {strides = array<i32>} : memref<96x128xf32, #tpu.memory_space<vmem>>, vector<1x16xf32>,
        %get3A_435 = vector.shape_cast %get3A_434 : vector<1x16xf32> to vector<16xf32>
        %add3A_436 = arith.addf %get3A_431, %get3A_435 : vector<16xf32>
        %mul3A_437 = arith.constant 2.000000e-01 : f32
        %mul3A_438 = vector.broadcast %mul3A_437 : f32 to vector<16xf32>
        %mul3A_439 = arith.mulf %mul3A_438, %add3A_436 : vector<16xf32>
        %max3A = arith.maximumf %add3A_436, %mul3A_439 : vector<16xf32>
        %mul3A_440 = arith.mulf %max3A, %get3A_2 : vector<16xf32>
        %add3A_441 = arith.addf %broadcast_in_dim3A_427, %mul3A_440 : vector<16xf32>
        %get3A_442 = arith.index_cast %add3A_426 : i32 to index
        %get3A_443 = arith.constant 16 : index
        %get3A_444 = tpu.vector_load %arg14[%get3A_442, %get3A_443] {strides = array<i32>} : memref<96x128xf32, #tpu.memory_space<vmem>>, vector<1x16xf32>,
        %get3A_445 = vector.shape_cast %get3A_444 : vector<1x16xf32> to vector<16xf32>
        %get3A_446 = arith.index_cast %add3A_426 : i32 to index
        %get3A_447 = arith.constant 16 : index
        %get3A_448 = tpu.vector_load %arg15[%get3A_446, %get3A_447] {strides = array<i32>} : memref<96x128xf32, #tpu.memory_space<vmem>>, vector<1x16xf32>,
        %get3A_449 = vector.shape_cast %get3A_448 : vector<1x16xf32> to vector<16xf32>
        %add3A_450 = arith.addf %get3A_445, %get3A_449 : vector<16xf32>
        %mul3A_451 = arith.constant 2.000000e-01 : f32
        %mul3A_452 = vector.broadcast %mul3A_451 : f32 to vector<16xf32>
        %mul3A_453 = arith.mulf %mul3A_452, %add3A_450 : vector<16xf32>
        %max3A_454 = arith.maximumf %add3A_450, %mul3A_453 : vector<16xf32>
        %mul3A_455 = arith.mulf %max3A_454, %get3A_5 : vector<16xf32>
        %add3A_456 = arith.addf %add3A_441, %mul3A_455 : vector<16xf32>
        %get3A_457 = arith.index_cast %add3A_426 : i32 to index
        %get3A_458 = arith.constant 32 : index
        %get3A_459 = tpu.vector_load %arg14[%get3A_457, %get3A_458] {strides = array<i32>} : memref<96x128xf32, #tpu.memory_space<vmem>>, vector<1x16xf32>,
        %get3A_460 = vector.shape_cast %get3A_459 : vector<1x16xf32> to vector<16xf32>
        %get3A_461 = arith.index_cast %add3A_426 : i32 to index
        %get3A_462 = arith.constant 32 : index
        %get3A_463 = tpu.vector_load %arg15[%get3A_461, %get3A_462] {strides = array<i32>} : memref<96x128xf32, #tpu.memory_space<vmem>>, vector<1x16xf32>,
        %get3A_464 = vector.shape_cast %get3A_463 : vector<1x16xf32> to vector<16xf32>
        %add3A_465 = arith.addf %get3A_460, %get3A_464 : vector<16xf32>
        %mul3A_466 = arith.constant 2.000000e-01 : f32
        %mul3A_467 = vector.broadcast %mul3A_466 : f32 to vector<16xf32>
        %mul3A_468 = arith.mulf %mul3A_467, %add3A_465 : vector<16xf32>
        %max3A_469 = arith.maximumf %add3A_465, %mul3A_468 : vector<16xf32>
        %mul3A_470 = arith.mulf %max3A_469, %get3A_8 : vector<16xf32>
        %add3A_471 = arith.addf %add3A_456, %mul3A_470 : vector<16xf32>
        %get3A_472 = arith.index_cast %add3A_426 : i32 to index
        %get3A_473 = arith.constant 48 : index
        %get3A_474 = tpu.vector_load %arg14[%get3A_472, %get3A_473] {strides = array<i32>} : memref<96x128xf32, #tpu.memory_space<vmem>>, vector<1x16xf32>,
        %get3A_475 = vector.shape_cast %get3A_474 : vector<1x16xf32> to vector<16xf32>
        %get3A_476 = arith.index_cast %add3A_426 : i32 to index
        %get3A_477 = arith.constant 48 : index
        %get3A_478 = tpu.vector_load %arg15[%get3A_476, %get3A_477] {strides = array<i32>} : memref<96x128xf32, #tpu.memory_space<vmem>>, vector<1x16xf32>,
        %get3A_479 = vector.shape_cast %get3A_478 : vector<1x16xf32> to vector<16xf32>
        %add3A_480 = arith.addf %get3A_475, %get3A_479 : vector<16xf32>
        %mul3A_481 = arith.constant 2.000000e-01 : f32
        %mul3A_482 = vector.broadcast %mul3A_481 : f32 to vector<16xf32>
        %mul3A_483 = arith.mulf %mul3A_482, %add3A_480 : vector<16xf32>
        %max3A_484 = arith.maximumf %add3A_480, %mul3A_483 : vector<16xf32>
        %mul3A_485 = arith.mulf %max3A_484, %get3A_11 : vector<16xf32>
        %add3A_486 = arith.addf %add3A_471, %mul3A_485 : vector<16xf32>
        %get3A_487 = arith.index_cast %add3A_426 : i32 to index
        %get3A_488 = arith.constant 64 : index
        %get3A_489 = tpu.vector_load %arg14[%get3A_487, %get3A_488] {strides = array<i32>} : memref<96x128xf32, #tpu.memory_space<vmem>>, vector<1x16xf32>,
        %get3A_490 = vector.shape_cast %get3A_489 : vector<1x16xf32> to vector<16xf32>
        %get3A_491 = arith.index_cast %add3A_426 : i32 to index
        %get3A_492 = arith.constant 64 : index
        %get3A_493 = tpu.vector_load %arg15[%get3A_491, %get3A_492] {strides = array<i32>} : memref<96x128xf32, #tpu.memory_space<vmem>>, vector<1x16xf32>,
        %get3A_494 = vector.shape_cast %get3A_493 : vector<1x16xf32> to vector<16xf32>
        %add3A_495 = arith.addf %get3A_490, %get3A_494 : vector<16xf32>
        %mul3A_496 = arith.constant 2.000000e-01 : f32
        %mul3A_497 = vector.broadcast %mul3A_496 : f32 to vector<16xf32>
        %mul3A_498 = arith.mulf %mul3A_497, %add3A_495 : vector<16xf32>
        %max3A_499 = arith.maximumf %add3A_495, %mul3A_498 : vector<16xf32>
        %mul3A_500 = arith.mulf %max3A_499, %get3A_14 : vector<16xf32>
        %add3A_501 = arith.addf %add3A_486, %mul3A_500 : vector<16xf32>
        %get3A_502 = arith.index_cast %add3A_426 : i32 to index
        %get3A_503 = arith.constant 80 : index
        %get3A_504 = tpu.vector_load %arg14[%get3A_502, %get3A_503] {strides = array<i32>} : memref<96x128xf32, #tpu.memory_space<vmem>>, vector<1x16xf32>,
        %get3A_505 = vector.shape_cast %get3A_504 : vector<1x16xf32> to vector<16xf32>
        %get3A_506 = arith.index_cast %add3A_426 : i32 to index
        %get3A_507 = arith.constant 80 : index
        %get3A_508 = tpu.vector_load %arg15[%get3A_506, %get3A_507] {strides = array<i32>} : memref<96x128xf32, #tpu.memory_space<vmem>>, vector<1x16xf32>,
        %get3A_509 = vector.shape_cast %get3A_508 : vector<1x16xf32> to vector<16xf32>
        %add3A_510 = arith.addf %get3A_505, %get3A_509 : vector<16xf32>
        %mul3A_511 = arith.constant 2.000000e-01 : f32
        %mul3A_512 = vector.broadcast %mul3A_511 : f32 to vector<16xf32>
        %mul3A_513 = arith.mulf %mul3A_512, %add3A_510 : vector<16xf32>
        %max3A_514 = arith.maximumf %add3A_510, %mul3A_513 : vector<16xf32>
        %mul3A_515 = arith.mulf %max3A_514, %get3A_17 : vector<16xf32>
        %add3A_516 = arith.addf %add3A_501, %mul3A_515 : vector<16xf32>
        %get3A_517 = arith.index_cast %add3A_426 : i32 to index
        %get3A_518 = arith.constant 96 : index
        %get3A_519 = tpu.vector_load %arg14[%get3A_517, %get3A_518] {strides = array<i32>} : memref<96x128xf32, #tpu.memory_space<vmem>>, vector<1x16xf32>,
        %get3A_520 = vector.shape_cast %get3A_519 : vector<1x16xf32> to vector<16xf32>
        %get3A_521 = arith.index_cast %add3A_426 : i32 to index
        %get3A_522 = arith.constant 96 : index
        %get3A_523 = tpu.vector_load %arg15[%get3A_521, %get3A_522] {strides = array<i32>} : memref<96x128xf32, #tpu.memory_space<vmem>>, vector<1x16xf32>,
        %get3A_524 = vector.shape_cast %get3A_523 : vector<1x16xf32> to vector<16xf32>
        %add3A_525 = arith.addf %get3A_520, %get3A_524 : vector<16xf32>
        %mul3A_526 = arith.constant 2.000000e-01 : f32
        %mul3A_527 = vector.broadcast %mul3A_526 : f32 to vector<16xf32>
        %mul3A_528 = arith.mulf %mul3A_527, %add3A_525 : vector<16xf32>
        %max3A_529 = arith.maximumf %add3A_525, %mul3A_528 : vector<16xf32>
        %mul3A_530 = arith.mulf %max3A_529, %get3A_20 : vector<16xf32>
        %add3A_531 = arith.addf %add3A_516, %mul3A_530 : vector<16xf32>
        %get3A_532 = arith.index_cast %add3A_426 : i32 to index
        %get3A_533 = arith.constant 112 : index
        %get3A_534 = tpu.vector_load %arg14[%get3A_532, %get3A_533] {strides = array<i32>} : memref<96x128xf32, #tpu.memory_space<vmem>>, vector<1x16xf32>,
        %get3A_535 = vector.shape_cast %get3A_534 : vector<1x16xf32> to vector<16xf32>
        %get3A_536 = arith.index_cast %add3A_426 : i32 to index
        %get3A_537 = arith.constant 112 : index
        %get3A_538 = tpu.vector_load %arg15[%get3A_536, %get3A_537] {strides = array<i32>} : memref<96x128xf32, #tpu.memory_space<vmem>>, vector<1x16xf32>,
        %get3A_539 = vector.shape_cast %get3A_538 : vector<1x16xf32> to vector<16xf32>
        %add3A_540 = arith.addf %get3A_535, %get3A_539 : vector<16xf32>
        %mul3A_541 = arith.constant 2.000000e-01 : f32
        %mul3A_542 = vector.broadcast %mul3A_541 : f32 to vector<16xf32>
        %mul3A_543 = arith.mulf %mul3A_542, %add3A_540 : vector<16xf32>
        %max3A_544 = arith.maximumf %add3A_540, %mul3A_543 : vector<16xf32>
        %mul3A_545 = arith.mulf %max3A_544, %get3A_23 : vector<16xf32>
        %add3A_546 = arith.addf %add3A_531, %mul3A_545 : vector<16xf32>
        %slice3A = vector.extract_strided_slice %add3A_546 {offsets = [0], sizes = [1], strides = [1]} : vector<16xf32> to vector<1xf32>
        %squeeze3A = vector.extract %slice3A[0] : f32 from vector<1xf32>
        %slice3A_547 = vector.extract_strided_slice %add3A_546 {offsets = [1], sizes = [1], strides = [1]} : vector<16xf32> to vector<1xf32>
        %squeeze3A_548 = vector.extract %slice3A_547[0] : f32 from vector<1xf32>
        %add3A_549 = arith.addf %squeeze3A, %squeeze3A_548 : f32
        %slice3A_550 = vector.extract_strided_slice %add3A_546 {offsets = [2], sizes = [1], strides = [1]} : vector<16xf32> to vector<1xf32>
        %squeeze3A_551 = vector.extract %slice3A_550[0] : f32 from vector<1xf32>
        %add3A_552 = arith.addf %add3A_549, %squeeze3A_551 : f32
        %slice3A_553 = vector.extract_strided_slice %add3A_546 {offsets = [3], sizes = [1], strides = [1]} : vector<16xf32> to vector<1xf32>
        %squeeze3A_554 = vector.extract %slice3A_553[0] : f32 from vector<1xf32>
        %add3A_555 = arith.addf %add3A_552, %squeeze3A_554 : f32
        %slice3A_556 = vector.extract_strided_slice %add3A_546 {offsets = [4], sizes = [1], strides = [1]} : vector<16xf32> to vector<1xf32>
        %squeeze3A_557 = vector.extract %slice3A_556[0] : f32 from vector<1xf32>
        %add3A_558 = arith.addf %add3A_555, %squeeze3A_557 : f32
        %slice3A_559 = vector.extract_strided_slice %add3A_546 {offsets = [5], sizes = [1], strides = [1]} : vector<16xf32> to vector<1xf32>
        %squeeze3A_560 = vector.extract %slice3A_559[0] : f32 from vector<1xf32>
        %add3A_561 = arith.addf %add3A_558, %squeeze3A_560 : f32
        %slice3A_562 = vector.extract_strided_slice %add3A_546 {offsets = [6], sizes = [1], strides = [1]} : vector<16xf32> to vector<1xf32>
        %squeeze3A_563 = vector.extract %slice3A_562[0] : f32 from vector<1xf32>
        %add3A_564 = arith.addf %add3A_561, %squeeze3A_563 : f32
        %slice3A_565 = vector.extract_strided_slice %add3A_546 {offsets = [7], sizes = [1], strides = [1]} : vector<16xf32> to vector<1xf32>
        %squeeze3A_566 = vector.extract %slice3A_565[0] : f32 from vector<1xf32>
        %add3A_567 = arith.addf %add3A_564, %squeeze3A_566 : f32
        %slice3A_568 = vector.extract_strided_slice %add3A_546 {offsets = [8], sizes = [1], strides = [1]} : vector<16xf32> to vector<1xf32>
        %squeeze3A_569 = vector.extract %slice3A_568[0] : f32 from vector<1xf32>
        %add3A_570 = arith.addf %add3A_567, %squeeze3A_569 : f32
        %slice3A_571 = vector.extract_strided_slice %add3A_546 {offsets = [9], sizes = [1], strides = [1]} : vector<16xf32> to vector<1xf32>
        %squeeze3A_572 = vector.extract %slice3A_571[0] : f32 from vector<1xf32>
        %add3A_573 = arith.addf %add3A_570, %squeeze3A_572 : f32
        %slice3A_574 = vector.extract_strided_slice %add3A_546 {offsets = [10], sizes = [1], strides = [1]} : vector<16xf32> to vector<1xf32>
        %squeeze3A_575 = vector.extract %slice3A_574[0] : f32 from vector<1xf32>
        %add3A_576 = arith.addf %add3A_573, %squeeze3A_575 : f32
        %slice3A_577 = vector.extract_strided_slice %add3A_546 {offsets = [11], sizes = [1], strides = [1]} : vector<16xf32> to vector<1xf32>
        %squeeze3A_578 = vector.extract %slice3A_577[0] : f32 from vector<1xf32>
        %add3A_579 = arith.addf %add3A_576, %squeeze3A_578 : f32
        %slice3A_580 = vector.extract_strided_slice %add3A_546 {offsets = [12], sizes = [1], strides = [1]} : vector<16xf32> to vector<1xf32>
        %squeeze3A_581 = vector.extract %slice3A_580[0] : f32 from vector<1xf32>
        %add3A_582 = arith.addf %add3A_579, %squeeze3A_581 : f32
        %slice3A_583 = vector.extract_strided_slice %add3A_546 {offsets = [13], sizes = [1], strides = [1]} : vector<16xf32> to vector<1xf32>
        %squeeze3A_584 = vector.extract %slice3A_583[0] : f32 from vector<1xf32>
        %add3A_585 = arith.addf %add3A_582, %squeeze3A_584 : f32
        %slice3A_586 = vector.extract_strided_slice %add3A_546 {offsets = [14], sizes = [1], strides = [1]} : vector<16xf32> to vector<1xf32>
        %squeeze3A_587 = vector.extract %slice3A_586[0] : f32 from vector<1xf32>
        %add3A_588 = arith.addf %add3A_585, %squeeze3A_587 : f32
        %slice3A_589 = vector.extract_strided_slice %add3A_546 {offsets = [15], sizes = [1], strides = [1]} : vector<16xf32> to vector<1xf32>
        %squeeze3A_590 = vector.extract %slice3A_589[0] : f32 from vector<1xf32>
        %add3A_591 = arith.addf %add3A_588, %squeeze3A_590 : f32
        %broadcast_in_dim3A_592 = vector.broadcast %add3A_591 : f32 to vector<16xf32>
        %exp3A = math.exp %broadcast_in_dim3A_592 : vector<16xf32>
        %mul3A_593 = arith.mulf %get3A_431, %exp3A : vector<16xf32>
        %swap3A_594 = arith.index_cast %add3A_426 : i32 to index
        %swap3A_595 = arith.constant 0 : index
        %swap3A_596 = tpu.vector_load %arg16[%swap3A_594, %swap3A_595] {strides = array<i32>} : memref<96x128xf32, #tpu.memory_space<vmem>>, vector<1x16xf32>,
        %swap3A_597 = vector.shape_cast %swap3A_596 : vector<1x16xf32> to vector<16xf32>
        %swap3A_598 = vector.shape_cast %mul3A_593 : vector<16xf32> to vector<1x16xf32>
        tpu.vector_store %arg16[%swap3A_594, %swap3A_595], %swap3A_598 {strides = array<i32>} : memref<96x128xf32, #tpu.memory_space<vmem>>, vector<1x16xf32>,
        %mul3A_599 = arith.mulf %get3A_445, %exp3A : vector<16xf32>
        %swap3A_600 = arith.index_cast %add3A_426 : i32 to index
        %swap3A_601 = arith.constant 16 : index
        %swap3A_602 = tpu.vector_load %arg16[%swap3A_600, %swap3A_601] {strides = array<i32>} : memref<96x128xf32, #tpu.memory_space<vmem>>, vector<1x16xf32>,
        %swap3A_603 = vector.shape_cast %swap3A_602 : vector<1x16xf32> to vector<16xf32>
        %swap3A_604 = vector.shape_cast %mul3A_599 : vector<16xf32> to vector<1x16xf32>
        tpu.vector_store %arg16[%swap3A_600, %swap3A_601], %swap3A_604 {strides = array<i32>} : memref<96x128xf32, #tpu.memory_space<vmem>>, vector<1x16xf32>,
        %mul3A_605 = arith.mulf %get3A_460, %exp3A : vector<16xf32>
        %swap3A_606 = arith.index_cast %add3A_426 : i32 to index
        %swap3A_607 = arith.constant 32 : index
        %swap3A_608 = tpu.vector_load %arg16[%swap3A_606, %swap3A_607] {strides = array<i32>} : memref<96x128xf32, #tpu.memory_space<vmem>>, vector<1x16xf32>,
        %swap3A_609 = vector.shape_cast %swap3A_608 : vector<1x16xf32> to vector<16xf32>
        %swap3A_610 = vector.shape_cast %mul3A_605 : vector<16xf32> to vector<1x16xf32>
        tpu.vector_store %arg16[%swap3A_606, %swap3A_607], %swap3A_610 {strides = array<i32>} : memref<96x128xf32, #tpu.memory_space<vmem>>, vector<1x16xf32>,
        %mul3A_611 = arith.mulf %get3A_475, %exp3A : vector<16xf32>
        %swap3A_612 = arith.index_cast %add3A_426 : i32 to index
        %swap3A_613 = arith.constant 48 : index
        %swap3A_614 = tpu.vector_load %arg16[%swap3A_612, %swap3A_613] {strides = array<i32>} : memref<96x128xf32, #tpu.memory_space<vmem>>, vector<1x16xf32>,
        %swap3A_615 = vector.shape_cast %swap3A_614 : vector<1x16xf32> to vector<16xf32>
        %swap3A_616 = vector.shape_cast %mul3A_611 : vector<16xf32> to vector<1x16xf32>
        tpu.vector_store %arg16[%swap3A_612, %swap3A_613], %swap3A_616 {strides = array<i32>} : memref<96x128xf32, #tpu.memory_space<vmem>>, vector<1x16xf32>,
        %mul3A_617 = arith.mulf %get3A_490, %exp3A : vector<16xf32>
        %swap3A_618 = arith.index_cast %add3A_426 : i32 to index
        %swap3A_619 = arith.constant 64 : index
        %swap3A_620 = tpu.vector_load %arg16[%swap3A_618, %swap3A_619] {strides = array<i32>} : memref<96x128xf32, #tpu.memory_space<vmem>>, vector<1x16xf32>,
        %swap3A_621 = vector.shape_cast %swap3A_620 : vector<1x16xf32> to vector<16xf32>
        %swap3A_622 = vector.shape_cast %mul3A_617 : vector<16xf32> to vector<1x16xf32>
        tpu.vector_store %arg16[%swap3A_618, %swap3A_619], %swap3A_622 {strides = array<i32>} : memref<96x128xf32, #tpu.memory_space<vmem>>, vector<1x16xf32>,
        %mul3A_623 = arith.mulf %get3A_505, %exp3A : vector<16xf32>
        %swap3A_624 = arith.index_cast %add3A_426 : i32 to index
        %swap3A_625 = arith.constant 80 : index
        %swap3A_626 = tpu.vector_load %arg16[%swap3A_624, %swap3A_625] {strides = array<i32>} : memref<96x128xf32, #tpu.memory_space<vmem>>, vector<1x16xf32>,
        %swap3A_627 = vector.shape_cast %swap3A_626 : vector<1x16xf32> to vector<16xf32>
        %swap3A_628 = vector.shape_cast %mul3A_623 : vector<16xf32> to vector<1x16xf32>
        tpu.vector_store %arg16[%swap3A_624, %swap3A_625], %swap3A_628 {strides = array<i32>} : memref<96x128xf32, #tpu.memory_space<vmem>>, vector<1x16xf32>,
        %mul3A_629 = arith.mulf %get3A_520, %exp3A : vector<16xf32>
        %swap3A_630 = arith.index_cast %add3A_426 : i32 to index
        %swap3A_631 = arith.constant 96 : index
        %swap3A_632 = tpu.vector_load %arg16[%swap3A_630, %swap3A_631] {strides = array<i32>} : memref<96x128xf32, #tpu.memory_space<vmem>>, vector<1x16xf32>,
        %swap3A_633 = vector.shape_cast %swap3A_632 : vector<1x16xf32> to vector<16xf32>
        %swap3A_634 = vector.shape_cast %mul3A_629 : vector<16xf32> to vector<1x16xf32>
        tpu.vector_store %arg16[%swap3A_630, %swap3A_631], %swap3A_634 {strides = array<i32>} : memref<96x128xf32, #tpu.memory_space<vmem>>, vector<1x16xf32>,
        %mul3A_635 = arith.mulf %get3A_535, %exp3A : vector<16xf32>
        %swap3A_636 = arith.index_cast %add3A_426 : i32 to index
        %swap3A_637 = arith.constant 112 : index
        %swap3A_638 = tpu.vector_load %arg16[%swap3A_636, %swap3A_637] {strides = array<i32>} : memref<96x128xf32, #tpu.memory_space<vmem>>, vector<1x16xf32>,
        %swap3A_639 = vector.shape_cast %swap3A_638 : vector<1x16xf32> to vector<16xf32>
        %swap3A_640 = vector.shape_cast %mul3A_635 : vector<16xf32> to vector<1x16xf32>
        tpu.vector_store %arg16[%swap3A_636, %swap3A_637], %swap3A_640 {strides = array<i32>} : memref<96x128xf32, #tpu.memory_space<vmem>>, vector<1x16xf32>,
        %get3A_641 = arith.index_cast %add3A_426 : i32 to index
        %get3A_642 = tpu.vector_load %arg13[%get3A_641] {strides = array<i32>} : memref<112xi32, #tpu.memory_space<vmem>>, vector<16xi32>,
        %get3A_643 = vector.shape_cast %get3A_642 : vector<16xi32> to vector<16xi32>
        %slice3A_644 = vector.extract_strided_slice %get3A_643 {offsets = [0], sizes = [1], strides = [1]} : vector<16xi32> to vector<1xi32>
        %squeeze3A_645 = vector.extract %slice3A_644[0] : i32 from vector<1xi32>
        %jit3A = arith.constant 16 : i32
        %div3A = arith.divsi %squeeze3A_645, %jit3A : i32
        %sign3A = arith.constant 0 : i32
        %sign3A_646 = arith.cmpi sgt, %squeeze3A_645, %sign3A : i32
        %sign3A_647 = arith.extui %sign3A_646 : i1 to i32
        %sign3A_648 = arith.constant 0 : i32
        %sign3A_649 = arith.cmpi slt, %squeeze3A_645, %sign3A_648 : i32
        %sign3A_650 = arith.extui %sign3A_649 : i1 to i32
        %sign3A_651 = arith.subi %sign3A_647, %sign3A_650 : i32
        %sign3A_652 = arith.constant 0 : i32
        %sign3A_653 = arith.cmpi sgt, %jit3A, %sign3A_652 : i32
        %sign3A_654 = arith.extui %sign3A_653 : i1 to i32
        %sign3A_655 = arith.constant 0 : i32
        %sign3A_656 = arith.cmpi slt, %jit3A, %sign3A_655 : i32
        %sign3A_657 = arith.extui %sign3A_656 : i1 to i32
        %sign3A_658 = arith.subi %sign3A_654, %sign3A_657 : i32
        %ne3A = arith.cmpi ne, %sign3A_651, %sign3A_658 : i32
        %rem3A = arith.remsi %squeeze3A_645, %jit3A : i32
        %ne3A_659 = arith.constant 0 : i32
        %ne3A_660 = arith.cmpi ne, %rem3A, %ne3A_659 : i32
        %and3A = arith.andi %ne3A, %ne3A_660 : i1
        %sub3A_661 = arith.constant 1 : i32
        %sub3A_662 = arith.subi %div3A, %sub3A_661 : i32
        %select_n3A = arith.select %and3A, %sub3A_662, %div3A : i32
        %mul3A_663 = arith.constant 16 : i32
        %mul3A_664 = arith.muli %select_n3A, %mul3A_663 : i32
        %sub3A_665 = arith.subi %squeeze3A_645, %mul3A_664 : i32
        %get3A_666 = arith.index_cast %mul3A_664 : i32 to index
        %get3A_667 = tpu.vector_load %arg17[%get3A_666] {strides = array<i32>} : memref<10112xf32, #tpu.memory_space<vmem>>, vector<16xf32>,
        %get3A_668 = vector.shape_cast %get3A_667 : vector<16xf32> to vector<16xf32>
        %eq3A = vector.broadcast %sub3A_665 : i32 to vector<16xi32>
        %eq3A_669 = arith.cmpi eq, %iota3A, %eq3A : vector<16xi32>
        %jit3A_670 = arith.constant 0.000000e+00 : f32
        %broadcast_in_dim3A_671 = vector.broadcast %jit3A_670 : f32 to vector<16xf32>
        %select_n3A_672 = arith.select %eq3A_669, %exp3A, %broadcast_in_dim3A_671 : vector<16xi1>, vector<16xf32>
        %add3A_673 = arith.addf %get3A_668, %select_n3A_672 : vector<16xf32>
        %swap3A_674 = arith.index_cast %mul3A_664 : i32 to index
        %swap3A_675 = tpu.vector_load %arg17[%swap3A_674] {strides = array<i32>} : memref<10112xf32, #tpu.memory_space<vmem>>, vector<16xf32>,
        %swap3A_676 = vector.shape_cast %swap3A_675 : vector<16xf32> to vector<16xf32>
        %swap3A_677 = vector.shape_cast %add3A_673 : vector<16xf32> to vector<16xf32>
        tpu.vector_store %arg17[%swap3A_674], %swap3A_677 {strides = array<i32>} : memref<10112xf32, #tpu.memory_space<vmem>>, vector<16xf32>,
      }
      %scan3A_293 = arith.constant 48 : i32
      %dma_start3A_294 = arith.constant 0 : i32
      %dma_start3A_295 = arith.constant 0 : i32
      %dma_start3A_296 = tpu.memref_slice %arg16[%dma_start3A_294, %dma_start3A_295] : memref<96x128xf32, #tpu.memory_space<vmem>> -> memref<48x128xf32, #tpu.memory_space<vmem>>
      %dma_start3A_297 = arith.constant 0 : i32
      %dma_start3A_298 = arith.constant 0 : i32
      %dma_start3A_299 = tpu.memref_slice %arg19[%dma_start3A_297, %dma_start3A_298] : memref<10112x128xf32, #tpu.memory_space<vmem_shared>> -> memref<10112x128xf32, #tpu.memory_space<vmem_shared>>
      tpu.enqueue_indirect_dma source(%dma_start3A_296 : memref<48x128xf32, #tpu.memory_space<vmem>>) target(%dma_start3A_299 : memref<10112x128xf32, #tpu.memory_space<vmem_shared>>) offsets(%arg11 : memref<48xi32, #tpu.memory_space<vmem>>) semaphore(%arg24 : memref<!tpu.dma_semaphore, #tpu.memory_space<semaphore_mem>>) {add = true}
      %mul3A_300 = arith.constant 2 : i32
      %mul3A_301 = arith.muli %mul3A_300, %scan3A_179 : i32
      %add3A_302 = arith.constant 1 : i32
      %add3A_303 = arith.addi %mul3A_301, %add3A_302 : i32
      %ge3A_304 = arith.constant 2 : i32
      %ge3A_305 = arith.cmpi sge, %add3A_303, %ge3A_304 : i32
      %convert_element_type3A_306 = arith.extui %ge3A_305 : i1 to i32
      %cond3A_307 = arith.constant 0 : i32
      %cond3A_308 = arith.cmpi ne, %convert_element_type3A_306, %cond3A_307 : i32
      scf.if %cond3A_308 {
        %dma_wait3A_424 = arith.constant 48 : i32
        %dma_wait3A_425 = arith.constant 0 : i32
        %dma_wait3A_426 = tpu.memref_slice %arg16[%dma_wait3A_424, %dma_wait3A_425] : memref<96x128xf32, #tpu.memory_space<vmem>> -> memref<48x128xf32, #tpu.memory_space<vmem>>
        %dma_wait3A_427 = arith.constant 0 : i32
        %dma_wait3A_428 = arith.constant 0 : i32
        %dma_wait3A_429 = tpu.memref_slice %arg19[%dma_wait3A_427, %dma_wait3A_428] : memref<10112x128xf32, #tpu.memory_space<vmem_shared>> -> memref<10112x128xf32, #tpu.memory_space<vmem_shared>>
        tpu.wait_indirect_dma semaphore(%arg25 : memref<!tpu.dma_semaphore, #tpu.memory_space<semaphore_mem>>) src(%dma_wait3A_426 : memref<48x128xf32, #tpu.memory_space<vmem>>) dst(%dma_wait3A_429 : memref<10112x128xf32, #tpu.memory_space<vmem_shared>>)
      } else {
      }
      %add3A_309 = arith.constant 1 : i32
      %add3A_310 = arith.addi %add3A_303, %add3A_309 : i32
      %mul3A_311 = arith.constant 10368 : i32
      %mul3A_312 = arith.muli %add3A, %mul3A_311 : i32
      %mul3A_313 = arith.constant 48 : i32
      %mul3A_314 = arith.muli %add3A_310, %mul3A_313 : i32
      %add3A_315 = arith.addi %mul3A_312, %mul3A_314 : i32
      %dma_wait3A_316 = arith.constant 0 : i32
      %dma_wait3A_317 = tpu.memref_slice %arg9[%dma_wait3A_316] : memref<96xi32, #tpu.memory_space<vmem>> -> memref<48xi32, #tpu.memory_space<vmem>>
      %dma_wait3A_318 = tpu.memref_slice %arg4[%add3A_315] : memref<335872xi32, #tpu.memory_space<hbm>> -> memref<48xi32, #tpu.memory_space<hbm>>
      %dma_wait3A_319 = arith.constant 0 : i32
      %dma_wait3A_320 = tpu.memref_slice %arg9[%dma_wait3A_319] : memref<96xi32, #tpu.memory_space<vmem>> -> memref<48xi32, #tpu.memory_space<vmem>>
      %dma_wait3A_321 = tpu.memref_slice %arg4[%add3A_315] : memref<335872xi32, #tpu.memory_space<hbm>> -> memref<48xi32, #tpu.memory_space<hbm>>
      tpu.wait_dma2 semaphore(%arg20 : memref<!tpu.dma_semaphore, #tpu.memory_space<semaphore_mem>>) src(%dma_wait3A_321 : memref<48xi32, #tpu.memory_space<hbm>>) dst(%dma_wait3A_320 : memref<48xi32, #tpu.memory_space<vmem>>)
      %dma_wait3A_322 = arith.constant 0 : i32
      %dma_wait3A_323 = tpu.memref_slice %arg10[%dma_wait3A_322] : memref<96xi32, #tpu.memory_space<vmem>> -> memref<48xi32, #tpu.memory_space<vmem>>
      %dma_wait3A_324 = tpu.memref_slice %arg5[%add3A_315] : memref<335872xi32, #tpu.memory_space<hbm>> -> memref<48xi32, #tpu.memory_space<hbm>>
      %dma_wait3A_325 = arith.constant 0 : i32
      %dma_wait3A_326 = tpu.memref_slice %arg10[%dma_wait3A_325] : memref<96xi32, #tpu.memory_space<vmem>> -> memref<48xi32, #tpu.memory_space<vmem>>
      %dma_wait3A_327 = tpu.memref_slice %arg5[%add3A_315] : memref<335872xi32, #tpu.memory_space<hbm>> -> memref<48xi32, #tpu.memory_space<hbm>>
      tpu.wait_dma2 semaphore(%arg20 : memref<!tpu.dma_semaphore, #tpu.memory_space<semaphore_mem>>) src(%dma_wait3A_327 : memref<48xi32, #tpu.memory_space<hbm>>) dst(%dma_wait3A_326 : memref<48xi32, #tpu.memory_space<vmem>>)
      %dma_start3A_328 = arith.constant 0 : i32
      %dma_start3A_329 = arith.constant 0 : i32
      %dma_start3A_330 = tpu.memref_slice %arg14[%dma_start3A_328, %dma_start3A_329] : memref<96x128xf32, #tpu.memory_space<vmem>> -> memref<48x128xf32, #tpu.memory_space<vmem>>
      %dma_start3A_331 = arith.constant 0 : i32
      %dma_start3A_332 = tpu.memref_slice %arg9[%dma_start3A_331] : memref<96xi32, #tpu.memory_space<vmem>> -> memref<48xi32, #tpu.memory_space<vmem>>
      %dma_start3A_333 = arith.constant 0 : i32
      %dma_start3A_334 = arith.constant 0 : i32
      %dma_start3A_335 = tpu.memref_slice %arg2[%dma_start3A_333, %dma_start3A_334] : memref<10240x128xf32, #tpu.memory_space<hbm>> -> memref<10240x128xf32, #tpu.memory_space<hbm>>
      tpu.enqueue_indirect_dma source(%dma_start3A_335 : memref<10240x128xf32, #tpu.memory_space<hbm>>) target(%dma_start3A_330 : memref<48x128xf32, #tpu.memory_space<vmem>>) offsets(%dma_start3A_332 : memref<48xi32, #tpu.memory_space<vmem>>) semaphore(%arg22 : memref<!tpu.dma_semaphore, #tpu.memory_space<semaphore_mem>>)
      %dma_start3A_336 = arith.constant 0 : i32
      %dma_start3A_337 = arith.constant 0 : i32
      %dma_start3A_338 = tpu.memref_slice %arg15[%dma_start3A_336, %dma_start3A_337] : memref<96x128xf32, #tpu.memory_space<vmem>> -> memref<48x128xf32, #tpu.memory_space<vmem>>
      %dma_start3A_339 = arith.constant 0 : i32
      %dma_start3A_340 = tpu.memref_slice %arg10[%dma_start3A_339] : memref<96xi32, #tpu.memory_space<vmem>> -> memref<48xi32, #tpu.memory_space<vmem>>
      %dma_start3A_341 = arith.constant 0 : i32
      %dma_start3A_342 = arith.constant 0 : i32
      %dma_start3A_343 = tpu.memref_slice %arg3[%dma_start3A_341, %dma_start3A_342] : memref<10240x128xf32, #tpu.memory_space<hbm>> -> memref<10240x128xf32, #tpu.memory_space<hbm>>
      tpu.enqueue_indirect_dma source(%dma_start3A_343 : memref<10240x128xf32, #tpu.memory_space<hbm>>) target(%dma_start3A_338 : memref<48x128xf32, #tpu.memory_space<vmem>>) offsets(%dma_start3A_340 : memref<48xi32, #tpu.memory_space<vmem>>) semaphore(%arg22 : memref<!tpu.dma_semaphore, #tpu.memory_space<semaphore_mem>>)
      %dma_wait3A_344 = arith.constant 48 : i32
      %dma_wait3A_345 = arith.constant 0 : i32
      %dma_wait3A_346 = tpu.memref_slice %arg14[%dma_wait3A_344, %dma_wait3A_345] : memref<96x128xf32, #tpu.memory_space<vmem>> -> memref<48x128xf32, #tpu.memory_space<vmem>>
      %dma_wait3A_347 = arith.constant 48 : i32
      %dma_wait3A_348 = tpu.memref_slice %arg9[%dma_wait3A_347] : memref<96xi32, #tpu.memory_space<vmem>> -> memref<48xi32, #tpu.memory_space<vmem>>
      %dma_wait3A_349 = arith.constant 0 : i32
      %dma_wait3A_350 = arith.constant 0 : i32
      %dma_wait3A_351 = tpu.memref_slice %arg2[%dma_wait3A_349, %dma_wait3A_350] : memref<10240x128xf32, #tpu.memory_space<hbm>> -> memref<10240x128xf32, #tpu.memory_space<hbm>>
      tpu.wait_indirect_dma semaphore(%arg23 : memref<!tpu.dma_semaphore, #tpu.memory_space<semaphore_mem>>) src(%dma_wait3A_351 : memref<10240x128xf32, #tpu.memory_space<hbm>>) dst(%dma_wait3A_346 : memref<48x128xf32, #tpu.memory_space<vmem>>)
      %dma_wait3A_352 = arith.constant 48 : i32
      %dma_wait3A_353 = arith.constant 0 : i32
      %dma_wait3A_354 = tpu.memref_slice %arg15[%dma_wait3A_352, %dma_wait3A_353] : memref<96x128xf32, #tpu.memory_space<vmem>> -> memref<48x128xf32, #tpu.memory_space<vmem>>
      %dma_wait3A_355 = arith.constant 48 : i32
      %dma_wait3A_356 = tpu.memref_slice %arg10[%dma_wait3A_355] : memref<96xi32, #tpu.memory_space<vmem>> -> memref<48xi32, #tpu.memory_space<vmem>>
      %dma_wait3A_357 = arith.constant 0 : i32
      %dma_wait3A_358 = arith.constant 0 : i32
      %dma_wait3A_359 = tpu.memref_slice %arg3[%dma_wait3A_357, %dma_wait3A_358] : memref<10240x128xf32, #tpu.memory_space<hbm>> -> memref<10240x128xf32, #tpu.memory_space<hbm>>
      tpu.wait_indirect_dma semaphore(%arg23 : memref<!tpu.dma_semaphore, #tpu.memory_space<semaphore_mem>>) src(%dma_wait3A_359 : memref<10240x128xf32, #tpu.memory_space<hbm>>) dst(%dma_wait3A_354 : memref<48x128xf32, #tpu.memory_space<vmem>>)
      %get3A_360 = arith.constant 48 : index
      %get3A_361 = tpu.vector_load %arg10[%get3A_360] {strides = array<i32>} : memref<96xi32, #tpu.memory_space<vmem>>, vector<16xi32>,
      %get3A_362 = vector.shape_cast %get3A_361 : vector<16xi32> to vector<16xi32>
      %swap3A_363 = arith.constant 0 : index
      %swap3A_364 = tpu.vector_load %arg12[%swap3A_363] {strides = array<i32>} : memref<48xi32, #tpu.memory_space<vmem>>, vector<16xi32>,
      %swap3A_365 = vector.shape_cast %swap3A_364 : vector<16xi32> to vector<16xi32>
      %swap3A_366 = vector.shape_cast %get3A_362 : vector<16xi32> to vector<16xi32>
      tpu.vector_store %arg12[%swap3A_363], %swap3A_366 {strides = array<i32>} : memref<48xi32, #tpu.memory_space<vmem>>, vector<16xi32>,
      %swap3A_367 = arith.constant 48 : index
      %swap3A_368 = tpu.vector_load %arg13[%swap3A_367] {strides = array<i32>} : memref<112xi32, #tpu.memory_space<vmem>>, vector<16xi32>,
      %swap3A_369 = vector.shape_cast %swap3A_368 : vector<16xi32> to vector<16xi32>
      %swap3A_370 = vector.shape_cast %get3A_362 : vector<16xi32> to vector<16xi32>
      tpu.vector_store %arg13[%swap3A_367], %swap3A_370 {strides = array<i32>} : memref<112xi32, #tpu.memory_space<vmem>>, vector<16xi32>,
      %get3A_371 = arith.constant 64 : index
      %get3A_372 = tpu.vector_load %arg10[%get3A_371] {strides = array<i32>} : memref<96xi32, #tpu.memory_space<vmem>>, vector<16xi32>,
      %get3A_373 = vector.shape_cast %get3A_372 : vector<16xi32> to vector<16xi32>
      %swap3A_374 = arith.constant 16 : index
      %swap3A_375 = tpu.vector_load %arg12[%swap3A_374] {strides = array<i32>} : memref<48xi32, #tpu.memory_space<vmem>>, vector<16xi32>,
      %swap3A_376 = vector.shape_cast %swap3A_375 : vector<16xi32> to vector<16xi32>
      %swap3A_377 = vector.shape_cast %get3A_373 : vector<16xi32> to vector<16xi32>
      tpu.vector_store %arg12[%swap3A_374], %swap3A_377 {strides = array<i32>} : memref<48xi32, #tpu.memory_space<vmem>>, vector<16xi32>,
      %swap3A_378 = arith.constant 64 : index
      %swap3A_379 = tpu.vector_load %arg13[%swap3A_378] {strides = array<i32>} : memref<112xi32, #tpu.memory_space<vmem>>, vector<16xi32>,
      %swap3A_380 = vector.shape_cast %swap3A_379 : vector<16xi32> to vector<16xi32>
      %swap3A_381 = vector.shape_cast %get3A_373 : vector<16xi32> to vector<16xi32>
      tpu.vector_store %arg13[%swap3A_378], %swap3A_381 {strides = array<i32>} : memref<112xi32, #tpu.memory_space<vmem>>, vector<16xi32>,
      %get3A_382 = arith.constant 80 : index
      %get3A_383 = tpu.vector_load %arg10[%get3A_382] {strides = array<i32>} : memref<96xi32, #tpu.memory_space<vmem>>, vector<16xi32>,
      %get3A_384 = vector.shape_cast %get3A_383 : vector<16xi32> to vector<16xi32>
      %swap3A_385 = arith.constant 32 : index
      %swap3A_386 = tpu.vector_load %arg12[%swap3A_385] {strides = array<i32>} : memref<48xi32, #tpu.memory_space<vmem>>, vector<16xi32>,
      %swap3A_387 = vector.shape_cast %swap3A_386 : vector<16xi32> to vector<16xi32>
      %swap3A_388 = vector.shape_cast %get3A_384 : vector<16xi32> to vector<16xi32>
      tpu.vector_store %arg12[%swap3A_385], %swap3A_388 {strides = array<i32>} : memref<48xi32, #tpu.memory_space<vmem>>, vector<16xi32>,
      %swap3A_389 = arith.constant 80 : index
      %swap3A_390 = tpu.vector_load %arg13[%swap3A_389] {strides = array<i32>} : memref<112xi32, #tpu.memory_space<vmem>>, vector<16xi32>,
      %swap3A_391 = vector.shape_cast %swap3A_390 : vector<16xi32> to vector<16xi32>
      %swap3A_392 = vector.shape_cast %get3A_384 : vector<16xi32> to vector<16xi32>
      tpu.vector_store %arg13[%swap3A_389], %swap3A_392 {strides = array<i32>} : memref<112xi32, #tpu.memory_space<vmem>>, vector<16xi32>,
      %add3A_393 = arith.constant 2 : i32
      %add3A_394 = arith.addi %add3A_303, %add3A_393 : i32
      %mul3A_395 = arith.constant 10368 : i32
      %mul3A_396 = arith.muli %add3A, %mul3A_395 : i32
      %mul3A_397 = arith.constant 48 : i32
      %mul3A_398 = arith.muli %add3A_394, %mul3A_397 : i32
      %add3A_399 = arith.addi %mul3A_396, %mul3A_398 : i32
      %dma_start3A_400 = arith.constant 48 : i32
      %dma_start3A_401 = tpu.memref_slice %arg9[%dma_start3A_400] : memref<96xi32, #tpu.memory_space<vmem>> -> memref<48xi32, #tpu.memory_space<vmem>>
      %dma_start3A_402 = tpu.memref_slice %arg4[%add3A_399] : memref<335872xi32, #tpu.memory_space<hbm>> -> memref<48xi32, #tpu.memory_space<hbm>>
      %dma_start3A_403 = arith.constant 48 : i32
      %dma_start3A_404 = tpu.memref_slice %arg9[%dma_start3A_403] : memref<96xi32, #tpu.memory_space<vmem>> -> memref<48xi32, #tpu.memory_space<vmem>>
      %dma_start3A_405 = tpu.memref_slice %arg4[%add3A_399] : memref<335872xi32, #tpu.memory_space<hbm>> -> memref<48xi32, #tpu.memory_space<hbm>>
      tpu.enqueue_dma source(%dma_start3A_405 : memref<48xi32, #tpu.memory_space<hbm>>) target(%dma_start3A_404 : memref<48xi32, #tpu.memory_space<vmem>>) target_semaphore(%arg21 : memref<!tpu.dma_semaphore, #tpu.memory_space<semaphore_mem>>)
      %dma_start3A_406 = arith.constant 48 : i32
      %dma_start3A_407 = tpu.memref_slice %arg10[%dma_start3A_406] : memref<96xi32, #tpu.memory_space<vmem>> -> memref<48xi32, #tpu.memory_space<vmem>>
      %dma_start3A_408 = tpu.memref_slice %arg5[%add3A_399] : memref<335872xi32, #tpu.memory_space<hbm>> -> memref<48xi32, #tpu.memory_space<hbm>>
      %dma_start3A_409 = arith.constant 48 : i32
      %dma_start3A_410 = tpu.memref_slice %arg10[%dma_start3A_409] : memref<96xi32, #tpu.memory_space<vmem>> -> memref<48xi32, #tpu.memory_space<vmem>>
      %dma_start3A_411 = tpu.memref_slice %arg5[%add3A_399] : memref<335872xi32, #tpu.memory_space<hbm>> -> memref<48xi32, #tpu.memory_space<hbm>>
      tpu.enqueue_dma source(%dma_start3A_411 : memref<48xi32, #tpu.memory_space<hbm>>) target(%dma_start3A_410 : memref<48xi32, #tpu.memory_space<vmem>>) target_semaphore(%arg21 : memref<!tpu.dma_semaphore, #tpu.memory_space<semaphore_mem>>)
      %scan3A_412 = arith.constant 0 : i32
      %scan3A_413 = arith.constant 0 : i32
      %scan3A_414 = arith.constant 48 : i32
      %scan3A_415 = arith.addi %scan3A_413, %scan3A_414 : i32
      %scan3A_416 = arith.constant 1 : i32
      scf.for %scan3A_424 = %scan3A_413 to %scan3A_415 step %scan3A_416  : i32 {
        %add3A_425 = arith.constant 48 : i32
        %add3A_426 = arith.addi %add3A_425, %scan3A_424 : i32
        %broadcast_in_dim3A = arith.constant 0.000000e+00 : f32
        %broadcast_in_dim3A_427 = vector.broadcast %broadcast_in_dim3A : f32 to vector<16xf32>
        %get3A_428 = arith.index_cast %add3A_426 : i32 to index
        %get3A_429 = arith.constant 0 : index
        %get3A_430 = tpu.vector_load %arg14[%get3A_428, %get3A_429] {strides = array<i32>} : memref<96x128xf32, #tpu.memory_space<vmem>>, vector<1x16xf32>,
        %get3A_431 = vector.shape_cast %get3A_430 : vector<1x16xf32> to vector<16xf32>
        %get3A_432 = arith.index_cast %add3A_426 : i32 to index
        %get3A_433 = arith.constant 0 : index
        %get3A_434 = tpu.vector_load %arg15[%get3A_432, %get3A_433] {strides = array<i32>} : memref<96x128xf32, #tpu.memory_space<vmem>>, vector<1x16xf32>,
        %get3A_435 = vector.shape_cast %get3A_434 : vector<1x16xf32> to vector<16xf32>
        %add3A_436 = arith.addf %get3A_431, %get3A_435 : vector<16xf32>
        %mul3A_437 = arith.constant 2.000000e-01 : f32
        %mul3A_438 = vector.broadcast %mul3A_437 : f32 to vector<16xf32>
        %mul3A_439 = arith.mulf %mul3A_438, %add3A_436 : vector<16xf32>
        %max3A = arith.maximumf %add3A_436, %mul3A_439 : vector<16xf32>
        %mul3A_440 = arith.mulf %max3A, %get3A_2 : vector<16xf32>
        %add3A_441 = arith.addf %broadcast_in_dim3A_427, %mul3A_440 : vector<16xf32>
        %get3A_442 = arith.index_cast %add3A_426 : i32 to index
        %get3A_443 = arith.constant 16 : index
        %get3A_444 = tpu.vector_load %arg14[%get3A_442, %get3A_443] {strides = array<i32>} : memref<96x128xf32, #tpu.memory_space<vmem>>, vector<1x16xf32>,
        %get3A_445 = vector.shape_cast %get3A_444 : vector<1x16xf32> to vector<16xf32>
        %get3A_446 = arith.index_cast %add3A_426 : i32 to index
        %get3A_447 = arith.constant 16 : index
        %get3A_448 = tpu.vector_load %arg15[%get3A_446, %get3A_447] {strides = array<i32>} : memref<96x128xf32, #tpu.memory_space<vmem>>, vector<1x16xf32>,
        %get3A_449 = vector.shape_cast %get3A_448 : vector<1x16xf32> to vector<16xf32>
        %add3A_450 = arith.addf %get3A_445, %get3A_449 : vector<16xf32>
        %mul3A_451 = arith.constant 2.000000e-01 : f32
        %mul3A_452 = vector.broadcast %mul3A_451 : f32 to vector<16xf32>
        %mul3A_453 = arith.mulf %mul3A_452, %add3A_450 : vector<16xf32>
        %max3A_454 = arith.maximumf %add3A_450, %mul3A_453 : vector<16xf32>
        %mul3A_455 = arith.mulf %max3A_454, %get3A_5 : vector<16xf32>
        %add3A_456 = arith.addf %add3A_441, %mul3A_455 : vector<16xf32>
        %get3A_457 = arith.index_cast %add3A_426 : i32 to index
        %get3A_458 = arith.constant 32 : index
        %get3A_459 = tpu.vector_load %arg14[%get3A_457, %get3A_458] {strides = array<i32>} : memref<96x128xf32, #tpu.memory_space<vmem>>, vector<1x16xf32>,
        %get3A_460 = vector.shape_cast %get3A_459 : vector<1x16xf32> to vector<16xf32>
        %get3A_461 = arith.index_cast %add3A_426 : i32 to index
        %get3A_462 = arith.constant 32 : index
        %get3A_463 = tpu.vector_load %arg15[%get3A_461, %get3A_462] {strides = array<i32>} : memref<96x128xf32, #tpu.memory_space<vmem>>, vector<1x16xf32>,
        %get3A_464 = vector.shape_cast %get3A_463 : vector<1x16xf32> to vector<16xf32>
        %add3A_465 = arith.addf %get3A_460, %get3A_464 : vector<16xf32>
        %mul3A_466 = arith.constant 2.000000e-01 : f32
        %mul3A_467 = vector.broadcast %mul3A_466 : f32 to vector<16xf32>
        %mul3A_468 = arith.mulf %mul3A_467, %add3A_465 : vector<16xf32>
        %max3A_469 = arith.maximumf %add3A_465, %mul3A_468 : vector<16xf32>
        %mul3A_470 = arith.mulf %max3A_469, %get3A_8 : vector<16xf32>
        %add3A_471 = arith.addf %add3A_456, %mul3A_470 : vector<16xf32>
        %get3A_472 = arith.index_cast %add3A_426 : i32 to index
        %get3A_473 = arith.constant 48 : index
        %get3A_474 = tpu.vector_load %arg14[%get3A_472, %get3A_473] {strides = array<i32>} : memref<96x128xf32, #tpu.memory_space<vmem>>, vector<1x16xf32>,
        %get3A_475 = vector.shape_cast %get3A_474 : vector<1x16xf32> to vector<16xf32>
        %get3A_476 = arith.index_cast %add3A_426 : i32 to index
        %get3A_477 = arith.constant 48 : index
        %get3A_478 = tpu.vector_load %arg15[%get3A_476, %get3A_477] {strides = array<i32>} : memref<96x128xf32, #tpu.memory_space<vmem>>, vector<1x16xf32>,
        %get3A_479 = vector.shape_cast %get3A_478 : vector<1x16xf32> to vector<16xf32>
        %add3A_480 = arith.addf %get3A_475, %get3A_479 : vector<16xf32>
        %mul3A_481 = arith.constant 2.000000e-01 : f32
        %mul3A_482 = vector.broadcast %mul3A_481 : f32 to vector<16xf32>
        %mul3A_483 = arith.mulf %mul3A_482, %add3A_480 : vector<16xf32>
        %max3A_484 = arith.maximumf %add3A_480, %mul3A_483 : vector<16xf32>
        %mul3A_485 = arith.mulf %max3A_484, %get3A_11 : vector<16xf32>
        %add3A_486 = arith.addf %add3A_471, %mul3A_485 : vector<16xf32>
        %get3A_487 = arith.index_cast %add3A_426 : i32 to index
        %get3A_488 = arith.constant 64 : index
        %get3A_489 = tpu.vector_load %arg14[%get3A_487, %get3A_488] {strides = array<i32>} : memref<96x128xf32, #tpu.memory_space<vmem>>, vector<1x16xf32>,
        %get3A_490 = vector.shape_cast %get3A_489 : vector<1x16xf32> to vector<16xf32>
        %get3A_491 = arith.index_cast %add3A_426 : i32 to index
        %get3A_492 = arith.constant 64 : index
        %get3A_493 = tpu.vector_load %arg15[%get3A_491, %get3A_492] {strides = array<i32>} : memref<96x128xf32, #tpu.memory_space<vmem>>, vector<1x16xf32>,
        %get3A_494 = vector.shape_cast %get3A_493 : vector<1x16xf32> to vector<16xf32>
        %add3A_495 = arith.addf %get3A_490, %get3A_494 : vector<16xf32>
        %mul3A_496 = arith.constant 2.000000e-01 : f32
        %mul3A_497 = vector.broadcast %mul3A_496 : f32 to vector<16xf32>
        %mul3A_498 = arith.mulf %mul3A_497, %add3A_495 : vector<16xf32>
        %max3A_499 = arith.maximumf %add3A_495, %mul3A_498 : vector<16xf32>
        %mul3A_500 = arith.mulf %max3A_499, %get3A_14 : vector<16xf32>
        %add3A_501 = arith.addf %add3A_486, %mul3A_500 : vector<16xf32>
        %get3A_502 = arith.index_cast %add3A_426 : i32 to index
        %get3A_503 = arith.constant 80 : index
        %get3A_504 = tpu.vector_load %arg14[%get3A_502, %get3A_503] {strides = array<i32>} : memref<96x128xf32, #tpu.memory_space<vmem>>, vector<1x16xf32>,
        %get3A_505 = vector.shape_cast %get3A_504 : vector<1x16xf32> to vector<16xf32>
        %get3A_506 = arith.index_cast %add3A_426 : i32 to index
        %get3A_507 = arith.constant 80 : index
        %get3A_508 = tpu.vector_load %arg15[%get3A_506, %get3A_507] {strides = array<i32>} : memref<96x128xf32, #tpu.memory_space<vmem>>, vector<1x16xf32>,
        %get3A_509 = vector.shape_cast %get3A_508 : vector<1x16xf32> to vector<16xf32>
        %add3A_510 = arith.addf %get3A_505, %get3A_509 : vector<16xf32>
        %mul3A_511 = arith.constant 2.000000e-01 : f32
        %mul3A_512 = vector.broadcast %mul3A_511 : f32 to vector<16xf32>
        %mul3A_513 = arith.mulf %mul3A_512, %add3A_510 : vector<16xf32>
        %max3A_514 = arith.maximumf %add3A_510, %mul3A_513 : vector<16xf32>
        %mul3A_515 = arith.mulf %max3A_514, %get3A_17 : vector<16xf32>
        %add3A_516 = arith.addf %add3A_501, %mul3A_515 : vector<16xf32>
        %get3A_517 = arith.index_cast %add3A_426 : i32 to index
        %get3A_518 = arith.constant 96 : index
        %get3A_519 = tpu.vector_load %arg14[%get3A_517, %get3A_518] {strides = array<i32>} : memref<96x128xf32, #tpu.memory_space<vmem>>, vector<1x16xf32>,
        %get3A_520 = vector.shape_cast %get3A_519 : vector<1x16xf32> to vector<16xf32>
        %get3A_521 = arith.index_cast %add3A_426 : i32 to index
        %get3A_522 = arith.constant 96 : index
        %get3A_523 = tpu.vector_load %arg15[%get3A_521, %get3A_522] {strides = array<i32>} : memref<96x128xf32, #tpu.memory_space<vmem>>, vector<1x16xf32>,
        %get3A_524 = vector.shape_cast %get3A_523 : vector<1x16xf32> to vector<16xf32>
        %add3A_525 = arith.addf %get3A_520, %get3A_524 : vector<16xf32>
        %mul3A_526 = arith.constant 2.000000e-01 : f32
        %mul3A_527 = vector.broadcast %mul3A_526 : f32 to vector<16xf32>
        %mul3A_528 = arith.mulf %mul3A_527, %add3A_525 : vector<16xf32>
        %max3A_529 = arith.maximumf %add3A_525, %mul3A_528 : vector<16xf32>
        %mul3A_530 = arith.mulf %max3A_529, %get3A_20 : vector<16xf32>
        %add3A_531 = arith.addf %add3A_516, %mul3A_530 : vector<16xf32>
        %get3A_532 = arith.index_cast %add3A_426 : i32 to index
        %get3A_533 = arith.constant 112 : index
        %get3A_534 = tpu.vector_load %arg14[%get3A_532, %get3A_533] {strides = array<i32>} : memref<96x128xf32, #tpu.memory_space<vmem>>, vector<1x16xf32>,
        %get3A_535 = vector.shape_cast %get3A_534 : vector<1x16xf32> to vector<16xf32>
        %get3A_536 = arith.index_cast %add3A_426 : i32 to index
        %get3A_537 = arith.constant 112 : index
        %get3A_538 = tpu.vector_load %arg15[%get3A_536, %get3A_537] {strides = array<i32>} : memref<96x128xf32, #tpu.memory_space<vmem>>, vector<1x16xf32>,
        %get3A_539 = vector.shape_cast %get3A_538 : vector<1x16xf32> to vector<16xf32>
        %add3A_540 = arith.addf %get3A_535, %get3A_539 : vector<16xf32>
        %mul3A_541 = arith.constant 2.000000e-01 : f32
        %mul3A_542 = vector.broadcast %mul3A_541 : f32 to vector<16xf32>
        %mul3A_543 = arith.mulf %mul3A_542, %add3A_540 : vector<16xf32>
        %max3A_544 = arith.maximumf %add3A_540, %mul3A_543 : vector<16xf32>
        %mul3A_545 = arith.mulf %max3A_544, %get3A_23 : vector<16xf32>
        %add3A_546 = arith.addf %add3A_531, %mul3A_545 : vector<16xf32>
        %slice3A = vector.extract_strided_slice %add3A_546 {offsets = [0], sizes = [1], strides = [1]} : vector<16xf32> to vector<1xf32>
        %squeeze3A = vector.extract %slice3A[0] : f32 from vector<1xf32>
        %slice3A_547 = vector.extract_strided_slice %add3A_546 {offsets = [1], sizes = [1], strides = [1]} : vector<16xf32> to vector<1xf32>
        %squeeze3A_548 = vector.extract %slice3A_547[0] : f32 from vector<1xf32>
        %add3A_549 = arith.addf %squeeze3A, %squeeze3A_548 : f32
        %slice3A_550 = vector.extract_strided_slice %add3A_546 {offsets = [2], sizes = [1], strides = [1]} : vector<16xf32> to vector<1xf32>
        %squeeze3A_551 = vector.extract %slice3A_550[0] : f32 from vector<1xf32>
        %add3A_552 = arith.addf %add3A_549, %squeeze3A_551 : f32
        %slice3A_553 = vector.extract_strided_slice %add3A_546 {offsets = [3], sizes = [1], strides = [1]} : vector<16xf32> to vector<1xf32>
        %squeeze3A_554 = vector.extract %slice3A_553[0] : f32 from vector<1xf32>
        %add3A_555 = arith.addf %add3A_552, %squeeze3A_554 : f32
        %slice3A_556 = vector.extract_strided_slice %add3A_546 {offsets = [4], sizes = [1], strides = [1]} : vector<16xf32> to vector<1xf32>
        %squeeze3A_557 = vector.extract %slice3A_556[0] : f32 from vector<1xf32>
        %add3A_558 = arith.addf %add3A_555, %squeeze3A_557 : f32
        %slice3A_559 = vector.extract_strided_slice %add3A_546 {offsets = [5], sizes = [1], strides = [1]} : vector<16xf32> to vector<1xf32>
        %squeeze3A_560 = vector.extract %slice3A_559[0] : f32 from vector<1xf32>
        %add3A_561 = arith.addf %add3A_558, %squeeze3A_560 : f32
        %slice3A_562 = vector.extract_strided_slice %add3A_546 {offsets = [6], sizes = [1], strides = [1]} : vector<16xf32> to vector<1xf32>
        %squeeze3A_563 = vector.extract %slice3A_562[0] : f32 from vector<1xf32>
        %add3A_564 = arith.addf %add3A_561, %squeeze3A_563 : f32
        %slice3A_565 = vector.extract_strided_slice %add3A_546 {offsets = [7], sizes = [1], strides = [1]} : vector<16xf32> to vector<1xf32>
        %squeeze3A_566 = vector.extract %slice3A_565[0] : f32 from vector<1xf32>
        %add3A_567 = arith.addf %add3A_564, %squeeze3A_566 : f32
        %slice3A_568 = vector.extract_strided_slice %add3A_546 {offsets = [8], sizes = [1], strides = [1]} : vector<16xf32> to vector<1xf32>
        %squeeze3A_569 = vector.extract %slice3A_568[0] : f32 from vector<1xf32>
        %add3A_570 = arith.addf %add3A_567, %squeeze3A_569 : f32
        %slice3A_571 = vector.extract_strided_slice %add3A_546 {offsets = [9], sizes = [1], strides = [1]} : vector<16xf32> to vector<1xf32>
        %squeeze3A_572 = vector.extract %slice3A_571[0] : f32 from vector<1xf32>
        %add3A_573 = arith.addf %add3A_570, %squeeze3A_572 : f32
        %slice3A_574 = vector.extract_strided_slice %add3A_546 {offsets = [10], sizes = [1], strides = [1]} : vector<16xf32> to vector<1xf32>
        %squeeze3A_575 = vector.extract %slice3A_574[0] : f32 from vector<1xf32>
        %add3A_576 = arith.addf %add3A_573, %squeeze3A_575 : f32
        %slice3A_577 = vector.extract_strided_slice %add3A_546 {offsets = [11], sizes = [1], strides = [1]} : vector<16xf32> to vector<1xf32>
        %squeeze3A_578 = vector.extract %slice3A_577[0] : f32 from vector<1xf32>
        %add3A_579 = arith.addf %add3A_576, %squeeze3A_578 : f32
        %slice3A_580 = vector.extract_strided_slice %add3A_546 {offsets = [12], sizes = [1], strides = [1]} : vector<16xf32> to vector<1xf32>
        %squeeze3A_581 = vector.extract %slice3A_580[0] : f32 from vector<1xf32>
        %add3A_582 = arith.addf %add3A_579, %squeeze3A_581 : f32
        %slice3A_583 = vector.extract_strided_slice %add3A_546 {offsets = [13], sizes = [1], strides = [1]} : vector<16xf32> to vector<1xf32>
        %squeeze3A_584 = vector.extract %slice3A_583[0] : f32 from vector<1xf32>
        %add3A_585 = arith.addf %add3A_582, %squeeze3A_584 : f32
        %slice3A_586 = vector.extract_strided_slice %add3A_546 {offsets = [14], sizes = [1], strides = [1]} : vector<16xf32> to vector<1xf32>
        %squeeze3A_587 = vector.extract %slice3A_586[0] : f32 from vector<1xf32>
        %add3A_588 = arith.addf %add3A_585, %squeeze3A_587 : f32
        %slice3A_589 = vector.extract_strided_slice %add3A_546 {offsets = [15], sizes = [1], strides = [1]} : vector<16xf32> to vector<1xf32>
        %squeeze3A_590 = vector.extract %slice3A_589[0] : f32 from vector<1xf32>
        %add3A_591 = arith.addf %add3A_588, %squeeze3A_590 : f32
        %broadcast_in_dim3A_592 = vector.broadcast %add3A_591 : f32 to vector<16xf32>
        %exp3A = math.exp %broadcast_in_dim3A_592 : vector<16xf32>
        %mul3A_593 = arith.mulf %get3A_431, %exp3A : vector<16xf32>
        %swap3A_594 = arith.index_cast %add3A_426 : i32 to index
        %swap3A_595 = arith.constant 0 : index
        %swap3A_596 = tpu.vector_load %arg16[%swap3A_594, %swap3A_595] {strides = array<i32>} : memref<96x128xf32, #tpu.memory_space<vmem>>, vector<1x16xf32>,
        %swap3A_597 = vector.shape_cast %swap3A_596 : vector<1x16xf32> to vector<16xf32>
        %swap3A_598 = vector.shape_cast %mul3A_593 : vector<16xf32> to vector<1x16xf32>
        tpu.vector_store %arg16[%swap3A_594, %swap3A_595], %swap3A_598 {strides = array<i32>} : memref<96x128xf32, #tpu.memory_space<vmem>>, vector<1x16xf32>,
        %mul3A_599 = arith.mulf %get3A_445, %exp3A : vector<16xf32>
        %swap3A_600 = arith.index_cast %add3A_426 : i32 to index
        %swap3A_601 = arith.constant 16 : index
        %swap3A_602 = tpu.vector_load %arg16[%swap3A_600, %swap3A_601] {strides = array<i32>} : memref<96x128xf32, #tpu.memory_space<vmem>>, vector<1x16xf32>,
        %swap3A_603 = vector.shape_cast %swap3A_602 : vector<1x16xf32> to vector<16xf32>
        %swap3A_604 = vector.shape_cast %mul3A_599 : vector<16xf32> to vector<1x16xf32>
        tpu.vector_store %arg16[%swap3A_600, %swap3A_601], %swap3A_604 {strides = array<i32>} : memref<96x128xf32, #tpu.memory_space<vmem>>, vector<1x16xf32>,
        %mul3A_605 = arith.mulf %get3A_460, %exp3A : vector<16xf32>
        %swap3A_606 = arith.index_cast %add3A_426 : i32 to index
        %swap3A_607 = arith.constant 32 : index
        %swap3A_608 = tpu.vector_load %arg16[%swap3A_606, %swap3A_607] {strides = array<i32>} : memref<96x128xf32, #tpu.memory_space<vmem>>, vector<1x16xf32>,
        %swap3A_609 = vector.shape_cast %swap3A_608 : vector<1x16xf32> to vector<16xf32>
        %swap3A_610 = vector.shape_cast %mul3A_605 : vector<16xf32> to vector<1x16xf32>
        tpu.vector_store %arg16[%swap3A_606, %swap3A_607], %swap3A_610 {strides = array<i32>} : memref<96x128xf32, #tpu.memory_space<vmem>>, vector<1x16xf32>,
        %mul3A_611 = arith.mulf %get3A_475, %exp3A : vector<16xf32>
        %swap3A_612 = arith.index_cast %add3A_426 : i32 to index
        %swap3A_613 = arith.constant 48 : index
        %swap3A_614 = tpu.vector_load %arg16[%swap3A_612, %swap3A_613] {strides = array<i32>} : memref<96x128xf32, #tpu.memory_space<vmem>>, vector<1x16xf32>,
        %swap3A_615 = vector.shape_cast %swap3A_614 : vector<1x16xf32> to vector<16xf32>
        %swap3A_616 = vector.shape_cast %mul3A_611 : vector<16xf32> to vector<1x16xf32>
        tpu.vector_store %arg16[%swap3A_612, %swap3A_613], %swap3A_616 {strides = array<i32>} : memref<96x128xf32, #tpu.memory_space<vmem>>, vector<1x16xf32>,
        %mul3A_617 = arith.mulf %get3A_490, %exp3A : vector<16xf32>
        %swap3A_618 = arith.index_cast %add3A_426 : i32 to index
        %swap3A_619 = arith.constant 64 : index
        %swap3A_620 = tpu.vector_load %arg16[%swap3A_618, %swap3A_619] {strides = array<i32>} : memref<96x128xf32, #tpu.memory_space<vmem>>, vector<1x16xf32>,
        %swap3A_621 = vector.shape_cast %swap3A_620 : vector<1x16xf32> to vector<16xf32>
        %swap3A_622 = vector.shape_cast %mul3A_617 : vector<16xf32> to vector<1x16xf32>
        tpu.vector_store %arg16[%swap3A_618, %swap3A_619], %swap3A_622 {strides = array<i32>} : memref<96x128xf32, #tpu.memory_space<vmem>>, vector<1x16xf32>,
        %mul3A_623 = arith.mulf %get3A_505, %exp3A : vector<16xf32>
        %swap3A_624 = arith.index_cast %add3A_426 : i32 to index
        %swap3A_625 = arith.constant 80 : index
        %swap3A_626 = tpu.vector_load %arg16[%swap3A_624, %swap3A_625] {strides = array<i32>} : memref<96x128xf32, #tpu.memory_space<vmem>>, vector<1x16xf32>,
        %swap3A_627 = vector.shape_cast %swap3A_626 : vector<1x16xf32> to vector<16xf32>
        %swap3A_628 = vector.shape_cast %mul3A_623 : vector<16xf32> to vector<1x16xf32>
        tpu.vector_store %arg16[%swap3A_624, %swap3A_625], %swap3A_628 {strides = array<i32>} : memref<96x128xf32, #tpu.memory_space<vmem>>, vector<1x16xf32>,
        %mul3A_629 = arith.mulf %get3A_520, %exp3A : vector<16xf32>
        %swap3A_630 = arith.index_cast %add3A_426 : i32 to index
        %swap3A_631 = arith.constant 96 : index
        %swap3A_632 = tpu.vector_load %arg16[%swap3A_630, %swap3A_631] {strides = array<i32>} : memref<96x128xf32, #tpu.memory_space<vmem>>, vector<1x16xf32>,
        %swap3A_633 = vector.shape_cast %swap3A_632 : vector<1x16xf32> to vector<16xf32>
        %swap3A_634 = vector.shape_cast %mul3A_629 : vector<16xf32> to vector<1x16xf32>
        tpu.vector_store %arg16[%swap3A_630, %swap3A_631], %swap3A_634 {strides = array<i32>} : memref<96x128xf32, #tpu.memory_space<vmem>>, vector<1x16xf32>,
        %mul3A_635 = arith.mulf %get3A_535, %exp3A : vector<16xf32>
        %swap3A_636 = arith.index_cast %add3A_426 : i32 to index
        %swap3A_637 = arith.constant 112 : index
        %swap3A_638 = tpu.vector_load %arg16[%swap3A_636, %swap3A_637] {strides = array<i32>} : memref<96x128xf32, #tpu.memory_space<vmem>>, vector<1x16xf32>,
        %swap3A_639 = vector.shape_cast %swap3A_638 : vector<1x16xf32> to vector<16xf32>
        %swap3A_640 = vector.shape_cast %mul3A_635 : vector<16xf32> to vector<1x16xf32>
        tpu.vector_store %arg16[%swap3A_636, %swap3A_637], %swap3A_640 {strides = array<i32>} : memref<96x128xf32, #tpu.memory_space<vmem>>, vector<1x16xf32>,
        %get3A_641 = arith.index_cast %add3A_426 : i32 to index
        %get3A_642 = tpu.vector_load %arg13[%get3A_641] {strides = array<i32>} : memref<112xi32, #tpu.memory_space<vmem>>, vector<16xi32>,
        %get3A_643 = vector.shape_cast %get3A_642 : vector<16xi32> to vector<16xi32>
        %slice3A_644 = vector.extract_strided_slice %get3A_643 {offsets = [0], sizes = [1], strides = [1]} : vector<16xi32> to vector<1xi32>
        %squeeze3A_645 = vector.extract %slice3A_644[0] : i32 from vector<1xi32>
        %jit3A = arith.constant 16 : i32
        %div3A = arith.divsi %squeeze3A_645, %jit3A : i32
        %sign3A = arith.constant 0 : i32
        %sign3A_646 = arith.cmpi sgt, %squeeze3A_645, %sign3A : i32
        %sign3A_647 = arith.extui %sign3A_646 : i1 to i32
        %sign3A_648 = arith.constant 0 : i32
        %sign3A_649 = arith.cmpi slt, %squeeze3A_645, %sign3A_648 : i32
        %sign3A_650 = arith.extui %sign3A_649 : i1 to i32
        %sign3A_651 = arith.subi %sign3A_647, %sign3A_650 : i32
        %sign3A_652 = arith.constant 0 : i32
        %sign3A_653 = arith.cmpi sgt, %jit3A, %sign3A_652 : i32
        %sign3A_654 = arith.extui %sign3A_653 : i1 to i32
        %sign3A_655 = arith.constant 0 : i32
        %sign3A_656 = arith.cmpi slt, %jit3A, %sign3A_655 : i32
        %sign3A_657 = arith.extui %sign3A_656 : i1 to i32
        %sign3A_658 = arith.subi %sign3A_654, %sign3A_657 : i32
        %ne3A = arith.cmpi ne, %sign3A_651, %sign3A_658 : i32
        %rem3A = arith.remsi %squeeze3A_645, %jit3A : i32
        %ne3A_659 = arith.constant 0 : i32
        %ne3A_660 = arith.cmpi ne, %rem3A, %ne3A_659 : i32
        %and3A = arith.andi %ne3A, %ne3A_660 : i1
        %sub3A_661 = arith.constant 1 : i32
        %sub3A_662 = arith.subi %div3A, %sub3A_661 : i32
        %select_n3A = arith.select %and3A, %sub3A_662, %div3A : i32
        %mul3A_663 = arith.constant 16 : i32
        %mul3A_664 = arith.muli %select_n3A, %mul3A_663 : i32
        %sub3A_665 = arith.subi %squeeze3A_645, %mul3A_664 : i32
        %get3A_666 = arith.index_cast %mul3A_664 : i32 to index
        %get3A_667 = tpu.vector_load %arg17[%get3A_666] {strides = array<i32>} : memref<10112xf32, #tpu.memory_space<vmem>>, vector<16xf32>,
        %get3A_668 = vector.shape_cast %get3A_667 : vector<16xf32> to vector<16xf32>
        %eq3A = vector.broadcast %sub3A_665 : i32 to vector<16xi32>
        %eq3A_669 = arith.cmpi eq, %iota3A, %eq3A : vector<16xi32>
        %jit3A_670 = arith.constant 0.000000e+00 : f32
        %broadcast_in_dim3A_671 = vector.broadcast %jit3A_670 : f32 to vector<16xf32>
        %select_n3A_672 = arith.select %eq3A_669, %exp3A, %broadcast_in_dim3A_671 : vector<16xi1>, vector<16xf32>
        %add3A_673 = arith.addf %get3A_668, %select_n3A_672 : vector<16xf32>
        %swap3A_674 = arith.index_cast %mul3A_664 : i32 to index
        %swap3A_675 = tpu.vector_load %arg17[%swap3A_674] {strides = array<i32>} : memref<10112xf32, #tpu.memory_space<vmem>>, vector<16xf32>,
        %swap3A_676 = vector.shape_cast %swap3A_675 : vector<16xf32> to vector<16xf32>
        %swap3A_677 = vector.shape_cast %add3A_673 : vector<16xf32> to vector<16xf32>
        tpu.vector_store %arg17[%swap3A_674], %swap3A_677 {strides = array<i32>} : memref<10112xf32, #tpu.memory_space<vmem>>, vector<16xf32>,
      }
      %scan3A_417 = arith.constant 48 : i32
      %dma_start3A_418 = arith.constant 48 : i32
      %dma_start3A_419 = arith.constant 0 : i32
      %dma_start3A_420 = tpu.memref_slice %arg16[%dma_start3A_418, %dma_start3A_419] : memref<96x128xf32, #tpu.memory_space<vmem>> -> memref<48x128xf32, #tpu.memory_space<vmem>>
      %dma_start3A_421 = arith.constant 0 : i32
      %dma_start3A_422 = arith.constant 0 : i32
      %dma_start3A_423 = tpu.memref_slice %arg19[%dma_start3A_421, %dma_start3A_422] : memref<10112x128xf32, #tpu.memory_space<vmem_shared>> -> memref<10112x128xf32, #tpu.memory_space<vmem_shared>>
      tpu.enqueue_indirect_dma source(%dma_start3A_420 : memref<48x128xf32, #tpu.memory_space<vmem>>) target(%dma_start3A_423 : memref<10112x128xf32, #tpu.memory_space<vmem_shared>>) offsets(%arg12 : memref<48xi32, #tpu.memory_space<vmem>>) semaphore(%arg25 : memref<!tpu.dma_semaphore, #tpu.memory_space<semaphore_mem>>) {add = true}
    }
    %scan3A_131 = arith.constant 108 : i32
    %dma_wait3A_132 = arith.constant 0 : i32
    %dma_wait3A_133 = arith.constant 0 : i32
    %dma_wait3A_134 = tpu.memref_slice %arg16[%dma_wait3A_132, %dma_wait3A_133] : memref<96x128xf32, #tpu.memory_space<vmem>> -> memref<48x128xf32, #tpu.memory_space<vmem>>
    %dma_wait3A_135 = arith.constant 0 : i32
    %dma_wait3A_136 = arith.constant 0 : i32
    %dma_wait3A_137 = tpu.memref_slice %arg19[%dma_wait3A_135, %dma_wait3A_136] : memref<10112x128xf32, #tpu.memory_space<vmem_shared>> -> memref<10112x128xf32, #tpu.memory_space<vmem_shared>>
    tpu.wait_indirect_dma semaphore(%arg24 : memref<!tpu.dma_semaphore, #tpu.memory_space<semaphore_mem>>) src(%dma_wait3A_134 : memref<48x128xf32, #tpu.memory_space<vmem>>) dst(%dma_wait3A_137 : memref<10112x128xf32, #tpu.memory_space<vmem_shared>>)
    %dma_wait3A_138 = arith.constant 48 : i32
    %dma_wait3A_139 = arith.constant 0 : i32
    %dma_wait3A_140 = tpu.memref_slice %arg16[%dma_wait3A_138, %dma_wait3A_139] : memref<96x128xf32, #tpu.memory_space<vmem>> -> memref<48x128xf32, #tpu.memory_space<vmem>>
    %dma_wait3A_141 = arith.constant 0 : i32
    %dma_wait3A_142 = arith.constant 0 : i32
    %dma_wait3A_143 = tpu.memref_slice %arg19[%dma_wait3A_141, %dma_wait3A_142] : memref<10112x128xf32, #tpu.memory_space<vmem_shared>> -> memref<10112x128xf32, #tpu.memory_space<vmem_shared>>
    tpu.wait_indirect_dma semaphore(%arg25 : memref<!tpu.dma_semaphore, #tpu.memory_space<semaphore_mem>>) src(%dma_wait3A_140 : memref<48x128xf32, #tpu.memory_space<vmem>>) dst(%dma_wait3A_143 : memref<10112x128xf32, #tpu.memory_space<vmem_shared>>)
    %dma_wait3A_144 = arith.constant 0 : i32
    %dma_wait3A_145 = arith.constant 0 : i32
    %dma_wait3A_146 = tpu.memref_slice %arg14[%dma_wait3A_144, %dma_wait3A_145] : memref<96x128xf32, #tpu.memory_space<vmem>> -> memref<48x128xf32, #tpu.memory_space<vmem>>
    %dma_wait3A_147 = arith.constant 0 : i32
    %dma_wait3A_148 = tpu.memref_slice %arg9[%dma_wait3A_147] : memref<96xi32, #tpu.memory_space<vmem>> -> memref<48xi32, #tpu.memory_space<vmem>>
    %dma_wait3A_149 = arith.constant 0 : i32
    %dma_wait3A_150 = arith.constant 0 : i32
    %dma_wait3A_151 = tpu.memref_slice %arg2[%dma_wait3A_149, %dma_wait3A_150] : memref<10240x128xf32, #tpu.memory_space<hbm>> -> memref<10240x128xf32, #tpu.memory_space<hbm>>
    tpu.wait_indirect_dma semaphore(%arg22 : memref<!tpu.dma_semaphore, #tpu.memory_space<semaphore_mem>>) src(%dma_wait3A_151 : memref<10240x128xf32, #tpu.memory_space<hbm>>) dst(%dma_wait3A_146 : memref<48x128xf32, #tpu.memory_space<vmem>>)
    %dma_wait3A_152 = arith.constant 0 : i32
    %dma_wait3A_153 = arith.constant 0 : i32
    %dma_wait3A_154 = tpu.memref_slice %arg15[%dma_wait3A_152, %dma_wait3A_153] : memref<96x128xf32, #tpu.memory_space<vmem>> -> memref<48x128xf32, #tpu.memory_space<vmem>>
    %dma_wait3A_155 = arith.constant 0 : i32
    %dma_wait3A_156 = tpu.memref_slice %arg10[%dma_wait3A_155] : memref<96xi32, #tpu.memory_space<vmem>> -> memref<48xi32, #tpu.memory_space<vmem>>
    %dma_wait3A_157 = arith.constant 0 : i32
    %dma_wait3A_158 = arith.constant 0 : i32
    %dma_wait3A_159 = tpu.memref_slice %arg3[%dma_wait3A_157, %dma_wait3A_158] : memref<10240x128xf32, #tpu.memory_space<hbm>> -> memref<10240x128xf32, #tpu.memory_space<hbm>>
    tpu.wait_indirect_dma semaphore(%arg22 : memref<!tpu.dma_semaphore, #tpu.memory_space<semaphore_mem>>) src(%dma_wait3A_159 : memref<10240x128xf32, #tpu.memory_space<hbm>>) dst(%dma_wait3A_154 : memref<48x128xf32, #tpu.memory_space<vmem>>)
    %mul3A_160 = arith.constant 10368 : i32
    %mul3A_161 = arith.muli %add3A, %mul3A_160 : i32
    %add3A_162 = arith.constant 10416 : i32
    %add3A_163 = arith.addi %mul3A_161, %add3A_162 : i32
    %dma_wait3A_164 = arith.constant 48 : i32
    %dma_wait3A_165 = tpu.memref_slice %arg9[%dma_wait3A_164] : memref<96xi32, #tpu.memory_space<vmem>> -> memref<48xi32, #tpu.memory_space<vmem>>
    %dma_wait3A_166 = tpu.memref_slice %arg4[%add3A_163] : memref<335872xi32, #tpu.memory_space<hbm>> -> memref<48xi32, #tpu.memory_space<hbm>>
    %dma_wait3A_167 = arith.constant 48 : i32
    %dma_wait3A_168 = tpu.memref_slice %arg9[%dma_wait3A_167] : memref<96xi32, #tpu.memory_space<vmem>> -> memref<48xi32, #tpu.memory_space<vmem>>
    %dma_wait3A_169 = tpu.memref_slice %arg4[%add3A_163] : memref<335872xi32, #tpu.memory_space<hbm>> -> memref<48xi32, #tpu.memory_space<hbm>>
    tpu.wait_dma2 semaphore(%arg21 : memref<!tpu.dma_semaphore, #tpu.memory_space<semaphore_mem>>) src(%dma_wait3A_169 : memref<48xi32, #tpu.memory_space<hbm>>) dst(%dma_wait3A_168 : memref<48xi32, #tpu.memory_space<vmem>>)
    %dma_wait3A_170 = arith.constant 48 : i32
    %dma_wait3A_171 = tpu.memref_slice %arg10[%dma_wait3A_170] : memref<96xi32, #tpu.memory_space<vmem>> -> memref<48xi32, #tpu.memory_space<vmem>>
    %dma_wait3A_172 = tpu.memref_slice %arg5[%add3A_163] : memref<335872xi32, #tpu.memory_space<hbm>> -> memref<48xi32, #tpu.memory_space<hbm>>
    %dma_wait3A_173 = arith.constant 48 : i32
    %dma_wait3A_174 = tpu.memref_slice %arg10[%dma_wait3A_173] : memref<96xi32, #tpu.memory_space<vmem>> -> memref<48xi32, #tpu.memory_space<vmem>>
    %dma_wait3A_175 = tpu.memref_slice %arg5[%add3A_163] : memref<335872xi32, #tpu.memory_space<hbm>> -> memref<48xi32, #tpu.memory_space<hbm>>
    tpu.wait_dma2 semaphore(%arg21 : memref<!tpu.dma_semaphore, #tpu.memory_space<semaphore_mem>>) src(%dma_wait3A_175 : memref<48xi32, #tpu.memory_space<hbm>>) dst(%dma_wait3A_174 : memref<48xi32, #tpu.memory_space<vmem>>)
    "tpu.region"() ({
      %run_scoped3A = tpu.sem_alloc : memref<!tpu.dma_semaphore, #tpu.memory_space<semaphore_mem>>
      %dma_start3A_179 = arith.constant 0 : i32
      %dma_start3A_180 = tpu.memref_slice %arg8[%add3A, %dma_start3A_179] : memref<32x10240xf32, #tpu.memory_space<hbm>> -> memref<1x10112xf32, #tpu.memory_space<hbm>>
      %dma_start3A_181 = tpu.memref_squeeze %dma_start3A_180 : memref<1x10112xf32, #tpu.memory_space<hbm>> -> memref<10112xf32, #tpu.memory_space<hbm>>
      %dma_start3A_182 = arith.constant 0 : i32
      %dma_start3A_183 = tpu.memref_slice %arg8[%add3A, %dma_start3A_182] : memref<32x10240xf32, #tpu.memory_space<hbm>> -> memref<1x10112xf32, #tpu.memory_space<hbm>>
      %dma_start3A_184 = tpu.memref_squeeze %dma_start3A_183 : memref<1x10112xf32, #tpu.memory_space<hbm>> -> memref<10112xf32, #tpu.memory_space<hbm>>
      tpu.enqueue_dma source(%arg17 : memref<10112xf32, #tpu.memory_space<vmem>>) target(%dma_start3A_184 : memref<10112xf32, #tpu.memory_space<hbm>>) target_semaphore(%run_scoped3A : memref<!tpu.dma_semaphore, #tpu.memory_space<semaphore_mem>>)
      %dma_wait3A_185 = arith.constant 0 : i32
      %dma_wait3A_186 = tpu.memref_slice %arg8[%add3A, %dma_wait3A_185] : memref<32x10240xf32, #tpu.memory_space<hbm>> -> memref<1x10112xf32, #tpu.memory_space<hbm>>
      %dma_wait3A_187 = tpu.memref_squeeze %dma_wait3A_186 : memref<1x10112xf32, #tpu.memory_space<hbm>> -> memref<10112xf32, #tpu.memory_space<hbm>>
      %dma_wait3A_188 = arith.constant 0 : i32
      %dma_wait3A_189 = tpu.memref_slice %arg8[%add3A, %dma_wait3A_188] : memref<32x10240xf32, #tpu.memory_space<hbm>> -> memref<1x10112xf32, #tpu.memory_space<hbm>>
      %dma_wait3A_190 = tpu.memref_squeeze %dma_wait3A_189 : memref<1x10112xf32, #tpu.memory_space<hbm>> -> memref<10112xf32, #tpu.memory_space<hbm>>
      tpu.wait_dma2 semaphore(%run_scoped3A : memref<!tpu.dma_semaphore, #tpu.memory_space<semaphore_mem>>) src(%arg17 : memref<10112xf32, #tpu.memory_space<vmem>>) dst(%dma_wait3A_190 : memref<10112xf32, #tpu.memory_space<hbm>>)
      tpu.yield
    }) : () -> ()
    %barrier3A_176 = arith.constant 0 : index
    tpu.barrier barrier_id(%barrier3A_176)
    %mul3A_177 = arith.constant 632 : i32
    %mul3A_178 = arith.muli %arg1, %mul3A_177 : i32
    "tpu.region"() ({
      %run_scoped3A = tpu.sem_alloc : memref<!tpu.dma_semaphore, #tpu.memory_space<semaphore_mem>>
      %dma_start3A_179 = arith.constant 0 : i32
      %dma_start3A_180 = tpu.memref_slice %arg7[%arg0, %mul3A_178, %dma_start3A_179] : memref<2x10240x128xf32, #tpu.memory_space<hbm>> -> memref<1x632x128xf32, #tpu.memory_space<hbm>>
      %dma_start3A_181 = tpu.memref_squeeze %dma_start3A_180 : memref<1x632x128xf32, #tpu.memory_space<hbm>> -> memref<632x128xf32, #tpu.memory_space<hbm>>
      %dma_start3A_182 = arith.constant 0 : i32
      %dma_start3A_183 = tpu.memref_slice %arg19[%mul3A_178, %dma_start3A_182] : memref<10112x128xf32, #tpu.memory_space<vmem_shared>> -> memref<632x128xf32, #tpu.memory_space<vmem_shared>>
      tpu.enqueue_dma source(%dma_start3A_183 : memref<632x128xf32, #tpu.memory_space<vmem_shared>>) target(%dma_start3A_181 : memref<632x128xf32, #tpu.memory_space<hbm>>) target_semaphore(%run_scoped3A : memref<!tpu.dma_semaphore, #tpu.memory_space<semaphore_mem>>)
      %dma_wait3A_184 = arith.constant 0 : i32
      %dma_wait3A_185 = tpu.memref_slice %arg7[%arg0, %mul3A_178, %dma_wait3A_184] : memref<2x10240x128xf32, #tpu.memory_space<hbm>> -> memref<1x632x128xf32, #tpu.memory_space<hbm>>
      %dma_wait3A_186 = tpu.memref_squeeze %dma_wait3A_185 : memref<1x632x128xf32, #tpu.memory_space<hbm>> -> memref<632x128xf32, #tpu.memory_space<hbm>>
      %dma_wait3A_187 = arith.constant 0 : i32
      %dma_wait3A_188 = tpu.memref_slice %arg19[%mul3A_178, %dma_wait3A_187] : memref<10112x128xf32, #tpu.memory_space<vmem_shared>> -> memref<632x128xf32, #tpu.memory_space<vmem_shared>>
      tpu.wait_dma2 semaphore(%run_scoped3A : memref<!tpu.dma_semaphore, #tpu.memory_space<semaphore_mem>>) src(%dma_wait3A_188 : memref<632x128xf32, #tpu.memory_space<vmem_shared>>) dst(%dma_wait3A_186 : memref<632x128xf32, #tpu.memory_space<hbm>>)
      tpu.yield
    }) : () -> ()
    return
  }
}

#map = affine_map<(d0, d1) -> (0, 0)>
#map1 = affine_map<(d0, d1) -> (0)>
#map2 = affine_map<(d0, d1) -> (0, 0, 0)>
module attributes {stable_mosaic.version = 14 : i64} {
  func.func @body(%arg0: i32, %arg1: i32, %arg2: memref<10240x128xf32, #tpu.memory_space<hbm>>, %arg3: memref<10240x128xf32, #tpu.memory_space<hbm>>, %arg4: memref<335872xi32, #tpu.memory_space<hbm>>, %arg5: memref<335872xi32, #tpu.memory_space<hbm>>, %arg6: memref<128xf32, #tpu.memory_space<hbm>>, %arg7: memref<2x10240x128xf32, #tpu.memory_space<hbm>>, %arg8: memref<32x10240xf32, #tpu.memory_space<hbm>>, %arg9: memref<96xi32, #tpu.memory_space<vmem>>, %arg10: memref<96xi32, #tpu.memory_space<vmem>>, %arg11: memref<48xi32, #tpu.memory_space<vmem>>, %arg12: memref<48xi32, #tpu.memory_space<vmem>>, %arg13: memref<112xi32, #tpu.memory_space<vmem>>, %arg14: memref<96x128xf32, #tpu.memory_space<vmem>>, %arg15: memref<96x128xf32, #tpu.memory_space<vmem>>, %arg16: memref<96x128xf32, #tpu.memory_space<vmem>>, %arg17: memref<10112xf32, #tpu.memory_space<vmem>>, %arg18: memref<128xf32, #tpu.memory_space<vmem>>, %arg19: memref<10112x128xf32, #tpu.memory_space<vmem_shared>>, %arg20: memref<!tpu.dma_semaphore, #tpu.memory_space<semaphore_mem>>, %arg21: memref<!tpu.dma_semaphore, #tpu.memory_space<semaphore_mem>>, %arg22: memref<!tpu.dma_semaphore, #tpu.memory_space<semaphore_mem>>, %arg23: memref<!tpu.dma_semaphore, #tpu.memory_space<semaphore_mem>>, %arg24: memref<!tpu.dma_semaphore, #tpu.memory_space<semaphore_mem>>, %arg25: memref<!tpu.dma_semaphore, #tpu.memory_space<semaphore_mem>>) attributes {dimension_semantics = [#tpu.dimension_semantics<core_parallel>, #tpu.dimension_semantics<subcore_parallel>], iteration_bounds = array<i64: 2, 16>, scalar_prefetch = 0 : i64, scratch_operands = 17 : i64, tpu.core_type = #tpu.core_type<sc_vector_subcore>, window_params = [{transform_indices = #map}, {transform_indices = #map}, {transform_indices = #map1}, {transform_indices = #map1}, {transform_indices = #map1}, {transform_indices = #map2}, {transform_indices = #map}]} {
    %mul3A = arith.constant 16 : i32
    %mul3A_0 = arith.muli %arg0, %mul3A : i32
    %add3A = arith.addi %mul3A_0, %arg1 : i32
    %iota3A = tpu.iota {dimensions = array<i32: 0>} : vector<16xi32>
    "tpu.region"() ({
      %run_scoped3A = tpu.sem_alloc : memref<!tpu.dma_semaphore, #tpu.memory_space<semaphore_mem>>
      tpu.enqueue_dma source(%arg6 : memref<128xf32, #tpu.memory_space<hbm>>) target(%arg18 : memref<128xf32, #tpu.memory_space<vmem>>) target_semaphore(%run_scoped3A : memref<!tpu.dma_semaphore, #tpu.memory_space<semaphore_mem>>)
      tpu.wait_dma2 semaphore(%run_scoped3A : memref<!tpu.dma_semaphore, #tpu.memory_space<semaphore_mem>>) src(%arg6 : memref<128xf32, #tpu.memory_space<hbm>>) dst(%arg18 : memref<128xf32, #tpu.memory_space<vmem>>)
      tpu.yield
    }) : () -> ()
    %get3A = arith.constant 0 : index
    %get3A_1 = tpu.vector_load %arg18[%get3A] {strides = array<i32>} : memref<128xf32, #tpu.memory_space<vmem>>, vector<16xf32>,
    %get3A_2 = vector.shape_cast %get3A_1 : vector<16xf32> to vector<16xf32>
    %get3A_3 = arith.constant 16 : index
    %get3A_4 = tpu.vector_load %arg18[%get3A_3] {strides = array<i32>} : memref<128xf32, #tpu.memory_space<vmem>>, vector<16xf32>,
    %get3A_5 = vector.shape_cast %get3A_4 : vector<16xf32> to vector<16xf32>
    %get3A_6 = arith.constant 32 : index
    %get3A_7 = tpu.vector_load %arg18[%get3A_6] {strides = array<i32>} : memref<128xf32, #tpu.memory_space<vmem>>, vector<16xf32>,
    %get3A_8 = vector.shape_cast %get3A_7 : vector<16xf32> to vector<16xf32>
    %get3A_9 = arith.constant 48 : index
    %get3A_10 = tpu.vector_load %arg18[%get3A_9] {strides = array<i32>} : memref<128xf32, #tpu.memory_space<vmem>>, vector<16xf32>,
    %get3A_11 = vector.shape_cast %get3A_10 : vector<16xf32> to vector<16xf32>
    %get3A_12 = arith.constant 64 : index
    %get3A_13 = tpu.vector_load %arg18[%get3A_12] {strides = array<i32>} : memref<128xf32, #tpu.memory_space<vmem>>, vector<16xf32>,
    %get3A_14 = vector.shape_cast %get3A_13 : vector<16xf32> to vector<16xf32>
    %get3A_15 = arith.constant 80 : index
    %get3A_16 = tpu.vector_load %arg18[%get3A_15] {strides = array<i32>} : memref<128xf32, #tpu.memory_space<vmem>>, vector<16xf32>,
    %get3A_17 = vector.shape_cast %get3A_16 : vector<16xf32> to vector<16xf32>
    %get3A_18 = arith.constant 96 : index
    %get3A_19 = tpu.vector_load %arg18[%get3A_18] {strides = array<i32>} : memref<128xf32, #tpu.memory_space<vmem>>, vector<16xf32>,
    %get3A_20 = vector.shape_cast %get3A_19 : vector<16xf32> to vector<16xf32>
    %get3A_21 = arith.constant 112 : index
    %get3A_22 = tpu.vector_load %arg18[%get3A_21] {strides = array<i32>} : memref<128xf32, #tpu.memory_space<vmem>>, vector<16xf32>,
    %get3A_23 = vector.shape_cast %get3A_22 : vector<16xf32> to vector<16xf32>
    %scan3A = arith.constant 0 : i32
    %scan3A_24 = arith.constant 0 : i32
    %scan3A_25 = arith.constant 96 : i32
    %scan3A_26 = arith.addi %scan3A_24, %scan3A_25 : i32
    %scan3A_27 = arith.constant 1 : i32
    scf.for %scan3A_179 = %scan3A_24 to %scan3A_26 step %scan3A_27  : i32 {
      %broadcast_in_dim3A = arith.constant 0.000000e+00 : f32
      %broadcast_in_dim3A_180 = vector.broadcast %broadcast_in_dim3A : f32 to vector<16xf32>
      %swap3A = arith.index_cast %scan3A_179 : i32 to index
      %swap3A_181 = arith.constant 0 : index
      %swap3A_182 = tpu.vector_load %arg16[%swap3A, %swap3A_181] {strides = array<i32>} : memref<96x128xf32, #tpu.memory_space<vmem>>, vector<1x16xf32>,
      %swap3A_183 = vector.shape_cast %swap3A_182 : vector<1x16xf32> to vector<16xf32>
      %swap3A_184 = vector.shape_cast %broadcast_in_dim3A_180 : vector<16xf32> to vector<1x16xf32>
      tpu.vector_store %arg16[%swap3A, %swap3A_181], %swap3A_184 {strides = array<i32>} : memref<96x128xf32, #tpu.memory_space<vmem>>, vector<1x16xf32>,
      %swap3A_185 = arith.index_cast %scan3A_179 : i32 to index
      %swap3A_186 = arith.constant 16 : index
      %swap3A_187 = tpu.vector_load %arg16[%swap3A_185, %swap3A_186] {strides = array<i32>} : memref<96x128xf32, #tpu.memory_space<vmem>>, vector<1x16xf32>,
      %swap3A_188 = vector.shape_cast %swap3A_187 : vector<1x16xf32> to vector<16xf32>
      %swap3A_189 = vector.shape_cast %broadcast_in_dim3A_180 : vector<16xf32> to vector<1x16xf32>
      tpu.vector_store %arg16[%swap3A_185, %swap3A_186], %swap3A_189 {strides = array<i32>} : memref<96x128xf32, #tpu.memory_space<vmem>>, vector<1x16xf32>,
      %swap3A_190 = arith.index_cast %scan3A_179 : i32 to index
      %swap3A_191 = arith.constant 32 : index
      %swap3A_192 = tpu.vector_load %arg16[%swap3A_190, %swap3A_191] {strides = array<i32>} : memref<96x128xf32, #tpu.memory_space<vmem>>, vector<1x16xf32>,
      %swap3A_193 = vector.shape_cast %swap3A_192 : vector<1x16xf32> to vector<16xf32>
      %swap3A_194 = vector.shape_cast %broadcast_in_dim3A_180 : vector<16xf32> to vector<1x16xf32>
      tpu.vector_store %arg16[%swap3A_190, %swap3A_191], %swap3A_194 {strides = array<i32>} : memref<96x128xf32, #tpu.memory_space<vmem>>, vector<1x16xf32>,
      %swap3A_195 = arith.index_cast %scan3A_179 : i32 to index
      %swap3A_196 = arith.constant 48 : index
      %swap3A_197 = tpu.vector_load %arg16[%swap3A_195, %swap3A_196] {strides = array<i32>} : memref<96x128xf32, #tpu.memory_space<vmem>>, vector<1x16xf32>,
      %swap3A_198 = vector.shape_cast %swap3A_197 : vector<1x16xf32> to vector<16xf32>
      %swap3A_199 = vector.shape_cast %broadcast_in_dim3A_180 : vector<16xf32> to vector<1x16xf32>
      tpu.vector_store %arg16[%swap3A_195, %swap3A_196], %swap3A_199 {strides = array<i32>} : memref<96x128xf32, #tpu.memory_space<vmem>>, vector<1x16xf32>,
      %swap3A_200 = arith.index_cast %scan3A_179 : i32 to index
      %swap3A_201 = arith.constant 64 : index
      %swap3A_202 = tpu.vector_load %arg16[%swap3A_200, %swap3A_201] {strides = array<i32>} : memref<96x128xf32, #tpu.memory_space<vmem>>, vector<1x16xf32>,
      %swap3A_203 = vector.shape_cast %swap3A_202 : vector<1x16xf32> to vector<16xf32>
      %swap3A_204 = vector.shape_cast %broadcast_in_dim3A_180 : vector<16xf32> to vector<1x16xf32>
      tpu.vector_store %arg16[%swap3A_200, %swap3A_201], %swap3A_204 {strides = array<i32>} : memref<96x128xf32, #tpu.memory_space<vmem>>, vector<1x16xf32>,
      %swap3A_205 = arith.index_cast %scan3A_179 : i32 to index
      %swap3A_206 = arith.constant 80 : index
      %swap3A_207 = tpu.vector_load %arg16[%swap3A_205, %swap3A_206] {strides = array<i32>} : memref<96x128xf32, #tpu.memory_space<vmem>>, vector<1x16xf32>,
      %swap3A_208 = vector.shape_cast %swap3A_207 : vector<1x16xf32> to vector<16xf32>
      %swap3A_209 = vector.shape_cast %broadcast_in_dim3A_180 : vector<16xf32> to vector<1x16xf32>
      tpu.vector_store %arg16[%swap3A_205, %swap3A_206], %swap3A_209 {strides = array<i32>} : memref<96x128xf32, #tpu.memory_space<vmem>>, vector<1x16xf32>,
      %swap3A_210 = arith.index_cast %scan3A_179 : i32 to index
      %swap3A_211 = arith.constant 96 : index
      %swap3A_212 = tpu.vector_load %arg16[%swap3A_210, %swap3A_211] {strides = array<i32>} : memref<96x128xf32, #tpu.memory_space<vmem>>, vector<1x16xf32>,
      %swap3A_213 = vector.shape_cast %swap3A_212 : vector<1x16xf32> to vector<16xf32>
      %swap3A_214 = vector.shape_cast %broadcast_in_dim3A_180 : vector<16xf32> to vector<1x16xf32>
      tpu.vector_store %arg16[%swap3A_210, %swap3A_211], %swap3A_214 {strides = array<i32>} : memref<96x128xf32, #tpu.memory_space<vmem>>, vector<1x16xf32>,
      %swap3A_215 = arith.index_cast %scan3A_179 : i32 to index
      %swap3A_216 = arith.constant 112 : index
      %swap3A_217 = tpu.vector_load %arg16[%swap3A_215, %swap3A_216] {strides = array<i32>} : memref<96x128xf32, #tpu.memory_space<vmem>>, vector<1x16xf32>,
      %swap3A_218 = vector.shape_cast %swap3A_217 : vector<1x16xf32> to vector<16xf32>
      %swap3A_219 = vector.shape_cast %broadcast_in_dim3A_180 : vector<16xf32> to vector<1x16xf32>
      tpu.vector_store %arg16[%swap3A_215, %swap3A_216], %swap3A_219 {strides = array<i32>} : memref<96x128xf32, #tpu.memory_space<vmem>>, vector<1x16xf32>,
    }
    %scan3A_28 = arith.constant 96 : i32
    %scan3A_29 = arith.constant 0 : i32
    %scan3A_30 = arith.constant 0 : i32
    %scan3A_31 = arith.constant 632 : i32
    %scan3A_32 = arith.addi %scan3A_30, %scan3A_31 : i32
    %scan3A_33 = arith.constant 1 : i32
    scf.for %scan3A_179 = %scan3A_30 to %scan3A_32 step %scan3A_33  : i32 {
      %broadcast_in_dim3A = arith.constant 0.000000e+00 : f32
      %broadcast_in_dim3A_180 = vector.broadcast %broadcast_in_dim3A : f32 to vector<16xf32>
      %mul3A_181 = arith.constant 16 : i32
      %mul3A_182 = arith.muli %scan3A_179, %mul3A_181 : i32
      %swap3A = arith.index_cast %mul3A_182 : i32 to index
      %swap3A_183 = tpu.vector_load %arg17[%swap3A] {strides = array<i32>} : memref<10112xf32, #tpu.memory_space<vmem>>, vector<16xf32>,
      %swap3A_184 = vector.shape_cast %swap3A_183 : vector<16xf32> to vector<16xf32>
      %swap3A_185 = vector.shape_cast %broadcast_in_dim3A_180 : vector<16xf32> to vector<16xf32>
      tpu.vector_store %arg17[%swap3A], %swap3A_185 {strides = array<i32>} : memref<10112xf32, #tpu.memory_space<vmem>>, vector<16xf32>,
    }
    %scan3A_34 = arith.constant 632 : i32
    %mul3A_35 = arith.constant 632 : i32
    %mul3A_36 = arith.muli %arg1, %mul3A_35 : i32
    %add3A_37 = arith.constant 0 : i32
    %add3A_38 = arith.addi %mul3A_36, %add3A_37 : i32
    "tpu.region"() ({
      %run_scoped3A = tpu.sem_alloc : memref<!tpu.dma_semaphore, #tpu.memory_space<semaphore_mem>>
      %dma_start3A_179 = arith.constant 0 : i32
      %dma_start3A_180 = tpu.memref_slice %arg19[%add3A_38, %dma_start3A_179] : memref<10112x128xf32, #tpu.memory_space<vmem_shared>> -> memref<96x128xf32, #tpu.memory_space<vmem_shared>>
      %dma_start3A_181 = arith.constant 0 : i32
      %dma_start3A_182 = tpu.memref_slice %arg19[%add3A_38, %dma_start3A_181] : memref<10112x128xf32, #tpu.memory_space<vmem_shared>> -> memref<96x128xf32, #tpu.memory_space<vmem_shared>>
      tpu.enqueue_dma source(%arg16 : memref<96x128xf32, #tpu.memory_space<vmem>>) target(%dma_start3A_182 : memref<96x128xf32, #tpu.memory_space<vmem_shared>>) target_semaphore(%run_scoped3A : memref<!tpu.dma_semaphore, #tpu.memory_space<semaphore_mem>>)
      %dma_wait3A_183 = arith.constant 0 : i32
      %dma_wait3A_184 = tpu.memref_slice %arg19[%add3A_38, %dma_wait3A_183] : memref<10112x128xf32, #tpu.memory_space<vmem_shared>> -> memref<96x128xf32, #tpu.memory_space<vmem_shared>>
      %dma_wait3A_185 = arith.constant 0 : i32
      %dma_wait3A_186 = tpu.memref_slice %arg19[%add3A_38, %dma_wait3A_185] : memref<10112x128xf32, #tpu.memory_space<vmem_shared>> -> memref<96x128xf32, #tpu.memory_space<vmem_shared>>
      tpu.wait_dma2 semaphore(%run_scoped3A : memref<!tpu.dma_semaphore, #tpu.memory_space<semaphore_mem>>) src(%arg16 : memref<96x128xf32, #tpu.memory_space<vmem>>) dst(%dma_wait3A_186 : memref<96x128xf32, #tpu.memory_space<vmem_shared>>)
      tpu.yield
    }) : () -> ()
    %mul3A_39 = arith.constant 632 : i32
    %mul3A_40 = arith.muli %arg1, %mul3A_39 : i32
    %add3A_41 = arith.constant 96 : i32
    %add3A_42 = arith.addi %mul3A_40, %add3A_41 : i32
    "tpu.region"() ({
      %run_scoped3A = tpu.sem_alloc : memref<!tpu.dma_semaphore, #tpu.memory_space<semaphore_mem>>
      %dma_start3A_179 = arith.constant 0 : i32
      %dma_start3A_180 = tpu.memref_slice %arg19[%add3A_42, %dma_start3A_179] : memref<10112x128xf32, #tpu.memory_space<vmem_shared>> -> memref<96x128xf32, #tpu.memory_space<vmem_shared>>
      %dma_start3A_181 = arith.constant 0 : i32
      %dma_start3A_182 = tpu.memref_slice %arg19[%add3A_42, %dma_start3A_181] : memref<10112x128xf32, #tpu.memory_space<vmem_shared>> -> memref<96x128xf32, #tpu.memory_space<vmem_shared>>
      tpu.enqueue_dma source(%arg16 : memref<96x128xf32, #tpu.memory_space<vmem>>) target(%dma_start3A_182 : memref<96x128xf32, #tpu.memory_space<vmem_shared>>) target_semaphore(%run_scoped3A : memref<!tpu.dma_semaphore, #tpu.memory_space<semaphore_mem>>)
      %dma_wait3A_183 = arith.constant 0 : i32
      %dma_wait3A_184 = tpu.memref_slice %arg19[%add3A_42, %dma_wait3A_183] : memref<10112x128xf32, #tpu.memory_space<vmem_shared>> -> memref<96x128xf32, #tpu.memory_space<vmem_shared>>
      %dma_wait3A_185 = arith.constant 0 : i32
      %dma_wait3A_186 = tpu.memref_slice %arg19[%add3A_42, %dma_wait3A_185] : memref<10112x128xf32, #tpu.memory_space<vmem_shared>> -> memref<96x128xf32, #tpu.memory_space<vmem_shared>>
      tpu.wait_dma2 semaphore(%run_scoped3A : memref<!tpu.dma_semaphore, #tpu.memory_space<semaphore_mem>>) src(%arg16 : memref<96x128xf32, #tpu.memory_space<vmem>>) dst(%dma_wait3A_186 : memref<96x128xf32, #tpu.memory_space<vmem_shared>>)
      tpu.yield
    }) : () -> ()
    %mul3A_43 = arith.constant 632 : i32
    %mul3A_44 = arith.muli %arg1, %mul3A_43 : i32
    %add3A_45 = arith.constant 192 : i32
    %add3A_46 = arith.addi %mul3A_44, %add3A_45 : i32
    "tpu.region"() ({
      %run_scoped3A = tpu.sem_alloc : memref<!tpu.dma_semaphore, #tpu.memory_space<semaphore_mem>>
      %dma_start3A_179 = arith.constant 0 : i32
      %dma_start3A_180 = tpu.memref_slice %arg19[%add3A_46, %dma_start3A_179] : memref<10112x128xf32, #tpu.memory_space<vmem_shared>> -> memref<96x128xf32, #tpu.memory_space<vmem_shared>>
      %dma_start3A_181 = arith.constant 0 : i32
      %dma_start3A_182 = tpu.memref_slice %arg19[%add3A_46, %dma_start3A_181] : memref<10112x128xf32, #tpu.memory_space<vmem_shared>> -> memref<96x128xf32, #tpu.memory_space<vmem_shared>>
      tpu.enqueue_dma source(%arg16 : memref<96x128xf32, #tpu.memory_space<vmem>>) target(%dma_start3A_182 : memref<96x128xf32, #tpu.memory_space<vmem_shared>>) target_semaphore(%run_scoped3A : memref<!tpu.dma_semaphore, #tpu.memory_space<semaphore_mem>>)
      %dma_wait3A_183 = arith.constant 0 : i32
      %dma_wait3A_184 = tpu.memref_slice %arg19[%add3A_46, %dma_wait3A_183] : memref<10112x128xf32, #tpu.memory_space<vmem_shared>> -> memref<96x128xf32, #tpu.memory_space<vmem_shared>>
      %dma_wait3A_185 = arith.constant 0 : i32
      %dma_wait3A_186 = tpu.memref_slice %arg19[%add3A_46, %dma_wait3A_185] : memref<10112x128xf32, #tpu.memory_space<vmem_shared>> -> memref<96x128xf32, #tpu.memory_space<vmem_shared>>
      tpu.wait_dma2 semaphore(%run_scoped3A : memref<!tpu.dma_semaphore, #tpu.memory_space<semaphore_mem>>) src(%arg16 : memref<96x128xf32, #tpu.memory_space<vmem>>) dst(%dma_wait3A_186 : memref<96x128xf32, #tpu.memory_space<vmem_shared>>)
      tpu.yield
    }) : () -> ()
    %mul3A_47 = arith.constant 632 : i32
    %mul3A_48 = arith.muli %arg1, %mul3A_47 : i32
    %add3A_49 = arith.constant 288 : i32
    %add3A_50 = arith.addi %mul3A_48, %add3A_49 : i32
    "tpu.region"() ({
      %run_scoped3A = tpu.sem_alloc : memref<!tpu.dma_semaphore, #tpu.memory_space<semaphore_mem>>
      %dma_start3A_179 = arith.constant 0 : i32
      %dma_start3A_180 = tpu.memref_slice %arg19[%add3A_50, %dma_start3A_179] : memref<10112x128xf32, #tpu.memory_space<vmem_shared>> -> memref<96x128xf32, #tpu.memory_space<vmem_shared>>
      %dma_start3A_181 = arith.constant 0 : i32
      %dma_start3A_182 = tpu.memref_slice %arg19[%add3A_50, %dma_start3A_181] : memref<10112x128xf32, #tpu.memory_space<vmem_shared>> -> memref<96x128xf32, #tpu.memory_space<vmem_shared>>
      tpu.enqueue_dma source(%arg16 : memref<96x128xf32, #tpu.memory_space<vmem>>) target(%dma_start3A_182 : memref<96x128xf32, #tpu.memory_space<vmem_shared>>) target_semaphore(%run_scoped3A : memref<!tpu.dma_semaphore, #tpu.memory_space<semaphore_mem>>)
      %dma_wait3A_183 = arith.constant 0 : i32
      %dma_wait3A_184 = tpu.memref_slice %arg19[%add3A_50, %dma_wait3A_183] : memref<10112x128xf32, #tpu.memory_space<vmem_shared>> -> memref<96x128xf32, #tpu.memory_space<vmem_shared>>
      %dma_wait3A_185 = arith.constant 0 : i32
      %dma_wait3A_186 = tpu.memref_slice %arg19[%add3A_50, %dma_wait3A_185] : memref<10112x128xf32, #tpu.memory_space<vmem_shared>> -> memref<96x128xf32, #tpu.memory_space<vmem_shared>>
      tpu.wait_dma2 semaphore(%run_scoped3A : memref<!tpu.dma_semaphore, #tpu.memory_space<semaphore_mem>>) src(%arg16 : memref<96x128xf32, #tpu.memory_space<vmem>>) dst(%dma_wait3A_186 : memref<96x128xf32, #tpu.memory_space<vmem_shared>>)
      tpu.yield
    }) : () -> ()
    %mul3A_51 = arith.constant 632 : i32
    %mul3A_52 = arith.muli %arg1, %mul3A_51 : i32
    %add3A_53 = arith.constant 384 : i32
    %add3A_54 = arith.addi %mul3A_52, %add3A_53 : i32
    "tpu.region"() ({
      %run_scoped3A = tpu.sem_alloc : memref<!tpu.dma_semaphore, #tpu.memory_space<semaphore_mem>>
      %dma_start3A_179 = arith.constant 0 : i32
      %dma_start3A_180 = tpu.memref_slice %arg19[%add3A_54, %dma_start3A_179] : memref<10112x128xf32, #tpu.memory_space<vmem_shared>> -> memref<96x128xf32, #tpu.memory_space<vmem_shared>>
      %dma_start3A_181 = arith.constant 0 : i32
      %dma_start3A_182 = tpu.memref_slice %arg19[%add3A_54, %dma_start3A_181] : memref<10112x128xf32, #tpu.memory_space<vmem_shared>> -> memref<96x128xf32, #tpu.memory_space<vmem_shared>>
      tpu.enqueue_dma source(%arg16 : memref<96x128xf32, #tpu.memory_space<vmem>>) target(%dma_start3A_182 : memref<96x128xf32, #tpu.memory_space<vmem_shared>>) target_semaphore(%run_scoped3A : memref<!tpu.dma_semaphore, #tpu.memory_space<semaphore_mem>>)
      %dma_wait3A_183 = arith.constant 0 : i32
      %dma_wait3A_184 = tpu.memref_slice %arg19[%add3A_54, %dma_wait3A_183] : memref<10112x128xf32, #tpu.memory_space<vmem_shared>> -> memref<96x128xf32, #tpu.memory_space<vmem_shared>>
      %dma_wait3A_185 = arith.constant 0 : i32
      %dma_wait3A_186 = tpu.memref_slice %arg19[%add3A_54, %dma_wait3A_185] : memref<10112x128xf32, #tpu.memory_space<vmem_shared>> -> memref<96x128xf32, #tpu.memory_space<vmem_shared>>
      tpu.wait_dma2 semaphore(%run_scoped3A : memref<!tpu.dma_semaphore, #tpu.memory_space<semaphore_mem>>) src(%arg16 : memref<96x128xf32, #tpu.memory_space<vmem>>) dst(%dma_wait3A_186 : memref<96x128xf32, #tpu.memory_space<vmem_shared>>)
      tpu.yield
    }) : () -> ()
    %mul3A_55 = arith.constant 632 : i32
    %mul3A_56 = arith.muli %arg1, %mul3A_55 : i32
    %add3A_57 = arith.constant 480 : i32
    %add3A_58 = arith.addi %mul3A_56, %add3A_57 : i32
    "tpu.region"() ({
      %run_scoped3A = tpu.sem_alloc : memref<!tpu.dma_semaphore, #tpu.memory_space<semaphore_mem>>
      %dma_start3A_179 = arith.constant 0 : i32
      %dma_start3A_180 = tpu.memref_slice %arg19[%add3A_58, %dma_start3A_179] : memref<10112x128xf32, #tpu.memory_space<vmem_shared>> -> memref<96x128xf32, #tpu.memory_space<vmem_shared>>
      %dma_start3A_181 = arith.constant 0 : i32
      %dma_start3A_182 = tpu.memref_slice %arg19[%add3A_58, %dma_start3A_181] : memref<10112x128xf32, #tpu.memory_space<vmem_shared>> -> memref<96x128xf32, #tpu.memory_space<vmem_shared>>
      tpu.enqueue_dma source(%arg16 : memref<96x128xf32, #tpu.memory_space<vmem>>) target(%dma_start3A_182 : memref<96x128xf32, #tpu.memory_space<vmem_shared>>) target_semaphore(%run_scoped3A : memref<!tpu.dma_semaphore, #tpu.memory_space<semaphore_mem>>)
      %dma_wait3A_183 = arith.constant 0 : i32
      %dma_wait3A_184 = tpu.memref_slice %arg19[%add3A_58, %dma_wait3A_183] : memref<10112x128xf32, #tpu.memory_space<vmem_shared>> -> memref<96x128xf32, #tpu.memory_space<vmem_shared>>
      %dma_wait3A_185 = arith.constant 0 : i32
      %dma_wait3A_186 = tpu.memref_slice %arg19[%add3A_58, %dma_wait3A_185] : memref<10112x128xf32, #tpu.memory_space<vmem_shared>> -> memref<96x128xf32, #tpu.memory_space<vmem_shared>>
      tpu.wait_dma2 semaphore(%run_scoped3A : memref<!tpu.dma_semaphore, #tpu.memory_space<semaphore_mem>>) src(%arg16 : memref<96x128xf32, #tpu.memory_space<vmem>>) dst(%dma_wait3A_186 : memref<96x128xf32, #tpu.memory_space<vmem_shared>>)
      tpu.yield
    }) : () -> ()
    %mul3A_59 = arith.constant 632 : i32
    %mul3A_60 = arith.muli %arg1, %mul3A_59 : i32
    %add3A_61 = arith.constant 632 : i32
    %add3A_62 = arith.addi %mul3A_60, %add3A_61 : i32
    %sub3A = arith.constant 56 : i32
    %sub3A_63 = arith.subi %add3A_62, %sub3A : i32
    "tpu.region"() ({
      %run_scoped3A = tpu.sem_alloc : memref<!tpu.dma_semaphore, #tpu.memory_space<semaphore_mem>>
      %dma_start3A_179 = arith.constant 0 : i32
      %dma_start3A_180 = arith.constant 0 : i32
      %dma_start3A_181 = tpu.memref_slice %arg16[%dma_start3A_179, %dma_start3A_180] : memref<96x128xf32, #tpu.memory_space<vmem>> -> memref<56x128xf32, #tpu.memory_space<vmem>>
      %dma_start3A_182 = arith.constant 0 : i32
      %dma_start3A_183 = tpu.memref_slice %arg19[%sub3A_63, %dma_start3A_182] : memref<10112x128xf32, #tpu.memory_space<vmem_shared>> -> memref<56x128xf32, #tpu.memory_space<vmem_shared>>
      %dma_start3A_184 = arith.constant 0 : i32
      %dma_start3A_185 = tpu.memref_slice %arg19[%sub3A_63, %dma_start3A_184] : memref<10112x128xf32, #tpu.memory_space<vmem_shared>> -> memref<56x128xf32, #tpu.memory_space<vmem_shared>>
      %dma_start3A_186 = arith.constant 0 : i32
      %dma_start3A_187 = arith.constant 0 : i32
      %dma_start3A_188 = tpu.memref_slice %arg16[%dma_start3A_186, %dma_start3A_187] : memref<96x128xf32, #tpu.memory_space<vmem>> -> memref<56x128xf32, #tpu.memory_space<vmem>>
      tpu.enqueue_dma source(%dma_start3A_188 : memref<56x128xf32, #tpu.memory_space<vmem>>) target(%dma_start3A_185 : memref<56x128xf32, #tpu.memory_space<vmem_shared>>) target_semaphore(%run_scoped3A : memref<!tpu.dma_semaphore, #tpu.memory_space<semaphore_mem>>)
      %dma_wait3A_189 = arith.constant 0 : i32
      %dma_wait3A_190 = arith.constant 0 : i32
      %dma_wait3A_191 = tpu.memref_slice %arg16[%dma_wait3A_189, %dma_wait3A_190] : memref<96x128xf32, #tpu.memory_space<vmem>> -> memref<56x128xf32, #tpu.memory_space<vmem>>
      %dma_wait3A_192 = arith.constant 0 : i32
      %dma_wait3A_193 = tpu.memref_slice %arg19[%sub3A_63, %dma_wait3A_192] : memref<10112x128xf32, #tpu.memory_space<vmem_shared>> -> memref<56x128xf32, #tpu.memory_space<vmem_shared>>
      %dma_wait3A_194 = arith.constant 0 : i32
      %dma_wait3A_195 = tpu.memref_slice %arg19[%sub3A_63, %dma_wait3A_194] : memref<10112x128xf32, #tpu.memory_space<vmem_shared>> -> memref<56x128xf32, #tpu.memory_space<vmem_shared>>
      %dma_wait3A_196 = arith.constant 0 : i32
      %dma_wait3A_197 = arith.constant 0 : i32
      %dma_wait3A_198 = tpu.memref_slice %arg16[%dma_wait3A_196, %dma_wait3A_197] : memref<96x128xf32, #tpu.memory_space<vmem>> -> memref<56x128xf32, #tpu.memory_space<vmem>>
      tpu.wait_dma2 semaphore(%run_scoped3A : memref<!tpu.dma_semaphore, #tpu.memory_space<semaphore_mem>>) src(%dma_wait3A_198 : memref<56x128xf32, #tpu.memory_space<vmem>>) dst(%dma_wait3A_195 : memref<56x128xf32, #tpu.memory_space<vmem_shared>>)
      tpu.yield
    }) : () -> ()
    %barrier3A = arith.constant 0 : index
    tpu.barrier barrier_id(%barrier3A)
    %mul3A_64 = arith.constant 10368 : i32
    %mul3A_65 = arith.muli %add3A, %mul3A_64 : i32
    %add3A_66 = arith.constant 0 : i32
    %add3A_67 = arith.addi %mul3A_65, %add3A_66 : i32
    %dma_start3A = arith.constant 0 : i32
    %dma_start3A_68 = tpu.memref_slice %arg9[%dma_start3A] : memref<96xi32, #tpu.memory_space<vmem>> -> memref<48xi32, #tpu.memory_space<vmem>>
    %dma_start3A_69 = tpu.memref_slice %arg4[%add3A_67] : memref<335872xi32, #tpu.memory_space<hbm>> -> memref<48xi32, #tpu.memory_space<hbm>>
    %dma_start3A_70 = arith.constant 0 : i32
    %dma_start3A_71 = tpu.memref_slice %arg9[%dma_start3A_70] : memref<96xi32, #tpu.memory_space<vmem>> -> memref<48xi32, #tpu.memory_space<vmem>>
    %dma_start3A_72 = tpu.memref_slice %arg4[%add3A_67] : memref<335872xi32, #tpu.memory_space<hbm>> -> memref<48xi32, #tpu.memory_space<hbm>>
    tpu.enqueue_dma source(%dma_start3A_72 : memref<48xi32, #tpu.memory_space<hbm>>) target(%dma_start3A_71 : memref<48xi32, #tpu.memory_space<vmem>>) target_semaphore(%arg20 : memref<!tpu.dma_semaphore, #tpu.memory_space<semaphore_mem>>)
    %dma_start3A_73 = arith.constant 0 : i32
    %dma_start3A_74 = tpu.memref_slice %arg10[%dma_start3A_73] : memref<96xi32, #tpu.memory_space<vmem>> -> memref<48xi32, #tpu.memory_space<vmem>>
    %dma_start3A_75 = tpu.memref_slice %arg5[%add3A_67] : memref<335872xi32, #tpu.memory_space<hbm>> -> memref<48xi32, #tpu.memory_space<hbm>>
    %dma_start3A_76 = arith.constant 0 : i32
    %dma_start3A_77 = tpu.memref_slice %arg10[%dma_start3A_76] : memref<96xi32, #tpu.memory_space<vmem>> -> memref<48xi32, #tpu.memory_space<vmem>>
    %dma_start3A_78 = tpu.memref_slice %arg5[%add3A_67] : memref<335872xi32, #tpu.memory_space<hbm>> -> memref<48xi32, #tpu.memory_space<hbm>>
    tpu.enqueue_dma source(%dma_start3A_78 : memref<48xi32, #tpu.memory_space<hbm>>) target(%dma_start3A_77 : memref<48xi32, #tpu.memory_space<vmem>>) target_semaphore(%arg20 : memref<!tpu.dma_semaphore, #tpu.memory_space<semaphore_mem>>)
    %mul3A_79 = arith.constant 10368 : i32
    %mul3A_80 = arith.muli %add3A, %mul3A_79 : i32
    %add3A_81 = arith.constant 48 : i32
    %add3A_82 = arith.addi %mul3A_80, %add3A_81 : i32
    %dma_start3A_83 = arith.constant 48 : i32
    %dma_start3A_84 = tpu.memref_slice %arg9[%dma_start3A_83] : memref<96xi32, #tpu.memory_space<vmem>> -> memref<48xi32, #tpu.memory_space<vmem>>
    %dma_start3A_85 = tpu.memref_slice %arg4[%add3A_82] : memref<335872xi32, #tpu.memory_space<hbm>> -> memref<48xi32, #tpu.memory_space<hbm>>
    %dma_start3A_86 = arith.constant 48 : i32
    %dma_start3A_87 = tpu.memref_slice %arg9[%dma_start3A_86] : memref<96xi32, #tpu.memory_space<vmem>> -> memref<48xi32, #tpu.memory_space<vmem>>
    %dma_start3A_88 = tpu.memref_slice %arg4[%add3A_82] : memref<335872xi32, #tpu.memory_space<hbm>> -> memref<48xi32, #tpu.memory_space<hbm>>
    tpu.enqueue_dma source(%dma_start3A_88 : memref<48xi32, #tpu.memory_space<hbm>>) target(%dma_start3A_87 : memref<48xi32, #tpu.memory_space<vmem>>) target_semaphore(%arg21 : memref<!tpu.dma_semaphore, #tpu.memory_space<semaphore_mem>>)
    %dma_start3A_89 = arith.constant 48 : i32
    %dma_start3A_90 = tpu.memref_slice %arg10[%dma_start3A_89] : memref<96xi32, #tpu.memory_space<vmem>> -> memref<48xi32, #tpu.memory_space<vmem>>
    %dma_start3A_91 = tpu.memref_slice %arg5[%add3A_82] : memref<335872xi32, #tpu.memory_space<hbm>> -> memref<48xi32, #tpu.memory_space<hbm>>
    %dma_start3A_92 = arith.constant 48 : i32
    %dma_start3A_93 = tpu.memref_slice %arg10[%dma_start3A_92] : memref<96xi32, #tpu.memory_space<vmem>> -> memref<48xi32, #tpu.memory_space<vmem>>
    %dma_start3A_94 = tpu.memref_slice %arg5[%add3A_82] : memref<335872xi32, #tpu.memory_space<hbm>> -> memref<48xi32, #tpu.memory_space<hbm>>
    tpu.enqueue_dma source(%dma_start3A_94 : memref<48xi32, #tpu.memory_space<hbm>>) target(%dma_start3A_93 : memref<48xi32, #tpu.memory_space<vmem>>) target_semaphore(%arg21 : memref<!tpu.dma_semaphore, #tpu.memory_space<semaphore_mem>>)
    %mul3A_95 = arith.constant 10368 : i32
    %mul3A_96 = arith.muli %add3A, %mul3A_95 : i32
    %add3A_97 = arith.constant 0 : i32
    %add3A_98 = arith.addi %mul3A_96, %add3A_97 : i32
    %dma_wait3A = arith.constant 0 : i32
    %dma_wait3A_99 = tpu.memref_slice %arg9[%dma_wait3A] : memref<96xi32, #tpu.memory_space<vmem>> -> memref<48xi32, #tpu.memory_space<vmem>>
    %dma_wait3A_100 = tpu.memref_slice %arg4[%add3A_98] : memref<335872xi32, #tpu.memory_space<hbm>> -> memref<48xi32, #tpu.memory_space<hbm>>
    %dma_wait3A_101 = arith.constant 0 : i32
    %dma_wait3A_102 = tpu.memref_slice %arg9[%dma_wait3A_101] : memref<96xi32, #tpu.memory_space<vmem>> -> memref<48xi32, #tpu.memory_space<vmem>>
    %dma_wait3A_103 = tpu.memref_slice %arg4[%add3A_98] : memref<335872xi32, #tpu.memory_space<hbm>> -> memref<48xi32, #tpu.memory_space<hbm>>
    tpu.wait_dma2 semaphore(%arg20 : memref<!tpu.dma_semaphore, #tpu.memory_space<semaphore_mem>>) src(%dma_wait3A_103 : memref<48xi32, #tpu.memory_space<hbm>>) dst(%dma_wait3A_102 : memref<48xi32, #tpu.memory_space<vmem>>)
    %dma_wait3A_104 = arith.constant 0 : i32
    %dma_wait3A_105 = tpu.memref_slice %arg10[%dma_wait3A_104] : memref<96xi32, #tpu.memory_space<vmem>> -> memref<48xi32, #tpu.memory_space<vmem>>
    %dma_wait3A_106 = tpu.memref_slice %arg5[%add3A_98] : memref<335872xi32, #tpu.memory_space<hbm>> -> memref<48xi32, #tpu.memory_space<hbm>>
    %dma_wait3A_107 = arith.constant 0 : i32
    %dma_wait3A_108 = tpu.memref_slice %arg10[%dma_wait3A_107] : memref<96xi32, #tpu.memory_space<vmem>> -> memref<48xi32, #tpu.memory_space<vmem>>
    %dma_wait3A_109 = tpu.memref_slice %arg5[%add3A_98] : memref<335872xi32, #tpu.memory_space<hbm>> -> memref<48xi32, #tpu.memory_space<hbm>>
    tpu.wait_dma2 semaphore(%arg20 : memref<!tpu.dma_semaphore, #tpu.memory_space<semaphore_mem>>) src(%dma_wait3A_109 : memref<48xi32, #tpu.memory_space<hbm>>) dst(%dma_wait3A_108 : memref<48xi32, #tpu.memory_space<vmem>>)
    %dma_start3A_110 = arith.constant 0 : i32
    %dma_start3A_111 = arith.constant 0 : i32
    %dma_start3A_112 = tpu.memref_slice %arg14[%dma_start3A_110, %dma_start3A_111] : memref<96x128xf32, #tpu.memory_space<vmem>> -> memref<48x128xf32, #tpu.memory_space<vmem>>
    %dma_start3A_113 = arith.constant 0 : i32
    %dma_start3A_114 = tpu.memref_slice %arg9[%dma_start3A_113] : memref<96xi32, #tpu.memory_space<vmem>> -> memref<48xi32, #tpu.memory_space<vmem>>
    %dma_start3A_115 = arith.constant 0 : i32
    %dma_start3A_116 = arith.constant 0 : i32
    %dma_start3A_117 = tpu.memref_slice %arg2[%dma_start3A_115, %dma_start3A_116] : memref<10240x128xf32, #tpu.memory_space<hbm>> -> memref<10240x128xf32, #tpu.memory_space<hbm>>
    tpu.enqueue_indirect_dma source(%dma_start3A_117 : memref<10240x128xf32, #tpu.memory_space<hbm>>) target(%dma_start3A_112 : memref<48x128xf32, #tpu.memory_space<vmem>>) offsets(%dma_start3A_114 : memref<48xi32, #tpu.memory_space<vmem>>) semaphore(%arg22 : memref<!tpu.dma_semaphore, #tpu.memory_space<semaphore_mem>>)
    %dma_start3A_118 = arith.constant 0 : i32
    %dma_start3A_119 = arith.constant 0 : i32
    %dma_start3A_120 = tpu.memref_slice %arg15[%dma_start3A_118, %dma_start3A_119] : memref<96x128xf32, #tpu.memory_space<vmem>> -> memref<48x128xf32, #tpu.memory_space<vmem>>
    %dma_start3A_121 = arith.constant 0 : i32
    %dma_start3A_122 = tpu.memref_slice %arg10[%dma_start3A_121] : memref<96xi32, #tpu.memory_space<vmem>> -> memref<48xi32, #tpu.memory_space<vmem>>
    %dma_start3A_123 = arith.constant 0 : i32
    %dma_start3A_124 = arith.constant 0 : i32
    %dma_start3A_125 = tpu.memref_slice %arg3[%dma_start3A_123, %dma_start3A_124] : memref<10240x128xf32, #tpu.memory_space<hbm>> -> memref<10240x128xf32, #tpu.memory_space<hbm>>
    tpu.enqueue_indirect_dma source(%dma_start3A_125 : memref<10240x128xf32, #tpu.memory_space<hbm>>) target(%dma_start3A_120 : memref<48x128xf32, #tpu.memory_space<vmem>>) offsets(%dma_start3A_122 : memref<48xi32, #tpu.memory_space<vmem>>) semaphore(%arg22 : memref<!tpu.dma_semaphore, #tpu.memory_space<semaphore_mem>>)
    %scan3A_126 = arith.constant 0 : i32
    %scan3A_127 = arith.constant 0 : i32
    %scan3A_128 = arith.constant 108 : i32
    %scan3A_129 = arith.addi %scan3A_127, %scan3A_128 : i32
    %scan3A_130 = arith.constant 1 : i32
    scf.for %scan3A_179 = %scan3A_127 to %scan3A_129 step %scan3A_130  : i32 {
      %mul3A_180 = arith.constant 2 : i32
      %mul3A_181 = arith.muli %mul3A_180, %scan3A_179 : i32
      %add3A_182 = arith.constant 0 : i32
      %add3A_183 = arith.addi %mul3A_181, %add3A_182 : i32
      %ge3A = arith.constant 2 : i32
      %ge3A_184 = arith.cmpi sge, %add3A_183, %ge3A : i32
      %convert_element_type3A = arith.extui %ge3A_184 : i1 to i32
      %cond3A = arith.constant 0 : i32
      %cond3A_185 = arith.cmpi ne, %convert_element_type3A, %cond3A : i32
      scf.if %cond3A_185 {
        %dma_wait3A_424 = arith.constant 0 : i32
        %dma_wait3A_425 = arith.constant 0 : i32
        %dma_wait3A_426 = tpu.memref_slice %arg16[%dma_wait3A_424, %dma_wait3A_425] : memref<96x128xf32, #tpu.memory_space<vmem>> -> memref<48x128xf32, #tpu.memory_space<vmem>>
        %dma_wait3A_427 = arith.constant 0 : i32
        %dma_wait3A_428 = arith.constant 0 : i32
        %dma_wait3A_429 = tpu.memref_slice %arg19[%dma_wait3A_427, %dma_wait3A_428] : memref<10112x128xf32, #tpu.memory_space<vmem_shared>> -> memref<10112x128xf32, #tpu.memory_space<vmem_shared>>
        tpu.wait_indirect_dma semaphore(%arg24 : memref<!tpu.dma_semaphore, #tpu.memory_space<semaphore_mem>>) src(%dma_wait3A_426 : memref<48x128xf32, #tpu.memory_space<vmem>>) dst(%dma_wait3A_429 : memref<10112x128xf32, #tpu.memory_space<vmem_shared>>)
      } else {
      }
      %add3A_186 = arith.constant 1 : i32
      %add3A_187 = arith.addi %add3A_183, %add3A_186 : i32
      %mul3A_188 = arith.constant 10368 : i32
      %mul3A_189 = arith.muli %add3A, %mul3A_188 : i32
      %mul3A_190 = arith.constant 48 : i32
      %mul3A_191 = arith.muli %add3A_187, %mul3A_190 : i32
      %add3A_192 = arith.addi %mul3A_189, %mul3A_191 : i32
      %dma_wait3A_193 = arith.constant 48 : i32
      %dma_wait3A_194 = tpu.memref_slice %arg9[%dma_wait3A_193] : memref<96xi32, #tpu.memory_space<vmem>> -> memref<48xi32, #tpu.memory_space<vmem>>
      %dma_wait3A_195 = tpu.memref_slice %arg4[%add3A_192] : memref<335872xi32, #tpu.memory_space<hbm>> -> memref<48xi32, #tpu.memory_space<hbm>>
      %dma_wait3A_196 = arith.constant 48 : i32
      %dma_wait3A_197 = tpu.memref_slice %arg9[%dma_wait3A_196] : memref<96xi32, #tpu.memory_space<vmem>> -> memref<48xi32, #tpu.memory_space<vmem>>
      %dma_wait3A_198 = tpu.memref_slice %arg4[%add3A_192] : memref<335872xi32, #tpu.memory_space<hbm>> -> memref<48xi32, #tpu.memory_space<hbm>>
      tpu.wait_dma2 semaphore(%arg21 : memref<!tpu.dma_semaphore, #tpu.memory_space<semaphore_mem>>) src(%dma_wait3A_198 : memref<48xi32, #tpu.memory_space<hbm>>) dst(%dma_wait3A_197 : memref<48xi32, #tpu.memory_space<vmem>>)
      %dma_wait3A_199 = arith.constant 48 : i32
      %dma_wait3A_200 = tpu.memref_slice %arg10[%dma_wait3A_199] : memref<96xi32, #tpu.memory_space<vmem>> -> memref<48xi32, #tpu.memory_space<vmem>>
      %dma_wait3A_201 = tpu.memref_slice %arg5[%add3A_192] : memref<335872xi32, #tpu.memory_space<hbm>> -> memref<48xi32, #tpu.memory_space<hbm>>
      %dma_wait3A_202 = arith.constant 48 : i32
      %dma_wait3A_203 = tpu.memref_slice %arg10[%dma_wait3A_202] : memref<96xi32, #tpu.memory_space<vmem>> -> memref<48xi32, #tpu.memory_space<vmem>>
      %dma_wait3A_204 = tpu.memref_slice %arg5[%add3A_192] : memref<335872xi32, #tpu.memory_space<hbm>> -> memref<48xi32, #tpu.memory_space<hbm>>
      tpu.wait_dma2 semaphore(%arg21 : memref<!tpu.dma_semaphore, #tpu.memory_space<semaphore_mem>>) src(%dma_wait3A_204 : memref<48xi32, #tpu.memory_space<hbm>>) dst(%dma_wait3A_203 : memref<48xi32, #tpu.memory_space<vmem>>)
      %dma_start3A_205 = arith.constant 48 : i32
      %dma_start3A_206 = arith.constant 0 : i32
      %dma_start3A_207 = tpu.memref_slice %arg14[%dma_start3A_205, %dma_start3A_206] : memref<96x128xf32, #tpu.memory_space<vmem>> -> memref<48x128xf32, #tpu.memory_space<vmem>>
      %dma_start3A_208 = arith.constant 48 : i32
      %dma_start3A_209 = tpu.memref_slice %arg9[%dma_start3A_208] : memref<96xi32, #tpu.memory_space<vmem>> -> memref<48xi32, #tpu.memory_space<vmem>>
      %dma_start3A_210 = arith.constant 0 : i32
      %dma_start3A_211 = arith.constant 0 : i32
      %dma_start3A_212 = tpu.memref_slice %arg2[%dma_start3A_210, %dma_start3A_211] : memref<10240x128xf32, #tpu.memory_space<hbm>> -> memref<10240x128xf32, #tpu.memory_space<hbm>>
      tpu.enqueue_indirect_dma source(%dma_start3A_212 : memref<10240x128xf32, #tpu.memory_space<hbm>>) target(%dma_start3A_207 : memref<48x128xf32, #tpu.memory_space<vmem>>) offsets(%dma_start3A_209 : memref<48xi32, #tpu.memory_space<vmem>>) semaphore(%arg23 : memref<!tpu.dma_semaphore, #tpu.memory_space<semaphore_mem>>)
      %dma_start3A_213 = arith.constant 48 : i32
      %dma_start3A_214 = arith.constant 0 : i32
      %dma_start3A_215 = tpu.memref_slice %arg15[%dma_start3A_213, %dma_start3A_214] : memref<96x128xf32, #tpu.memory_space<vmem>> -> memref<48x128xf32, #tpu.memory_space<vmem>>
      %dma_start3A_216 = arith.constant 48 : i32
      %dma_start3A_217 = tpu.memref_slice %arg10[%dma_start3A_216] : memref<96xi32, #tpu.memory_space<vmem>> -> memref<48xi32, #tpu.memory_space<vmem>>
      %dma_start3A_218 = arith.constant 0 : i32
      %dma_start3A_219 = arith.constant 0 : i32
      %dma_start3A_220 = tpu.memref_slice %arg3[%dma_start3A_218, %dma_start3A_219] : memref<10240x128xf32, #tpu.memory_space<hbm>> -> memref<10240x128xf32, #tpu.memory_space<hbm>>
      tpu.enqueue_indirect_dma source(%dma_start3A_220 : memref<10240x128xf32, #tpu.memory_space<hbm>>) target(%dma_start3A_215 : memref<48x128xf32, #tpu.memory_space<vmem>>) offsets(%dma_start3A_217 : memref<48xi32, #tpu.memory_space<vmem>>) semaphore(%arg23 : memref<!tpu.dma_semaphore, #tpu.memory_space<semaphore_mem>>)
      %dma_wait3A_221 = arith.constant 0 : i32
      %dma_wait3A_222 = arith.constant 0 : i32
      %dma_wait3A_223 = tpu.memref_slice %arg14[%dma_wait3A_221, %dma_wait3A_222] : memref<96x128xf32, #tpu.memory_space<vmem>> -> memref<48x128xf32, #tpu.memory_space<vmem>>
      %dma_wait3A_224 = arith.constant 0 : i32
      %dma_wait3A_225 = tpu.memref_slice %arg9[%dma_wait3A_224] : memref<96xi32, #tpu.memory_space<vmem>> -> memref<48xi32, #tpu.memory_space<vmem>>
      %dma_wait3A_226 = arith.constant 0 : i32
      %dma_wait3A_227 = arith.constant 0 : i32
      %dma_wait3A_228 = tpu.memref_slice %arg2[%dma_wait3A_226, %dma_wait3A_227] : memref<10240x128xf32, #tpu.memory_space<hbm>> -> memref<10240x128xf32, #tpu.memory_space<hbm>>
      tpu.wait_indirect_dma semaphore(%arg22 : memref<!tpu.dma_semaphore, #tpu.memory_space<semaphore_mem>>) src(%dma_wait3A_228 : memref<10240x128xf32, #tpu.memory_space<hbm>>) dst(%dma_wait3A_223 : memref<48x128xf32, #tpu.memory_space<vmem>>)
      %dma_wait3A_229 = arith.constant 0 : i32
      %dma_wait3A_230 = arith.constant 0 : i32
      %dma_wait3A_231 = tpu.memref_slice %arg15[%dma_wait3A_229, %dma_wait3A_230] : memref<96x128xf32, #tpu.memory_space<vmem>> -> memref<48x128xf32, #tpu.memory_space<vmem>>
      %dma_wait3A_232 = arith.constant 0 : i32
      %dma_wait3A_233 = tpu.memref_slice %arg10[%dma_wait3A_232] : memref<96xi32, #tpu.memory_space<vmem>> -> memref<48xi32, #tpu.memory_space<vmem>>
      %dma_wait3A_234 = arith.constant 0 : i32
      %dma_wait3A_235 = arith.constant 0 : i32
      %dma_wait3A_236 = tpu.memref_slice %arg3[%dma_wait3A_234, %dma_wait3A_235] : memref<10240x128xf32, #tpu.memory_space<hbm>> -> memref<10240x128xf32, #tpu.memory_space<hbm>>
      tpu.wait_indirect_dma semaphore(%arg22 : memref<!tpu.dma_semaphore, #tpu.memory_space<semaphore_mem>>) src(%dma_wait3A_236 : memref<10240x128xf32, #tpu.memory_space<hbm>>) dst(%dma_wait3A_231 : memref<48x128xf32, #tpu.memory_space<vmem>>)
      %get3A_237 = arith.constant 0 : index
      %get3A_238 = tpu.vector_load %arg10[%get3A_237] {strides = array<i32>} : memref<96xi32, #tpu.memory_space<vmem>>, vector<16xi32>,
      %get3A_239 = vector.shape_cast %get3A_238 : vector<16xi32> to vector<16xi32>
      %swap3A = arith.constant 0 : index
      %swap3A_240 = tpu.vector_load %arg11[%swap3A] {strides = array<i32>} : memref<48xi32, #tpu.memory_space<vmem>>, vector<16xi32>,
      %swap3A_241 = vector.shape_cast %swap3A_240 : vector<16xi32> to vector<16xi32>
      %swap3A_242 = vector.shape_cast %get3A_239 : vector<16xi32> to vector<16xi32>
      tpu.vector_store %arg11[%swap3A], %swap3A_242 {strides = array<i32>} : memref<48xi32, #tpu.memory_space<vmem>>, vector<16xi32>,
      %swap3A_243 = arith.constant 0 : index
      %swap3A_244 = tpu.vector_load %arg13[%swap3A_243] {strides = array<i32>} : memref<112xi32, #tpu.memory_space<vmem>>, vector<16xi32>,
      %swap3A_245 = vector.shape_cast %swap3A_244 : vector<16xi32> to vector<16xi32>
      %swap3A_246 = vector.shape_cast %get3A_239 : vector<16xi32> to vector<16xi32>
      tpu.vector_store %arg13[%swap3A_243], %swap3A_246 {strides = array<i32>} : memref<112xi32, #tpu.memory_space<vmem>>, vector<16xi32>,
      %get3A_247 = arith.constant 16 : index
      %get3A_248 = tpu.vector_load %arg10[%get3A_247] {strides = array<i32>} : memref<96xi32, #tpu.memory_space<vmem>>, vector<16xi32>,
      %get3A_249 = vector.shape_cast %get3A_248 : vector<16xi32> to vector<16xi32>
      %swap3A_250 = arith.constant 16 : index
      %swap3A_251 = tpu.vector_load %arg11[%swap3A_250] {strides = array<i32>} : memref<48xi32, #tpu.memory_space<vmem>>, vector<16xi32>,
      %swap3A_252 = vector.shape_cast %swap3A_251 : vector<16xi32> to vector<16xi32>
      %swap3A_253 = vector.shape_cast %get3A_249 : vector<16xi32> to vector<16xi32>
      tpu.vector_store %arg11[%swap3A_250], %swap3A_253 {strides = array<i32>} : memref<48xi32, #tpu.memory_space<vmem>>, vector<16xi32>,
      %swap3A_254 = arith.constant 16 : index
      %swap3A_255 = tpu.vector_load %arg13[%swap3A_254] {strides = array<i32>} : memref<112xi32, #tpu.memory_space<vmem>>, vector<16xi32>,
      %swap3A_256 = vector.shape_cast %swap3A_255 : vector<16xi32> to vector<16xi32>
      %swap3A_257 = vector.shape_cast %get3A_249 : vector<16xi32> to vector<16xi32>
      tpu.vector_store %arg13[%swap3A_254], %swap3A_257 {strides = array<i32>} : memref<112xi32, #tpu.memory_space<vmem>>, vector<16xi32>,
      %get3A_258 = arith.constant 32 : index
      %get3A_259 = tpu.vector_load %arg10[%get3A_258] {strides = array<i32>} : memref<96xi32, #tpu.memory_space<vmem>>, vector<16xi32>,
      %get3A_260 = vector.shape_cast %get3A_259 : vector<16xi32> to vector<16xi32>
      %swap3A_261 = arith.constant 32 : index
      %swap3A_262 = tpu.vector_load %arg11[%swap3A_261] {strides = array<i32>} : memref<48xi32, #tpu.memory_space<vmem>>, vector<16xi32>,
      %swap3A_263 = vector.shape_cast %swap3A_262 : vector<16xi32> to vector<16xi32>
      %swap3A_264 = vector.shape_cast %get3A_260 : vector<16xi32> to vector<16xi32>
      tpu.vector_store %arg11[%swap3A_261], %swap3A_264 {strides = array<i32>} : memref<48xi32, #tpu.memory_space<vmem>>, vector<16xi32>,
      %swap3A_265 = arith.constant 32 : index
      %swap3A_266 = tpu.vector_load %arg13[%swap3A_265] {strides = array<i32>} : memref<112xi32, #tpu.memory_space<vmem>>, vector<16xi32>,
      %swap3A_267 = vector.shape_cast %swap3A_266 : vector<16xi32> to vector<16xi32>
      %swap3A_268 = vector.shape_cast %get3A_260 : vector<16xi32> to vector<16xi32>
      tpu.vector_store %arg13[%swap3A_265], %swap3A_268 {strides = array<i32>} : memref<112xi32, #tpu.memory_space<vmem>>, vector<16xi32>,
      %add3A_269 = arith.constant 2 : i32
      %add3A_270 = arith.addi %add3A_183, %add3A_269 : i32
      %mul3A_271 = arith.constant 10368 : i32
      %mul3A_272 = arith.muli %add3A, %mul3A_271 : i32
      %mul3A_273 = arith.constant 48 : i32
      %mul3A_274 = arith.muli %add3A_270, %mul3A_273 : i32
      %add3A_275 = arith.addi %mul3A_272, %mul3A_274 : i32
      %dma_start3A_276 = arith.constant 0 : i32
      %dma_start3A_277 = tpu.memref_slice %arg9[%dma_start3A_276] : memref<96xi32, #tpu.memory_space<vmem>> -> memref<48xi32, #tpu.memory_space<vmem>>
      %dma_start3A_278 = tpu.memref_slice %arg4[%add3A_275] : memref<335872xi32, #tpu.memory_space<hbm>> -> memref<48xi32, #tpu.memory_space<hbm>>
      %dma_start3A_279 = arith.constant 0 : i32
      %dma_start3A_280 = tpu.memref_slice %arg9[%dma_start3A_279] : memref<96xi32, #tpu.memory_space<vmem>> -> memref<48xi32, #tpu.memory_space<vmem>>
      %dma_start3A_281 = tpu.memref_slice %arg4[%add3A_275] : memref<335872xi32, #tpu.memory_space<hbm>> -> memref<48xi32, #tpu.memory_space<hbm>>
      tpu.enqueue_dma source(%dma_start3A_281 : memref<48xi32, #tpu.memory_space<hbm>>) target(%dma_start3A_280 : memref<48xi32, #tpu.memory_space<vmem>>) target_semaphore(%arg20 : memref<!tpu.dma_semaphore, #tpu.memory_space<semaphore_mem>>)
      %dma_start3A_282 = arith.constant 0 : i32
      %dma_start3A_283 = tpu.memref_slice %arg10[%dma_start3A_282] : memref<96xi32, #tpu.memory_space<vmem>> -> memref<48xi32, #tpu.memory_space<vmem>>
      %dma_start3A_284 = tpu.memref_slice %arg5[%add3A_275] : memref<335872xi32, #tpu.memory_space<hbm>> -> memref<48xi32, #tpu.memory_space<hbm>>
      %dma_start3A_285 = arith.constant 0 : i32
      %dma_start3A_286 = tpu.memref_slice %arg10[%dma_start3A_285] : memref<96xi32, #tpu.memory_space<vmem>> -> memref<48xi32, #tpu.memory_space<vmem>>
      %dma_start3A_287 = tpu.memref_slice %arg5[%add3A_275] : memref<335872xi32, #tpu.memory_space<hbm>> -> memref<48xi32, #tpu.memory_space<hbm>>
      tpu.enqueue_dma source(%dma_start3A_287 : memref<48xi32, #tpu.memory_space<hbm>>) target(%dma_start3A_286 : memref<48xi32, #tpu.memory_space<vmem>>) target_semaphore(%arg20 : memref<!tpu.dma_semaphore, #tpu.memory_space<semaphore_mem>>)
      %scan3A_288 = arith.constant 0 : i32
      %scan3A_289 = arith.constant 0 : i32
      %scan3A_290 = arith.constant 48 : i32
      %scan3A_291 = arith.addi %scan3A_289, %scan3A_290 : i32
      %scan3A_292 = arith.constant 1 : i32
      scf.for %scan3A_424 = %scan3A_289 to %scan3A_291 step %scan3A_292  : i32 {
        %add3A_425 = arith.constant 0 : i32
        %add3A_426 = arith.addi %add3A_425, %scan3A_424 : i32
        %broadcast_in_dim3A = arith.constant 0.000000e+00 : f32
        %broadcast_in_dim3A_427 = vector.broadcast %broadcast_in_dim3A : f32 to vector<16xf32>
        %get3A_428 = arith.index_cast %add3A_426 : i32 to index
        %get3A_429 = arith.constant 0 : index
        %get3A_430 = tpu.vector_load %arg14[%get3A_428, %get3A_429] {strides = array<i32>} : memref<96x128xf32, #tpu.memory_space<vmem>>, vector<1x16xf32>,
        %get3A_431 = vector.shape_cast %get3A_430 : vector<1x16xf32> to vector<16xf32>
        %get3A_432 = arith.index_cast %add3A_426 : i32 to index
        %get3A_433 = arith.constant 0 : index
        %get3A_434 = tpu.vector_load %arg15[%get3A_432, %get3A_433] {strides = array<i32>} : memref<96x128xf32, #tpu.memory_space<vmem>>, vector<1x16xf32>,
        %get3A_435 = vector.shape_cast %get3A_434 : vector<1x16xf32> to vector<16xf32>
        %add3A_436 = arith.addf %get3A_431, %get3A_435 : vector<16xf32>
        %mul3A_437 = arith.constant 2.000000e-01 : f32
        %mul3A_438 = vector.broadcast %mul3A_437 : f32 to vector<16xf32>
        %mul3A_439 = arith.mulf %mul3A_438, %add3A_436 : vector<16xf32>
        %max3A = arith.maximumf %add3A_436, %mul3A_439 : vector<16xf32>
        %mul3A_440 = arith.mulf %max3A, %get3A_2 : vector<16xf32>
        %add3A_441 = arith.addf %broadcast_in_dim3A_427, %mul3A_440 : vector<16xf32>
        %get3A_442 = arith.index_cast %add3A_426 : i32 to index
        %get3A_443 = arith.constant 16 : index
        %get3A_444 = tpu.vector_load %arg14[%get3A_442, %get3A_443] {strides = array<i32>} : memref<96x128xf32, #tpu.memory_space<vmem>>, vector<1x16xf32>,
        %get3A_445 = vector.shape_cast %get3A_444 : vector<1x16xf32> to vector<16xf32>
        %get3A_446 = arith.index_cast %add3A_426 : i32 to index
        %get3A_447 = arith.constant 16 : index
        %get3A_448 = tpu.vector_load %arg15[%get3A_446, %get3A_447] {strides = array<i32>} : memref<96x128xf32, #tpu.memory_space<vmem>>, vector<1x16xf32>,
        %get3A_449 = vector.shape_cast %get3A_448 : vector<1x16xf32> to vector<16xf32>
        %add3A_450 = arith.addf %get3A_445, %get3A_449 : vector<16xf32>
        %mul3A_451 = arith.constant 2.000000e-01 : f32
        %mul3A_452 = vector.broadcast %mul3A_451 : f32 to vector<16xf32>
        %mul3A_453 = arith.mulf %mul3A_452, %add3A_450 : vector<16xf32>
        %max3A_454 = arith.maximumf %add3A_450, %mul3A_453 : vector<16xf32>
        %mul3A_455 = arith.mulf %max3A_454, %get3A_5 : vector<16xf32>
        %add3A_456 = arith.addf %add3A_441, %mul3A_455 : vector<16xf32>
        %get3A_457 = arith.index_cast %add3A_426 : i32 to index
        %get3A_458 = arith.constant 32 : index
        %get3A_459 = tpu.vector_load %arg14[%get3A_457, %get3A_458] {strides = array<i32>} : memref<96x128xf32, #tpu.memory_space<vmem>>, vector<1x16xf32>,
        %get3A_460 = vector.shape_cast %get3A_459 : vector<1x16xf32> to vector<16xf32>
        %get3A_461 = arith.index_cast %add3A_426 : i32 to index
        %get3A_462 = arith.constant 32 : index
        %get3A_463 = tpu.vector_load %arg15[%get3A_461, %get3A_462] {strides = array<i32>} : memref<96x128xf32, #tpu.memory_space<vmem>>, vector<1x16xf32>,
        %get3A_464 = vector.shape_cast %get3A_463 : vector<1x16xf32> to vector<16xf32>
        %add3A_465 = arith.addf %get3A_460, %get3A_464 : vector<16xf32>
        %mul3A_466 = arith.constant 2.000000e-01 : f32
        %mul3A_467 = vector.broadcast %mul3A_466 : f32 to vector<16xf32>
        %mul3A_468 = arith.mulf %mul3A_467, %add3A_465 : vector<16xf32>
        %max3A_469 = arith.maximumf %add3A_465, %mul3A_468 : vector<16xf32>
        %mul3A_470 = arith.mulf %max3A_469, %get3A_8 : vector<16xf32>
        %add3A_471 = arith.addf %add3A_456, %mul3A_470 : vector<16xf32>
        %get3A_472 = arith.index_cast %add3A_426 : i32 to index
        %get3A_473 = arith.constant 48 : index
        %get3A_474 = tpu.vector_load %arg14[%get3A_472, %get3A_473] {strides = array<i32>} : memref<96x128xf32, #tpu.memory_space<vmem>>, vector<1x16xf32>,
        %get3A_475 = vector.shape_cast %get3A_474 : vector<1x16xf32> to vector<16xf32>
        %get3A_476 = arith.index_cast %add3A_426 : i32 to index
        %get3A_477 = arith.constant 48 : index
        %get3A_478 = tpu.vector_load %arg15[%get3A_476, %get3A_477] {strides = array<i32>} : memref<96x128xf32, #tpu.memory_space<vmem>>, vector<1x16xf32>,
        %get3A_479 = vector.shape_cast %get3A_478 : vector<1x16xf32> to vector<16xf32>
        %add3A_480 = arith.addf %get3A_475, %get3A_479 : vector<16xf32>
        %mul3A_481 = arith.constant 2.000000e-01 : f32
        %mul3A_482 = vector.broadcast %mul3A_481 : f32 to vector<16xf32>
        %mul3A_483 = arith.mulf %mul3A_482, %add3A_480 : vector<16xf32>
        %max3A_484 = arith.maximumf %add3A_480, %mul3A_483 : vector<16xf32>
        %mul3A_485 = arith.mulf %max3A_484, %get3A_11 : vector<16xf32>
        %add3A_486 = arith.addf %add3A_471, %mul3A_485 : vector<16xf32>
        %get3A_487 = arith.index_cast %add3A_426 : i32 to index
        %get3A_488 = arith.constant 64 : index
        %get3A_489 = tpu.vector_load %arg14[%get3A_487, %get3A_488] {strides = array<i32>} : memref<96x128xf32, #tpu.memory_space<vmem>>, vector<1x16xf32>,
        %get3A_490 = vector.shape_cast %get3A_489 : vector<1x16xf32> to vector<16xf32>
        %get3A_491 = arith.index_cast %add3A_426 : i32 to index
        %get3A_492 = arith.constant 64 : index
        %get3A_493 = tpu.vector_load %arg15[%get3A_491, %get3A_492] {strides = array<i32>} : memref<96x128xf32, #tpu.memory_space<vmem>>, vector<1x16xf32>,
        %get3A_494 = vector.shape_cast %get3A_493 : vector<1x16xf32> to vector<16xf32>
        %add3A_495 = arith.addf %get3A_490, %get3A_494 : vector<16xf32>
        %mul3A_496 = arith.constant 2.000000e-01 : f32
        %mul3A_497 = vector.broadcast %mul3A_496 : f32 to vector<16xf32>
        %mul3A_498 = arith.mulf %mul3A_497, %add3A_495 : vector<16xf32>
        %max3A_499 = arith.maximumf %add3A_495, %mul3A_498 : vector<16xf32>
        %mul3A_500 = arith.mulf %max3A_499, %get3A_14 : vector<16xf32>
        %add3A_501 = arith.addf %add3A_486, %mul3A_500 : vector<16xf32>
        %get3A_502 = arith.index_cast %add3A_426 : i32 to index
        %get3A_503 = arith.constant 80 : index
        %get3A_504 = tpu.vector_load %arg14[%get3A_502, %get3A_503] {strides = array<i32>} : memref<96x128xf32, #tpu.memory_space<vmem>>, vector<1x16xf32>,
        %get3A_505 = vector.shape_cast %get3A_504 : vector<1x16xf32> to vector<16xf32>
        %get3A_506 = arith.index_cast %add3A_426 : i32 to index
        %get3A_507 = arith.constant 80 : index
        %get3A_508 = tpu.vector_load %arg15[%get3A_506, %get3A_507] {strides = array<i32>} : memref<96x128xf32, #tpu.memory_space<vmem>>, vector<1x16xf32>,
        %get3A_509 = vector.shape_cast %get3A_508 : vector<1x16xf32> to vector<16xf32>
        %add3A_510 = arith.addf %get3A_505, %get3A_509 : vector<16xf32>
        %mul3A_511 = arith.constant 2.000000e-01 : f32
        %mul3A_512 = vector.broadcast %mul3A_511 : f32 to vector<16xf32>
        %mul3A_513 = arith.mulf %mul3A_512, %add3A_510 : vector<16xf32>
        %max3A_514 = arith.maximumf %add3A_510, %mul3A_513 : vector<16xf32>
        %mul3A_515 = arith.mulf %max3A_514, %get3A_17 : vector<16xf32>
        %add3A_516 = arith.addf %add3A_501, %mul3A_515 : vector<16xf32>
        %get3A_517 = arith.index_cast %add3A_426 : i32 to index
        %get3A_518 = arith.constant 96 : index
        %get3A_519 = tpu.vector_load %arg14[%get3A_517, %get3A_518] {strides = array<i32>} : memref<96x128xf32, #tpu.memory_space<vmem>>, vector<1x16xf32>,
        %get3A_520 = vector.shape_cast %get3A_519 : vector<1x16xf32> to vector<16xf32>
        %get3A_521 = arith.index_cast %add3A_426 : i32 to index
        %get3A_522 = arith.constant 96 : index
        %get3A_523 = tpu.vector_load %arg15[%get3A_521, %get3A_522] {strides = array<i32>} : memref<96x128xf32, #tpu.memory_space<vmem>>, vector<1x16xf32>,
        %get3A_524 = vector.shape_cast %get3A_523 : vector<1x16xf32> to vector<16xf32>
        %add3A_525 = arith.addf %get3A_520, %get3A_524 : vector<16xf32>
        %mul3A_526 = arith.constant 2.000000e-01 : f32
        %mul3A_527 = vector.broadcast %mul3A_526 : f32 to vector<16xf32>
        %mul3A_528 = arith.mulf %mul3A_527, %add3A_525 : vector<16xf32>
        %max3A_529 = arith.maximumf %add3A_525, %mul3A_528 : vector<16xf32>
        %mul3A_530 = arith.mulf %max3A_529, %get3A_20 : vector<16xf32>
        %add3A_531 = arith.addf %add3A_516, %mul3A_530 : vector<16xf32>
        %get3A_532 = arith.index_cast %add3A_426 : i32 to index
        %get3A_533 = arith.constant 112 : index
        %get3A_534 = tpu.vector_load %arg14[%get3A_532, %get3A_533] {strides = array<i32>} : memref<96x128xf32, #tpu.memory_space<vmem>>, vector<1x16xf32>,
        %get3A_535 = vector.shape_cast %get3A_534 : vector<1x16xf32> to vector<16xf32>
        %get3A_536 = arith.index_cast %add3A_426 : i32 to index
        %get3A_537 = arith.constant 112 : index
        %get3A_538 = tpu.vector_load %arg15[%get3A_536, %get3A_537] {strides = array<i32>} : memref<96x128xf32, #tpu.memory_space<vmem>>, vector<1x16xf32>,
        %get3A_539 = vector.shape_cast %get3A_538 : vector<1x16xf32> to vector<16xf32>
        %add3A_540 = arith.addf %get3A_535, %get3A_539 : vector<16xf32>
        %mul3A_541 = arith.constant 2.000000e-01 : f32
        %mul3A_542 = vector.broadcast %mul3A_541 : f32 to vector<16xf32>
        %mul3A_543 = arith.mulf %mul3A_542, %add3A_540 : vector<16xf32>
        %max3A_544 = arith.maximumf %add3A_540, %mul3A_543 : vector<16xf32>
        %mul3A_545 = arith.mulf %max3A_544, %get3A_23 : vector<16xf32>
        %add3A_546 = arith.addf %add3A_531, %mul3A_545 : vector<16xf32>
        %slice3A = vector.extract_strided_slice %add3A_546 {offsets = [0], sizes = [1], strides = [1]} : vector<16xf32> to vector<1xf32>
        %squeeze3A = vector.extract %slice3A[0] : f32 from vector<1xf32>
        %slice3A_547 = vector.extract_strided_slice %add3A_546 {offsets = [1], sizes = [1], strides = [1]} : vector<16xf32> to vector<1xf32>
        %squeeze3A_548 = vector.extract %slice3A_547[0] : f32 from vector<1xf32>
        %add3A_549 = arith.addf %squeeze3A, %squeeze3A_548 : f32
        %slice3A_550 = vector.extract_strided_slice %add3A_546 {offsets = [2], sizes = [1], strides = [1]} : vector<16xf32> to vector<1xf32>
        %squeeze3A_551 = vector.extract %slice3A_550[0] : f32 from vector<1xf32>
        %add3A_552 = arith.addf %add3A_549, %squeeze3A_551 : f32
        %slice3A_553 = vector.extract_strided_slice %add3A_546 {offsets = [3], sizes = [1], strides = [1]} : vector<16xf32> to vector<1xf32>
        %squeeze3A_554 = vector.extract %slice3A_553[0] : f32 from vector<1xf32>
        %add3A_555 = arith.addf %add3A_552, %squeeze3A_554 : f32
        %slice3A_556 = vector.extract_strided_slice %add3A_546 {offsets = [4], sizes = [1], strides = [1]} : vector<16xf32> to vector<1xf32>
        %squeeze3A_557 = vector.extract %slice3A_556[0] : f32 from vector<1xf32>
        %add3A_558 = arith.addf %add3A_555, %squeeze3A_557 : f32
        %slice3A_559 = vector.extract_strided_slice %add3A_546 {offsets = [5], sizes = [1], strides = [1]} : vector<16xf32> to vector<1xf32>
        %squeeze3A_560 = vector.extract %slice3A_559[0] : f32 from vector<1xf32>
        %add3A_561 = arith.addf %add3A_558, %squeeze3A_560 : f32
        %slice3A_562 = vector.extract_strided_slice %add3A_546 {offsets = [6], sizes = [1], strides = [1]} : vector<16xf32> to vector<1xf32>
        %squeeze3A_563 = vector.extract %slice3A_562[0] : f32 from vector<1xf32>
        %add3A_564 = arith.addf %add3A_561, %squeeze3A_563 : f32
        %slice3A_565 = vector.extract_strided_slice %add3A_546 {offsets = [7], sizes = [1], strides = [1]} : vector<16xf32> to vector<1xf32>
        %squeeze3A_566 = vector.extract %slice3A_565[0] : f32 from vector<1xf32>
        %add3A_567 = arith.addf %add3A_564, %squeeze3A_566 : f32
        %slice3A_568 = vector.extract_strided_slice %add3A_546 {offsets = [8], sizes = [1], strides = [1]} : vector<16xf32> to vector<1xf32>
        %squeeze3A_569 = vector.extract %slice3A_568[0] : f32 from vector<1xf32>
        %add3A_570 = arith.addf %add3A_567, %squeeze3A_569 : f32
        %slice3A_571 = vector.extract_strided_slice %add3A_546 {offsets = [9], sizes = [1], strides = [1]} : vector<16xf32> to vector<1xf32>
        %squeeze3A_572 = vector.extract %slice3A_571[0] : f32 from vector<1xf32>
        %add3A_573 = arith.addf %add3A_570, %squeeze3A_572 : f32
        %slice3A_574 = vector.extract_strided_slice %add3A_546 {offsets = [10], sizes = [1], strides = [1]} : vector<16xf32> to vector<1xf32>
        %squeeze3A_575 = vector.extract %slice3A_574[0] : f32 from vector<1xf32>
        %add3A_576 = arith.addf %add3A_573, %squeeze3A_575 : f32
        %slice3A_577 = vector.extract_strided_slice %add3A_546 {offsets = [11], sizes = [1], strides = [1]} : vector<16xf32> to vector<1xf32>
        %squeeze3A_578 = vector.extract %slice3A_577[0] : f32 from vector<1xf32>
        %add3A_579 = arith.addf %add3A_576, %squeeze3A_578 : f32
        %slice3A_580 = vector.extract_strided_slice %add3A_546 {offsets = [12], sizes = [1], strides = [1]} : vector<16xf32> to vector<1xf32>
        %squeeze3A_581 = vector.extract %slice3A_580[0] : f32 from vector<1xf32>
        %add3A_582 = arith.addf %add3A_579, %squeeze3A_581 : f32
        %slice3A_583 = vector.extract_strided_slice %add3A_546 {offsets = [13], sizes = [1], strides = [1]} : vector<16xf32> to vector<1xf32>
        %squeeze3A_584 = vector.extract %slice3A_583[0] : f32 from vector<1xf32>
        %add3A_585 = arith.addf %add3A_582, %squeeze3A_584 : f32
        %slice3A_586 = vector.extract_strided_slice %add3A_546 {offsets = [14], sizes = [1], strides = [1]} : vector<16xf32> to vector<1xf32>
        %squeeze3A_587 = vector.extract %slice3A_586[0] : f32 from vector<1xf32>
        %add3A_588 = arith.addf %add3A_585, %squeeze3A_587 : f32
        %slice3A_589 = vector.extract_strided_slice %add3A_546 {offsets = [15], sizes = [1], strides = [1]} : vector<16xf32> to vector<1xf32>
        %squeeze3A_590 = vector.extract %slice3A_589[0] : f32 from vector<1xf32>
        %add3A_591 = arith.addf %add3A_588, %squeeze3A_590 : f32
        %broadcast_in_dim3A_592 = vector.broadcast %add3A_591 : f32 to vector<16xf32>
        %exp3A = math.exp %broadcast_in_dim3A_592 : vector<16xf32>
        %mul3A_593 = arith.mulf %get3A_431, %exp3A : vector<16xf32>
        %swap3A_594 = arith.index_cast %add3A_426 : i32 to index
        %swap3A_595 = arith.constant 0 : index
        %swap3A_596 = tpu.vector_load %arg16[%swap3A_594, %swap3A_595] {strides = array<i32>} : memref<96x128xf32, #tpu.memory_space<vmem>>, vector<1x16xf32>,
        %swap3A_597 = vector.shape_cast %swap3A_596 : vector<1x16xf32> to vector<16xf32>
        %swap3A_598 = vector.shape_cast %mul3A_593 : vector<16xf32> to vector<1x16xf32>
        tpu.vector_store %arg16[%swap3A_594, %swap3A_595], %swap3A_598 {strides = array<i32>} : memref<96x128xf32, #tpu.memory_space<vmem>>, vector<1x16xf32>,
        %mul3A_599 = arith.mulf %get3A_445, %exp3A : vector<16xf32>
        %swap3A_600 = arith.index_cast %add3A_426 : i32 to index
        %swap3A_601 = arith.constant 16 : index
        %swap3A_602 = tpu.vector_load %arg16[%swap3A_600, %swap3A_601] {strides = array<i32>} : memref<96x128xf32, #tpu.memory_space<vmem>>, vector<1x16xf32>,
        %swap3A_603 = vector.shape_cast %swap3A_602 : vector<1x16xf32> to vector<16xf32>
        %swap3A_604 = vector.shape_cast %mul3A_599 : vector<16xf32> to vector<1x16xf32>
        tpu.vector_store %arg16[%swap3A_600, %swap3A_601], %swap3A_604 {strides = array<i32>} : memref<96x128xf32, #tpu.memory_space<vmem>>, vector<1x16xf32>,
        %mul3A_605 = arith.mulf %get3A_460, %exp3A : vector<16xf32>
        %swap3A_606 = arith.index_cast %add3A_426 : i32 to index
        %swap3A_607 = arith.constant 32 : index
        %swap3A_608 = tpu.vector_load %arg16[%swap3A_606, %swap3A_607] {strides = array<i32>} : memref<96x128xf32, #tpu.memory_space<vmem>>, vector<1x16xf32>,
        %swap3A_609 = vector.shape_cast %swap3A_608 : vector<1x16xf32> to vector<16xf32>
        %swap3A_610 = vector.shape_cast %mul3A_605 : vector<16xf32> to vector<1x16xf32>
        tpu.vector_store %arg16[%swap3A_606, %swap3A_607], %swap3A_610 {strides = array<i32>} : memref<96x128xf32, #tpu.memory_space<vmem>>, vector<1x16xf32>,
        %mul3A_611 = arith.mulf %get3A_475, %exp3A : vector<16xf32>
        %swap3A_612 = arith.index_cast %add3A_426 : i32 to index
        %swap3A_613 = arith.constant 48 : index
        %swap3A_614 = tpu.vector_load %arg16[%swap3A_612, %swap3A_613] {strides = array<i32>} : memref<96x128xf32, #tpu.memory_space<vmem>>, vector<1x16xf32>,
        %swap3A_615 = vector.shape_cast %swap3A_614 : vector<1x16xf32> to vector<16xf32>
        %swap3A_616 = vector.shape_cast %mul3A_611 : vector<16xf32> to vector<1x16xf32>
        tpu.vector_store %arg16[%swap3A_612, %swap3A_613], %swap3A_616 {strides = array<i32>} : memref<96x128xf32, #tpu.memory_space<vmem>>, vector<1x16xf32>,
        %mul3A_617 = arith.mulf %get3A_490, %exp3A : vector<16xf32>
        %swap3A_618 = arith.index_cast %add3A_426 : i32 to index
        %swap3A_619 = arith.constant 64 : index
        %swap3A_620 = tpu.vector_load %arg16[%swap3A_618, %swap3A_619] {strides = array<i32>} : memref<96x128xf32, #tpu.memory_space<vmem>>, vector<1x16xf32>,
        %swap3A_621 = vector.shape_cast %swap3A_620 : vector<1x16xf32> to vector<16xf32>
        %swap3A_622 = vector.shape_cast %mul3A_617 : vector<16xf32> to vector<1x16xf32>
        tpu.vector_store %arg16[%swap3A_618, %swap3A_619], %swap3A_622 {strides = array<i32>} : memref<96x128xf32, #tpu.memory_space<vmem>>, vector<1x16xf32>,
        %mul3A_623 = arith.mulf %get3A_505, %exp3A : vector<16xf32>
        %swap3A_624 = arith.index_cast %add3A_426 : i32 to index
        %swap3A_625 = arith.constant 80 : index
        %swap3A_626 = tpu.vector_load %arg16[%swap3A_624, %swap3A_625] {strides = array<i32>} : memref<96x128xf32, #tpu.memory_space<vmem>>, vector<1x16xf32>,
        %swap3A_627 = vector.shape_cast %swap3A_626 : vector<1x16xf32> to vector<16xf32>
        %swap3A_628 = vector.shape_cast %mul3A_623 : vector<16xf32> to vector<1x16xf32>
        tpu.vector_store %arg16[%swap3A_624, %swap3A_625], %swap3A_628 {strides = array<i32>} : memref<96x128xf32, #tpu.memory_space<vmem>>, vector<1x16xf32>,
        %mul3A_629 = arith.mulf %get3A_520, %exp3A : vector<16xf32>
        %swap3A_630 = arith.index_cast %add3A_426 : i32 to index
        %swap3A_631 = arith.constant 96 : index
        %swap3A_632 = tpu.vector_load %arg16[%swap3A_630, %swap3A_631] {strides = array<i32>} : memref<96x128xf32, #tpu.memory_space<vmem>>, vector<1x16xf32>,
        %swap3A_633 = vector.shape_cast %swap3A_632 : vector<1x16xf32> to vector<16xf32>
        %swap3A_634 = vector.shape_cast %mul3A_629 : vector<16xf32> to vector<1x16xf32>
        tpu.vector_store %arg16[%swap3A_630, %swap3A_631], %swap3A_634 {strides = array<i32>} : memref<96x128xf32, #tpu.memory_space<vmem>>, vector<1x16xf32>,
        %mul3A_635 = arith.mulf %get3A_535, %exp3A : vector<16xf32>
        %swap3A_636 = arith.index_cast %add3A_426 : i32 to index
        %swap3A_637 = arith.constant 112 : index
        %swap3A_638 = tpu.vector_load %arg16[%swap3A_636, %swap3A_637] {strides = array<i32>} : memref<96x128xf32, #tpu.memory_space<vmem>>, vector<1x16xf32>,
        %swap3A_639 = vector.shape_cast %swap3A_638 : vector<1x16xf32> to vector<16xf32>
        %swap3A_640 = vector.shape_cast %mul3A_635 : vector<16xf32> to vector<1x16xf32>
        tpu.vector_store %arg16[%swap3A_636, %swap3A_637], %swap3A_640 {strides = array<i32>} : memref<96x128xf32, #tpu.memory_space<vmem>>, vector<1x16xf32>,
        %get3A_641 = arith.index_cast %add3A_426 : i32 to index
        %get3A_642 = tpu.vector_load %arg13[%get3A_641] {strides = array<i32>} : memref<112xi32, #tpu.memory_space<vmem>>, vector<16xi32>,
        %get3A_643 = vector.shape_cast %get3A_642 : vector<16xi32> to vector<16xi32>
        %slice3A_644 = vector.extract_strided_slice %get3A_643 {offsets = [0], sizes = [1], strides = [1]} : vector<16xi32> to vector<1xi32>
        %squeeze3A_645 = vector.extract %slice3A_644[0] : i32 from vector<1xi32>
        %jit3A = arith.constant 16 : i32
        %div3A = arith.divsi %squeeze3A_645, %jit3A : i32
        %sign3A = arith.constant 0 : i32
        %sign3A_646 = arith.cmpi sgt, %squeeze3A_645, %sign3A : i32
        %sign3A_647 = arith.extui %sign3A_646 : i1 to i32
        %sign3A_648 = arith.constant 0 : i32
        %sign3A_649 = arith.cmpi slt, %squeeze3A_645, %sign3A_648 : i32
        %sign3A_650 = arith.extui %sign3A_649 : i1 to i32
        %sign3A_651 = arith.subi %sign3A_647, %sign3A_650 : i32
        %sign3A_652 = arith.constant 0 : i32
        %sign3A_653 = arith.cmpi sgt, %jit3A, %sign3A_652 : i32
        %sign3A_654 = arith.extui %sign3A_653 : i1 to i32
        %sign3A_655 = arith.constant 0 : i32
        %sign3A_656 = arith.cmpi slt, %jit3A, %sign3A_655 : i32
        %sign3A_657 = arith.extui %sign3A_656 : i1 to i32
        %sign3A_658 = arith.subi %sign3A_654, %sign3A_657 : i32
        %ne3A = arith.cmpi ne, %sign3A_651, %sign3A_658 : i32
        %rem3A = arith.remsi %squeeze3A_645, %jit3A : i32
        %ne3A_659 = arith.constant 0 : i32
        %ne3A_660 = arith.cmpi ne, %rem3A, %ne3A_659 : i32
        %and3A = arith.andi %ne3A, %ne3A_660 : i1
        %sub3A_661 = arith.constant 1 : i32
        %sub3A_662 = arith.subi %div3A, %sub3A_661 : i32
        %select_n3A = arith.select %and3A, %sub3A_662, %div3A : i32
        %mul3A_663 = arith.constant 16 : i32
        %mul3A_664 = arith.muli %select_n3A, %mul3A_663 : i32
        %sub3A_665 = arith.subi %squeeze3A_645, %mul3A_664 : i32
        %get3A_666 = arith.index_cast %mul3A_664 : i32 to index
        %get3A_667 = tpu.vector_load %arg17[%get3A_666] {strides = array<i32>} : memref<10112xf32, #tpu.memory_space<vmem>>, vector<16xf32>,
        %get3A_668 = vector.shape_cast %get3A_667 : vector<16xf32> to vector<16xf32>
        %eq3A = vector.broadcast %sub3A_665 : i32 to vector<16xi32>
        %eq3A_669 = arith.cmpi eq, %iota3A, %eq3A : vector<16xi32>
        %jit3A_670 = arith.constant 0.000000e+00 : f32
        %broadcast_in_dim3A_671 = vector.broadcast %jit3A_670 : f32 to vector<16xf32>
        %select_n3A_672 = arith.select %eq3A_669, %exp3A, %broadcast_in_dim3A_671 : vector<16xi1>, vector<16xf32>
        %add3A_673 = arith.addf %get3A_668, %select_n3A_672 : vector<16xf32>
        %swap3A_674 = arith.index_cast %mul3A_664 : i32 to index
        %swap3A_675 = tpu.vector_load %arg17[%swap3A_674] {strides = array<i32>} : memref<10112xf32, #tpu.memory_space<vmem>>, vector<16xf32>,
        %swap3A_676 = vector.shape_cast %swap3A_675 : vector<16xf32> to vector<16xf32>
        %swap3A_677 = vector.shape_cast %add3A_673 : vector<16xf32> to vector<16xf32>
        tpu.vector_store %arg17[%swap3A_674], %swap3A_677 {strides = array<i32>} : memref<10112xf32, #tpu.memory_space<vmem>>, vector<16xf32>,
      }
      %scan3A_293 = arith.constant 48 : i32
      %dma_start3A_294 = arith.constant 0 : i32
      %dma_start3A_295 = arith.constant 0 : i32
      %dma_start3A_296 = tpu.memref_slice %arg16[%dma_start3A_294, %dma_start3A_295] : memref<96x128xf32, #tpu.memory_space<vmem>> -> memref<48x128xf32, #tpu.memory_space<vmem>>
      %dma_start3A_297 = arith.constant 0 : i32
      %dma_start3A_298 = arith.constant 0 : i32
      %dma_start3A_299 = tpu.memref_slice %arg19[%dma_start3A_297, %dma_start3A_298] : memref<10112x128xf32, #tpu.memory_space<vmem_shared>> -> memref<10112x128xf32, #tpu.memory_space<vmem_shared>>
      tpu.enqueue_indirect_dma source(%dma_start3A_296 : memref<48x128xf32, #tpu.memory_space<vmem>>) target(%dma_start3A_299 : memref<10112x128xf32, #tpu.memory_space<vmem_shared>>) offsets(%arg11 : memref<48xi32, #tpu.memory_space<vmem>>) semaphore(%arg24 : memref<!tpu.dma_semaphore, #tpu.memory_space<semaphore_mem>>) {add = true}
      %mul3A_300 = arith.constant 2 : i32
      %mul3A_301 = arith.muli %mul3A_300, %scan3A_179 : i32
      %add3A_302 = arith.constant 1 : i32
      %add3A_303 = arith.addi %mul3A_301, %add3A_302 : i32
      %ge3A_304 = arith.constant 2 : i32
      %ge3A_305 = arith.cmpi sge, %add3A_303, %ge3A_304 : i32
      %convert_element_type3A_306 = arith.extui %ge3A_305 : i1 to i32
      %cond3A_307 = arith.constant 0 : i32
      %cond3A_308 = arith.cmpi ne, %convert_element_type3A_306, %cond3A_307 : i32
      scf.if %cond3A_308 {
        %dma_wait3A_424 = arith.constant 48 : i32
        %dma_wait3A_425 = arith.constant 0 : i32
        %dma_wait3A_426 = tpu.memref_slice %arg16[%dma_wait3A_424, %dma_wait3A_425] : memref<96x128xf32, #tpu.memory_space<vmem>> -> memref<48x128xf32, #tpu.memory_space<vmem>>
        %dma_wait3A_427 = arith.constant 0 : i32
        %dma_wait3A_428 = arith.constant 0 : i32
        %dma_wait3A_429 = tpu.memref_slice %arg19[%dma_wait3A_427, %dma_wait3A_428] : memref<10112x128xf32, #tpu.memory_space<vmem_shared>> -> memref<10112x128xf32, #tpu.memory_space<vmem_shared>>
        tpu.wait_indirect_dma semaphore(%arg25 : memref<!tpu.dma_semaphore, #tpu.memory_space<semaphore_mem>>) src(%dma_wait3A_426 : memref<48x128xf32, #tpu.memory_space<vmem>>) dst(%dma_wait3A_429 : memref<10112x128xf32, #tpu.memory_space<vmem_shared>>)
      } else {
      }
      %add3A_309 = arith.constant 1 : i32
      %add3A_310 = arith.addi %add3A_303, %add3A_309 : i32
      %mul3A_311 = arith.constant 10368 : i32
      %mul3A_312 = arith.muli %add3A, %mul3A_311 : i32
      %mul3A_313 = arith.constant 48 : i32
      %mul3A_314 = arith.muli %add3A_310, %mul3A_313 : i32
      %add3A_315 = arith.addi %mul3A_312, %mul3A_314 : i32
      %dma_wait3A_316 = arith.constant 0 : i32
      %dma_wait3A_317 = tpu.memref_slice %arg9[%dma_wait3A_316] : memref<96xi32, #tpu.memory_space<vmem>> -> memref<48xi32, #tpu.memory_space<vmem>>
      %dma_wait3A_318 = tpu.memref_slice %arg4[%add3A_315] : memref<335872xi32, #tpu.memory_space<hbm>> -> memref<48xi32, #tpu.memory_space<hbm>>
      %dma_wait3A_319 = arith.constant 0 : i32
      %dma_wait3A_320 = tpu.memref_slice %arg9[%dma_wait3A_319] : memref<96xi32, #tpu.memory_space<vmem>> -> memref<48xi32, #tpu.memory_space<vmem>>
      %dma_wait3A_321 = tpu.memref_slice %arg4[%add3A_315] : memref<335872xi32, #tpu.memory_space<hbm>> -> memref<48xi32, #tpu.memory_space<hbm>>
      tpu.wait_dma2 semaphore(%arg20 : memref<!tpu.dma_semaphore, #tpu.memory_space<semaphore_mem>>) src(%dma_wait3A_321 : memref<48xi32, #tpu.memory_space<hbm>>) dst(%dma_wait3A_320 : memref<48xi32, #tpu.memory_space<vmem>>)
      %dma_wait3A_322 = arith.constant 0 : i32
      %dma_wait3A_323 = tpu.memref_slice %arg10[%dma_wait3A_322] : memref<96xi32, #tpu.memory_space<vmem>> -> memref<48xi32, #tpu.memory_space<vmem>>
      %dma_wait3A_324 = tpu.memref_slice %arg5[%add3A_315] : memref<335872xi32, #tpu.memory_space<hbm>> -> memref<48xi32, #tpu.memory_space<hbm>>
      %dma_wait3A_325 = arith.constant 0 : i32
      %dma_wait3A_326 = tpu.memref_slice %arg10[%dma_wait3A_325] : memref<96xi32, #tpu.memory_space<vmem>> -> memref<48xi32, #tpu.memory_space<vmem>>
      %dma_wait3A_327 = tpu.memref_slice %arg5[%add3A_315] : memref<335872xi32, #tpu.memory_space<hbm>> -> memref<48xi32, #tpu.memory_space<hbm>>
      tpu.wait_dma2 semaphore(%arg20 : memref<!tpu.dma_semaphore, #tpu.memory_space<semaphore_mem>>) src(%dma_wait3A_327 : memref<48xi32, #tpu.memory_space<hbm>>) dst(%dma_wait3A_326 : memref<48xi32, #tpu.memory_space<vmem>>)
      %dma_start3A_328 = arith.constant 0 : i32
      %dma_start3A_329 = arith.constant 0 : i32
      %dma_start3A_330 = tpu.memref_slice %arg14[%dma_start3A_328, %dma_start3A_329] : memref<96x128xf32, #tpu.memory_space<vmem>> -> memref<48x128xf32, #tpu.memory_space<vmem>>
      %dma_start3A_331 = arith.constant 0 : i32
      %dma_start3A_332 = tpu.memref_slice %arg9[%dma_start3A_331] : memref<96xi32, #tpu.memory_space<vmem>> -> memref<48xi32, #tpu.memory_space<vmem>>
      %dma_start3A_333 = arith.constant 0 : i32
      %dma_start3A_334 = arith.constant 0 : i32
      %dma_start3A_335 = tpu.memref_slice %arg2[%dma_start3A_333, %dma_start3A_334] : memref<10240x128xf32, #tpu.memory_space<hbm>> -> memref<10240x128xf32, #tpu.memory_space<hbm>>
      tpu.enqueue_indirect_dma source(%dma_start3A_335 : memref<10240x128xf32, #tpu.memory_space<hbm>>) target(%dma_start3A_330 : memref<48x128xf32, #tpu.memory_space<vmem>>) offsets(%dma_start3A_332 : memref<48xi32, #tpu.memory_space<vmem>>) semaphore(%arg22 : memref<!tpu.dma_semaphore, #tpu.memory_space<semaphore_mem>>)
      %dma_start3A_336 = arith.constant 0 : i32
      %dma_start3A_337 = arith.constant 0 : i32
      %dma_start3A_338 = tpu.memref_slice %arg15[%dma_start3A_336, %dma_start3A_337] : memref<96x128xf32, #tpu.memory_space<vmem>> -> memref<48x128xf32, #tpu.memory_space<vmem>>
      %dma_start3A_339 = arith.constant 0 : i32
      %dma_start3A_340 = tpu.memref_slice %arg10[%dma_start3A_339] : memref<96xi32, #tpu.memory_space<vmem>> -> memref<48xi32, #tpu.memory_space<vmem>>
      %dma_start3A_341 = arith.constant 0 : i32
      %dma_start3A_342 = arith.constant 0 : i32
      %dma_start3A_343 = tpu.memref_slice %arg3[%dma_start3A_341, %dma_start3A_342] : memref<10240x128xf32, #tpu.memory_space<hbm>> -> memref<10240x128xf32, #tpu.memory_space<hbm>>
      tpu.enqueue_indirect_dma source(%dma_start3A_343 : memref<10240x128xf32, #tpu.memory_space<hbm>>) target(%dma_start3A_338 : memref<48x128xf32, #tpu.memory_space<vmem>>) offsets(%dma_start3A_340 : memref<48xi32, #tpu.memory_space<vmem>>) semaphore(%arg22 : memref<!tpu.dma_semaphore, #tpu.memory_space<semaphore_mem>>)
      %dma_wait3A_344 = arith.constant 48 : i32
      %dma_wait3A_345 = arith.constant 0 : i32
      %dma_wait3A_346 = tpu.memref_slice %arg14[%dma_wait3A_344, %dma_wait3A_345] : memref<96x128xf32, #tpu.memory_space<vmem>> -> memref<48x128xf32, #tpu.memory_space<vmem>>
      %dma_wait3A_347 = arith.constant 48 : i32
      %dma_wait3A_348 = tpu.memref_slice %arg9[%dma_wait3A_347] : memref<96xi32, #tpu.memory_space<vmem>> -> memref<48xi32, #tpu.memory_space<vmem>>
      %dma_wait3A_349 = arith.constant 0 : i32
      %dma_wait3A_350 = arith.constant 0 : i32
      %dma_wait3A_351 = tpu.memref_slice %arg2[%dma_wait3A_349, %dma_wait3A_350] : memref<10240x128xf32, #tpu.memory_space<hbm>> -> memref<10240x128xf32, #tpu.memory_space<hbm>>
      tpu.wait_indirect_dma semaphore(%arg23 : memref<!tpu.dma_semaphore, #tpu.memory_space<semaphore_mem>>) src(%dma_wait3A_351 : memref<10240x128xf32, #tpu.memory_space<hbm>>) dst(%dma_wait3A_346 : memref<48x128xf32, #tpu.memory_space<vmem>>)
      %dma_wait3A_352 = arith.constant 48 : i32
      %dma_wait3A_353 = arith.constant 0 : i32
      %dma_wait3A_354 = tpu.memref_slice %arg15[%dma_wait3A_352, %dma_wait3A_353] : memref<96x128xf32, #tpu.memory_space<vmem>> -> memref<48x128xf32, #tpu.memory_space<vmem>>
      %dma_wait3A_355 = arith.constant 48 : i32
      %dma_wait3A_356 = tpu.memref_slice %arg10[%dma_wait3A_355] : memref<96xi32, #tpu.memory_space<vmem>> -> memref<48xi32, #tpu.memory_space<vmem>>
      %dma_wait3A_357 = arith.constant 0 : i32
      %dma_wait3A_358 = arith.constant 0 : i32
      %dma_wait3A_359 = tpu.memref_slice %arg3[%dma_wait3A_357, %dma_wait3A_358] : memref<10240x128xf32, #tpu.memory_space<hbm>> -> memref<10240x128xf32, #tpu.memory_space<hbm>>
      tpu.wait_indirect_dma semaphore(%arg23 : memref<!tpu.dma_semaphore, #tpu.memory_space<semaphore_mem>>) src(%dma_wait3A_359 : memref<10240x128xf32, #tpu.memory_space<hbm>>) dst(%dma_wait3A_354 : memref<48x128xf32, #tpu.memory_space<vmem>>)
      %get3A_360 = arith.constant 48 : index
      %get3A_361 = tpu.vector_load %arg10[%get3A_360] {strides = array<i32>} : memref<96xi32, #tpu.memory_space<vmem>>, vector<16xi32>,
      %get3A_362 = vector.shape_cast %get3A_361 : vector<16xi32> to vector<16xi32>
      %swap3A_363 = arith.constant 0 : index
      %swap3A_364 = tpu.vector_load %arg12[%swap3A_363] {strides = array<i32>} : memref<48xi32, #tpu.memory_space<vmem>>, vector<16xi32>,
      %swap3A_365 = vector.shape_cast %swap3A_364 : vector<16xi32> to vector<16xi32>
      %swap3A_366 = vector.shape_cast %get3A_362 : vector<16xi32> to vector<16xi32>
      tpu.vector_store %arg12[%swap3A_363], %swap3A_366 {strides = array<i32>} : memref<48xi32, #tpu.memory_space<vmem>>, vector<16xi32>,
      %swap3A_367 = arith.constant 48 : index
      %swap3A_368 = tpu.vector_load %arg13[%swap3A_367] {strides = array<i32>} : memref<112xi32, #tpu.memory_space<vmem>>, vector<16xi32>,
      %swap3A_369 = vector.shape_cast %swap3A_368 : vector<16xi32> to vector<16xi32>
      %swap3A_370 = vector.shape_cast %get3A_362 : vector<16xi32> to vector<16xi32>
      tpu.vector_store %arg13[%swap3A_367], %swap3A_370 {strides = array<i32>} : memref<112xi32, #tpu.memory_space<vmem>>, vector<16xi32>,
      %get3A_371 = arith.constant 64 : index
      %get3A_372 = tpu.vector_load %arg10[%get3A_371] {strides = array<i32>} : memref<96xi32, #tpu.memory_space<vmem>>, vector<16xi32>,
      %get3A_373 = vector.shape_cast %get3A_372 : vector<16xi32> to vector<16xi32>
      %swap3A_374 = arith.constant 16 : index
      %swap3A_375 = tpu.vector_load %arg12[%swap3A_374] {strides = array<i32>} : memref<48xi32, #tpu.memory_space<vmem>>, vector<16xi32>,
      %swap3A_376 = vector.shape_cast %swap3A_375 : vector<16xi32> to vector<16xi32>
      %swap3A_377 = vector.shape_cast %get3A_373 : vector<16xi32> to vector<16xi32>
      tpu.vector_store %arg12[%swap3A_374], %swap3A_377 {strides = array<i32>} : memref<48xi32, #tpu.memory_space<vmem>>, vector<16xi32>,
      %swap3A_378 = arith.constant 64 : index
      %swap3A_379 = tpu.vector_load %arg13[%swap3A_378] {strides = array<i32>} : memref<112xi32, #tpu.memory_space<vmem>>, vector<16xi32>,
      %swap3A_380 = vector.shape_cast %swap3A_379 : vector<16xi32> to vector<16xi32>
      %swap3A_381 = vector.shape_cast %get3A_373 : vector<16xi32> to vector<16xi32>
      tpu.vector_store %arg13[%swap3A_378], %swap3A_381 {strides = array<i32>} : memref<112xi32, #tpu.memory_space<vmem>>, vector<16xi32>,
      %get3A_382 = arith.constant 80 : index
      %get3A_383 = tpu.vector_load %arg10[%get3A_382] {strides = array<i32>} : memref<96xi32, #tpu.memory_space<vmem>>, vector<16xi32>,
      %get3A_384 = vector.shape_cast %get3A_383 : vector<16xi32> to vector<16xi32>
      %swap3A_385 = arith.constant 32 : index
      %swap3A_386 = tpu.vector_load %arg12[%swap3A_385] {strides = array<i32>} : memref<48xi32, #tpu.memory_space<vmem>>, vector<16xi32>,
      %swap3A_387 = vector.shape_cast %swap3A_386 : vector<16xi32> to vector<16xi32>
      %swap3A_388 = vector.shape_cast %get3A_384 : vector<16xi32> to vector<16xi32>
      tpu.vector_store %arg12[%swap3A_385], %swap3A_388 {strides = array<i32>} : memref<48xi32, #tpu.memory_space<vmem>>, vector<16xi32>,
      %swap3A_389 = arith.constant 80 : index
      %swap3A_390 = tpu.vector_load %arg13[%swap3A_389] {strides = array<i32>} : memref<112xi32, #tpu.memory_space<vmem>>, vector<16xi32>,
      %swap3A_391 = vector.shape_cast %swap3A_390 : vector<16xi32> to vector<16xi32>
      %swap3A_392 = vector.shape_cast %get3A_384 : vector<16xi32> to vector<16xi32>
      tpu.vector_store %arg13[%swap3A_389], %swap3A_392 {strides = array<i32>} : memref<112xi32, #tpu.memory_space<vmem>>, vector<16xi32>,
      %add3A_393 = arith.constant 2 : i32
      %add3A_394 = arith.addi %add3A_303, %add3A_393 : i32
      %mul3A_395 = arith.constant 10368 : i32
      %mul3A_396 = arith.muli %add3A, %mul3A_395 : i32
      %mul3A_397 = arith.constant 48 : i32
      %mul3A_398 = arith.muli %add3A_394, %mul3A_397 : i32
      %add3A_399 = arith.addi %mul3A_396, %mul3A_398 : i32
      %dma_start3A_400 = arith.constant 48 : i32
      %dma_start3A_401 = tpu.memref_slice %arg9[%dma_start3A_400] : memref<96xi32, #tpu.memory_space<vmem>> -> memref<48xi32, #tpu.memory_space<vmem>>
      %dma_start3A_402 = tpu.memref_slice %arg4[%add3A_399] : memref<335872xi32, #tpu.memory_space<hbm>> -> memref<48xi32, #tpu.memory_space<hbm>>
      %dma_start3A_403 = arith.constant 48 : i32
      %dma_start3A_404 = tpu.memref_slice %arg9[%dma_start3A_403] : memref<96xi32, #tpu.memory_space<vmem>> -> memref<48xi32, #tpu.memory_space<vmem>>
      %dma_start3A_405 = tpu.memref_slice %arg4[%add3A_399] : memref<335872xi32, #tpu.memory_space<hbm>> -> memref<48xi32, #tpu.memory_space<hbm>>
      tpu.enqueue_dma source(%dma_start3A_405 : memref<48xi32, #tpu.memory_space<hbm>>) target(%dma_start3A_404 : memref<48xi32, #tpu.memory_space<vmem>>) target_semaphore(%arg21 : memref<!tpu.dma_semaphore, #tpu.memory_space<semaphore_mem>>)
      %dma_start3A_406 = arith.constant 48 : i32
      %dma_start3A_407 = tpu.memref_slice %arg10[%dma_start3A_406] : memref<96xi32, #tpu.memory_space<vmem>> -> memref<48xi32, #tpu.memory_space<vmem>>
      %dma_start3A_408 = tpu.memref_slice %arg5[%add3A_399] : memref<335872xi32, #tpu.memory_space<hbm>> -> memref<48xi32, #tpu.memory_space<hbm>>
      %dma_start3A_409 = arith.constant 48 : i32
      %dma_start3A_410 = tpu.memref_slice %arg10[%dma_start3A_409] : memref<96xi32, #tpu.memory_space<vmem>> -> memref<48xi32, #tpu.memory_space<vmem>>
      %dma_start3A_411 = tpu.memref_slice %arg5[%add3A_399] : memref<335872xi32, #tpu.memory_space<hbm>> -> memref<48xi32, #tpu.memory_space<hbm>>
      tpu.enqueue_dma source(%dma_start3A_411 : memref<48xi32, #tpu.memory_space<hbm>>) target(%dma_start3A_410 : memref<48xi32, #tpu.memory_space<vmem>>) target_semaphore(%arg21 : memref<!tpu.dma_semaphore, #tpu.memory_space<semaphore_mem>>)
      %scan3A_412 = arith.constant 0 : i32
      %scan3A_413 = arith.constant 0 : i32
      %scan3A_414 = arith.constant 48 : i32
      %scan3A_415 = arith.addi %scan3A_413, %scan3A_414 : i32
      %scan3A_416 = arith.constant 1 : i32
      scf.for %scan3A_424 = %scan3A_413 to %scan3A_415 step %scan3A_416  : i32 {
        %add3A_425 = arith.constant 48 : i32
        %add3A_426 = arith.addi %add3A_425, %scan3A_424 : i32
        %broadcast_in_dim3A = arith.constant 0.000000e+00 : f32
        %broadcast_in_dim3A_427 = vector.broadcast %broadcast_in_dim3A : f32 to vector<16xf32>
        %get3A_428 = arith.index_cast %add3A_426 : i32 to index
        %get3A_429 = arith.constant 0 : index
        %get3A_430 = tpu.vector_load %arg14[%get3A_428, %get3A_429] {strides = array<i32>} : memref<96x128xf32, #tpu.memory_space<vmem>>, vector<1x16xf32>,
        %get3A_431 = vector.shape_cast %get3A_430 : vector<1x16xf32> to vector<16xf32>
        %get3A_432 = arith.index_cast %add3A_426 : i32 to index
        %get3A_433 = arith.constant 0 : index
        %get3A_434 = tpu.vector_load %arg15[%get3A_432, %get3A_433] {strides = array<i32>} : memref<96x128xf32, #tpu.memory_space<vmem>>, vector<1x16xf32>,
        %get3A_435 = vector.shape_cast %get3A_434 : vector<1x16xf32> to vector<16xf32>
        %add3A_436 = arith.addf %get3A_431, %get3A_435 : vector<16xf32>
        %mul3A_437 = arith.constant 2.000000e-01 : f32
        %mul3A_438 = vector.broadcast %mul3A_437 : f32 to vector<16xf32>
        %mul3A_439 = arith.mulf %mul3A_438, %add3A_436 : vector<16xf32>
        %max3A = arith.maximumf %add3A_436, %mul3A_439 : vector<16xf32>
        %mul3A_440 = arith.mulf %max3A, %get3A_2 : vector<16xf32>
        %add3A_441 = arith.addf %broadcast_in_dim3A_427, %mul3A_440 : vector<16xf32>
        %get3A_442 = arith.index_cast %add3A_426 : i32 to index
        %get3A_443 = arith.constant 16 : index
        %get3A_444 = tpu.vector_load %arg14[%get3A_442, %get3A_443] {strides = array<i32>} : memref<96x128xf32, #tpu.memory_space<vmem>>, vector<1x16xf32>,
        %get3A_445 = vector.shape_cast %get3A_444 : vector<1x16xf32> to vector<16xf32>
        %get3A_446 = arith.index_cast %add3A_426 : i32 to index
        %get3A_447 = arith.constant 16 : index
        %get3A_448 = tpu.vector_load %arg15[%get3A_446, %get3A_447] {strides = array<i32>} : memref<96x128xf32, #tpu.memory_space<vmem>>, vector<1x16xf32>,
        %get3A_449 = vector.shape_cast %get3A_448 : vector<1x16xf32> to vector<16xf32>
        %add3A_450 = arith.addf %get3A_445, %get3A_449 : vector<16xf32>
        %mul3A_451 = arith.constant 2.000000e-01 : f32
        %mul3A_452 = vector.broadcast %mul3A_451 : f32 to vector<16xf32>
        %mul3A_453 = arith.mulf %mul3A_452, %add3A_450 : vector<16xf32>
        %max3A_454 = arith.maximumf %add3A_450, %mul3A_453 : vector<16xf32>
        %mul3A_455 = arith.mulf %max3A_454, %get3A_5 : vector<16xf32>
        %add3A_456 = arith.addf %add3A_441, %mul3A_455 : vector<16xf32>
        %get3A_457 = arith.index_cast %add3A_426 : i32 to index
        %get3A_458 = arith.constant 32 : index
        %get3A_459 = tpu.vector_load %arg14[%get3A_457, %get3A_458] {strides = array<i32>} : memref<96x128xf32, #tpu.memory_space<vmem>>, vector<1x16xf32>,
        %get3A_460 = vector.shape_cast %get3A_459 : vector<1x16xf32> to vector<16xf32>
        %get3A_461 = arith.index_cast %add3A_426 : i32 to index
        %get3A_462 = arith.constant 32 : index
        %get3A_463 = tpu.vector_load %arg15[%get3A_461, %get3A_462] {strides = array<i32>} : memref<96x128xf32, #tpu.memory_space<vmem>>, vector<1x16xf32>,
        %get3A_464 = vector.shape_cast %get3A_463 : vector<1x16xf32> to vector<16xf32>
        %add3A_465 = arith.addf %get3A_460, %get3A_464 : vector<16xf32>
        %mul3A_466 = arith.constant 2.000000e-01 : f32
        %mul3A_467 = vector.broadcast %mul3A_466 : f32 to vector<16xf32>
        %mul3A_468 = arith.mulf %mul3A_467, %add3A_465 : vector<16xf32>
        %max3A_469 = arith.maximumf %add3A_465, %mul3A_468 : vector<16xf32>
        %mul3A_470 = arith.mulf %max3A_469, %get3A_8 : vector<16xf32>
        %add3A_471 = arith.addf %add3A_456, %mul3A_470 : vector<16xf32>
        %get3A_472 = arith.index_cast %add3A_426 : i32 to index
        %get3A_473 = arith.constant 48 : index
        %get3A_474 = tpu.vector_load %arg14[%get3A_472, %get3A_473] {strides = array<i32>} : memref<96x128xf32, #tpu.memory_space<vmem>>, vector<1x16xf32>,
        %get3A_475 = vector.shape_cast %get3A_474 : vector<1x16xf32> to vector<16xf32>
        %get3A_476 = arith.index_cast %add3A_426 : i32 to index
        %get3A_477 = arith.constant 48 : index
        %get3A_478 = tpu.vector_load %arg15[%get3A_476, %get3A_477] {strides = array<i32>} : memref<96x128xf32, #tpu.memory_space<vmem>>, vector<1x16xf32>,
        %get3A_479 = vector.shape_cast %get3A_478 : vector<1x16xf32> to vector<16xf32>
        %add3A_480 = arith.addf %get3A_475, %get3A_479 : vector<16xf32>
        %mul3A_481 = arith.constant 2.000000e-01 : f32
        %mul3A_482 = vector.broadcast %mul3A_481 : f32 to vector<16xf32>
        %mul3A_483 = arith.mulf %mul3A_482, %add3A_480 : vector<16xf32>
        %max3A_484 = arith.maximumf %add3A_480, %mul3A_483 : vector<16xf32>
        %mul3A_485 = arith.mulf %max3A_484, %get3A_11 : vector<16xf32>
        %add3A_486 = arith.addf %add3A_471, %mul3A_485 : vector<16xf32>
        %get3A_487 = arith.index_cast %add3A_426 : i32 to index
        %get3A_488 = arith.constant 64 : index
        %get3A_489 = tpu.vector_load %arg14[%get3A_487, %get3A_488] {strides = array<i32>} : memref<96x128xf32, #tpu.memory_space<vmem>>, vector<1x16xf32>,
        %get3A_490 = vector.shape_cast %get3A_489 : vector<1x16xf32> to vector<16xf32>
        %get3A_491 = arith.index_cast %add3A_426 : i32 to index
        %get3A_492 = arith.constant 64 : index
        %get3A_493 = tpu.vector_load %arg15[%get3A_491, %get3A_492] {strides = array<i32>} : memref<96x128xf32, #tpu.memory_space<vmem>>, vector<1x16xf32>,
        %get3A_494 = vector.shape_cast %get3A_493 : vector<1x16xf32> to vector<16xf32>
        %add3A_495 = arith.addf %get3A_490, %get3A_494 : vector<16xf32>
        %mul3A_496 = arith.constant 2.000000e-01 : f32
        %mul3A_497 = vector.broadcast %mul3A_496 : f32 to vector<16xf32>
        %mul3A_498 = arith.mulf %mul3A_497, %add3A_495 : vector<16xf32>
        %max3A_499 = arith.maximumf %add3A_495, %mul3A_498 : vector<16xf32>
        %mul3A_500 = arith.mulf %max3A_499, %get3A_14 : vector<16xf32>
        %add3A_501 = arith.addf %add3A_486, %mul3A_500 : vector<16xf32>
        %get3A_502 = arith.index_cast %add3A_426 : i32 to index
        %get3A_503 = arith.constant 80 : index
        %get3A_504 = tpu.vector_load %arg14[%get3A_502, %get3A_503] {strides = array<i32>} : memref<96x128xf32, #tpu.memory_space<vmem>>, vector<1x16xf32>,
        %get3A_505 = vector.shape_cast %get3A_504 : vector<1x16xf32> to vector<16xf32>
        %get3A_506 = arith.index_cast %add3A_426 : i32 to index
        %get3A_507 = arith.constant 80 : index
        %get3A_508 = tpu.vector_load %arg15[%get3A_506, %get3A_507] {strides = array<i32>} : memref<96x128xf32, #tpu.memory_space<vmem>>, vector<1x16xf32>,
        %get3A_509 = vector.shape_cast %get3A_508 : vector<1x16xf32> to vector<16xf32>
        %add3A_510 = arith.addf %get3A_505, %get3A_509 : vector<16xf32>
        %mul3A_511 = arith.constant 2.000000e-01 : f32
        %mul3A_512 = vector.broadcast %mul3A_511 : f32 to vector<16xf32>
        %mul3A_513 = arith.mulf %mul3A_512, %add3A_510 : vector<16xf32>
        %max3A_514 = arith.maximumf %add3A_510, %mul3A_513 : vector<16xf32>
        %mul3A_515 = arith.mulf %max3A_514, %get3A_17 : vector<16xf32>
        %add3A_516 = arith.addf %add3A_501, %mul3A_515 : vector<16xf32>
        %get3A_517 = arith.index_cast %add3A_426 : i32 to index
        %get3A_518 = arith.constant 96 : index
        %get3A_519 = tpu.vector_load %arg14[%get3A_517, %get3A_518] {strides = array<i32>} : memref<96x128xf32, #tpu.memory_space<vmem>>, vector<1x16xf32>,
        %get3A_520 = vector.shape_cast %get3A_519 : vector<1x16xf32> to vector<16xf32>
        %get3A_521 = arith.index_cast %add3A_426 : i32 to index
        %get3A_522 = arith.constant 96 : index
        %get3A_523 = tpu.vector_load %arg15[%get3A_521, %get3A_522] {strides = array<i32>} : memref<96x128xf32, #tpu.memory_space<vmem>>, vector<1x16xf32>,
        %get3A_524 = vector.shape_cast %get3A_523 : vector<1x16xf32> to vector<16xf32>
        %add3A_525 = arith.addf %get3A_520, %get3A_524 : vector<16xf32>
        %mul3A_526 = arith.constant 2.000000e-01 : f32
        %mul3A_527 = vector.broadcast %mul3A_526 : f32 to vector<16xf32>
        %mul3A_528 = arith.mulf %mul3A_527, %add3A_525 : vector<16xf32>
        %max3A_529 = arith.maximumf %add3A_525, %mul3A_528 : vector<16xf32>
        %mul3A_530 = arith.mulf %max3A_529, %get3A_20 : vector<16xf32>
        %add3A_531 = arith.addf %add3A_516, %mul3A_530 : vector<16xf32>
        %get3A_532 = arith.index_cast %add3A_426 : i32 to index
        %get3A_533 = arith.constant 112 : index
        %get3A_534 = tpu.vector_load %arg14[%get3A_532, %get3A_533] {strides = array<i32>} : memref<96x128xf32, #tpu.memory_space<vmem>>, vector<1x16xf32>,
        %get3A_535 = vector.shape_cast %get3A_534 : vector<1x16xf32> to vector<16xf32>
        %get3A_536 = arith.index_cast %add3A_426 : i32 to index
        %get3A_537 = arith.constant 112 : index
        %get3A_538 = tpu.vector_load %arg15[%get3A_536, %get3A_537] {strides = array<i32>} : memref<96x128xf32, #tpu.memory_space<vmem>>, vector<1x16xf32>,
        %get3A_539 = vector.shape_cast %get3A_538 : vector<1x16xf32> to vector<16xf32>
        %add3A_540 = arith.addf %get3A_535, %get3A_539 : vector<16xf32>
        %mul3A_541 = arith.constant 2.000000e-01 : f32
        %mul3A_542 = vector.broadcast %mul3A_541 : f32 to vector<16xf32>
        %mul3A_543 = arith.mulf %mul3A_542, %add3A_540 : vector<16xf32>
        %max3A_544 = arith.maximumf %add3A_540, %mul3A_543 : vector<16xf32>
        %mul3A_545 = arith.mulf %max3A_544, %get3A_23 : vector<16xf32>
        %add3A_546 = arith.addf %add3A_531, %mul3A_545 : vector<16xf32>
        %slice3A = vector.extract_strided_slice %add3A_546 {offsets = [0], sizes = [1], strides = [1]} : vector<16xf32> to vector<1xf32>
        %squeeze3A = vector.extract %slice3A[0] : f32 from vector<1xf32>
        %slice3A_547 = vector.extract_strided_slice %add3A_546 {offsets = [1], sizes = [1], strides = [1]} : vector<16xf32> to vector<1xf32>
        %squeeze3A_548 = vector.extract %slice3A_547[0] : f32 from vector<1xf32>
        %add3A_549 = arith.addf %squeeze3A, %squeeze3A_548 : f32
        %slice3A_550 = vector.extract_strided_slice %add3A_546 {offsets = [2], sizes = [1], strides = [1]} : vector<16xf32> to vector<1xf32>
        %squeeze3A_551 = vector.extract %slice3A_550[0] : f32 from vector<1xf32>
        %add3A_552 = arith.addf %add3A_549, %squeeze3A_551 : f32
        %slice3A_553 = vector.extract_strided_slice %add3A_546 {offsets = [3], sizes = [1], strides = [1]} : vector<16xf32> to vector<1xf32>
        %squeeze3A_554 = vector.extract %slice3A_553[0] : f32 from vector<1xf32>
        %add3A_555 = arith.addf %add3A_552, %squeeze3A_554 : f32
        %slice3A_556 = vector.extract_strided_slice %add3A_546 {offsets = [4], sizes = [1], strides = [1]} : vector<16xf32> to vector<1xf32>
        %squeeze3A_557 = vector.extract %slice3A_556[0] : f32 from vector<1xf32>
        %add3A_558 = arith.addf %add3A_555, %squeeze3A_557 : f32
        %slice3A_559 = vector.extract_strided_slice %add3A_546 {offsets = [5], sizes = [1], strides = [1]} : vector<16xf32> to vector<1xf32>
        %squeeze3A_560 = vector.extract %slice3A_559[0] : f32 from vector<1xf32>
        %add3A_561 = arith.addf %add3A_558, %squeeze3A_560 : f32
        %slice3A_562 = vector.extract_strided_slice %add3A_546 {offsets = [6], sizes = [1], strides = [1]} : vector<16xf32> to vector<1xf32>
        %squeeze3A_563 = vector.extract %slice3A_562[0] : f32 from vector<1xf32>
        %add3A_564 = arith.addf %add3A_561, %squeeze3A_563 : f32
        %slice3A_565 = vector.extract_strided_slice %add3A_546 {offsets = [7], sizes = [1], strides = [1]} : vector<16xf32> to vector<1xf32>
        %squeeze3A_566 = vector.extract %slice3A_565[0] : f32 from vector<1xf32>
        %add3A_567 = arith.addf %add3A_564, %squeeze3A_566 : f32
        %slice3A_568 = vector.extract_strided_slice %add3A_546 {offsets = [8], sizes = [1], strides = [1]} : vector<16xf32> to vector<1xf32>
        %squeeze3A_569 = vector.extract %slice3A_568[0] : f32 from vector<1xf32>
        %add3A_570 = arith.addf %add3A_567, %squeeze3A_569 : f32
        %slice3A_571 = vector.extract_strided_slice %add3A_546 {offsets = [9], sizes = [1], strides = [1]} : vector<16xf32> to vector<1xf32>
        %squeeze3A_572 = vector.extract %slice3A_571[0] : f32 from vector<1xf32>
        %add3A_573 = arith.addf %add3A_570, %squeeze3A_572 : f32
        %slice3A_574 = vector.extract_strided_slice %add3A_546 {offsets = [10], sizes = [1], strides = [1]} : vector<16xf32> to vector<1xf32>
        %squeeze3A_575 = vector.extract %slice3A_574[0] : f32 from vector<1xf32>
        %add3A_576 = arith.addf %add3A_573, %squeeze3A_575 : f32
        %slice3A_577 = vector.extract_strided_slice %add3A_546 {offsets = [11], sizes = [1], strides = [1]} : vector<16xf32> to vector<1xf32>
        %squeeze3A_578 = vector.extract %slice3A_577[0] : f32 from vector<1xf32>
        %add3A_579 = arith.addf %add3A_576, %squeeze3A_578 : f32
        %slice3A_580 = vector.extract_strided_slice %add3A_546 {offsets = [12], sizes = [1], strides = [1]} : vector<16xf32> to vector<1xf32>
        %squeeze3A_581 = vector.extract %slice3A_580[0] : f32 from vector<1xf32>
        %add3A_582 = arith.addf %add3A_579, %squeeze3A_581 : f32
        %slice3A_583 = vector.extract_strided_slice %add3A_546 {offsets = [13], sizes = [1], strides = [1]} : vector<16xf32> to vector<1xf32>
        %squeeze3A_584 = vector.extract %slice3A_583[0] : f32 from vector<1xf32>
        %add3A_585 = arith.addf %add3A_582, %squeeze3A_584 : f32
        %slice3A_586 = vector.extract_strided_slice %add3A_546 {offsets = [14], sizes = [1], strides = [1]} : vector<16xf32> to vector<1xf32>
        %squeeze3A_587 = vector.extract %slice3A_586[0] : f32 from vector<1xf32>
        %add3A_588 = arith.addf %add3A_585, %squeeze3A_587 : f32
        %slice3A_589 = vector.extract_strided_slice %add3A_546 {offsets = [15], sizes = [1], strides = [1]} : vector<16xf32> to vector<1xf32>
        %squeeze3A_590 = vector.extract %slice3A_589[0] : f32 from vector<1xf32>
        %add3A_591 = arith.addf %add3A_588, %squeeze3A_590 : f32
        %broadcast_in_dim3A_592 = vector.broadcast %add3A_591 : f32 to vector<16xf32>
        %exp3A = math.exp %broadcast_in_dim3A_592 : vector<16xf32>
        %mul3A_593 = arith.mulf %get3A_431, %exp3A : vector<16xf32>
        %swap3A_594 = arith.index_cast %add3A_426 : i32 to index
        %swap3A_595 = arith.constant 0 : index
        %swap3A_596 = tpu.vector_load %arg16[%swap3A_594, %swap3A_595] {strides = array<i32>} : memref<96x128xf32, #tpu.memory_space<vmem>>, vector<1x16xf32>,
        %swap3A_597 = vector.shape_cast %swap3A_596 : vector<1x16xf32> to vector<16xf32>
        %swap3A_598 = vector.shape_cast %mul3A_593 : vector<16xf32> to vector<1x16xf32>
        tpu.vector_store %arg16[%swap3A_594, %swap3A_595], %swap3A_598 {strides = array<i32>} : memref<96x128xf32, #tpu.memory_space<vmem>>, vector<1x16xf32>,
        %mul3A_599 = arith.mulf %get3A_445, %exp3A : vector<16xf32>
        %swap3A_600 = arith.index_cast %add3A_426 : i32 to index
        %swap3A_601 = arith.constant 16 : index
        %swap3A_602 = tpu.vector_load %arg16[%swap3A_600, %swap3A_601] {strides = array<i32>} : memref<96x128xf32, #tpu.memory_space<vmem>>, vector<1x16xf32>,
        %swap3A_603 = vector.shape_cast %swap3A_602 : vector<1x16xf32> to vector<16xf32>
        %swap3A_604 = vector.shape_cast %mul3A_599 : vector<16xf32> to vector<1x16xf32>
        tpu.vector_store %arg16[%swap3A_600, %swap3A_601], %swap3A_604 {strides = array<i32>} : memref<96x128xf32, #tpu.memory_space<vmem>>, vector<1x16xf32>,
        %mul3A_605 = arith.mulf %get3A_460, %exp3A : vector<16xf32>
        %swap3A_606 = arith.index_cast %add3A_426 : i32 to index
        %swap3A_607 = arith.constant 32 : index
        %swap3A_608 = tpu.vector_load %arg16[%swap3A_606, %swap3A_607] {strides = array<i32>} : memref<96x128xf32, #tpu.memory_space<vmem>>, vector<1x16xf32>,
        %swap3A_609 = vector.shape_cast %swap3A_608 : vector<1x16xf32> to vector<16xf32>
        %swap3A_610 = vector.shape_cast %mul3A_605 : vector<16xf32> to vector<1x16xf32>
        tpu.vector_store %arg16[%swap3A_606, %swap3A_607], %swap3A_610 {strides = array<i32>} : memref<96x128xf32, #tpu.memory_space<vmem>>, vector<1x16xf32>,
        %mul3A_611 = arith.mulf %get3A_475, %exp3A : vector<16xf32>
        %swap3A_612 = arith.index_cast %add3A_426 : i32 to index
        %swap3A_613 = arith.constant 48 : index
        %swap3A_614 = tpu.vector_load %arg16[%swap3A_612, %swap3A_613] {strides = array<i32>} : memref<96x128xf32, #tpu.memory_space<vmem>>, vector<1x16xf32>,
        %swap3A_615 = vector.shape_cast %swap3A_614 : vector<1x16xf32> to vector<16xf32>
        %swap3A_616 = vector.shape_cast %mul3A_611 : vector<16xf32> to vector<1x16xf32>
        tpu.vector_store %arg16[%swap3A_612, %swap3A_613], %swap3A_616 {strides = array<i32>} : memref<96x128xf32, #tpu.memory_space<vmem>>, vector<1x16xf32>,
        %mul3A_617 = arith.mulf %get3A_490, %exp3A : vector<16xf32>
        %swap3A_618 = arith.index_cast %add3A_426 : i32 to index
        %swap3A_619 = arith.constant 64 : index
        %swap3A_620 = tpu.vector_load %arg16[%swap3A_618, %swap3A_619] {strides = array<i32>} : memref<96x128xf32, #tpu.memory_space<vmem>>, vector<1x16xf32>,
        %swap3A_621 = vector.shape_cast %swap3A_620 : vector<1x16xf32> to vector<16xf32>
        %swap3A_622 = vector.shape_cast %mul3A_617 : vector<16xf32> to vector<1x16xf32>
        tpu.vector_store %arg16[%swap3A_618, %swap3A_619], %swap3A_622 {strides = array<i32>} : memref<96x128xf32, #tpu.memory_space<vmem>>, vector<1x16xf32>,
        %mul3A_623 = arith.mulf %get3A_505, %exp3A : vector<16xf32>
        %swap3A_624 = arith.index_cast %add3A_426 : i32 to index
        %swap3A_625 = arith.constant 80 : index
        %swap3A_626 = tpu.vector_load %arg16[%swap3A_624, %swap3A_625] {strides = array<i32>} : memref<96x128xf32, #tpu.memory_space<vmem>>, vector<1x16xf32>,
        %swap3A_627 = vector.shape_cast %swap3A_626 : vector<1x16xf32> to vector<16xf32>
        %swap3A_628 = vector.shape_cast %mul3A_623 : vector<16xf32> to vector<1x16xf32>
        tpu.vector_store %arg16[%swap3A_624, %swap3A_625], %swap3A_628 {strides = array<i32>} : memref<96x128xf32, #tpu.memory_space<vmem>>, vector<1x16xf32>,
        %mul3A_629 = arith.mulf %get3A_520, %exp3A : vector<16xf32>
        %swap3A_630 = arith.index_cast %add3A_426 : i32 to index
        %swap3A_631 = arith.constant 96 : index
        %swap3A_632 = tpu.vector_load %arg16[%swap3A_630, %swap3A_631] {strides = array<i32>} : memref<96x128xf32, #tpu.memory_space<vmem>>, vector<1x16xf32>,
        %swap3A_633 = vector.shape_cast %swap3A_632 : vector<1x16xf32> to vector<16xf32>
        %swap3A_634 = vector.shape_cast %mul3A_629 : vector<16xf32> to vector<1x16xf32>
        tpu.vector_store %arg16[%swap3A_630, %swap3A_631], %swap3A_634 {strides = array<i32>} : memref<96x128xf32, #tpu.memory_space<vmem>>, vector<1x16xf32>,
        %mul3A_635 = arith.mulf %get3A_535, %exp3A : vector<16xf32>
        %swap3A_636 = arith.index_cast %add3A_426 : i32 to index
        %swap3A_637 = arith.constant 112 : index
        %swap3A_638 = tpu.vector_load %arg16[%swap3A_636, %swap3A_637] {strides = array<i32>} : memref<96x128xf32, #tpu.memory_space<vmem>>, vector<1x16xf32>,
        %swap3A_639 = vector.shape_cast %swap3A_638 : vector<1x16xf32> to vector<16xf32>
        %swap3A_640 = vector.shape_cast %mul3A_635 : vector<16xf32> to vector<1x16xf32>
        tpu.vector_store %arg16[%swap3A_636, %swap3A_637], %swap3A_640 {strides = array<i32>} : memref<96x128xf32, #tpu.memory_space<vmem>>, vector<1x16xf32>,
        %get3A_641 = arith.index_cast %add3A_426 : i32 to index
        %get3A_642 = tpu.vector_load %arg13[%get3A_641] {strides = array<i32>} : memref<112xi32, #tpu.memory_space<vmem>>, vector<16xi32>,
        %get3A_643 = vector.shape_cast %get3A_642 : vector<16xi32> to vector<16xi32>
        %slice3A_644 = vector.extract_strided_slice %get3A_643 {offsets = [0], sizes = [1], strides = [1]} : vector<16xi32> to vector<1xi32>
        %squeeze3A_645 = vector.extract %slice3A_644[0] : i32 from vector<1xi32>
        %jit3A = arith.constant 16 : i32
        %div3A = arith.divsi %squeeze3A_645, %jit3A : i32
        %sign3A = arith.constant 0 : i32
        %sign3A_646 = arith.cmpi sgt, %squeeze3A_645, %sign3A : i32
        %sign3A_647 = arith.extui %sign3A_646 : i1 to i32
        %sign3A_648 = arith.constant 0 : i32
        %sign3A_649 = arith.cmpi slt, %squeeze3A_645, %sign3A_648 : i32
        %sign3A_650 = arith.extui %sign3A_649 : i1 to i32
        %sign3A_651 = arith.subi %sign3A_647, %sign3A_650 : i32
        %sign3A_652 = arith.constant 0 : i32
        %sign3A_653 = arith.cmpi sgt, %jit3A, %sign3A_652 : i32
        %sign3A_654 = arith.extui %sign3A_653 : i1 to i32
        %sign3A_655 = arith.constant 0 : i32
        %sign3A_656 = arith.cmpi slt, %jit3A, %sign3A_655 : i32
        %sign3A_657 = arith.extui %sign3A_656 : i1 to i32
        %sign3A_658 = arith.subi %sign3A_654, %sign3A_657 : i32
        %ne3A = arith.cmpi ne, %sign3A_651, %sign3A_658 : i32
        %rem3A = arith.remsi %squeeze3A_645, %jit3A : i32
        %ne3A_659 = arith.constant 0 : i32
        %ne3A_660 = arith.cmpi ne, %rem3A, %ne3A_659 : i32
        %and3A = arith.andi %ne3A, %ne3A_660 : i1
        %sub3A_661 = arith.constant 1 : i32
        %sub3A_662 = arith.subi %div3A, %sub3A_661 : i32
        %select_n3A = arith.select %and3A, %sub3A_662, %div3A : i32
        %mul3A_663 = arith.constant 16 : i32
        %mul3A_664 = arith.muli %select_n3A, %mul3A_663 : i32
        %sub3A_665 = arith.subi %squeeze3A_645, %mul3A_664 : i32
        %get3A_666 = arith.index_cast %mul3A_664 : i32 to index
        %get3A_667 = tpu.vector_load %arg17[%get3A_666] {strides = array<i32>} : memref<10112xf32, #tpu.memory_space<vmem>>, vector<16xf32>,
        %get3A_668 = vector.shape_cast %get3A_667 : vector<16xf32> to vector<16xf32>
        %eq3A = vector.broadcast %sub3A_665 : i32 to vector<16xi32>
        %eq3A_669 = arith.cmpi eq, %iota3A, %eq3A : vector<16xi32>
        %jit3A_670 = arith.constant 0.000000e+00 : f32
        %broadcast_in_dim3A_671 = vector.broadcast %jit3A_670 : f32 to vector<16xf32>
        %select_n3A_672 = arith.select %eq3A_669, %exp3A, %broadcast_in_dim3A_671 : vector<16xi1>, vector<16xf32>
        %add3A_673 = arith.addf %get3A_668, %select_n3A_672 : vector<16xf32>
        %swap3A_674 = arith.index_cast %mul3A_664 : i32 to index
        %swap3A_675 = tpu.vector_load %arg17[%swap3A_674] {strides = array<i32>} : memref<10112xf32, #tpu.memory_space<vmem>>, vector<16xf32>,
        %swap3A_676 = vector.shape_cast %swap3A_675 : vector<16xf32> to vector<16xf32>
        %swap3A_677 = vector.shape_cast %add3A_673 : vector<16xf32> to vector<16xf32>
        tpu.vector_store %arg17[%swap3A_674], %swap3A_677 {strides = array<i32>} : memref<10112xf32, #tpu.memory_space<vmem>>, vector<16xf32>,
      }
      %scan3A_417 = arith.constant 48 : i32
      %dma_start3A_418 = arith.constant 48 : i32
      %dma_start3A_419 = arith.constant 0 : i32
      %dma_start3A_420 = tpu.memref_slice %arg16[%dma_start3A_418, %dma_start3A_419] : memref<96x128xf32, #tpu.memory_space<vmem>> -> memref<48x128xf32, #tpu.memory_space<vmem>>
      %dma_start3A_421 = arith.constant 0 : i32
      %dma_start3A_422 = arith.constant 0 : i32
      %dma_start3A_423 = tpu.memref_slice %arg19[%dma_start3A_421, %dma_start3A_422] : memref<10112x128xf32, #tpu.memory_space<vmem_shared>> -> memref<10112x128xf32, #tpu.memory_space<vmem_shared>>
      tpu.enqueue_indirect_dma source(%dma_start3A_420 : memref<48x128xf32, #tpu.memory_space<vmem>>) target(%dma_start3A_423 : memref<10112x128xf32, #tpu.memory_space<vmem_shared>>) offsets(%arg12 : memref<48xi32, #tpu.memory_space<vmem>>) semaphore(%arg25 : memref<!tpu.dma_semaphore, #tpu.memory_space<semaphore_mem>>) {add = true}
    }
    %scan3A_131 = arith.constant 108 : i32
    %dma_wait3A_132 = arith.constant 0 : i32
    %dma_wait3A_133 = arith.constant 0 : i32
    %dma_wait3A_134 = tpu.memref_slice %arg16[%dma_wait3A_132, %dma_wait3A_133] : memref<96x128xf32, #tpu.memory_space<vmem>> -> memref<48x128xf32, #tpu.memory_space<vmem>>
    %dma_wait3A_135 = arith.constant 0 : i32
    %dma_wait3A_136 = arith.constant 0 : i32
    %dma_wait3A_137 = tpu.memref_slice %arg19[%dma_wait3A_135, %dma_wait3A_136] : memref<10112x128xf32, #tpu.memory_space<vmem_shared>> -> memref<10112x128xf32, #tpu.memory_space<vmem_shared>>
    tpu.wait_indirect_dma semaphore(%arg24 : memref<!tpu.dma_semaphore, #tpu.memory_space<semaphore_mem>>) src(%dma_wait3A_134 : memref<48x128xf32, #tpu.memory_space<vmem>>) dst(%dma_wait3A_137 : memref<10112x128xf32, #tpu.memory_space<vmem_shared>>)
    %dma_wait3A_138 = arith.constant 48 : i32
    %dma_wait3A_139 = arith.constant 0 : i32
    %dma_wait3A_140 = tpu.memref_slice %arg16[%dma_wait3A_138, %dma_wait3A_139] : memref<96x128xf32, #tpu.memory_space<vmem>> -> memref<48x128xf32, #tpu.memory_space<vmem>>
    %dma_wait3A_141 = arith.constant 0 : i32
    %dma_wait3A_142 = arith.constant 0 : i32
    %dma_wait3A_143 = tpu.memref_slice %arg19[%dma_wait3A_141, %dma_wait3A_142] : memref<10112x128xf32, #tpu.memory_space<vmem_shared>> -> memref<10112x128xf32, #tpu.memory_space<vmem_shared>>
    tpu.wait_indirect_dma semaphore(%arg25 : memref<!tpu.dma_semaphore, #tpu.memory_space<semaphore_mem>>) src(%dma_wait3A_140 : memref<48x128xf32, #tpu.memory_space<vmem>>) dst(%dma_wait3A_143 : memref<10112x128xf32, #tpu.memory_space<vmem_shared>>)
    %dma_wait3A_144 = arith.constant 0 : i32
    %dma_wait3A_145 = arith.constant 0 : i32
    %dma_wait3A_146 = tpu.memref_slice %arg14[%dma_wait3A_144, %dma_wait3A_145] : memref<96x128xf32, #tpu.memory_space<vmem>> -> memref<48x128xf32, #tpu.memory_space<vmem>>
    %dma_wait3A_147 = arith.constant 0 : i32
    %dma_wait3A_148 = tpu.memref_slice %arg9[%dma_wait3A_147] : memref<96xi32, #tpu.memory_space<vmem>> -> memref<48xi32, #tpu.memory_space<vmem>>
    %dma_wait3A_149 = arith.constant 0 : i32
    %dma_wait3A_150 = arith.constant 0 : i32
    %dma_wait3A_151 = tpu.memref_slice %arg2[%dma_wait3A_149, %dma_wait3A_150] : memref<10240x128xf32, #tpu.memory_space<hbm>> -> memref<10240x128xf32, #tpu.memory_space<hbm>>
    tpu.wait_indirect_dma semaphore(%arg22 : memref<!tpu.dma_semaphore, #tpu.memory_space<semaphore_mem>>) src(%dma_wait3A_151 : memref<10240x128xf32, #tpu.memory_space<hbm>>) dst(%dma_wait3A_146 : memref<48x128xf32, #tpu.memory_space<vmem>>)
    %dma_wait3A_152 = arith.constant 0 : i32
    %dma_wait3A_153 = arith.constant 0 : i32
    %dma_wait3A_154 = tpu.memref_slice %arg15[%dma_wait3A_152, %dma_wait3A_153] : memref<96x128xf32, #tpu.memory_space<vmem>> -> memref<48x128xf32, #tpu.memory_space<vmem>>
    %dma_wait3A_155 = arith.constant 0 : i32
    %dma_wait3A_156 = tpu.memref_slice %arg10[%dma_wait3A_155] : memref<96xi32, #tpu.memory_space<vmem>> -> memref<48xi32, #tpu.memory_space<vmem>>
    %dma_wait3A_157 = arith.constant 0 : i32
    %dma_wait3A_158 = arith.constant 0 : i32
    %dma_wait3A_159 = tpu.memref_slice %arg3[%dma_wait3A_157, %dma_wait3A_158] : memref<10240x128xf32, #tpu.memory_space<hbm>> -> memref<10240x128xf32, #tpu.memory_space<hbm>>
    tpu.wait_indirect_dma semaphore(%arg22 : memref<!tpu.dma_semaphore, #tpu.memory_space<semaphore_mem>>) src(%dma_wait3A_159 : memref<10240x128xf32, #tpu.memory_space<hbm>>) dst(%dma_wait3A_154 : memref<48x128xf32, #tpu.memory_space<vmem>>)
    %mul3A_160 = arith.constant 10368 : i32
    %mul3A_161 = arith.muli %add3A, %mul3A_160 : i32
    %add3A_162 = arith.constant 10416 : i32
    %add3A_163 = arith.addi %mul3A_161, %add3A_162 : i32
    %dma_wait3A_164 = arith.constant 48 : i32
    %dma_wait3A_165 = tpu.memref_slice %arg9[%dma_wait3A_164] : memref<96xi32, #tpu.memory_space<vmem>> -> memref<48xi32, #tpu.memory_space<vmem>>
    %dma_wait3A_166 = tpu.memref_slice %arg4[%add3A_163] : memref<335872xi32, #tpu.memory_space<hbm>> -> memref<48xi32, #tpu.memory_space<hbm>>
    %dma_wait3A_167 = arith.constant 48 : i32
    %dma_wait3A_168 = tpu.memref_slice %arg9[%dma_wait3A_167] : memref<96xi32, #tpu.memory_space<vmem>> -> memref<48xi32, #tpu.memory_space<vmem>>
    %dma_wait3A_169 = tpu.memref_slice %arg4[%add3A_163] : memref<335872xi32, #tpu.memory_space<hbm>> -> memref<48xi32, #tpu.memory_space<hbm>>
    tpu.wait_dma2 semaphore(%arg21 : memref<!tpu.dma_semaphore, #tpu.memory_space<semaphore_mem>>) src(%dma_wait3A_169 : memref<48xi32, #tpu.memory_space<hbm>>) dst(%dma_wait3A_168 : memref<48xi32, #tpu.memory_space<vmem>>)
    %dma_wait3A_170 = arith.constant 48 : i32
    %dma_wait3A_171 = tpu.memref_slice %arg10[%dma_wait3A_170] : memref<96xi32, #tpu.memory_space<vmem>> -> memref<48xi32, #tpu.memory_space<vmem>>
    %dma_wait3A_172 = tpu.memref_slice %arg5[%add3A_163] : memref<335872xi32, #tpu.memory_space<hbm>> -> memref<48xi32, #tpu.memory_space<hbm>>
    %dma_wait3A_173 = arith.constant 48 : i32
    %dma_wait3A_174 = tpu.memref_slice %arg10[%dma_wait3A_173] : memref<96xi32, #tpu.memory_space<vmem>> -> memref<48xi32, #tpu.memory_space<vmem>>
    %dma_wait3A_175 = tpu.memref_slice %arg5[%add3A_163] : memref<335872xi32, #tpu.memory_space<hbm>> -> memref<48xi32, #tpu.memory_space<hbm>>
    tpu.wait_dma2 semaphore(%arg21 : memref<!tpu.dma_semaphore, #tpu.memory_space<semaphore_mem>>) src(%dma_wait3A_175 : memref<48xi32, #tpu.memory_space<hbm>>) dst(%dma_wait3A_174 : memref<48xi32, #tpu.memory_space<vmem>>)
    "tpu.region"() ({
      %run_scoped3A = tpu.sem_alloc : memref<!tpu.dma_semaphore, #tpu.memory_space<semaphore_mem>>
      %dma_start3A_179 = arith.constant 0 : i32
      %dma_start3A_180 = tpu.memref_slice %arg8[%add3A, %dma_start3A_179] : memref<32x10240xf32, #tpu.memory_space<hbm>> -> memref<1x10112xf32, #tpu.memory_space<hbm>>
      %dma_start3A_181 = tpu.memref_squeeze %dma_start3A_180 : memref<1x10112xf32, #tpu.memory_space<hbm>> -> memref<10112xf32, #tpu.memory_space<hbm>>
      %dma_start3A_182 = arith.constant 0 : i32
      %dma_start3A_183 = tpu.memref_slice %arg8[%add3A, %dma_start3A_182] : memref<32x10240xf32, #tpu.memory_space<hbm>> -> memref<1x10112xf32, #tpu.memory_space<hbm>>
      %dma_start3A_184 = tpu.memref_squeeze %dma_start3A_183 : memref<1x10112xf32, #tpu.memory_space<hbm>> -> memref<10112xf32, #tpu.memory_space<hbm>>
      tpu.enqueue_dma source(%arg17 : memref<10112xf32, #tpu.memory_space<vmem>>) target(%dma_start3A_184 : memref<10112xf32, #tpu.memory_space<hbm>>) target_semaphore(%run_scoped3A : memref<!tpu.dma_semaphore, #tpu.memory_space<semaphore_mem>>)
      %dma_wait3A_185 = arith.constant 0 : i32
      %dma_wait3A_186 = tpu.memref_slice %arg8[%add3A, %dma_wait3A_185] : memref<32x10240xf32, #tpu.memory_space<hbm>> -> memref<1x10112xf32, #tpu.memory_space<hbm>>
      %dma_wait3A_187 = tpu.memref_squeeze %dma_wait3A_186 : memref<1x10112xf32, #tpu.memory_space<hbm>> -> memref<10112xf32, #tpu.memory_space<hbm>>
      %dma_wait3A_188 = arith.constant 0 : i32
      %dma_wait3A_189 = tpu.memref_slice %arg8[%add3A, %dma_wait3A_188] : memref<32x10240xf32, #tpu.memory_space<hbm>> -> memref<1x10112xf32, #tpu.memory_space<hbm>>
      %dma_wait3A_190 = tpu.memref_squeeze %dma_wait3A_189 : memref<1x10112xf32, #tpu.memory_space<hbm>> -> memref<10112xf32, #tpu.memory_space<hbm>>
      tpu.wait_dma2 semaphore(%run_scoped3A : memref<!tpu.dma_semaphore, #tpu.memory_space<semaphore_mem>>) src(%arg17 : memref<10112xf32, #tpu.memory_space<vmem>>) dst(%dma_wait3A_190 : memref<10112xf32, #tpu.memory_space<hbm>>)
      tpu.yield
    }) : () -> ()
    %barrier3A_176 = arith.constant 0 : index
    tpu.barrier barrier_id(%barrier3A_176)
    %mul3A_177 = arith.constant 632 : i32
    %mul3A_178 = arith.muli %arg1, %mul3A_177 : i32
    "tpu.region"() ({
      %run_scoped3A = tpu.sem_alloc : memref<!tpu.dma_semaphore, #tpu.memory_space<semaphore_mem>>
      %dma_start3A_179 = arith.constant 0 : i32
      %dma_start3A_180 = tpu.memref_slice %arg7[%arg0, %mul3A_178, %dma_start3A_179] : memref<2x10240x128xf32, #tpu.memory_space<hbm>> -> memref<1x632x128xf32, #tpu.memory_space<hbm>>
      %dma_start3A_181 = tpu.memref_squeeze %dma_start3A_180 : memref<1x632x128xf32, #tpu.memory_space<hbm>> -> memref<632x128xf32, #tpu.memory_space<hbm>>
      %dma_start3A_182 = arith.constant 0 : i32
      %dma_start3A_183 = tpu.memref_slice %arg19[%mul3A_178, %dma_start3A_182] : memref<10112x128xf32, #tpu.memory_space<vmem_shared>> -> memref<632x128xf32, #tpu.memory_space<vmem_shared>>
      tpu.enqueue_dma source(%dma_start3A_183 : memref<632x128xf32, #tpu.memory_space<vmem_shared>>) target(%dma_start3A_181 : memref<632x128xf32, #tpu.memory_space<hbm>>) target_semaphore(%run_scoped3A : memref<!tpu.dma_semaphore, #tpu.memory_space<semaphore_mem>>)
      %dma_wait3A_184 = arith.constant 0 : i32
      %dma_wait3A_185 = tpu.memref_slice %arg7[%arg0, %mul3A_178, %dma_wait3A_184] : memref<2x10240x128xf32, #tpu.memory_space<hbm>> -> memref<1x632x128xf32, #tpu.memory_space<hbm>>
      %dma_wait3A_186 = tpu.memref_squeeze %dma_wait3A_185 : memref<1x632x128xf32, #tpu.memory_space<hbm>> -> memref<632x128xf32, #tpu.memory_space<hbm>>
      %dma_wait3A_187 = arith.constant 0 : i32
      %dma_wait3A_188 = tpu.memref_slice %arg19[%mul3A_178, %dma_wait3A_187] : memref<10112x128xf32, #tpu.memory_space<vmem_shared>> -> memref<632x128xf32, #tpu.memory_space<vmem_shared>>
      tpu.wait_dma2 semaphore(%run_scoped3A : memref<!tpu.dma_semaphore, #tpu.memory_space<semaphore_mem>>) src(%dma_wait3A_188 : memref<632x128xf32, #tpu.memory_space<vmem_shared>>) dst(%dma_wait3A_186 : memref<632x128xf32, #tpu.memory_space<hbm>>)
      tpu.yield
    }) : () -> ()
    return
  }
}

module attributes {stable_mosaic.version = 14 : i64} {
  func.func @_mm3_body(%arg0: i32, %arg1: memref<1024x128xf32, #tpu.memory_space<vmem>>, %arg2: memref<128x128xf32, #tpu.memory_space<vmem>>, %arg3: memref<1x128xf32, #tpu.memory_space<vmem>>, %arg4: memref<128x128xf32, #tpu.memory_space<vmem>>, %arg5: memref<1x128xf32, #tpu.memory_space<vmem>>, %arg6: memref<128x128xf32, #tpu.memory_space<vmem>>, %arg7: memref<1x128xf32, #tpu.memory_space<vmem>>, %arg8: memref<1024x128xf32, #tpu.memory_space<vmem>>, %arg9: memref<1024x128xf32, #tpu.memory_space<vmem>>, %arg10: memref<1024x128xf32, #tpu.memory_space<vmem>>) attributes {dimension_semantics = [#tpu.dimension_semantics<arbitrary>], iteration_bounds = array<i64: 10>, scalar_prefetch = 0 : i64, scratch_operands = 0 : i64, tpu.core_type = #tpu.core_type<tc>, window_params = [{transform_indices = @transform_0, window_bounds = array<i64: 1024, 128>}, {pipeline_mode = #tpu.pipeline_mode<synchronous>, transform_indices = @transform_1, window_bounds = array<i64: 128, 128>}, {pipeline_mode = #tpu.pipeline_mode<synchronous>, transform_indices = @transform_2, window_bounds = array<i64: 1, 128>}, {pipeline_mode = #tpu.pipeline_mode<synchronous>, transform_indices = @transform_3, window_bounds = array<i64: 128, 128>}, {pipeline_mode = #tpu.pipeline_mode<synchronous>, transform_indices = @transform_4, window_bounds = array<i64: 1, 128>}, {pipeline_mode = #tpu.pipeline_mode<synchronous>, transform_indices = @transform_5, window_bounds = array<i64: 128, 128>}, {pipeline_mode = #tpu.pipeline_mode<synchronous>, transform_indices = @transform_6, window_bounds = array<i64: 1, 128>}, {transform_indices = @transform_7, window_bounds = array<i64: 1024, 128>}, {transform_indices = @transform_8, window_bounds = array<i64: 1024, 128>}, {transform_indices = @transform_9, window_bounds = array<i64: 1024, 128>}]} {
    %get3A = arith.constant 0 : index
    %get3A_0 = arith.constant 0 : index
    %get3A_1 = vector.load %arg1[%get3A, %get3A_0] : memref<1024x128xf32, #tpu.memory_space<vmem>>, vector<1024x128xf32>
    %get3A_2 = arith.constant 0 : index
    %get3A_3 = arith.constant 0 : index
    %get3A_4 = vector.load %arg2[%get3A_2, %get3A_3] : memref<128x128xf32, #tpu.memory_space<vmem>>, vector<128x128xf32>
    %dot_general3A = arith.constant dense<0.000000e+00> : vector<1024x128xf32>
    %dot_general3A_5 = tpu.matmul %get3A_1, %get3A_4, %dot_general3A {dimension_numbers = #tpu.dot_dimension_numbers<[1], [0], [0], [1], [0, 0, 1, 1], [], []>, transpose_lhs_hint = false} : vector<1024x128xf32>, vector<128x128xf32>, vector<1024x128xf32> -> vector<1024x128xf32>
    %get3A_6 = arith.constant 0 : index
    %get3A_7 = arith.constant 0 : index
    %get3A_8 = vector.load %arg3[%get3A_6, %get3A_7] : memref<1x128xf32, #tpu.memory_space<vmem>>, vector<1x128xf32>
    %add3A = vector.broadcast %get3A_8 : vector<1x128xf32> to vector<1024x128xf32>
    %add3A_9 = arith.addf %dot_general3A_5, %add3A : vector<1024x128xf32>
    %swap3A = arith.constant 0 : index
    %swap3A_10 = arith.constant 0 : index
    %swap3A_11 = vector.load %arg8[%swap3A, %swap3A_10] : memref<1024x128xf32, #tpu.memory_space<vmem>>, vector<1024x128xf32>
    tpu.vector_store %arg8[%swap3A, %swap3A_10], %add3A_9 {strides = array<i32>} : memref<1024x128xf32, #tpu.memory_space<vmem>>, vector<1024x128xf32>,
    %get3A_12 = arith.constant 0 : index
    %get3A_13 = arith.constant 0 : index
    %get3A_14 = vector.load %arg4[%get3A_12, %get3A_13] : memref<128x128xf32, #tpu.memory_space<vmem>>, vector<128x128xf32>
    %dot_general3A_15 = arith.constant dense<0.000000e+00> : vector<1024x128xf32>
    %dot_general3A_16 = tpu.matmul %get3A_1, %get3A_14, %dot_general3A_15 {dimension_numbers = #tpu.dot_dimension_numbers<[1], [0], [0], [1], [0, 0, 1, 1], [], []>, transpose_lhs_hint = false} : vector<1024x128xf32>, vector<128x128xf32>, vector<1024x128xf32> -> vector<1024x128xf32>
    %get3A_17 = arith.constant 0 : index
    %get3A_18 = arith.constant 0 : index
    %get3A_19 = vector.load %arg5[%get3A_17, %get3A_18] : memref<1x128xf32, #tpu.memory_space<vmem>>, vector<1x128xf32>
    %add3A_20 = vector.broadcast %get3A_19 : vector<1x128xf32> to vector<1024x128xf32>
    %add3A_21 = arith.addf %dot_general3A_16, %add3A_20 : vector<1024x128xf32>
    %swap3A_22 = arith.constant 0 : index
    %swap3A_23 = arith.constant 0 : index
    %swap3A_24 = vector.load %arg9[%swap3A_22, %swap3A_23] : memref<1024x128xf32, #tpu.memory_space<vmem>>, vector<1024x128xf32>
    tpu.vector_store %arg9[%swap3A_22, %swap3A_23], %add3A_21 {strides = array<i32>} : memref<1024x128xf32, #tpu.memory_space<vmem>>, vector<1024x128xf32>,
    %get3A_25 = arith.constant 0 : index
    %get3A_26 = arith.constant 0 : index
    %get3A_27 = vector.load %arg6[%get3A_25, %get3A_26] : memref<128x128xf32, #tpu.memory_space<vmem>>, vector<128x128xf32>
    %dot_general3A_28 = arith.constant dense<0.000000e+00> : vector<1024x128xf32>
    %dot_general3A_29 = tpu.matmul %get3A_1, %get3A_27, %dot_general3A_28 {dimension_numbers = #tpu.dot_dimension_numbers<[1], [0], [0], [1], [0, 0, 1, 1], [], []>, transpose_lhs_hint = false} : vector<1024x128xf32>, vector<128x128xf32>, vector<1024x128xf32> -> vector<1024x128xf32>
    %get3A_30 = arith.constant 0 : index
    %get3A_31 = arith.constant 0 : index
    %get3A_32 = vector.load %arg7[%get3A_30, %get3A_31] : memref<1x128xf32, #tpu.memory_space<vmem>>, vector<1x128xf32>
    %add3A_33 = vector.broadcast %get3A_32 : vector<1x128xf32> to vector<1024x128xf32>
    %add3A_34 = arith.addf %dot_general3A_29, %add3A_33 : vector<1024x128xf32>
    %swap3A_35 = arith.constant 0 : index
    %swap3A_36 = arith.constant 0 : index
    %swap3A_37 = vector.load %arg10[%swap3A_35, %swap3A_36] : memref<1024x128xf32, #tpu.memory_space<vmem>>, vector<1024x128xf32>
    tpu.vector_store %arg10[%swap3A_35, %swap3A_36], %add3A_34 {strides = array<i32>} : memref<1024x128xf32, #tpu.memory_space<vmem>>, vector<1024x128xf32>,
    return
  }
  func.func @transform_0(%arg0: i32) -> (i32, i32) {
    %c0_i32 = arith.constant 0 : i32
    %c0_i32_0 = arith.constant 0 : i32
    return %arg0, %c0_i32 : i32, i32
  }
  func.func @transform_1(%arg0: i32) -> (i32, i32) {
    %c0_i32 = arith.constant 0 : i32
    %c0_i32_0 = arith.constant 0 : i32
    %c0_i32_1 = arith.constant 0 : i32
    return %c0_i32, %c0_i32_0 : i32, i32
  }
  func.func @transform_2(%arg0: i32) -> (i32, i32) {
    %c0_i32 = arith.constant 0 : i32
    %c0_i32_0 = arith.constant 0 : i32
    %c0_i32_1 = arith.constant 0 : i32
    return %c0_i32, %c0_i32_0 : i32, i32
  }
  func.func @transform_3(%arg0: i32) -> (i32, i32) {
    %c0_i32 = arith.constant 0 : i32
    %c0_i32_0 = arith.constant 0 : i32
    %c0_i32_1 = arith.constant 0 : i32
    return %c0_i32, %c0_i32_0 : i32, i32
  }
  func.func @transform_4(%arg0: i32) -> (i32, i32) {
    %c0_i32 = arith.constant 0 : i32
    %c0_i32_0 = arith.constant 0 : i32
    %c0_i32_1 = arith.constant 0 : i32
    return %c0_i32, %c0_i32_0 : i32, i32
  }
  func.func @transform_5(%arg0: i32) -> (i32, i32) {
    %c0_i32 = arith.constant 0 : i32
    %c0_i32_0 = arith.constant 0 : i32
    %c0_i32_1 = arith.constant 0 : i32
    return %c0_i32, %c0_i32_0 : i32, i32
  }
  func.func @transform_6(%arg0: i32) -> (i32, i32) {
    %c0_i32 = arith.constant 0 : i32
    %c0_i32_0 = arith.constant 0 : i32
    %c0_i32_1 = arith.constant 0 : i32
    return %c0_i32, %c0_i32_0 : i32, i32
  }
  func.func @transform_7(%arg0: i32) -> (i32, i32) {
    %c0_i32 = arith.constant 0 : i32
    %c0_i32_0 = arith.constant 0 : i32
    return %arg0, %c0_i32 : i32, i32
  }
  func.func @transform_8(%arg0: i32) -> (i32, i32) {
    %c0_i32 = arith.constant 0 : i32
    %c0_i32_0 = arith.constant 0 : i32
    return %arg0, %c0_i32 : i32, i32
  }
  func.func @transform_9(%arg0: i32) -> (i32, i32) {
    %c0_i32 = arith.constant 0 : i32
    %c0_i32_0 = arith.constant 0 : i32
    return %arg0, %c0_i32 : i32, i32
  }
}

module attributes {stable_mosaic.version = 14 : i64} {
  func.func @_mid_body(%arg0: i32, %arg1: memref<2x1024x128xf32, #tpu.memory_space<vmem>>, %arg2: memref<32x1024xf32, #tpu.memory_space<vmem>>, %arg3: memref<1024x128xf32, #tpu.memory_space<vmem>>, %arg4: memref<1x128xf32, #tpu.memory_space<vmem>>, %arg5: memref<128x128xf32, #tpu.memory_space<vmem>>, %arg6: memref<1x128xf32, #tpu.memory_space<vmem>>, %arg7: memref<128x128xf32, #tpu.memory_space<vmem>>, %arg8: memref<1x128xf32, #tpu.memory_space<vmem>>, %arg9: memref<128x128xf32, #tpu.memory_space<vmem>>, %arg10: memref<1x128xf32, #tpu.memory_space<vmem>>, %arg11: memref<1024x128xf32, #tpu.memory_space<vmem>>, %arg12: memref<1024x128xf32, #tpu.memory_space<vmem>>, %arg13: memref<1024x128xf32, #tpu.memory_space<vmem>>) attributes {dimension_semantics = [#tpu.dimension_semantics<arbitrary>], iteration_bounds = array<i64: 10>, scalar_prefetch = 0 : i64, scratch_operands = 0 : i64, tpu.core_type = #tpu.core_type<tc>, window_params = [{transform_indices = @transform_0, window_bounds = array<i64: 2, 1024, 128>}, {transform_indices = @transform_1, window_bounds = array<i64: 32, 1024>}, {transform_indices = @transform_2, window_bounds = array<i64: 1024, 128>}, {pipeline_mode = #tpu.pipeline_mode<synchronous>, transform_indices = @transform_3, window_bounds = array<i64: 1, 128>}, {pipeline_mode = #tpu.pipeline_mode<synchronous>, transform_indices = @transform_4, window_bounds = array<i64: 128, 128>}, {pipeline_mode = #tpu.pipeline_mode<synchronous>, transform_indices = @transform_5, window_bounds = array<i64: 1, 128>}, {pipeline_mode = #tpu.pipeline_mode<synchronous>, transform_indices = @transform_6, window_bounds = array<i64: 128, 128>}, {pipeline_mode = #tpu.pipeline_mode<synchronous>, transform_indices = @transform_7, window_bounds = array<i64: 1, 128>}, {pipeline_mode = #tpu.pipeline_mode<synchronous>, transform_indices = @transform_8, window_bounds = array<i64: 128, 128>}, {pipeline_mode = #tpu.pipeline_mode<synchronous>, transform_indices = @transform_9, window_bounds = array<i64: 1, 128>}, {transform_indices = @transform_10, window_bounds = array<i64: 1024, 128>}, {transform_indices = @transform_11, window_bounds = array<i64: 1024, 128>}, {transform_indices = @transform_12, window_bounds = array<i64: 1024, 128>}]} {
    %get3A = arith.constant 0 : index
    %get3A_0 = arith.constant 0 : index
    %get3A_1 = arith.constant 0 : index
    %get3A_2 = vector.load %arg1[%get3A, %get3A_0, %get3A_1] : memref<2x1024x128xf32, #tpu.memory_space<vmem>>, vector<1x1024x128xf32>
    %get3A_3 = vector.shape_cast %get3A_2 : vector<1x1024x128xf32> to vector<1024x128xf32>
    %get3A_4 = arith.constant 1 : index
    %get3A_5 = arith.constant 0 : index
    %get3A_6 = arith.constant 0 : index
    %get3A_7 = vector.load %arg1[%get3A_4, %get3A_5, %get3A_6] : memref<2x1024x128xf32, #tpu.memory_space<vmem>>, vector<1x1024x128xf32>
    %get3A_8 = vector.shape_cast %get3A_7 : vector<1x1024x128xf32> to vector<1024x128xf32>
    %add3A = arith.addf %get3A_3, %get3A_8 : vector<1024x128xf32>
    %get3A_9 = arith.constant 0 : index
    %get3A_10 = arith.constant 0 : index
    %get3A_11 = vector.load %arg2[%get3A_9, %get3A_10] : memref<32x1024xf32, #tpu.memory_space<vmem>>, vector<32x1024xf32>
    %reduce_sum3A = arith.constant dense<0.000000e+00> : vector<1024xf32>
    %reduce_sum3A_12 = vector.multi_reduction <add>, %get3A_11, %reduce_sum3A [0] : vector<32x1024xf32> to vector<1024xf32>
    %reshape3A = vector.shape_cast %reduce_sum3A_12 : vector<1024xf32> to vector<1024x1xf32>
    %gt3A = arith.constant 0.000000e+00 : f32
    %gt3A_13 = vector.broadcast %gt3A : f32 to vector<1024x1xf32>
    %gt3A_14 = arith.cmpf ogt, %reshape3A, %gt3A_13 : vector<1024x1xf32>
    %div3A = vector.broadcast %reshape3A : vector<1024x1xf32> to vector<1024x128xf32>
    %div3A_15 = arith.divf %add3A, %div3A : vector<1024x128xf32>
    %jit3A = arith.constant 0.000000e+00 : f32
    %broadcast_in_dim3A = vector.shape_cast %gt3A_14 : vector<1024x1xi1> to vector<1024x1xi1>
    %broadcast_in_dim3A_16 = vector.broadcast %broadcast_in_dim3A : vector<1024x1xi1> to vector<1024x128xi1>
    %broadcast_in_dim3A_17 = vector.broadcast %jit3A : f32 to vector<1024x128xf32>
    %select_n3A = arith.select %broadcast_in_dim3A_16, %div3A_15, %broadcast_in_dim3A_17 : vector<1024x128xi1>, vector<1024x128xf32>
    %get3A_18 = arith.constant 0 : index
    %get3A_19 = arith.constant 0 : index
    %get3A_20 = vector.load %arg4[%get3A_18, %get3A_19] : memref<1x128xf32, #tpu.memory_space<vmem>>, vector<1x128xf32>
    %add3A_21 = vector.broadcast %get3A_20 : vector<1x128xf32> to vector<1024x128xf32>
    %add3A_22 = arith.addf %select_n3A, %add3A_21 : vector<1024x128xf32>
    %get3A_23 = arith.constant 0 : index
    %get3A_24 = arith.constant 0 : index
    %get3A_25 = vector.load %arg3[%get3A_23, %get3A_24] : memref<1024x128xf32, #tpu.memory_space<vmem>>, vector<1024x128xf32>
    %add3A_26 = arith.addf %add3A_22, %get3A_25 : vector<1024x128xf32>
    %gt3A_27 = arith.constant 0.000000e+00 : f32
    %gt3A_28 = vector.broadcast %gt3A_27 : f32 to vector<1024x128xf32>
    %gt3A_29 = arith.cmpf ogt, %add3A_26, %gt3A_28 : vector<1024x128xf32>
    %exp3A = math.exp %add3A_26 : vector<1024x128xf32>
    %sub3A = arith.constant 1.000000e+00 : f32
    %sub3A_30 = vector.broadcast %sub3A : f32 to vector<1024x128xf32>
    %sub3A_31 = arith.subf %exp3A, %sub3A_30 : vector<1024x128xf32>
    %select_n3A_32 = arith.select %gt3A_29, %add3A_26, %sub3A_31 : vector<1024x128xi1>, vector<1024x128xf32>
    %get3A_33 = arith.constant 0 : index
    %get3A_34 = arith.constant 0 : index
    %get3A_35 = vector.load %arg5[%get3A_33, %get3A_34] : memref<128x128xf32, #tpu.memory_space<vmem>>, vector<128x128xf32>
    %dot_general3A = arith.constant dense<0.000000e+00> : vector<1024x128xf32>
    %dot_general3A_36 = tpu.matmul %select_n3A_32, %get3A_35, %dot_general3A {dimension_numbers = #tpu.dot_dimension_numbers<[1], [0], [0], [1], [0, 0, 1, 1], [], []>, transpose_lhs_hint = false} : vector<1024x128xf32>, vector<128x128xf32>, vector<1024x128xf32> -> vector<1024x128xf32>
    %get3A_37 = arith.constant 0 : index
    %get3A_38 = arith.constant 0 : index
    %get3A_39 = vector.load %arg6[%get3A_37, %get3A_38] : memref<1x128xf32, #tpu.memory_space<vmem>>, vector<1x128xf32>
    %add3A_40 = vector.broadcast %get3A_39 : vector<1x128xf32> to vector<1024x128xf32>
    %add3A_41 = arith.addf %dot_general3A_36, %add3A_40 : vector<1024x128xf32>
    %swap3A = arith.constant 0 : index
    %swap3A_42 = arith.constant 0 : index
    %swap3A_43 = vector.load %arg11[%swap3A, %swap3A_42] : memref<1024x128xf32, #tpu.memory_space<vmem>>, vector<1024x128xf32>
    tpu.vector_store %arg11[%swap3A, %swap3A_42], %add3A_41 {strides = array<i32>} : memref<1024x128xf32, #tpu.memory_space<vmem>>, vector<1024x128xf32>,
    %get3A_44 = arith.constant 0 : index
    %get3A_45 = arith.constant 0 : index
    %get3A_46 = vector.load %arg7[%get3A_44, %get3A_45] : memref<128x128xf32, #tpu.memory_space<vmem>>, vector<128x128xf32>
    %dot_general3A_47 = arith.constant dense<0.000000e+00> : vector<1024x128xf32>
    %dot_general3A_48 = tpu.matmul %select_n3A_32, %get3A_46, %dot_general3A_47 {dimension_numbers = #tpu.dot_dimension_numbers<[1], [0], [0], [1], [0, 0, 1, 1], [], []>, transpose_lhs_hint = false} : vector<1024x128xf32>, vector<128x128xf32>, vector<1024x128xf32> -> vector<1024x128xf32>
    %get3A_49 = arith.constant 0 : index
    %get3A_50 = arith.constant 0 : index
    %get3A_51 = vector.load %arg8[%get3A_49, %get3A_50] : memref<1x128xf32, #tpu.memory_space<vmem>>, vector<1x128xf32>
    %add3A_52 = vector.broadcast %get3A_51 : vector<1x128xf32> to vector<1024x128xf32>
    %add3A_53 = arith.addf %dot_general3A_48, %add3A_52 : vector<1024x128xf32>
    %swap3A_54 = arith.constant 0 : index
    %swap3A_55 = arith.constant 0 : index
    %swap3A_56 = vector.load %arg12[%swap3A_54, %swap3A_55] : memref<1024x128xf32, #tpu.memory_space<vmem>>, vector<1024x128xf32>
    tpu.vector_store %arg12[%swap3A_54, %swap3A_55], %add3A_53 {strides = array<i32>} : memref<1024x128xf32, #tpu.memory_space<vmem>>, vector<1024x128xf32>,
    %get3A_57 = arith.constant 0 : index
    %get3A_58 = arith.constant 0 : index
    %get3A_59 = vector.load %arg9[%get3A_57, %get3A_58] : memref<128x128xf32, #tpu.memory_space<vmem>>, vector<128x128xf32>
    %dot_general3A_60 = arith.constant dense<0.000000e+00> : vector<1024x128xf32>
    %dot_general3A_61 = tpu.matmul %select_n3A_32, %get3A_59, %dot_general3A_60 {dimension_numbers = #tpu.dot_dimension_numbers<[1], [0], [0], [1], [0, 0, 1, 1], [], []>, transpose_lhs_hint = false} : vector<1024x128xf32>, vector<128x128xf32>, vector<1024x128xf32> -> vector<1024x128xf32>
    %get3A_62 = arith.constant 0 : index
    %get3A_63 = arith.constant 0 : index
    %get3A_64 = vector.load %arg10[%get3A_62, %get3A_63] : memref<1x128xf32, #tpu.memory_space<vmem>>, vector<1x128xf32>
    %add3A_65 = vector.broadcast %get3A_64 : vector<1x128xf32> to vector<1024x128xf32>
    %add3A_66 = arith.addf %dot_general3A_61, %add3A_65 : vector<1024x128xf32>
    %swap3A_67 = arith.constant 0 : index
    %swap3A_68 = arith.constant 0 : index
    %swap3A_69 = vector.load %arg13[%swap3A_67, %swap3A_68] : memref<1024x128xf32, #tpu.memory_space<vmem>>, vector<1024x128xf32>
    tpu.vector_store %arg13[%swap3A_67, %swap3A_68], %add3A_66 {strides = array<i32>} : memref<1024x128xf32, #tpu.memory_space<vmem>>, vector<1024x128xf32>,
    return
  }
  func.func @transform_0(%arg0: i32) -> (i32, i32, i32) {
    %c0_i32 = arith.constant 0 : i32
    %c0_i32_0 = arith.constant 0 : i32
    %c0_i32_1 = arith.constant 0 : i32
    return %c0_i32, %arg0, %c0_i32_0 : i32, i32, i32
  }
  func.func @transform_1(%arg0: i32) -> (i32, i32) {
    %c0_i32 = arith.constant 0 : i32
    %c0_i32_0 = arith.constant 0 : i32
    return %c0_i32, %arg0 : i32, i32
  }
  func.func @transform_2(%arg0: i32) -> (i32, i32) {
    %c0_i32 = arith.constant 0 : i32
    %c0_i32_0 = arith.constant 0 : i32
    return %arg0, %c0_i32 : i32, i32
  }
  func.func @transform_3(%arg0: i32) -> (i32, i32) {
    %c0_i32 = arith.constant 0 : i32
    %c0_i32_0 = arith.constant 0 : i32
    %c0_i32_1 = arith.constant 0 : i32
    return %c0_i32, %c0_i32_0 : i32, i32
  }
  func.func @transform_4(%arg0: i32) -> (i32, i32) {
    %c0_i32 = arith.constant 0 : i32
    %c0_i32_0 = arith.constant 0 : i32
    %c0_i32_1 = arith.constant 0 : i32
    return %c0_i32, %c0_i32_0 : i32, i32
  }
  func.func @transform_5(%arg0: i32) -> (i32, i32) {
    %c0_i32 = arith.constant 0 : i32
    %c0_i32_0 = arith.constant 0 : i32
    %c0_i32_1 = arith.constant 0 : i32
    return %c0_i32, %c0_i32_0 : i32, i32
  }
  func.func @transform_6(%arg0: i32) -> (i32, i32) {
    %c0_i32 = arith.constant 0 : i32
    %c0_i32_0 = arith.constant 0 : i32
    %c0_i32_1 = arith.constant 0 : i32
    return %c0_i32, %c0_i32_0 : i32, i32
  }
  func.func @transform_7(%arg0: i32) -> (i32, i32) {
    %c0_i32 = arith.constant 0 : i32
    %c0_i32_0 = arith.constant 0 : i32
    %c0_i32_1 = arith.constant 0 : i32
    return %c0_i32, %c0_i32_0 : i32, i32
  }
  func.func @transform_8(%arg0: i32) -> (i32, i32) {
    %c0_i32 = arith.constant 0 : i32
    %c0_i32_0 = arith.constant 0 : i32
    %c0_i32_1 = arith.constant 0 : i32
    return %c0_i32, %c0_i32_0 : i32, i32
  }
  func.func @transform_9(%arg0: i32) -> (i32, i32) {
    %c0_i32 = arith.constant 0 : i32
    %c0_i32_0 = arith.constant 0 : i32
    %c0_i32_1 = arith.constant 0 : i32
    return %c0_i32, %c0_i32_0 : i32, i32
  }
  func.func @transform_10(%arg0: i32) -> (i32, i32) {
    %c0_i32 = arith.constant 0 : i32
    %c0_i32_0 = arith.constant 0 : i32
    return %arg0, %c0_i32 : i32, i32
  }
  func.func @transform_11(%arg0: i32) -> (i32, i32) {
    %c0_i32 = arith.constant 0 : i32
    %c0_i32_0 = arith.constant 0 : i32
    return %arg0, %c0_i32 : i32, i32
  }
  func.func @transform_12(%arg0: i32) -> (i32, i32) {
    %c0_i32 = arith.constant 0 : i32
    %c0_i32_0 = arith.constant 0 : i32
    return %arg0, %c0_i32 : i32, i32
  }
}

module attributes {stable_mosaic.version = 14 : i64} {
  func.func @_post_body(%arg0: i32, %arg1: memref<2x1024x128xf32, #tpu.memory_space<vmem>>, %arg2: memref<32x1024xf32, #tpu.memory_space<vmem>>, %arg3: memref<1024x128xf32, #tpu.memory_space<vmem>>, %arg4: memref<1x128xf32, #tpu.memory_space<vmem>>, %arg5: memref<1024x128xf32, #tpu.memory_space<vmem>>) attributes {dimension_semantics = [#tpu.dimension_semantics<arbitrary>], iteration_bounds = array<i64: 10>, scalar_prefetch = 0 : i64, scratch_operands = 0 : i64, tpu.core_type = #tpu.core_type<tc>, window_params = [{transform_indices = @transform_0, window_bounds = array<i64: 2, 1024, 128>}, {transform_indices = @transform_1, window_bounds = array<i64: 32, 1024>}, {transform_indices = @transform_2, window_bounds = array<i64: 1024, 128>}, {pipeline_mode = #tpu.pipeline_mode<synchronous>, transform_indices = @transform_3, window_bounds = array<i64: 1, 128>}, {transform_indices = @transform_4, window_bounds = array<i64: 1024, 128>}]} {
    %get3A = arith.constant 0 : index
    %get3A_0 = arith.constant 0 : index
    %get3A_1 = arith.constant 0 : index
    %get3A_2 = vector.load %arg1[%get3A, %get3A_0, %get3A_1] : memref<2x1024x128xf32, #tpu.memory_space<vmem>>, vector<1x1024x128xf32>
    %get3A_3 = vector.shape_cast %get3A_2 : vector<1x1024x128xf32> to vector<1024x128xf32>
    %get3A_4 = arith.constant 1 : index
    %get3A_5 = arith.constant 0 : index
    %get3A_6 = arith.constant 0 : index
    %get3A_7 = vector.load %arg1[%get3A_4, %get3A_5, %get3A_6] : memref<2x1024x128xf32, #tpu.memory_space<vmem>>, vector<1x1024x128xf32>
    %get3A_8 = vector.shape_cast %get3A_7 : vector<1x1024x128xf32> to vector<1024x128xf32>
    %add3A = arith.addf %get3A_3, %get3A_8 : vector<1024x128xf32>
    %get3A_9 = arith.constant 0 : index
    %get3A_10 = arith.constant 0 : index
    %get3A_11 = vector.load %arg2[%get3A_9, %get3A_10] : memref<32x1024xf32, #tpu.memory_space<vmem>>, vector<32x1024xf32>
    %reduce_sum3A = arith.constant dense<0.000000e+00> : vector<1024xf32>
    %reduce_sum3A_12 = vector.multi_reduction <add>, %get3A_11, %reduce_sum3A [0] : vector<32x1024xf32> to vector<1024xf32>
    %reshape3A = vector.shape_cast %reduce_sum3A_12 : vector<1024xf32> to vector<1024x1xf32>
    %gt3A = arith.constant 0.000000e+00 : f32
    %gt3A_13 = vector.broadcast %gt3A : f32 to vector<1024x1xf32>
    %gt3A_14 = arith.cmpf ogt, %reshape3A, %gt3A_13 : vector<1024x1xf32>
    %div3A = vector.broadcast %reshape3A : vector<1024x1xf32> to vector<1024x128xf32>
    %div3A_15 = arith.divf %add3A, %div3A : vector<1024x128xf32>
    %jit3A = arith.constant 0.000000e+00 : f32
    %broadcast_in_dim3A = vector.shape_cast %gt3A_14 : vector<1024x1xi1> to vector<1024x1xi1>
    %broadcast_in_dim3A_16 = vector.broadcast %broadcast_in_dim3A : vector<1024x1xi1> to vector<1024x128xi1>
    %broadcast_in_dim3A_17 = vector.broadcast %jit3A : f32 to vector<1024x128xf32>
    %select_n3A = arith.select %broadcast_in_dim3A_16, %div3A_15, %broadcast_in_dim3A_17 : vector<1024x128xi1>, vector<1024x128xf32>
    %get3A_18 = arith.constant 0 : index
    %get3A_19 = arith.constant 0 : index
    %get3A_20 = vector.load %arg4[%get3A_18, %get3A_19] : memref<1x128xf32, #tpu.memory_space<vmem>>, vector<1x128xf32>
    %add3A_21 = vector.broadcast %get3A_20 : vector<1x128xf32> to vector<1024x128xf32>
    %add3A_22 = arith.addf %select_n3A, %add3A_21 : vector<1024x128xf32>
    %get3A_23 = arith.constant 0 : index
    %get3A_24 = arith.constant 0 : index
    %get3A_25 = vector.load %arg3[%get3A_23, %get3A_24] : memref<1024x128xf32, #tpu.memory_space<vmem>>, vector<1024x128xf32>
    %add3A_26 = arith.addf %add3A_22, %get3A_25 : vector<1024x128xf32>
    %iota3A = tpu.iota {dimensions = array<i32: 1>} : vector<1024x128xi32>
    %lt3A = arith.constant 40 : i32
    %lt3A_27 = vector.broadcast %lt3A : i32 to vector<1024x128xi32>
    %lt3A_28 = arith.cmpi slt, %iota3A, %lt3A_27 : vector<1024x128xi32>
    %jit3A_29 = arith.constant -1.000000e+30 : f32
    %broadcast_in_dim3A_30 = vector.broadcast %jit3A_29 : f32 to vector<1024x128xf32>
    %select_n3A_31 = arith.select %lt3A_28, %add3A_26, %broadcast_in_dim3A_30 : vector<1024x128xi1>, vector<1024x128xf32>
    %reduce_max3A = arith.constant dense<0xFF800000> : vector<1024xf32>
    %reduce_max3A_32 = vector.multi_reduction <maximumf>, %select_n3A_31, %reduce_max3A [1] : vector<1024x128xf32> to vector<1024xf32>
    %broadcast_in_dim3A_33 = vector.shape_cast %reduce_max3A_32 : vector<1024xf32> to vector<1024x1xf32>
    %sub3A = vector.broadcast %broadcast_in_dim3A_33 : vector<1024x1xf32> to vector<1024x128xf32>
    %sub3A_34 = arith.subf %select_n3A_31, %sub3A : vector<1024x128xf32>
    %exp3A = math.exp %sub3A_34 : vector<1024x128xf32>
    %jit3A_35 = arith.constant 0.000000e+00 : f32
    %broadcast_in_dim3A_36 = vector.broadcast %jit3A_35 : f32 to vector<1024x128xf32>
    %select_n3A_37 = arith.select %lt3A_28, %exp3A, %broadcast_in_dim3A_36 : vector<1024x128xi1>, vector<1024x128xf32>
    %reduce_sum3A_38 = arith.constant dense<0.000000e+00> : vector<1024xf32>
    %reduce_sum3A_39 = vector.multi_reduction <add>, %select_n3A_37, %reduce_sum3A_38 [1] : vector<1024x128xf32> to vector<1024xf32>
    %broadcast_in_dim3A_40 = vector.shape_cast %reduce_sum3A_39 : vector<1024xf32> to vector<1024x1xf32>
    %sub3A_41 = vector.broadcast %broadcast_in_dim3A_33 : vector<1024x1xf32> to vector<1024x128xf32>
    %sub3A_42 = arith.subf %add3A_26, %sub3A_41 : vector<1024x128xf32>
    %log3A = math.log %broadcast_in_dim3A_40 : vector<1024x1xf32>
    %sub3A_43 = vector.broadcast %log3A : vector<1024x1xf32> to vector<1024x128xf32>
    %sub3A_44 = arith.subf %sub3A_42, %sub3A_43 : vector<1024x128xf32>
    %swap3A = arith.constant 0 : index
    %swap3A_45 = arith.constant 0 : index
    %swap3A_46 = vector.load %arg5[%swap3A, %swap3A_45] : memref<1024x128xf32, #tpu.memory_space<vmem>>, vector<1024x128xf32>
    tpu.vector_store %arg5[%swap3A, %swap3A_45], %sub3A_44 {strides = array<i32>} : memref<1024x128xf32, #tpu.memory_space<vmem>>, vector<1024x128xf32>,
    return
  }
  func.func @transform_0(%arg0: i32) -> (i32, i32, i32) {
    %c0_i32 = arith.constant 0 : i32
    %c0_i32_0 = arith.constant 0 : i32
    %c0_i32_1 = arith.constant 0 : i32
    return %c0_i32, %arg0, %c0_i32_0 : i32, i32, i32
  }
  func.func @transform_1(%arg0: i32) -> (i32, i32) {
    %c0_i32 = arith.constant 0 : i32
    %c0_i32_0 = arith.constant 0 : i32
    return %c0_i32, %arg0 : i32, i32
  }
  func.func @transform_2(%arg0: i32) -> (i32, i32) {
    %c0_i32 = arith.constant 0 : i32
    %c0_i32_0 = arith.constant 0 : i32
    return %arg0, %c0_i32 : i32, i32
  }
  func.func @transform_3(%arg0: i32) -> (i32, i32) {
    %c0_i32 = arith.constant 0 : i32
    %c0_i32_0 = arith.constant 0 : i32
    %c0_i32_1 = arith.constant 0 : i32
    return %c0_i32, %c0_i32_0 : i32, i32
  }
  func.func @transform_4(%arg0: i32) -> (i32, i32) {
    %c0_i32 = arith.constant 0 : i32
    %c0_i32_0 = arith.constant 0 : i32
    return %arg0, %c0_i32 : i32, i32
  }
}

</mosaic_0001>

<sc_bundles>
// kernel: kernel.10.cloned.1.call-start
scs
__scs_entry_jumppad:
0x0: {  	(pc) =	sbr.rel $0x88, $3  }
0x1: {  	(tag) =	ssettag $0x0;
	lr =	simm.s32 $0x1  }
0x2: {  	[smem:$0x3F8F] =	sst lr;
	_ =	strace $0xD0000000  }
0x3: {  	_ = 	snop  }
0x4: {  	_ = 	snop  }
0x5: {  	_ = 	snop  }
0x6: {  	_ = 	snop  }
0x7: {  	_ = 	snop  }
__scs_overlays_trampoline_lowered:
0x8: {  	[smem:$0x3F9E] =	sst s0  }
0x9: {  	[smem:$0x3F9F] =	sst s1  }
0xa: {  	[smem:$0x3FA0] =	sst s2  }
0xb: {  	[smem:$0x3FA1] =	sst s3  }
0xc: {  	[smem:$0x3FA2] =	sst s4  }
0xd: {  	[smem:$0x3FA3] =	sst s5  }
0xe: {  	[smem:$0x3FA4] =	sst s6  }
0xf: {  	[smem:$0x3FA5] =	sst s7  }
0x10: {  	[smem:$0x3FA6] =	sst s8  }
0x11: {  	[smem:$0x3FA7] =	sst s9;
	s0 =	simm.s32 @!p0 $0x0  }
0x12: {  	s1 =	sld [smem:$0x3F8D];
	s0 =	simm.s32 @p0 $0x1  }
0x13: {  	[smem:$0x3FA8] =	sst s0;
	s0 =	simm.s32 @!p1 $0x0  }
0x14: {  	s2 =	sld [smem:$0x3F8C];
	s0 =	simm.s32 @p1 $0x1  }
0x15: {  	[smem:$0x3FA9] =	sst s0;
	s0 =	simm.s32 @!p2 $0x0  }
0x16: {  	s3 =	sld [smem:$0x3FDB];
	s0 =	simm.s32 @p2 $0x1  }
0x17: {  	s4 =	simm.s32 $0x1BF5;
	[smem:$0x3FAB] =	sst s0  }
0x18: {  	s0 =	sld [smem:$0x3F8E];
	_ =	swait.ge [sflag:s4], $0x0  }
0x19: {  	s7 =	sld [smem:$0x3F8F]  }
0x1a: {  	s8 =	sadd.s32 $0xFFFFE003, lr  }
0x1b: {  	s9 =	sadd.s32 $0xFFFFFEF7, lr;
	s5 =	simm.s32 $0xFFFFFFFF;
	p2 =	slt.u32 s8, $0xFFFFF086  }
0x1c: {  	p1 =	slt.u32 s9, $0xF7A;
	s5 =	simm.s32 @!p2 $0x0  }
0x1d: {  	s5 =	simm.s32 @p1 $0x1;
	p0 =	seq.s32 s7, s2  }
0x1e: {  	s7 =	smul.u32 @!p0 $0xF7A, s2;
	p2 =	seq.s32 @!p0 s5, $0x0  }
0x1f: {  	s9 =	smul.u32 $0xF7A, s1;
	s8 =	simm.s32 @!p0 $0x1BF5;
	p2 =	por !p2, p0  }
0x20: {  	[sflag:s8] =	ssyncset.s32 @!p0 $0xFFFFF086;
	s6 =	sadd.s32 @!p0 s3, s7;
	s7 =	simm.s32 @!p0 $0x108  }
0x21: {  	s3 =	sadd.s32 s3, s9;
	s6 =	sadd.s32 @!p0 $0x88, s6;
	s7 =	simm.s32 @p2 $0x1082  }
0x22: {  	[simem:s7], [sflag:s8] =	dma.local @!p0 [hbm:s6], $0xF7A  }
0x23: {  	s9 =	sor.u32 $0xD0000000, s2;
	s6 =	simm.s32 $0x108;
	_ =	swait.ge @!p0 [sflag:s8], $0x0  }
0x24: {  	s3 =	sadd.s32 $0x88, s3;
	s6 =	simm.s32 @!p1 $0x1082;
	[sflag:s4] =	ssyncset.s32 $0xFFFFF086  }
0x25: {  	[simem:s6], [sflag:s4] =	dma.local [hbm:s3], $0xF7A  }
0x26: {  	[smem:$0x3F8F] =	sst s1;
	(tag) =	ssettag s2;
	_ =	strace s9  }
0x27: {  	s1 =	sld [smem:$0x3F9F]  }
0x28: {  	s2 =	sld [smem:$0x3FA0]  }
0x29: {  	s4 =	sld [smem:$0x3FA2]  }
0x2a: {  	p0 =	seq.s32 s5, $0x0;
	s5 =	sld [smem:$0x3FA3]  }
0x2b: {  	s6 =	sld [smem:$0x3FA4]  }
0x2c: {  	s7 =	sld [smem:$0x3FA5]  }
0x2d: {  	s3 =	simm.s32 $0x108;
	s8 =	sld [smem:$0x3FA6]  }
0x2e: {  	s3 =	simm.s32 @!p0 $0x1082;
	s9 =	sld [smem:$0x3FA7]  }
0x2f: {  	lr =	sadd.s32 s0, s3;
	s0 =	sld [smem:$0x3F9E]  }
0x30: {  	s3 =	sld [smem:$0x3FA1]  }
0x31: {  	[smem:$0x3FAA] =	sst s10  }
0x32: {  	s10 =	sld [smem:$0x3FA8];
	_ =	sdelay $0x3  }
0x33: {  	p0 =	seq.s32 s10, $0x1;
	s10 =	sld [smem:$0x3FAA];
	_ =	sdelay $0x3  }
0x34: {  	[smem:$0x3FAA] =	sst s10  }
0x35: {  	s10 =	sld [smem:$0x3FA9];
	_ =	sdelay $0x3  }
0x36: {  	p1 =	seq.s32 s10, $0x1;
	s10 =	sld [smem:$0x3FAA];
	_ =	sdelay $0x3  }
0x37: {  	[smem:$0x3FAA] =	sst s10  }
0x38: {  	s10 =	sld [smem:$0x3FAB]  }
0x39: {  	_ = 	snop;
	(pc) =	sbr.ind lr, $3  }
0x3a: {  	_ = 	snop  }
0x3b: {  	_ = 	snop  }
0x3c: {  	p2 =	seq.s32 s10, $0x1;
	s10 =	sld [smem:$0x3FAA]  }
0x3d: {  	_ =	shalt  }
0x3e: {  	_ =	shalt  }
0x3f: {  	_ =	shalt  }
0x40: {  	_ =	shalt  }
0x41: {  	_ =	shalt  }
0x42: {  	_ =	shalt  }
0x43: {  	_ =	shalt  }
0x44: {  	_ =	shalt  }
0x45: {  	_ =	shalt  }
0x46: {  	_ =	shalt  }
0x47: {  	_ =	shalt  }
0x48: {  	_ =	shalt  }
0x49: {  	_ =	shalt  }
0x4a: {  	_ =	shalt  }
0x4b: {  	_ =	shalt  }
0x4c: {  	_ =	shalt  }
0x4d: {  	_ =	shalt  }
0x4e: {  	_ =	shalt  }
0x4f: {  	_ =	shalt  }
0x50: {  	_ =	shalt  }
0x51: {  	_ =	shalt  }
0x52: {  	_ =	shalt  }
0x53: {  	_ =	shalt  }
0x54: {  	_ =	shalt  }
0x55: {  	_ =	shalt  }
0x56: {  	_ =	shalt  }
0x57: {  	_ =	shalt  }
0x58: {  	_ =	shalt  }
0x59: {  	_ =	shalt  }
0x5a: {  	_ =	shalt  }
0x5b: {  	_ =	shalt  }
0x5c: {  	_ =	shalt  }
0x5d: {  	_ =	shalt  }
0x5e: {  	_ =	shalt  }
0x5f: {  	_ =	shalt  }
0x60: {  	_ =	shalt  }
0x61: {  	_ =	shalt  }
0x62: {  	_ =	shalt  }
0x63: {  	_ =	shalt  }
0x64: {  	_ =	shalt  }
0x65: {  	_ =	shalt  }
0x66: {  	_ =	shalt  }
0x67: {  	_ =	shalt  }
0x68: {  	_ =	shalt  }
0x69: {  	_ =	shalt  }
0x6a: {  	_ =	shalt  }
0x6b: {  	_ =	shalt  }
0x6c: {  	_ =	shalt  }
0x6d: {  	_ =	shalt  }
0x6e: {  	_ =	shalt  }
0x6f: {  	_ =	shalt  }
0x70: {  	_ =	shalt  }
0x71: {  	_ =	shalt  }
0x72: {  	_ =	shalt  }
0x73: {  	_ =	shalt  }
0x74: {  	_ =	shalt  }
0x75: {  	_ =	shalt  }
0x76: {  	_ =	shalt  }
0x77: {  	_ =	shalt  }
0x78: {  	_ =	shalt  }
0x79: {  	_ =	shalt  }
0x7a: {  	_ =	shalt  }
0x7b: {  	_ =	shalt  }
0x7c: {  	_ =	shalt  }
0x7d: {  	_ =	shalt  }
0x7e: {  	_ =	shalt  }
0x7f: {  	_ =	shalt  }
0x80: {  	_ =	shalt  }
0x81: {  	_ =	shalt  }
0x82: {  	_ =	shalt  }
0x83: {  	_ =	shalt  }
0x84: {  	_ =	shalt  }
0x85: {  	_ =	shalt  }
0x86: {  	_ =	shalt  }
0x87: {  	_ =	shalt  }
.Lfunc_end0:
.L_simem_size_0:
called_computation.1_lowered:
.L_overlay_start_0:
0x88: {  	s2 =	sld [smem:$0x3FD9]  }
0x89: {  	s3 =	sld [smem:$0x3FFE];
	_ =	sdelay $0x1  }
0x8a: {  	s1 =	srdreg.scid  }
0x8b: {  	s0 =	sand.u32 $0x1, s1  }
0x8c: {  	s14 =	sshll.u32 s0, $0xA;
	s2 =	sadd.s32 s3, s2  }
0x8d: {  	s2 =	sadd.s32 s2, s14  }
0x8e: {  	[smem:$0x3FB6] =	sst s2  }
0x8f: {  	_ = 	snop  }
0x90: {  	s2 =	sld [smem:$0x3FD0];
	_ =	sdelay $0x2  }
0x91: {  	s15 =	simm.s32 $0xA;
	s4 =	simm.s32 $0x10  }
0x92: {  	[smem:s4], [sflag:s15] =	dma.local [hbm:s2], $0x1  }
0x93: {  	_ =	swait.eq [sflag:s15], $0x1  }
0x94: {  	[sflag:s15] =	ssyncset.done $0x0  }
0x95: {  	s16 =	sld [smem:$0x10];
	[sflag:s15] =	ssyncadd.s32 $0xFFFFFFFF  }
0x96: {  	s17 =	sld [smem:$0x11];
	(tm) =	ssettm $0x1  }
0x97: {  	s18 =	sld [smem:$0x3FFB];
	_ =	sdelay $0x3  }
0x98: {  	_ =	strace s18  }
0x99: {  	s4 =	sld [smem:$0x3FFC];
	_ =	sdelay $0x3  }
0x9a: {  	_ =	strace s4  }
0x9b: {  	s4 =	sld [smem:$0x3FFD];
	_ =	sdelay $0x3  }
0x9c: {  	_ =	strace s4  }
0x9d: {  	_ =	strace $0x8FFFFFFF  }
0x9e: {  	s19 =	sld [smem:$0x3FDB];
	_ =	sdelay $0x1  }
0x9f: {  	s5 =	simm.s32 $_scs_section_size  }
0xa0: {  	s6 =	simm.s32 $_size__tile_overlayer_lowered;
	s7 =	simm.s32 $_tile_overlayer_lowered  }
0xa1: {  	s22 =	simm.s32 $0x1BFF;
	s21 =	sshll.u32 s7, $0x1;
	s4 =	sadd.s32 s5, s19  }
0xa2: {  	s8 =	simm.s32 $0x0;
	s20 =	sshll.u32 s6, $0x1;
	s6 =	sadd.s32 s21, s4  }
0xa3: {  	[timem:s8], [sflag:s22] =	dma.local [hbm:s6], s20  }
0xa4: {  	_ =	swait.ge [sflag:s22], s20  }
0xa5: {  	s5 =	ssub.s32 $0x0, s20;
	[sflag:s22] =	ssyncset.done $0x0  }
0xa6: {  	[sflag:s22] =	ssyncadd.s32 s5;
	_ =	sdelay $0x1  }
0xa7: {  	s23 =	simm.s32 $0x1B8B  }
0xa8: {  	_ =	swait.ge [sflag:s23], $0x1  }
0xa9: {  	[sflag:s23] =	ssyncset.done $0x0  }
0xaa: {  	s25 =	simm.s32 $0x1B8E;
	s24 =	sld [smem:$0x3FFE];
	[sflag:s23] =	ssyncadd.s32 $0xFFFFFFFF  }
0xab: {  	s26 =	simm.s32 $execute0_lowered;
	[smem:$0x3FD2] =	sst s25  }
0xac: {  	s6 =	sshll.u32 s26, $0x1;
	_ =	strace $0x80000049;
	[dreg:$0x1] =	wrdreg $0xFFFFFFFF  }
0xad: {  	s28 =	simm.s32 $_size_execute0_lowered;
	s4 =	sadd.s32 s4, s6;
	[dreg:$0x0] =	wrdreg $0x0  }
0xae: {  	s6 =	sshll.u32 s28, $0x1;
	[dreg:$0x2] =	wrdreg s4  }
0xaf: {  	[dreg:$0x3] =	wrdreg s6  }
0xb0: {  	[dreg:$0x4] =	wrdreg $0xC0  }
0xb1: {  	_ =	task [dreg:s8], $0x5FFFF  }
0xb2: {  	[dreg:$0x1] =	wrdreg $0xFFFFFFFF  }
0xb3: {  	[dreg:$0x0] =	wrdreg $0x60  }
0xb4: {  	[dreg:$0x2] =	wrdreg s24  }
0xb5: {  	[dreg:$0x3] =	wrdreg s16  }
0xb6: {  	[dreg:$0x4] =	wrdreg s17  }
0xb7: {  	[dreg:$0x5] =	wrdreg $0xBA800  }
0xb8: {  	[dreg:$0x6] =	wrdreg $0x9  }
0xb9: {  	_ =	task.clear_ibuf [dreg:s8], $0x7FFFF;
	_ =	strace $0x90000049  }
0xba: {  	s29 =	simm.s32 $0x9;
	_ =	strace $0x8000004B  }
0xbb: {  	_ =	swait.ge [sflag:s29], $0x1  }
0xbc: {  	[sflag:s29] =	ssyncadd.s32 $0xFFFFFFFF  }
0xbd: {  	_ =	strace $0x9000004B  }
0xbe: {  	_ =	sfence  }
0xbf: {  	s30 =	sld [smem:$0x0];
	_ =	sdelay $0x2  }
0xc0: {  	s31 =	sshll.u32 s1, $0xD;
	s1 =	sshrl.u32 s1, $0x2  }
0xc1: {  	s3 =	sand.u32 $0x4000, s31;
	s1 =	sadd.s32 s1, s30  }
0xc2: {  	s0 =	sor.u32 s3, s0;
	s1 =	sshll.u32 s1, $0x11  }
0xc3: {  	s0 =	sor.u32 s1, s0  }
0xc4: {  	s0 =	sadd.s32 $0x8F2B, s0  }
0xc5: {  	[sflag:s0] =	ssyncadd.remote.s32 $0x1  }
0xc6: {  	_ =	sfence.sel $0xFFFF  }
0xc7: {  	[dreg:$0x0] =	wrdreg $0xFFFFFFFF;
	(pc) =	sbr.abs _section_cstart, $3  }
0xc8: {  	[dreg:$0x1] =	wrdreg $0xFFFFFFFF  }
0xc9: {  	_ =	task.clear_ibuf [dreg:s8], $0x2FFFF;
	_ =	strace $0x9FFFFFFF  }
0xca: {  	(tm) =	ssettm $0x7FFFFFFF  }
0xcb: {  	_ =	shalt  }
tec
execute0_lowered:
.L_overlay_start_1:
0x0: {  	(tag) =	ssettag $0x1  }
0x1: {  	s0 =	rddreg [dreg:$0x0]  }
0x2: {  	s1 =	rddreg [dreg:$0x1]  }
0x3: {  	s2 =	rddreg [dreg:$0x2]  }
0x4: {  	s3 =	rddreg [dreg:$0x3];
	s4 =	srdreg.scid;
	s5 =	simm.s32 $0x0  }
0x5: {  	s12 =	stileid.u32;
	s28 =	simm.s32 $0x6280;
	s29 =	simm.s32 $0x80  }
0x6: {  	s30 =	simm.s32 $0x30;
	s31 =	simm.s32 $0xB0;
	s4 =	sand.u32 $0x1, s4  }
0x7: {  	[smem:$0x7FF] =	sst s5;
	s6 =	sadd.s32 $0x3800, s0;
	s9 =	smul.u32 $0x13C00, s12  }
0x8: {  	s7 =	sadd.s32 $0x2B800, s0;
	s11 =	sshll.u32 s12, $0x7;
	s13 =	sadd.s32 $0xAD800, s0  }
0x9: {  	s10 =	sshll.u32 s4, $0x4;
	_ =	strace $0x8000004A;
	s8 =	smul.u32 $0x140000, s4  }
0xa: {  	[dreg:$0x5] =	wrdreg s13;
	s11 =	sand.u32 $0x380, s11;
	s4 =	ssub.s32 $0x2, s4  }
0xb: {  	s5 =	sor.u32 s12, s10;
	s12 =	smul.u32 $0x4F000, s12;
	s13 =	sshrl.u32 s4, $0x1  }
0xc: {  	s10 =	sshrl.u32 s5, $0x3;
	s8 =	sadd.s32 s9, s8;
	s5 =	smul.u32 $0x2880, s5  }
0xd: {  	s4 =	ssub.s32 s4, s13;
	s13 =	simm.s32 $0x4;
	s10 =	smul.u32 $0x14000, s10  }
0xe: {  	s8 =	sshrl.u32 s8, $0x3;
	s26 =	smax.u32 s4, $0x1;
	s4 =	simm.s32 $0x2  }
0xf: {  	s8 =	sadd.s32 s8, s0;
	s20 =	sshrl.u32 s5, $0x3;
	[dreg:$0x13] =	wrdreg s26  }
0x10: {  	s26 =	simm.s32 $0x7;
	s9 =	sor.u32 s11, s10;
	s21 =	sadd.s32 s1, s20  }
0x11: {  	s22 =	sor.u32 $0x6, s20;
	s25 =	sadd.s32 $0x53800, s8;
	[dreg:$0xd] =	wrdreg s21  }
0x12: {  	s10 =	sshrl.u32 s12, $0x2;
	s23 =	sadd.s32 s1, s22;
	[dreg:$0x12] =	wrdreg s25  }
0x13: {  	s8 =	simm.s32 $0x1A80;
	s24 =	sadd.s32 s2, s22;
	[dreg:$0xf] =	wrdreg s23  }
0x14: {  	s11 =	simm.s32 $0x3;
	s18 =	sadd.s32 s10, s3;
	[dreg:$0x10] =	wrdreg s24  }
0x15: {  	s12 =	simm.s32 $0x100;
	s14 =	sadd.s32 $0x3000, s18;
	[dreg:$0x6] =	wrdreg s18  }
0x16: {  	s9 =	sshrl.u32 s9, $0x3;
	s15 =	sadd.s32 $0x6000, s18;
	[dreg:$0x7] =	wrdreg s14  }
0x17: {  	s21 =	sadd.s32 $0x90, s5;
	s16 =	sadd.s32 $0x9000, s18;
	[dreg:$0x8] =	wrdreg s15  }
0x18: {  	s25 =	simm.s32 $0x3280;
	s17 =	sadd.s32 $0xC000, s18;
	[dreg:$0x9] =	wrdreg s16  }
0x19: {  	s0 =	sadd.s32 s9, s0;
	s19 =	sadd.s32 $0xF000, s18;
	[dreg:$0xa] =	wrdreg s17  }
0x1a: {  	s10 =	sadd.s32 $0x12000, s18;
	s9 =	sadd.s32 s2, s20;
	[dreg:$0xb] =	wrdreg s19  }
0x1b: {  	s20 =	sor.u32 $0x60, s5;
	s5 =	simm.s32 $0x280;
	[dreg:$0xc] =	wrdreg s10  }
0x1c: {  	[dreg:$0xe] =	wrdreg s9;
	s0 =	sadd.s32 $0xA3800, s0;
	s10 =	simm.s32 $0x4A80  }
0x1d: {  	s14 =	simm.s32 $0x180;
	s15 =	simm.s32 $0x7A80;
	s16 =	simm.s32 $0x0  }
0x1e: {  	v0 =	vimm.f32 $0.0e+00;
	v1 =	vlaneseq.u32;
	s19 =	simm.s32 $0x0;
	[dreg:$0x11] =	wrdreg s0;
	s0 =	simm.s32 $0x1  }
.LBB2_1:
0x1f: {  	[dreg:$0x14] =	wrdreg s16  }
0x20: {  	s9 =	simm.s32 $0x0;
	s24 =	rddreg [dreg:$0x5];
	s17 =	simm.s32 $0xBA00  }
0x21: {  	[tilespmem:s17], [sflag:$0x7] =	stream.linear.gather [hbm4b:s24+s9], $0x80, $0x38;
	[tilespmem:$0x1F680] =	vst v63  }
0x22: {  	_ =	swait.ge [sflag:s26], $0x80  }
0x23: {  	[sflag:s26] =	ssyncset.done $0x0  }
0x24: {  	[sflag:s26] =	ssyncadd.s32 $0xFFFFFF80  }
0x25: {  	v2 =	vld [tilespmem:$0xBA00]  }
0x26: {  	v3 =	vld [tilespmem:$0xBA10]  }
0x27: {  	v4 =	vld [tilespmem:$0xBA20]  }
0x28: {  	v5 =	vld [tilespmem:$0xBA30]  }
0x29: {  	v6 =	vld [tilespmem:$0xBA40]  }
0x2a: {  	v7 =	vld [tilespmem:$0xBA50]  }
0x2b: {  	v8 =	vld [tilespmem:$0xBA60]  }
0x2c: {  	s16 =	simm.s32 $0x0;
	s17 =	simm.s32 $0x200;
	v9 =	vld [tilespmem:$0xBA70]  }
.LBB2_2:
0x2d: {  	p0 =	sne.s32 s17, $0xBE00;
	[tilespmem:s16+$0x62F0] =	vst v0  }
0x2e: {  	[tilespmem:s16+$0x6280] =	vst v0  }
0x2f: {  	[tilespmem:s16+$0x6290] =	vst v0  }
.Ltmp0:
0x30: {  	[tilespmem:s16+$0x62A0] =	vst v0;
	(pc) =	sbr.rel @p0 .LBB2_2-.Ltmp0, $4  }
0x31: {  	[tilespmem:s16+$0x62B0] =	vst v0  }
0x32: {  	[tilespmem:s16+$0x62C0] =	vst v0  }
0x33: {  	[tilespmem:s16+$0x62D0] =	vst v0  }
0x34: {  	[tilespmem:s16+$0x62E0] =	vst v0;
	s16 =	sshra.s32 s17, $0x2;
	s17 =	sadd.s32 $0x200, s17  }
0x35: {  	[tilespmem:s16+$0x62F0] =	vst v0  }
0x36: {  	[tilespmem:s16+$0x6280] =	vst v0  }
0x37: {  	[tilespmem:s16+$0x6290] =	vst v0  }
0x38: {  	[tilespmem:s16+$0x62A0] =	vst v0  }
0x39: {  	[tilespmem:s16+$0x62B0] =	vst v0  }
0x3a: {  	[tilespmem:s16+$0x62C0] =	vst v0  }
0x3b: {  	[tilespmem:s16+$0x62D0] =	vst v0  }
0x3c: {  	[tilespmem:s16+$0x62E0] =	vst v0;
	s9 =	simm.s32 $0x40;
	s16 =	simm.s32 $0x0  }
.LBB2_4:
0x3d: {  	p0 =	sne.s32 s9, $0x9DC0;
	[tilespmem:s16+$0x9280] =	vst v0;
	s16 =	smov.u32 s9;
	s9 =	sadd.s32 $0x40, s9  }
.Ltmp1:
0x3e: {  	(pc) =	sbr.rel @p0 .LBB2_4-.Ltmp1, $2  }
0x3f: {  	_ =	sdelay $0x2  }
0x40: {  	s16 =	sshra.s32 s16, $0x2  }
0x41: {  	[tilespmem:s16+$0x9280] =	vst v0  }
0x42: {  	[spmem:s18] =	stream.linear.scatter [tilespmem:s28], [sflag:$0x7], $0x3000, $0x38;
	[tilespmem:$0x1F680] =	vst v63  }
0x43: {  	_ =	swait.ge [sflag:s26], $0x3000  }
0x44: {  	[sflag:s26] =	ssyncset.done $0x0  }
0x45: {  	s9 =	rddreg [dreg:$0x7];
	[sflag:s26] =	ssyncadd.s32 $0xFFFFD000  }
0x46: {  	[spmem:s9] =	stream.linear.scatter [tilespmem:s28], [sflag:$0x7], $0x3000, $0x38;
	[tilespmem:$0x1F680] =	vst v63  }
0x47: {  	_ =	swait.ge [sflag:s26], $0x3000  }
0x48: {  	[sflag:s26] =	ssyncset.done $0x0  }
0x49: {  	s22 =	rddreg [dreg:$0x8];
	[sflag:s26] =	ssyncadd.s32 $0xFFFFD000  }
0x4a: {  	[spmem:s22] =	stream.linear.scatter [tilespmem:s28], [sflag:$0x7], $0x3000, $0x38;
	[tilespmem:$0x1F680] =	vst v63  }
0x4b: {  	_ =	swait.ge [sflag:s26], $0x3000  }
0x4c: {  	[sflag:s26] =	ssyncset.done $0x0  }
0x4d: {  	s23 =	rddreg [dreg:$0x9];
	[sflag:s26] =	ssyncadd.s32 $0xFFFFD000  }
0x4e: {  	[spmem:s23] =	stream.linear.scatter [tilespmem:s28], [sflag:$0x7], $0x3000, $0x38;
	[tilespmem:$0x1F680] =	vst v63  }
0x4f: {  	_ =	swait.ge [sflag:s26], $0x3000  }
0x50: {  	[sflag:s26] =	ssyncset.done $0x0  }
0x51: {  	s24 =	rddreg [dreg:$0xa];
	[sflag:s26] =	ssyncadd.s32 $0xFFFFD000  }
0x52: {  	[spmem:s24] =	stream.linear.scatter [tilespmem:s28], [sflag:$0x7], $0x3000, $0x38;
	[tilespmem:$0x1F680] =	vst v63  }
0x53: {  	_ =	swait.ge [sflag:s26], $0x3000  }
0x54: {  	[sflag:s26] =	ssyncset.done $0x0  }
0x55: {  	s16 =	rddreg [dreg:$0xb];
	[sflag:s26] =	ssyncadd.s32 $0xFFFFD000  }
0x56: {  	[spmem:s16] =	stream.linear.scatter [tilespmem:s28], [sflag:$0x7], $0x3000, $0x38;
	[tilespmem:$0x1F680] =	vst v63  }
0x57: {  	_ =	swait.ge [sflag:s26], $0x3000  }
0x58: {  	[sflag:s26] =	ssyncset.done $0x0  }
0x59: {  	s17 =	rddreg [dreg:$0xc];
	[sflag:s26] =	ssyncadd.s32 $0xFFFFD000  }
0x5a: {  	[spmem:s17] =	stream.linear.scatter [tilespmem:s28], [sflag:$0x7], $0x1C00, $0x38;
	[tilespmem:$0x1F680] =	vst v63  }
0x5b: {  	_ =	swait.ge [sflag:s26], $0x1C00  }
0x5c: {  	[sflag:s26] =	ssyncset.done $0x0  }
0x5d: {  	[sflag:s26] =	ssyncadd.s32 $0xFFFFE400  }
0x5e: {  	[bflag:$0x0] =	sbarrier.arrive $0xFFFF  }
0x5f: {  	s18 =	rddreg [dreg:$0xd]  }
0x60: {  	[tilespmem:s19], [sflag:$0x1] =	stream.linear.gather [hbm4b:s18+s19], $0x30, $0x38;
	[tilespmem:$0x1F680] =	vst v63  }
0x61: {  	s22 =	rddreg [dreg:$0xe]  }
0x62: {  	[tilespmem:s29], [sflag:$0x1] =	stream.linear.gather [hbm4b:s22+s19], $0x30, $0x38;
	[tilespmem:$0x1F680] =	vst v63  }
0x63: {  	s23 =	rddreg [dreg:$0xf]  }
0x64: {  	[tilespmem:s30], [sflag:$0x2] =	stream.linear.gather [hbm4b:s23+s19], $0x30, $0x38;
	[tilespmem:$0x1F680] =	vst v63  }
0x65: {  	s24 =	rddreg [dreg:$0x10]  }
0x66: {  	[tilespmem:s31], [sflag:$0x2] =	stream.linear.gather [hbm4b:s24+s19], $0x30, $0x38;
	[tilespmem:$0x1F680] =	vst v63  }
0x67: {  	_ =	swait.ge [sflag:s0], $0x30  }
0x68: {  	[sflag:s0] =	ssyncset.done $0x0  }
0x69: {  	[sflag:s0] =	ssyncadd.s32 $0xFFFFFFD0  }
0x6a: {  	_ =	swait.ge [sflag:s0], $0x30  }
0x6b: {  	[sflag:s0] =	ssyncset.done $0x0  }
0x6c: {  	[sflag:s0] =	ssyncadd.s32 $0xFFFFFFD0  }
0x6d: {  	[tilespmem:s5], [sflag:$0x3] =	stream.indirect.gather [hbm4b:s6+s30], $0x80, s19, s30, $0xb8;
	[tilespmem:$0x1F680] =	vst v63  }
0x6e: {  	s22 =	simm.s32 $0x0  }
0x6f: {  	[tilespmem:s25], [sflag:$0x3] =	stream.indirect.gather [hbm4b:s7+s30], $0x80, s29, s30, $0xb8;
	[tilespmem:$0x1F680] =	vst v63  }
.LBB2_6:
0x70: {  	p0 =	seq.s32 s22, $0x0  }
0x71: {  	s9 =	simm.s32 @!p0 $0x5  }
0x72: {  	_ =	swait.ge @!p0 [sflag:s9], $0x1800  }
0x73: {  	[sflag:s9] =	ssyncset.done @!p0 $0x0  }
0x74: {  	[sflag:s9] =	ssyncadd.s32 @!p0 $0xFFFFE800  }
0x75: {  	_ =	swait.ge [sflag:s4], $0x30  }
0x76: {  	[sflag:s4] =	ssyncset.done $0x0  }
0x77: {  	[sflag:s4] =	ssyncadd.s32 $0xFFFFFFD0  }
0x78: {  	_ =	swait.ge [sflag:s4], $0x30  }
0x79: {  	[sflag:s4] =	ssyncset.done $0x0  }
0x7a: {  	[sflag:s4] =	ssyncadd.s32 $0xFFFFFFD0  }
0x7b: {  	[tilespmem:s8], [sflag:$0x4] =	stream.indirect.gather [hbm4b:s6+s30], $0x80, s30, s30, $0xb8;
	[tilespmem:$0x1F680] =	vst v63  }
0x7c: {  	_ = 	snop  }
0x7d: {  	[tilespmem:s10], [sflag:$0x4] =	stream.indirect.gather [hbm4b:s7+s30], $0x80, s31, s30, $0xb8;
	[tilespmem:$0x1F680] =	vst v63  }
0x7e: {  	_ =	swait.ge [sflag:s11], $0x1800  }
0x7f: {  	[sflag:s11] =	ssyncset.done $0x0  }
0x80: {  	[sflag:s11] =	ssyncadd.s32 $0xFFFFE800  }
0x81: {  	_ =	swait.ge [sflag:s11], $0x1800  }
0x82: {  	[sflag:s11] =	ssyncset.done $0x0  }
0x83: {  	[sflag:s11] =	ssyncadd.s32 $0xFFFFE800  }
0x84: {  	v10 =	vld [tilespmem:$0x80];
	_ =	sdelay $0x1  }
0x85: {  	v11 =	vld [tilespmem:$0x90];
	_ =	sdelay $0x1  }
0x86: {  	v12 =	vld [tilespmem:$0xA0]  }
0x87: {  	[tilespmem:$0x100] =	vst v10  }
0x88: {  	s23 =	smul.u32 $0x60, s22;
	[tilespmem:$0x200] =	vst v10  }
0x89: {  	[tilespmem:$0x110] =	vst v11  }
0x8a: {  	s18 =	sadd.s32 s23, s20;
	[tilespmem:$0x210] =	vst v11  }
0x8b: {  	s9 =	sshrl.u32 s18, $0x3;
	[tilespmem:$0x120] =	vst v12  }
0x8c: {  	s16 =	sadd.s32 s1, s9;
	[tilespmem:$0x220] =	vst v12  }
0x8d: {  	[tilespmem:s19], [sflag:$0x1] =	stream.linear.gather [hbm4b:s16+s19], $0x30, $0x38;
	[tilespmem:$0x1F680] =	vst v63  }
0x8e: {  	s9 =	sadd.s32 s2, s9;
	s16 =	simm.s32 $0x0  }
0x8f: {  	[tilespmem:s29], [sflag:$0x1] =	stream.linear.gather [hbm4b:s9+s19], $0x30, $0x38;
	[tilespmem:$0x1F680] =	vst v63  }
0x90: {  	v10 =	vld [tilespmem:s16+$0x280]  }
0x91: {  	v11 =	vld [tilespmem:s16+$0x3280]  }
0x92: {  	v12 =	vld [tilespmem:s16+$0x3290]  }
0x93: {  	v13 =	vld [tilespmem:s16+$0x290]  }
0x94: {  	v14 =	vld [tilespmem:s16+$0x32A0]  }
0x95: {  	v15 =	vld [tilespmem:s16+$0x2A0]  }
0x96: {  	v16 =	vld [tilespmem:s16+$0x32B0];
	v11 =	vadd.f32 v11, v10  }
0x97: {  	v17 =	vld [tilespmem:s16+$0x2B0]  }
0x98: {  	v19 =	vld [tilespmem:s16+$0x32C0];
	v12 =	vadd.f32 v12, v13;
	v18 =	vmul.f32 $2.000000030e-01, v11  }
0x99: {  	v20 =	vld [tilespmem:s16+$0x2C0]  }
0x9a: {  	v21 =	vld [tilespmem:s16+$0x32D0];
	v14 =	vadd.f32 v14, v15;
	v11 =	vmax.f32 v11, v18;
	v18 =	vmul.f32 $2.000000030e-01, v12  }
0x9b: {  	v22 =	vld [tilespmem:s16+$0x2D0];
	v11 =	vmul.f32 v11, v2  }
0x9c: {  	v23 =	vld [tilespmem:s16+$0x32E0];
	v16 =	vadd.f32 v16, v17;
	v12 =	vmax.f32 v12, v18;
	v18 =	vmul.f32 $2.000000030e-01, v14  }
0x9d: {  	v24 =	vld [tilespmem:s16+$0x2E0];
	v11 =	vadd.f32 $0.0e+00, v11;
	v12 =	vmul.f32 v12, v3  }
0x9e: {  	v25 =	vld [tilespmem:s16+$0x32F0];
	v19 =	vadd.f32 v19, v20;
	v14 =	vmax.f32 v14, v18;
	v18 =	vmul.f32 $2.000000030e-01, v16  }
0x9f: {  	v55 =	vld [tilespmem:s16+$0x2F0];
	v11 =	vadd.f32 v12, v11;
	v54 =	vmul.f32 v14, v4  }
0xa0: {  	v21 =	vadd.f32 v21, v22;
	v16 =	vmax.f32 v16, v18;
	v18 =	vmul.f32 $2.000000030e-01, v19  }
0xa1: {  	v11 =	vadd.f32 v54, v11;
	v56 =	vmul.f32 v16, v5  }
0xa2: {  	v16 =	vmax.f32 v19, v18;
	v18 =	vmul.f32 $2.000000030e-01, v21;
	v19 =	vadd.f32 v23, v24  }
0xa3: {  	v11 =	vadd.f32 v56, v11;
	v57 =	vmul.f32 v16, v6  }
0xa4: {  	v58 =	vadd.f32 v25, v55;
	v16 =	vmax.f32 v21, v18;
	v18 =	vmul.f32 $2.000000030e-01, v19  }
0xa5: {  	v11 =	vadd.f32 v57, v11;
	v59 =	vmul.f32 v16, v7  }
0xa6: {  	v16 =	vmax.f32 v19, v18;
	v18 =	vmul.f32 $2.000000030e-01, v58  }
0xa7: {  	v11 =	vadd.f32 v59, v11;
	v60 =	vmul.f32 v16, v8  }
0xa8: {  	v16 =	vmax.f32 v58, v18  }
0xa9: {  	v11 =	vadd.f32 v60, v11;
	v61 =	vmul.f32 v16, v9;
	_ =	sdelay $0x1  }
0xaa: {  	v11 =	vadd.f32 v61, v11;
	_ =	sdelay $0x1  }
0xab: {  	(v2sf) =	vpush v11, $0x0  }
0xac: {  	(v2sf) =	vpush v11, $0x1;
	_ =	sdelay $0x1  }
0xad: {  	(v2sf) =	vpush v11, $0x2;
	_ =	sdelay $0x1  }
0xae: {  	(v2sf) =	vpush v11, $0x3;
	_ =	sdelay $0x1  }
0xaf: {  	(v2sf) =	vpush v11, $0x4;
	_ =	sdelay $0x1  }
0xb0: {  	(v2sf) =	vpush v11, $0x5;
	_ =	sdelay $0x1  }
0xb1: {  	(v2sf) =	vpush v11, $0x6;
	_ =	sdelay $0x1  }
0xb2: {  	(v2sf) =	vpush v11, $0x7;
	_ =	sdelay $0x1  }
0xb3: {  	s24 =	spop (v2sf);
	(v2sf) =	vpush v11, $0x8  }
0xb4: {  	s17 =	spop (v2sf)  }
0xb5: {  	(v2sf) =	vpush v11, $0x9;
	s9 =	sadd.f32 s17, s24  }
0xb6: {  	s18 =	spop (v2sf)  }
0xb7: {  	(v2sf) =	vpush v11, $0xA;
	s9 =	sadd.f32 s9, s18  }
0xb8: {  	s24 =	spop (v2sf)  }
0xb9: {  	(v2sf) =	vpush v11, $0xB;
	s9 =	sadd.f32 s9, s24  }
0xba: {  	s18 =	spop (v2sf)  }
0xbb: {  	(v2sf) =	vpush v11, $0xC;
	s9 =	sadd.f32 s9, s18  }
0xbc: {  	s24 =	spop (v2sf)  }
0xbd: {  	(v2sf) =	vpush v11, $0xD;
	s9 =	sadd.f32 s9, s24  }
0xbe: {  	s18 =	spop (v2sf)  }
0xbf: {  	(v2sf) =	vpush v11, $0xE;
	s9 =	sadd.f32 s9, s18  }
0xc0: {  	s24 =	spop (v2sf)  }
0xc1: {  	(v2sf) =	vpush v11, $0xF;
	s9 =	sadd.f32 s9, s24  }
0xc2: {  	s18 =	spop (v2sf)  }
0xc3: {  	s9 =	sadd.f32 s9, s18  }
0xc4: {  	s24 =	spop (v2sf)  }
0xc5: {  	s9 =	sadd.f32 s9, s24  }
0xc6: {  	s18 =	spop (v2sf)  }
0xc7: {  	s9 =	sadd.f32 s9, s18  }
0xc8: {  	s24 =	spop (v2sf)  }
0xc9: {  	s9 =	sadd.f32 s9, s24  }
0xca: {  	s18 =	spop (v2sf)  }
0xcb: {  	s9 =	sadd.f32 s9, s18  }
0xcc: {  	s24 =	spop (v2sf)  }
0xcd: {  	s9 =	sadd.f32 s9, s24  }
0xce: {  	s18 =	spop (v2sf)  }
0xcf: {  	s9 =	sadd.f32 s9, s18  }
0xd0: {  	s24 =	spop (v2sf)  }
0xd1: {  	s9 =	sadd.f32 s9, s24;
	_ =	sdelay $0x1  }
0xd2: {  	v11 =	vmov s9  }
0xd3: {  	v11 =	vmul.f32 $1.442695020e+00, v11;
	_ =	sdelay $0x1  }
0xd4: {  	v11 =	vbroadcast v11, $0x0;
	_ =	sdelay $0x1  }
0xd5: {  	(erf) = vpow2.f32 v11;
	_ =	sdelay $0x8  }
0xd6: {  	v18 =	vpop (erf)  }
0xd7: {  	v10 =	vmul.f32 v18, v10  }
0xd8: {  	v11 =	vmul.f32 v18, v13  }
0xd9: {  	v62 =	vmul.f32 v18, v55;
	[tilespmem:s16+$0x6280] =	vst v10  }
0xda: {  	v63 =	vmul.f32 v18, v17;
	[tilespmem:s16+$0x6290] =	vst v11  }
0xdb: {  	v10 =	vmul.f32 v18, v15;
	[tilespmem:s16+$0x62F0] =	vst v62  }
0xdc: {  	v11 =	vmul.f32 v18, v22;
	[tilespmem:s16+$0x62B0] =	vst v63  }
0xdd: {  	[tilespmem:s16+$0x62A0] =	vst v10;
	v10 =	vmul.f32 v18, v20  }
0xde: {  	[tilespmem:s16+$0x62D0] =	vst v11;
	v11 =	vmul.f32 v18, v24  }
0xdf: {  	[tilespmem:s16+$0x62C0] =	vst v10  }
0xe0: {  	s24 =	simm.s32 $0x200;
	[tilespmem:s16+$0x62E0] =	vst v11  }
0xe1: {  	v10 =	vld [tilespmem:s24+$0x0];
	_ =	sdelay $0x4  }
0xe2: {  	(v2sf) =	vpush v10, $0x0;
	_ =	sdelay $0xe  }
0xe3: {  	s17 =	spop (v2sf)  }
0xe4: {  	s16 =	sshra.s32 s17, $0x1F;
	s18 =	sand.u32 $0xF, s17  }
0xe5: {  	p1 =	slt.s32 s17, $0x1;
	s9 =	sshrl.u32 s16, $0x1C;
	p2 =	sne.s32 s18, $0x0  }
0xe6: {  	s9 =	sadd.s32 s9, s17;
	p1 =	por !p1, !p2  }
0xe7: {  	s16 =	simm.s32 $0x200;
	s9 =	sshrl.u32 s9, $0x4;
	p2 =	por !p1, !p1  }
.LBB2_7:
0xe8: {  	s18 =	simm.s32 $0x1  }
0xe9: {  	p1 =	sne.s32 s16, $0x5E00;
	s24 =	sadd.s32 $0x1, s24;
	s18 =	simm.s32 @!p2 $0x0  }
0xea: {  	s9 =	ssub.s32 s9, s18;
	s18 =	smov.u32 s16;
	s16 =	sadd.s32 $0x200, s16  }
0xeb: {  	s9 =	sshll.u32 s9, $0x4  }
0xec: {  	s17 =	ssub.s32 s17, s9;
	v10 =	vld [tilespmem:s9+$0x9280]  }
0xed: {  	v11 =	vmov s17  }
0xee: {  	vm0 =	veq.s32 v11, v1  }
0xef: {  	v11 =	vnsel vm0, $0x0, v18;
	_ =	sdelay $0x1  }
0xf0: {  	v10 =	vadd.f32 v11, v10  }
0xf1: {  	s17 =	sshra.s32 s18, $0x2  }
0xf2: {  	[tilespmem:s9+$0x9280] =	vst v10  }
0xf3: {  	v10 =	vld [tilespmem:s17+$0x280]  }
0xf4: {  	v13 =	vld [tilespmem:s17+$0x3280]  }
0xf5: {  	v14 =	vld [tilespmem:s17+$0x3290]  }
0xf6: {  	v11 =	vld [tilespmem:s17+$0x290]  }
0xf7: {  	v15 =	vld [tilespmem:s17+$0x32A0]  }
0xf8: {  	v12 =	vld [tilespmem:s17+$0x2A0]  }
0xf9: {  	v16 =	vadd.f32 v13, v10;
	v17 =	vld [tilespmem:s17+$0x32B0]  }
0xfa: {  	v13 =	vld [tilespmem:s17+$0x2B0]  }
0xfb: {  	v18 =	vmul.f32 $2.000000030e-01, v16;
	v19 =	vadd.f32 v14, v11;
	v20 =	vld [tilespmem:s17+$0x32C0]  }
0xfc: {  	v14 =	vld [tilespmem:s17+$0x2C0]  }
0xfd: {  	v16 =	vmax.f32 v16, v18;
	v18 =	vmul.f32 $2.000000030e-01, v19;
	v21 =	vadd.f32 v15, v12;
	v22 =	vld [tilespmem:s17+$0x32D0]  }
0xfe: {  	v16 =	vmul.f32 v16, v2;
	v15 =	vld [tilespmem:s17+$0x2D0]  }
0xff: {  	v18 =	vmax.f32 v19, v18;
	v19 =	vmul.f32 $2.000000030e-01, v21;
	v23 =	vadd.f32 v17, v13;
	v24 =	vld [tilespmem:s17+$0x32E0]  }
0x100: {  	v17 =	vadd.f32 $0.0e+00, v16;
	v18 =	vmul.f32 v18, v3;
	v16 =	vld [tilespmem:s17+$0x2E0]  }
0x101: {  	v19 =	vmax.f32 v21, v19;
	v21 =	vmul.f32 $2.000000030e-01, v23;
	v20 =	vadd.f32 v20, v14;
	v25 =	vld [tilespmem:s17+$0x32F0]  }
0x102: {  	v18 =	vadd.f32 v18, v17;
	v19 =	vmul.f32 v19, v4;
	v17 =	vld [tilespmem:s17+$0x2F0]  }
0x103: {  	v21 =	vmax.f32 v23, v21;
	v23 =	vmul.f32 $2.000000030e-01, v20;
	v22 =	vadd.f32 v22, v15  }
0x104: {  	v18 =	vadd.f32 v19, v18;
	v19 =	vmul.f32 v21, v5  }
0x105: {  	v20 =	vmax.f32 v20, v23;
	v21 =	vmul.f32 $2.000000030e-01, v22;
	v23 =	vadd.f32 v24, v16  }
0x106: {  	v18 =	vadd.f32 v19, v18;
	v19 =	vmul.f32 v20, v6  }
0x107: {  	v20 =	vmax.f32 v22, v21;
	v21 =	vmul.f32 $2.000000030e-01, v23;
	v22 =	vadd.f32 v25, v17  }
0x108: {  	v18 =	vadd.f32 v19, v18;
	v19 =	vmul.f32 v20, v7  }
0x109: {  	v20 =	vmax.f32 v23, v21;
	v21 =	vmul.f32 $2.000000030e-01, v22  }
0x10a: {  	v18 =	vadd.f32 v19, v18;
	v19 =	vmul.f32 v20, v8  }
0x10b: {  	v20 =	vmax.f32 v22, v21  }
0x10c: {  	v18 =	vadd.f32 v19, v18;
	v19 =	vmul.f32 v20, v9;
	_ =	sdelay $0x1  }
0x10d: {  	v18 =	vadd.f32 v19, v18;
	_ =	sdelay $0x1  }
0x10e: {  	(v2sf) =	vpush v18, $0x0  }
0x10f: {  	(v2sf) =	vpush v18, $0x1;
	_ =	sdelay $0x1  }
0x110: {  	(v2sf) =	vpush v18, $0x2;
	_ =	sdelay $0x1  }
0x111: {  	(v2sf) =	vpush v18, $0x3;
	_ =	sdelay $0x1  }
0x112: {  	(v2sf) =	vpush v18, $0x4;
	_ =	sdelay $0x1  }
0x113: {  	(v2sf) =	vpush v18, $0x5;
	_ =	sdelay $0x1  }
0x114: {  	(v2sf) =	vpush v18, $0x6;
	_ =	sdelay $0x1  }
0x115: {  	(v2sf) =	vpush v18, $0x7;
	_ =	sdelay $0x1  }
0x116: {  	s9 =	spop (v2sf);
	(v2sf) =	vpush v18, $0x8  }
0x117: {  	s18 =	spop (v2sf)  }
0x118: {  	s9 =	sadd.f32 s18, s9;
	(v2sf) =	vpush v18, $0x9  }
0x119: {  	s18 =	spop (v2sf)  }
0x11a: {  	s9 =	sadd.f32 s9, s18;
	(v2sf) =	vpush v18, $0xA  }
0x11b: {  	s18 =	spop (v2sf)  }
0x11c: {  	s9 =	sadd.f32 s9, s18;
	(v2sf) =	vpush v18, $0xB  }
0x11d: {  	s18 =	spop (v2sf)  }
0x11e: {  	s9 =	sadd.f32 s9, s18;
	(v2sf) =	vpush v18, $0xC  }
0x11f: {  	s18 =	spop (v2sf)  }
0x120: {  	s9 =	sadd.f32 s9, s18;
	(v2sf) =	vpush v18, $0xD  }
0x121: {  	s18 =	spop (v2sf)  }
0x122: {  	s9 =	sadd.f32 s9, s18;
	(v2sf) =	vpush v18, $0xE  }
0x123: {  	s18 =	spop (v2sf)  }
0x124: {  	s9 =	sadd.f32 s9, s18;
	(v2sf) =	vpush v18, $0xF  }
0x125: {  	s18 =	spop (v2sf)  }
0x126: {  	s9 =	sadd.f32 s9, s18  }
0x127: {  	s18 =	spop (v2sf)  }
0x128: {  	s9 =	sadd.f32 s9, s18  }
0x129: {  	s18 =	spop (v2sf)  }
0x12a: {  	s9 =	sadd.f32 s9, s18  }
0x12b: {  	s18 =	spop (v2sf)  }
0x12c: {  	s9 =	sadd.f32 s9, s18  }
0x12d: {  	s18 =	spop (v2sf)  }
0x12e: {  	s9 =	sadd.f32 s9, s18  }
0x12f: {  	s18 =	spop (v2sf)  }
0x130: {  	s9 =	sadd.f32 s9, s18  }
0x131: {  	s18 =	spop (v2sf)  }
0x132: {  	s9 =	sadd.f32 s9, s18  }
0x133: {  	s18 =	spop (v2sf)  }
0x134: {  	s9 =	sadd.f32 s9, s18;
	_ =	sdelay $0x1  }
0x135: {  	v18 =	vmov s9  }
0x136: {  	v18 =	vmul.f32 $1.442695020e+00, v18;
	_ =	sdelay $0x1  }
0x137: {  	v18 =	vbroadcast v18, $0x0;
	_ =	sdelay $0x1  }
0x138: {  	(erf) = vpow2.f32 v18;
	_ =	sdelay $0x8  }
0x139: {  	v18 =	vpop (erf)  }
0x13a: {  	v10 =	vmul.f32 v18, v10;
	v17 =	vmul.f32 v18, v17  }
0x13b: {  	v11 =	vmul.f32 v18, v11;
	v12 =	vmul.f32 v18, v12  }
0x13c: {  	[tilespmem:s17+$0x6280] =	vst v10;
	v10 =	vmul.f32 v18, v13;
	v13 =	vmul.f32 v18, v14  }
0x13d: {  	v14 =	vmul.f32 v18, v16;
	[tilespmem:s17+$0x6290] =	vst v11;
	v11 =	vmul.f32 v18, v15  }
0x13e: {  	[tilespmem:s17+$0x62F0] =	vst v17  }
0x13f: {  	[tilespmem:s17+$0x62A0] =	vst v12  }
0x140: {  	[tilespmem:s17+$0x62D0] =	vst v11  }
0x141: {  	[tilespmem:s17+$0x62B0] =	vst v10  }
0x142: {  	[tilespmem:s17+$0x62C0] =	vst v13  }
0x143: {  	[tilespmem:s17+$0x62E0] =	vst v14  }
0x144: {  	v10 =	vld [tilespmem:s24+$0x0];
	_ =	sdelay $0x4  }
0x145: {  	(v2sf) =	vpush v10, $0x0;
	_ =	sdelay $0xe  }
.Ltmp2:
0x146: {  	s17 =	spop (v2sf);
	(pc) =	sbr.rel @p1 .LBB2_7-.Ltmp2, $4  }
0x147: {  	s9 =	sshra.s32 s17, $0x1F;
	p2 =	slt.s32 s17, $0x1;
	s18 =	sand.u32 $0xF, s17  }
0x148: {  	s9 =	sshrl.u32 s9, $0x1C;
	p3 =	sne.s32 s18, $0x0  }
0x149: {  	s9 =	sadd.s32 s9, s17;
	p2 =	por !p2, !p3  }
0x14a: {  	s9 =	sshrl.u32 s9, $0x4;
	p2 =	por !p2, !p2  }
0x14b: {  	s16 =	simm.s32 $0x1  }
0x14c: {  	s16 =	simm.s32 @!p2 $0x0  }
0x14d: {  	s9 =	ssub.s32 s9, s16  }
0x14e: {  	s9 =	sshll.u32 s9, $0x4  }
0x14f: {  	v10 =	vld [tilespmem:s9+$0x9280]  }
0x150: {  	s17 =	ssub.s32 s17, s9  }
0x151: {  	v11 =	vmov s17  }
0x152: {  	vm0 =	veq.s32 v11, v1  }
0x153: {  	v11 =	vnsel vm0, $0x0, v18  }
0x154: {  	v10 =	vadd.f32 v11, v10;
	_ =	sdelay $0x1  }
0x155: {  	[tilespmem:s9+$0x9280] =	vst v10;
	s9 =	simm.s32 @!p0 $0x6  }
0x156: {  	[spmem:s3] =	stream.indirect.scatter.add.f32 [tilespmem:s28], [sflag:$0x5], $0x80, s12, s30, $0xb8;
	[tilespmem:$0x1F680] =	vst v63  }
0x157: {  	_ =	swait.ge @!p0 [sflag:s9], $0x1800  }
0x158: {  	[sflag:s9] =	ssyncset.done @!p0 $0x0  }
0x159: {  	[sflag:s9] =	ssyncadd.s32 @!p0 $0xFFFFE800  }
0x15a: {  	_ =	swait.ge [sflag:s0], $0x30  }
0x15b: {  	[sflag:s0] =	ssyncset.done $0x0  }
0x15c: {  	[sflag:s0] =	ssyncadd.s32 $0xFFFFFFD0  }
0x15d: {  	_ =	swait.ge [sflag:s0], $0x30  }
0x15e: {  	[sflag:s0] =	ssyncset.done $0x0  }
0x15f: {  	s18 =	simm.s32 $0x0;
	[sflag:s0] =	ssyncadd.s32 $0xFFFFFFD0  }
0x160: {  	[tilespmem:s5], [sflag:$0x3] =	stream.indirect.gather [hbm4b:s6+s30], $0x80, s18, s30, $0xb8;
	[tilespmem:$0x1F680] =	vst v63  }
0x161: {  	_ = 	snop  }
0x162: {  	[tilespmem:s25], [sflag:$0x3] =	stream.indirect.gather [hbm4b:s7+s30], $0x80, s29, s30, $0xb8;
	[tilespmem:$0x1F680] =	vst v63  }
0x163: {  	_ =	swait.ge [sflag:s13], $0x1800  }
0x164: {  	[sflag:s13] =	ssyncset.done $0x0  }
0x165: {  	[sflag:s13] =	ssyncadd.s32 $0xFFFFE800  }
0x166: {  	_ =	swait.ge [sflag:s13], $0x1800  }
0x167: {  	[sflag:s13] =	ssyncset.done $0x0  }
0x168: {  	[sflag:s13] =	ssyncadd.s32 $0xFFFFE800  }
0x169: {  	v10 =	vld [tilespmem:$0xB0];
	_ =	sdelay $0x1  }
0x16a: {  	v11 =	vld [tilespmem:$0xC0];
	_ =	sdelay $0x1  }
0x16b: {  	v12 =	vld [tilespmem:$0xD0]  }
0x16c: {  	[tilespmem:$0x180] =	vst v10  }
0x16d: {  	[tilespmem:$0x230] =	vst v10  }
0x16e: {  	[tilespmem:$0x190] =	vst v11  }
0x16f: {  	s23 =	sadd.s32 s23, s21;
	[tilespmem:$0x240] =	vst v11  }
0x170: {  	s16 =	sshrl.u32 s23, $0x3;
	[tilespmem:$0x1A0] =	vst v12  }
0x171: {  	s24 =	sadd.s32 s1, s16;
	[tilespmem:$0x250] =	vst v12  }
0x172: {  	[tilespmem:s30], [sflag:$0x2] =	stream.linear.gather [hbm4b:s24+s18], $0x30, $0x38;
	[tilespmem:$0x1F680] =	vst v63  }
0x173: {  	s16 =	sadd.s32 s2, s16  }
0x174: {  	[tilespmem:s31], [sflag:$0x2] =	stream.linear.gather [hbm4b:s16+s18], $0x30, $0x38;
	[tilespmem:$0x1F680] =	vst v63  }
0x175: {  	s16 =	simm.s32 $0x0  }
0x176: {  	v10 =	vld [tilespmem:s16+$0x1A80]  }
0x177: {  	v11 =	vld [tilespmem:s16+$0x4A80]  }
0x178: {  	v12 =	vld [tilespmem:s16+$0x4A90]  }
0x179: {  	v13 =	vld [tilespmem:s16+$0x1A90]  }
0x17a: {  	v14 =	vld [tilespmem:s16+$0x4AA0]  }
0x17b: {  	v15 =	vld [tilespmem:s16+$0x1AA0]  }
0x17c: {  	v16 =	vld [tilespmem:s16+$0x4AB0];
	v11 =	vadd.f32 v11, v10  }
0x17d: {  	v17 =	vld [tilespmem:s16+$0x1AB0]  }
0x17e: {  	v19 =	vld [tilespmem:s16+$0x4AC0];
	v12 =	vadd.f32 v12, v13;
	v18 =	vmul.f32 $2.000000030e-01, v11  }
0x17f: {  	v20 =	vld [tilespmem:s16+$0x1AC0]  }
0x180: {  	v21 =	vld [tilespmem:s16+$0x4AD0];
	v14 =	vadd.f32 v14, v15;
	v11 =	vmax.f32 v11, v18;
	v18 =	vmul.f32 $2.000000030e-01, v12  }
0x181: {  	v22 =	vld [tilespmem:s16+$0x1AD0];
	v11 =	vmul.f32 v11, v2  }
0x182: {  	v23 =	vld [tilespmem:s16+$0x4AE0];
	v16 =	vadd.f32 v16, v17;
	v12 =	vmax.f32 v12, v18;
	v18 =	vmul.f32 $2.000000030e-01, v14  }
0x183: {  	v24 =	vld [tilespmem:s16+$0x1AE0];
	v11 =	vadd.f32 $0.0e+00, v11;
	v12 =	vmul.f32 v12, v3  }
0x184: {  	v25 =	vld [tilespmem:s16+$0x4AF0];
	v19 =	vadd.f32 v19, v20;
	v14 =	vmax.f32 v14, v18;
	v18 =	vmul.f32 $2.000000030e-01, v16  }
0x185: {  	v55 =	vld [tilespmem:s16+$0x1AF0];
	v11 =	vadd.f32 v12, v11;
	v54 =	vmul.f32 v14, v4  }
0x186: {  	v21 =	vadd.f32 v21, v22;
	v16 =	vmax.f32 v16, v18;
	v18 =	vmul.f32 $2.000000030e-01, v19  }
0x187: {  	v11 =	vadd.f32 v54, v11;
	v56 =	vmul.f32 v16, v5  }
0x188: {  	v16 =	vmax.f32 v19, v18;
	v18 =	vmul.f32 $2.000000030e-01, v21;
	v19 =	vadd.f32 v23, v24  }
0x189: {  	v11 =	vadd.f32 v56, v11;
	v57 =	vmul.f32 v16, v6  }
0x18a: {  	v58 =	vadd.f32 v25, v55;
	v16 =	vmax.f32 v21, v18;
	v18 =	vmul.f32 $2.000000030e-01, v19  }
0x18b: {  	v11 =	vadd.f32 v57, v11;
	v59 =	vmul.f32 v16, v7  }
0x18c: {  	v16 =	vmax.f32 v19, v18;
	v18 =	vmul.f32 $2.000000030e-01, v58  }
0x18d: {  	v11 =	vadd.f32 v59, v11;
	v60 =	vmul.f32 v16, v8  }
0x18e: {  	v16 =	vmax.f32 v58, v18  }
0x18f: {  	v11 =	vadd.f32 v60, v11;
	v61 =	vmul.f32 v16, v9;
	_ =	sdelay $0x1  }
0x190: {  	v11 =	vadd.f32 v61, v11;
	_ =	sdelay $0x1  }
0x191: {  	(v2sf) =	vpush v11, $0x0  }
0x192: {  	(v2sf) =	vpush v11, $0x1;
	_ =	sdelay $0x1  }
0x193: {  	(v2sf) =	vpush v11, $0x2;
	_ =	sdelay $0x1  }
0x194: {  	(v2sf) =	vpush v11, $0x3;
	_ =	sdelay $0x1  }
0x195: {  	(v2sf) =	vpush v11, $0x4;
	_ =	sdelay $0x1  }
0x196: {  	(v2sf) =	vpush v11, $0x5;
	_ =	sdelay $0x1  }
0x197: {  	(v2sf) =	vpush v11, $0x6;
	_ =	sdelay $0x1  }
0x198: {  	(v2sf) =	vpush v11, $0x7;
	_ =	sdelay $0x1  }
0x199: {  	s17 =	spop (v2sf);
	(v2sf) =	vpush v11, $0x8  }
0x19a: {  	s18 =	spop (v2sf)  }
0x19b: {  	(v2sf) =	vpush v11, $0x9;
	s9 =	sadd.f32 s18, s17  }
0x19c: {  	s23 =	spop (v2sf)  }
0x19d: {  	(v2sf) =	vpush v11, $0xA;
	s9 =	sadd.f32 s9, s23  }
0x19e: {  	s24 =	spop (v2sf)  }
0x19f: {  	(v2sf) =	vpush v11, $0xB;
	s9 =	sadd.f32 s9, s24  }
0x1a0: {  	s18 =	spop (v2sf)  }
0x1a1: {  	(v2sf) =	vpush v11, $0xC;
	s9 =	sadd.f32 s9, s18  }
0x1a2: {  	s23 =	spop (v2sf)  }
0x1a3: {  	(v2sf) =	vpush v11, $0xD;
	s9 =	sadd.f32 s9, s23  }
0x1a4: {  	s24 =	spop (v2sf)  }
0x1a5: {  	(v2sf) =	vpush v11, $0xE;
	s9 =	sadd.f32 s9, s24  }
0x1a6: {  	s18 =	spop (v2sf)  }
0x1a7: {  	(v2sf) =	vpush v11, $0xF;
	s9 =	sadd.f32 s9, s18  }
0x1a8: {  	s23 =	spop (v2sf)  }
0x1a9: {  	s9 =	sadd.f32 s9, s23  }
0x1aa: {  	s24 =	spop (v2sf)  }
0x1ab: {  	s9 =	sadd.f32 s9, s24  }
0x1ac: {  	s18 =	spop (v2sf)  }
0x1ad: {  	s9 =	sadd.f32 s9, s18  }
0x1ae: {  	s23 =	spop (v2sf)  }
0x1af: {  	s9 =	sadd.f32 s9, s23  }
0x1b0: {  	s24 =	spop (v2sf)  }
0x1b1: {  	s9 =	sadd.f32 s9, s24  }
0x1b2: {  	s18 =	spop (v2sf)  }
0x1b3: {  	s9 =	sadd.f32 s9, s18  }
0x1b4: {  	s23 =	spop (v2sf)  }
0x1b5: {  	s9 =	sadd.f32 s9, s23  }
0x1b6: {  	s24 =	spop (v2sf)  }
0x1b7: {  	s9 =	sadd.f32 s9, s24;
	_ =	sdelay $0x1  }
0x1b8: {  	v11 =	vmov s9  }
0x1b9: {  	v11 =	vmul.f32 $1.442695020e+00, v11;
	_ =	sdelay $0x1  }
0x1ba: {  	v11 =	vbroadcast v11, $0x0;
	_ =	sdelay $0x1  }
0x1bb: {  	(erf) = vpow2.f32 v11;
	_ =	sdelay $0x8  }
0x1bc: {  	v18 =	vpop (erf)  }
0x1bd: {  	v10 =	vmul.f32 v18, v10  }
0x1be: {  	v11 =	vmul.f32 v18, v13  }
0x1bf: {  	v62 =	vmul.f32 v18, v55;
	[tilespmem:s16+$0x7A80] =	vst v10  }
0x1c0: {  	v63 =	vmul.f32 v18, v17;
	[tilespmem:s16+$0x7A90] =	vst v11  }
0x1c1: {  	v10 =	vmul.f32 v18, v15;
	[tilespmem:s16+$0x7AF0] =	vst v62  }
0x1c2: {  	v11 =	vmul.f32 v18, v22;
	[tilespmem:s16+$0x7AB0] =	vst v63  }
0x1c3: {  	[tilespmem:s16+$0x7AA0] =	vst v10;
	v10 =	vmul.f32 v18, v20  }
0x1c4: {  	[tilespmem:s16+$0x7AD0] =	vst v11;
	v11 =	vmul.f32 v18, v24  }
0x1c5: {  	[tilespmem:s16+$0x7AC0] =	vst v10  }
0x1c6: {  	s23 =	simm.s32 $0x230;
	[tilespmem:s16+$0x7AE0] =	vst v11  }
0x1c7: {  	v10 =	vld [tilespmem:s23+$0x0];
	_ =	sdelay $0x4  }
0x1c8: {  	(v2sf) =	vpush v10, $0x0;
	_ =	sdelay $0xe  }
0x1c9: {  	s17 =	spop (v2sf)  }
0x1ca: {  	s18 =	sshra.s32 s17, $0x1F;
	s24 =	sand.u32 $0xF, s17  }
0x1cb: {  	p6 =	slt.s32 s17, $0x1;
	s9 =	sshrl.u32 s18, $0x1C;
	p1 =	sne.s32 s24, $0x0  }
0x1cc: {  	s9 =	sadd.s32 s9, s17;
	p0 =	por !p6, !p1  }
0x1cd: {  	s16 =	simm.s32 $0x200;
	s9 =	sshrl.u32 s9, $0x4;
	p1 =	por !p0, !p0  }
.LBB2_9:
0x1ce: {  	s18 =	simm.s32 $0x1  }
0x1cf: {  	p0 =	sne.s32 s16, $0x5E00;
	s23 =	sadd.s32 $0x1, s23;
	s18 =	simm.s32 @!p1 $0x0  }
0x1d0: {  	s9 =	ssub.s32 s9, s18;
	s18 =	smov.u32 s16;
	s16 =	sadd.s32 $0x200, s16  }
0x1d1: {  	s9 =	sshll.u32 s9, $0x4  }
0x1d2: {  	s17 =	ssub.s32 s17, s9;
	v10 =	vld [tilespmem:s9+$0x9280]  }
0x1d3: {  	v11 =	vmov s17  }
0x1d4: {  	vm0 =	veq.s32 v11, v1  }
0x1d5: {  	v11 =	vnsel vm0, $0x0, v18;
	_ =	sdelay $0x1  }
0x1d6: {  	v10 =	vadd.f32 v11, v10  }
0x1d7: {  	s17 =	sshra.s32 s18, $0x2  }
0x1d8: {  	[tilespmem:s9+$0x9280] =	vst v10  }
0x1d9: {  	v10 =	vld [tilespmem:s17+$0x1A80]  }
0x1da: {  	v13 =	vld [tilespmem:s17+$0x4A80]  }
0x1db: {  	v14 =	vld [tilespmem:s17+$0x4A90]  }
0x1dc: {  	v11 =	vld [tilespmem:s17+$0x1A90]  }
0x1dd: {  	v15 =	vld [tilespmem:s17+$0x4AA0]  }
0x1de: {  	v12 =	vld [tilespmem:s17+$0x1AA0]  }
0x1df: {  	v16 =	vadd.f32 v13, v10;
	v17 =	vld [tilespmem:s17+$0x4AB0]  }
0x1e0: {  	v13 =	vld [tilespmem:s17+$0x1AB0]  }
0x1e1: {  	v18 =	vmul.f32 $2.000000030e-01, v16;
	v19 =	vadd.f32 v14, v11;
	v20 =	vld [tilespmem:s17+$0x4AC0]  }
0x1e2: {  	v14 =	vld [tilespmem:s17+$0x1AC0]  }
0x1e3: {  	v16 =	vmax.f32 v16, v18;
	v18 =	vmul.f32 $2.000000030e-01, v19;
	v21 =	vadd.f32 v15, v12;
	v22 =	vld [tilespmem:s17+$0x4AD0]  }
0x1e4: {  	v16 =	vmul.f32 v16, v2;
	v15 =	vld [tilespmem:s17+$0x1AD0]  }
0x1e5: {  	v18 =	vmax.f32 v19, v18;
	v19 =	vmul.f32 $2.000000030e-01, v21;
	v23 =	vadd.f32 v17, v13;
	v24 =	vld [tilespmem:s17+$0x4AE0]  }
0x1e6: {  	v17 =	vadd.f32 $0.0e+00, v16;
	v18 =	vmul.f32 v18, v3;
	v16 =	vld [tilespmem:s17+$0x1AE0]  }
0x1e7: {  	v19 =	vmax.f32 v21, v19;
	v21 =	vmul.f32 $2.000000030e-01, v23;
	v20 =	vadd.f32 v20, v14;
	v25 =	vld [tilespmem:s17+$0x4AF0]  }
0x1e8: {  	v18 =	vadd.f32 v18, v17;
	v19 =	vmul.f32 v19, v4;
	v17 =	vld [tilespmem:s17+$0x1AF0]  }
0x1e9: {  	v21 =	vmax.f32 v23, v21;
	v23 =	vmul.f32 $2.000000030e-01, v20;
	v22 =	vadd.f32 v22, v15  }
0x1ea: {  	v18 =	vadd.f32 v19, v18;
	v19 =	vmul.f32 v21, v5  }
0x1eb: {  	v20 =	vmax.f32 v20, v23;
	v21 =	vmul.f32 $2.000000030e-01, v22;
	v23 =	vadd.f32 v24, v16  }
0x1ec: {  	v18 =	vadd.f32 v19, v18;
	v19 =	vmul.f32 v20, v6  }
0x1ed: {  	v20 =	vmax.f32 v22, v21;
	v21 =	vmul.f32 $2.000000030e-01, v23;
	v22 =	vadd.f32 v25, v17  }
0x1ee: {  	v18 =	vadd.f32 v19, v18;
	v19 =	vmul.f32 v20, v7  }
0x1ef: {  	v20 =	vmax.f32 v23, v21;
	v21 =	vmul.f32 $2.000000030e-01, v22  }
0x1f0: {  	v18 =	vadd.f32 v19, v18;
	v19 =	vmul.f32 v20, v8  }
0x1f1: {  	v20 =	vmax.f32 v22, v21  }
0x1f2: {  	v18 =	vadd.f32 v19, v18;
	v19 =	vmul.f32 v20, v9;
	_ =	sdelay $0x1  }
0x1f3: {  	v18 =	vadd.f32 v19, v18;
	_ =	sdelay $0x1  }
0x1f4: {  	(v2sf) =	vpush v18, $0x0  }
0x1f5: {  	(v2sf) =	vpush v18, $0x1;
	_ =	sdelay $0x1  }
0x1f6: {  	(v2sf) =	vpush v18, $0x2;
	_ =	sdelay $0x1  }
0x1f7: {  	(v2sf) =	vpush v18, $0x3;
	_ =	sdelay $0x1  }
0x1f8: {  	(v2sf) =	vpush v18, $0x4;
	_ =	sdelay $0x1  }
0x1f9: {  	(v2sf) =	vpush v18, $0x5;
	_ =	sdelay $0x1  }
0x1fa: {  	(v2sf) =	vpush v18, $0x6;
	_ =	sdelay $0x1  }
0x1fb: {  	(v2sf) =	vpush v18, $0x7;
	_ =	sdelay $0x1  }
0x1fc: {  	s9 =	spop (v2sf);
	(v2sf) =	vpush v18, $0x8  }
0x1fd: {  	s18 =	spop (v2sf)  }
0x1fe: {  	s9 =	sadd.f32 s18, s9;
	(v2sf) =	vpush v18, $0x9  }
0x1ff: {  	s18 =	spop (v2sf)  }
0x200: {  	s9 =	sadd.f32 s9, s18;
	(v2sf) =	vpush v18, $0xA  }
0x201: {  	s18 =	spop (v2sf)  }
0x202: {  	s9 =	sadd.f32 s9, s18;
	(v2sf) =	vpush v18, $0xB  }
0x203: {  	s18 =	spop (v2sf)  }
0x204: {  	s9 =	sadd.f32 s9, s18;
	(v2sf) =	vpush v18, $0xC  }
0x205: {  	s18 =	spop (v2sf)  }
0x206: {  	s9 =	sadd.f32 s9, s18;
	(v2sf) =	vpush v18, $0xD  }
0x207: {  	s18 =	spop (v2sf)  }
0x208: {  	s9 =	sadd.f32 s9, s18;
	(v2sf) =	vpush v18, $0xE  }
0x209: {  	s18 =	spop (v2sf)  }
0x20a: {  	s9 =	sadd.f32 s9, s18;
	(v2sf) =	vpush v18, $0xF  }
0x20b: {  	s18 =	spop (v2sf)  }
0x20c: {  	s9 =	sadd.f32 s9, s18  }
0x20d: {  	s18 =	spop (v2sf)  }
0x20e: {  	s9 =	sadd.f32 s9, s18  }
0x20f: {  	s18 =	spop (v2sf)  }
0x210: {  	s9 =	sadd.f32 s9, s18  }
0x211: {  	s18 =	spop (v2sf)  }
0x212: {  	s9 =	sadd.f32 s9, s18  }
0x213: {  	s18 =	spop (v2sf)  }
0x214: {  	s9 =	sadd.f32 s9, s18  }
0x215: {  	s18 =	spop (v2sf)  }
0x216: {  	s9 =	sadd.f32 s9, s18  }
0x217: {  	s18 =	spop (v2sf)  }
0x218: {  	s9 =	sadd.f32 s9, s18  }
0x219: {  	s18 =	spop (v2sf)  }
0x21a: {  	s9 =	sadd.f32 s9, s18;
	_ =	sdelay $0x1  }
0x21b: {  	v18 =	vmov s9  }
0x21c: {  	v18 =	vmul.f32 $1.442695020e+00, v18;
	_ =	sdelay $0x1  }
0x21d: {  	v18 =	vbroadcast v18, $0x0;
	_ =	sdelay $0x1  }
0x21e: {  	(erf) = vpow2.f32 v18;
	_ =	sdelay $0x8  }
0x21f: {  	v18 =	vpop (erf)  }
0x220: {  	v10 =	vmul.f32 v18, v10;
	v17 =	vmul.f32 v18, v17  }
0x221: {  	v11 =	vmul.f32 v18, v11;
	v12 =	vmul.f32 v18, v12  }
0x222: {  	[tilespmem:s17+$0x7A80] =	vst v10;
	v10 =	vmul.f32 v18, v13;
	v13 =	vmul.f32 v18, v14  }
0x223: {  	v14 =	vmul.f32 v18, v16;
	[tilespmem:s17+$0x7A90] =	vst v11;
	v11 =	vmul.f32 v18, v15  }
0x224: {  	[tilespmem:s17+$0x7AF0] =	vst v17  }
0x225: {  	[tilespmem:s17+$0x7AA0] =	vst v12  }
0x226: {  	[tilespmem:s17+$0x7AD0] =	vst v11  }
0x227: {  	[tilespmem:s17+$0x7AB0] =	vst v10  }
0x228: {  	[tilespmem:s17+$0x7AC0] =	vst v13  }
0x229: {  	[tilespmem:s17+$0x7AE0] =	vst v14  }
0x22a: {  	v10 =	vld [tilespmem:s23+$0x0];
	_ =	sdelay $0x4  }
0x22b: {  	(v2sf) =	vpush v10, $0x0;
	_ =	sdelay $0xe  }
.Ltmp3:
0x22c: {  	s17 =	spop (v2sf);
	(pc) =	sbr.rel @p0 .LBB2_9-.Ltmp3, $4  }
0x22d: {  	s9 =	sshra.s32 s17, $0x1F;
	p1 =	slt.s32 s17, $0x1;
	s18 =	sand.u32 $0xF, s17  }
0x22e: {  	s9 =	sshrl.u32 s9, $0x1C;
	p2 =	sne.s32 s18, $0x0  }
0x22f: {  	s9 =	sadd.s32 s9, s17;
	p1 =	por !p1, !p2  }
0x230: {  	s9 =	sshrl.u32 s9, $0x4;
	p1 =	por !p1, !p1  }
0x231: {  	s16 =	simm.s32 $0x1  }
0x232: {  	s16 =	simm.s32 @!p1 $0x0  }
0x233: {  	s9 =	ssub.s32 s9, s16  }
0x234: {  	s9 =	sshll.u32 s9, $0x4  }
0x235: {  	v10 =	vld [tilespmem:s9+$0x9280]  }
0x236: {  	s24 =	ssub.s32 s17, s9  }
0x237: {  	s22 =	sadd.s32 $0x1, s22;
	v11 =	vmov s24  }
0x238: {  	p0 =	sne.s32 s22, $0x6C;
	vm0 =	veq.s32 v11, v1  }
.Ltmp4:
0x239: {  	v11 =	vnsel vm0, $0x0, v18;
	(pc) =	sbr.rel @p0 .LBB2_6-.Ltmp4, $3  }
0x23a: {  	v10 =	vadd.f32 v11, v10;
	_ =	sdelay $0x1  }
0x23b: {  	[tilespmem:s9+$0x9280] =	vst v10  }
0x23c: {  	[spmem:s3] =	stream.indirect.scatter.add.f32 [tilespmem:s15], [sflag:$0x6], $0x80, s14, s30, $0xb8;
	[tilespmem:$0x1F680] =	vst v63  }
0x23d: {  	s9 =	simm.s32 $0x5  }
0x23e: {  	_ =	swait.ge [sflag:s9], $0x1800  }
0x23f: {  	[sflag:s9] =	ssyncset.done $0x0  }
0x240: {  	s23 =	simm.s32 $0x6;
	[sflag:s9] =	ssyncadd.s32 $0xFFFFE800  }
0x241: {  	_ =	swait.ge [sflag:s23], $0x1800  }
0x242: {  	[sflag:s23] =	ssyncset.done $0x0  }
0x243: {  	[sflag:s23] =	ssyncadd.s32 $0xFFFFE800  }
0x244: {  	_ =	swait.ge [sflag:s11], $0x1800  }
0x245: {  	[sflag:s11] =	ssyncset.done $0x0  }
0x246: {  	[sflag:s11] =	ssyncadd.s32 $0xFFFFE800  }
0x247: {  	_ =	swait.ge [sflag:s11], $0x1800  }
0x248: {  	[sflag:s11] =	ssyncset.done $0x0  }
0x249: {  	[sflag:s11] =	ssyncadd.s32 $0xFFFFE800  }
0x24a: {  	_ =	swait.ge [sflag:s4], $0x30  }
0x24b: {  	[sflag:s4] =	ssyncset.done $0x0  }
0x24c: {  	[sflag:s4] =	ssyncadd.s32 $0xFFFFFFD0  }
0x24d: {  	_ =	swait.ge [sflag:s4], $0x30  }
0x24e: {  	s16 =	simm.s32 $0x400;
	[sflag:s4] =	ssyncset.done $0x0  }
0x24f: {  	s17 =	simm.s32 $0x9280;
	s24 =	rddreg [dreg:$0x11];
	[sflag:s4] =	ssyncadd.s32 $0xFFFFFFD0  }
0x250: {  	[hbm4b:s24+s29] =	stream.strided.scatter [tilespmem:s17], [sflag:$0x7], $0x2780, s16, s29, $0x38;
	[tilespmem:$0x1F680] =	vst v63  }
0x251: {  	_ =	swait.ge [sflag:s26], $0x2780  }
0x252: {  	[sflag:s26] =	ssyncset.done $0x0  }
0x253: {  	[sflag:s26] =	ssyncadd.s32 $0xFFFFD880  }
0x254: {  	s16 =	stileid.u32;
	[bflag:$0x0] =	sbarrier.arrive $0xFFFF  }
0x255: {  	s9 =	sshll.u32 s16, $0x6;
	s18 =	rddreg [dreg:$0x6]  }
0x256: {  	s9 =	sor.u32 $0x1C07, s9;
	s22 =	rddreg [dreg:$0x12];
	s17 =	sshrl.u32 s18, $0x3  }
0x257: {  	[hbm:s22], [sflag:s9] =	dma.local [spmem:s17], $0x2780  }
0x258: {  	_ =	swait.ge [sflag:s26], $0x2780  }
0x259: {  	s23 =	rddreg [dreg:$0x14]  }
0x25a: {  	s24 =	rddreg [dreg:$0x13];
	s16 =	sadd.s32 $0x1, s23  }
0x25b: {  	p0 =	sne.s32 s16, s24  }
.Ltmp5:
0x25c: {  	_ = 	snop;
	(pc) =	sbr.rel @p0 .LBB2_1-.Ltmp5, $3  }
0x25d: {  	_ =	sdelay $0x1  }
0x25e: {  	[sflag:s26] =	ssyncset.done $0x0  }
0x25f: {  	[sflag:s26] =	ssyncadd.s32 $0xFFFFD880  }
0x260: {  	_ =	sfence.sel $0x180000  }
0x261: {  	[bflag:$0x0] =	sbarrier.arrive $0xFFFF  }
0x262: {  	_ =	strace $0x9000004A  }
0x263: {  	s0 =	stileid.u32;
	[bflag:$0x2] =	sbarrier.arrive $0xFFFF  }
0x264: {  	p0 =	sne.s32 s0, $0x0;
	s0 =	rddreg [dreg:$0x4]  }
0x265: {  	s0 =	sadd.s32 @!p0 $0x100000, s0  }
0x266: {  	[sflag:s0] =	ssyncadd.tile.s32 @!p0 $0x1;
	_ =	shalt  }
.Lfunc_end2:
_tile_overlayer_lowered:
.L_overlay_start_2:
0x267: {  	(tag) =	ssettag $0x2  }
0x268: {  	s0 =	rddreg [dreg:$0x0];
	s2 =	stileid.u32  }
0x269: {  	s1 =	rddreg [dreg:$0x1];
	p0 =	sne.s32 s2, $0x0  }
0x26a: {  	s3 =	rddreg [dreg:$0x2];
	[bflag:$0x3] =	sbarrier.arrive $0xFFFF;
	s2 =	simm.s32 @!p0 $0x1C07  }
0x26b: {  	[timem:s3], [sflag:s2] =	dma.local @!p0 [hbm:s0], s1  }
0x26c: {  	s0 =	simm.s32 @!p0 $0x7  }
0x26d: {  	_ =	swait.ge @!p0 [sflag:s0], s1  }
0x26e: {  	s1 =	ssub.s32 @!p0 $0x0, s1;
	[sflag:s0] =	ssyncset.done @!p0 $0x0  }
0x26f: {  	[sflag:s0] =	ssyncadd.s32 @!p0 s1  }
0x270: {  	[bflag:$0x3] =	sbarrier.arrive $0xFFFF  }
0x271: {  	_ =	shalt  }

// kernel: kernel.7.cloned.1.call-start
scs
__scs_entry_jumppad:
0x0: {  	(pc) =	sbr.rel $0x88, $3  }
0x1: {  	(tag) =	ssettag $0x0;
	lr =	simm.s32 $0x1  }
0x2: {  	[smem:$0x3F8F] =	sst lr;
	_ =	strace $0xD0000000  }
0x3: {  	_ = 	snop  }
0x4: {  	_ = 	snop  }
0x5: {  	_ = 	snop  }
0x6: {  	_ = 	snop  }
0x7: {  	_ = 	snop  }
__scs_overlays_trampoline_lowered:
0x8: {  	[smem:$0x3F9E] =	sst s0  }
0x9: {  	[smem:$0x3F9F] =	sst s1  }
0xa: {  	[smem:$0x3FA0] =	sst s2  }
0xb: {  	[smem:$0x3FA1] =	sst s3  }
0xc: {  	[smem:$0x3FA2] =	sst s4  }
0xd: {  	[smem:$0x3FA3] =	sst s5  }
0xe: {  	[smem:$0x3FA4] =	sst s6  }
0xf: {  	[smem:$0x3FA5] =	sst s7  }
0x10: {  	[smem:$0x3FA6] =	sst s8  }
0x11: {  	[smem:$0x3FA7] =	sst s9;
	s0 =	simm.s32 @!p0 $0x0  }
0x12: {  	s1 =	sld [smem:$0x3F8D];
	s0 =	simm.s32 @p0 $0x1  }
0x13: {  	[smem:$0x3FA8] =	sst s0;
	s0 =	simm.s32 @!p1 $0x0  }
0x14: {  	s2 =	sld [smem:$0x3F8C];
	s0 =	simm.s32 @p1 $0x1  }
0x15: {  	[smem:$0x3FA9] =	sst s0;
	s0 =	simm.s32 @!p2 $0x0  }
0x16: {  	s3 =	sld [smem:$0x3FDB];
	s0 =	simm.s32 @p2 $0x1  }
0x17: {  	s4 =	simm.s32 $0x1BF5;
	[smem:$0x3FAB] =	sst s0  }
0x18: {  	s0 =	sld [smem:$0x3F8E];
	_ =	swait.ge [sflag:s4], $0x0  }
0x19: {  	s7 =	sld [smem:$0x3F8F]  }
0x1a: {  	s8 =	sadd.s32 $0xFFFFE003, lr  }
0x1b: {  	s9 =	sadd.s32 $0xFFFFFEF7, lr;
	s5 =	simm.s32 $0xFFFFFFFF;
	p2 =	slt.u32 s8, $0xFFFFF086  }
0x1c: {  	p1 =	slt.u32 s9, $0xF7A;
	s5 =	simm.s32 @!p2 $0x0  }
0x1d: {  	s5 =	simm.s32 @p1 $0x1;
	p0 =	seq.s32 s7, s2  }
0x1e: {  	s7 =	smul.u32 @!p0 $0xF7A, s2;
	p2 =	seq.s32 @!p0 s5, $0x0  }
0x1f: {  	s9 =	smul.u32 $0xF7A, s1;
	s8 =	simm.s32 @!p0 $0x1BF5;
	p2 =	por !p2, p0  }
0x20: {  	[sflag:s8] =	ssyncset.s32 @!p0 $0xFFFFF086;
	s6 =	sadd.s32 @!p0 s3, s7;
	s7 =	simm.s32 @!p0 $0x108  }
0x21: {  	s3 =	sadd.s32 s3, s9;
	s6 =	sadd.s32 @!p0 $0x88, s6;
	s7 =	simm.s32 @p2 $0x1082  }
0x22: {  	[simem:s7], [sflag:s8] =	dma.local @!p0 [hbm:s6], $0xF7A  }
0x23: {  	s9 =	sor.u32 $0xD0000000, s2;
	s6 =	simm.s32 $0x108;
	_ =	swait.ge @!p0 [sflag:s8], $0x0  }
0x24: {  	s3 =	sadd.s32 $0x88, s3;
	s6 =	simm.s32 @!p1 $0x1082;
	[sflag:s4] =	ssyncset.s32 $0xFFFFF086  }
0x25: {  	[simem:s6], [sflag:s4] =	dma.local [hbm:s3], $0xF7A  }
0x26: {  	[smem:$0x3F8F] =	sst s1;
	(tag) =	ssettag s2;
	_ =	strace s9  }
0x27: {  	s1 =	sld [smem:$0x3F9F]  }
0x28: {  	s2 =	sld [smem:$0x3FA0]  }
0x29: {  	s4 =	sld [smem:$0x3FA2]  }
0x2a: {  	p0 =	seq.s32 s5, $0x0;
	s5 =	sld [smem:$0x3FA3]  }
0x2b: {  	s6 =	sld [smem:$0x3FA4]  }
0x2c: {  	s7 =	sld [smem:$0x3FA5]  }
0x2d: {  	s3 =	simm.s32 $0x108;
	s8 =	sld [smem:$0x3FA6]  }
0x2e: {  	s3 =	simm.s32 @!p0 $0x1082;
	s9 =	sld [smem:$0x3FA7]  }
0x2f: {  	lr =	sadd.s32 s0, s3;
	s0 =	sld [smem:$0x3F9E]  }
0x30: {  	s3 =	sld [smem:$0x3FA1]  }
0x31: {  	[smem:$0x3FAA] =	sst s10  }
0x32: {  	s10 =	sld [smem:$0x3FA8];
	_ =	sdelay $0x3  }
0x33: {  	p0 =	seq.s32 s10, $0x1;
	s10 =	sld [smem:$0x3FAA];
	_ =	sdelay $0x3  }
0x34: {  	[smem:$0x3FAA] =	sst s10  }
0x35: {  	s10 =	sld [smem:$0x3FA9];
	_ =	sdelay $0x3  }
0x36: {  	p1 =	seq.s32 s10, $0x1;
	s10 =	sld [smem:$0x3FAA];
	_ =	sdelay $0x3  }
0x37: {  	[smem:$0x3FAA] =	sst s10  }
0x38: {  	s10 =	sld [smem:$0x3FAB]  }
0x39: {  	_ = 	snop;
	(pc) =	sbr.ind lr, $3  }
0x3a: {  	_ = 	snop  }
0x3b: {  	_ = 	snop  }
0x3c: {  	p2 =	seq.s32 s10, $0x1;
	s10 =	sld [smem:$0x3FAA]  }
0x3d: {  	_ =	shalt  }
0x3e: {  	_ =	shalt  }
0x3f: {  	_ =	shalt  }
0x40: {  	_ =	shalt  }
0x41: {  	_ =	shalt  }
0x42: {  	_ =	shalt  }
0x43: {  	_ =	shalt  }
0x44: {  	_ =	shalt  }
0x45: {  	_ =	shalt  }
0x46: {  	_ =	shalt  }
0x47: {  	_ =	shalt  }
0x48: {  	_ =	shalt  }
0x49: {  	_ =	shalt  }
0x4a: {  	_ =	shalt  }
0x4b: {  	_ =	shalt  }
0x4c: {  	_ =	shalt  }
0x4d: {  	_ =	shalt  }
0x4e: {  	_ =	shalt  }
0x4f: {  	_ =	shalt  }
0x50: {  	_ =	shalt  }
0x51: {  	_ =	shalt  }
0x52: {  	_ =	shalt  }
0x53: {  	_ =	shalt  }
0x54: {  	_ =	shalt  }
0x55: {  	_ =	shalt  }
0x56: {  	_ =	shalt  }
0x57: {  	_ =	shalt  }
0x58: {  	_ =	shalt  }
0x59: {  	_ =	shalt  }
0x5a: {  	_ =	shalt  }
0x5b: {  	_ =	shalt  }
0x5c: {  	_ =	shalt  }
0x5d: {  	_ =	shalt  }
0x5e: {  	_ =	shalt  }
0x5f: {  	_ =	shalt  }
0x60: {  	_ =	shalt  }
0x61: {  	_ =	shalt  }
0x62: {  	_ =	shalt  }
0x63: {  	_ =	shalt  }
0x64: {  	_ =	shalt  }
0x65: {  	_ =	shalt  }
0x66: {  	_ =	shalt  }
0x67: {  	_ =	shalt  }
0x68: {  	_ =	shalt  }
0x69: {  	_ =	shalt  }
0x6a: {  	_ =	shalt  }
0x6b: {  	_ =	shalt  }
0x6c: {  	_ =	shalt  }
0x6d: {  	_ =	shalt  }
0x6e: {  	_ =	shalt  }
0x6f: {  	_ =	shalt  }
0x70: {  	_ =	shalt  }
0x71: {  	_ =	shalt  }
0x72: {  	_ =	shalt  }
0x73: {  	_ =	shalt  }
0x74: {  	_ =	shalt  }
0x75: {  	_ =	shalt  }
0x76: {  	_ =	shalt  }
0x77: {  	_ =	shalt  }
0x78: {  	_ =	shalt  }
0x79: {  	_ =	shalt  }
0x7a: {  	_ =	shalt  }
0x7b: {  	_ =	shalt  }
0x7c: {  	_ =	shalt  }
0x7d: {  	_ =	shalt  }
0x7e: {  	_ =	shalt  }
0x7f: {  	_ =	shalt  }
0x80: {  	_ =	shalt  }
0x81: {  	_ =	shalt  }
0x82: {  	_ =	shalt  }
0x83: {  	_ =	shalt  }
0x84: {  	_ =	shalt  }
0x85: {  	_ =	shalt  }
0x86: {  	_ =	shalt  }
0x87: {  	_ =	shalt  }
.Lfunc_end0:
.L_simem_size_0:
called_computation_lowered:
.L_overlay_start_0:
0x88: {  	s2 =	sld [smem:$0x3FD9]  }
0x89: {  	s3 =	sld [smem:$0x3FFE];
	_ =	sdelay $0x1  }
0x8a: {  	s1 =	srdreg.scid  }
0x8b: {  	s0 =	sand.u32 $0x1, s1  }
0x8c: {  	s14 =	sshll.u32 s0, $0xA;
	s2 =	sadd.s32 s3, s2  }
0x8d: {  	s2 =	sadd.s32 s2, s14  }
0x8e: {  	[smem:$0x3FB6] =	sst s2  }
0x8f: {  	_ = 	snop  }
0x90: {  	s2 =	sld [smem:$0x3FD0];
	_ =	sdelay $0x2  }
0x91: {  	s4 =	simm.s32 $0xA;
	s5 =	simm.s32 $0x10;
	s15 =	sld [smem:$0x3FC3]  }
0x92: {  	[smem:s5], [sflag:s4] =	dma.local [hbm:s2], $0x1  }
0x93: {  	_ =	swait.eq [sflag:s4], $0x1  }
0x94: {  	[sflag:s4] =	ssyncset.done $0x0  }
0x95: {  	s16 =	sld [smem:$0x10];
	[sflag:s4] =	ssyncadd.s32 $0xFFFFFFFF  }
0x96: {  	s17 =	sld [smem:$0x11];
	(tm) =	ssettm $0x1  }
0x97: {  	s18 =	sld [smem:$0x3FFB];
	_ =	sdelay $0x3  }
0x98: {  	_ =	strace s18  }
0x99: {  	s5 =	sld [smem:$0x3FFC];
	_ =	sdelay $0x3  }
0x9a: {  	_ =	strace s5  }
0x9b: {  	s5 =	sld [smem:$0x3FFD];
	_ =	sdelay $0x3  }
0x9c: {  	_ =	strace s5  }
0x9d: {  	_ =	strace $0x8FFFFFFF  }
0x9e: {  	s19 =	sld [smem:$0x3FDB];
	_ =	sdelay $0x1  }
0x9f: {  	s6 =	simm.s32 $_scs_section_size  }
0xa0: {  	s7 =	simm.s32 $_size__tile_overlayer_lowered;
	s8 =	simm.s32 $_tile_overlayer_lowered  }
0xa1: {  	s22 =	simm.s32 $0x1BFF;
	s21 =	sshll.u32 s8, $0x1;
	s5 =	sadd.s32 s6, s19  }
0xa2: {  	s9 =	simm.s32 $0x0;
	s20 =	sshll.u32 s7, $0x1;
	s7 =	sadd.s32 s21, s5  }
0xa3: {  	[timem:s9], [sflag:s22] =	dma.local [hbm:s7], s20  }
0xa4: {  	_ =	swait.ge [sflag:s22], s20  }
0xa5: {  	s6 =	ssub.s32 $0x0, s20;
	[sflag:s22] =	ssyncset.done $0x0  }
0xa6: {  	[sflag:s22] =	ssyncadd.s32 s6;
	_ =	sdelay $0x1  }
0xa7: {  	s23 =	simm.s32 $0x1B8B  }
0xa8: {  	_ =	swait.ge [sflag:s23], $0x1  }
0xa9: {  	[sflag:s23] =	ssyncset.done $0x0  }
0xaa: {  	s25 =	simm.s32 $0x1B8E;
	s24 =	sld [smem:$0x3FFE];
	[sflag:s23] =	ssyncadd.s32 $0xFFFFFFFF  }
0xab: {  	s26 =	simm.s32 $execute0_lowered;
	[smem:$0x3FD2] =	sst s25  }
0xac: {  	s7 =	sshll.u32 s26, $0x1;
	_ =	strace $0x80000046;
	[dreg:$0x1] =	wrdreg $0xFFFFFFFF  }
0xad: {  	s28 =	simm.s32 $_size_execute0_lowered;
	s5 =	sadd.s32 s5, s7;
	[dreg:$0x0] =	wrdreg $0x0  }
0xae: {  	s7 =	sshll.u32 s28, $0x1;
	[dreg:$0x2] =	wrdreg s5  }
0xaf: {  	[dreg:$0x3] =	wrdreg s7  }
0xb0: {  	[dreg:$0x4] =	wrdreg $0xC0  }
0xb1: {  	_ =	task [dreg:s9], $0x5FFFF  }
0xb2: {  	[dreg:$0x1] =	wrdreg $0xFFFFFFFF  }
0xb3: {  	[dreg:$0x0] =	wrdreg $0x60  }
0xb4: {  	[dreg:$0x2] =	wrdreg s24  }
0xb5: {  	[dreg:$0x3] =	wrdreg s16  }
0xb6: {  	[dreg:$0x4] =	wrdreg s17  }
0xb7: {  	[dreg:$0x5] =	wrdreg s15  }
0xb8: {  	[dreg:$0x6] =	wrdreg $0xBA800  }
0xb9: {  	[dreg:$0x7] =	wrdreg $0x9  }
0xba: {  	_ =	task.clear_ibuf [dreg:s9], $0x8FFFF;
	_ =	strace $0x90000046  }
0xbb: {  	s29 =	simm.s32 $0x9;
	_ =	strace $0x80000048  }
0xbc: {  	_ =	swait.ge [sflag:s29], $0x1  }
0xbd: {  	[sflag:s29] =	ssyncadd.s32 $0xFFFFFFFF  }
0xbe: {  	_ =	strace $0x90000048  }
0xbf: {  	_ =	sfence  }
0xc0: {  	s30 =	sld [smem:$0x0];
	_ =	sdelay $0x2  }
0xc1: {  	s31 =	sshll.u32 s1, $0xD;
	s1 =	sshrl.u32 s1, $0x2  }
0xc2: {  	s3 =	sand.u32 $0x4000, s31;
	s1 =	sadd.s32 s1, s30  }
0xc3: {  	s0 =	sor.u32 s3, s0;
	s1 =	sshll.u32 s1, $0x11  }
0xc4: {  	s0 =	sor.u32 s1, s0  }
0xc5: {  	s0 =	sadd.s32 $0x8F2B, s0  }
0xc6: {  	[sflag:s0] =	ssyncadd.remote.s32 $0x1  }
0xc7: {  	_ =	sfence.sel $0xFFFF  }
0xc8: {  	[dreg:$0x0] =	wrdreg $0xFFFFFFFF;
	(pc) =	sbr.abs _section_cstart, $3  }
0xc9: {  	[dreg:$0x1] =	wrdreg $0xFFFFFFFF  }
0xca: {  	_ =	task.clear_ibuf [dreg:s9], $0x2FFFF;
	_ =	strace $0x9FFFFFFF  }
0xcb: {  	(tm) =	ssettm $0x7FFFFFFF  }
tec
execute0_lowered:
.L_overlay_start_1:
0x0: {  	(tag) =	ssettag $0x1  }
0x1: {  	s0 =	rddreg [dreg:$0x0]  }
0x2: {  	s1 =	rddreg [dreg:$0x1]  }
0x3: {  	s2 =	rddreg [dreg:$0x2]  }
0x4: {  	s4 =	rddreg [dreg:$0x4]  }
0x5: {  	s3 =	srdreg.scid;
	s6 =	simm.s32 $0x0;
	s12 =	stileid.u32  }
0x6: {  	s28 =	simm.s32 $0x6280;
	s29 =	simm.s32 $0x80;
	s30 =	simm.s32 $0x30  }
0x7: {  	s31 =	simm.s32 $0xB0;
	s3 =	sand.u32 $0x1, s3;
	[smem:$0x7FF] =	sst s6  }
0x8: {  	s9 =	smul.u32 $0x13C00, s12;
	s7 =	sadd.s32 $0x3800, s0;
	s11 =	sshll.u32 s12, $0x7  }
0x9: {  	s5 =	sshll.u32 s3, $0x4;
	s26 =	smul.u32 $0x140000, s3;
	_ =	strace $0x80000047  }
0xa: {  	s11 =	sand.u32 $0x380, s11;
	s3 =	ssub.s32 $0x2, s3;
	s5 =	sor.u32 s12, s5  }
0xb: {  	s12 =	smul.u32 $0x4F000, s12;
	s13 =	sshrl.u32 s3, $0x1;
	s8 =	sshrl.u32 s5, $0x3  }
0xc: {  	s6 =	sadd.s32 s9, s26;
	s3 =	ssub.s32 s3, s13;
	s5 =	smul.u32 $0x2880, s5  }
0xd: {  	s13 =	simm.s32 $0x4;
	s10 =	smul.u32 $0x14000, s8;
	s8 =	sadd.s32 $0x2B800, s0  }
0xe: {  	s6 =	sshrl.u32 s6, $0x3;
	s26 =	smax.u32 s3, $0x1;
	s3 =	simm.s32 $0x280  }
0xf: {  	s6 =	sadd.s32 s6, s0;
	s20 =	sshrl.u32 s5, $0x3;
	[dreg:$0x13] =	wrdreg s26  }
0x10: {  	s26 =	simm.s32 $0x7;
	s9 =	sor.u32 s11, s10;
	s21 =	sadd.s32 s1, s20  }
0x11: {  	s22 =	sor.u32 $0x6, s20;
	s25 =	sadd.s32 $0x5D800, s6;
	[dreg:$0xd] =	wrdreg s21  }
0x12: {  	s10 =	sshrl.u32 s12, $0x2;
	s23 =	sadd.s32 s1, s22;
	[dreg:$0x12] =	wrdreg s25  }
0x13: {  	s6 =	simm.s32 $0x3280;
	s24 =	sadd.s32 s2, s22;
	[dreg:$0xf] =	wrdreg s23  }
0x14: {  	s11 =	simm.s32 $0x3;
	s18 =	sadd.s32 s10, s4;
	[dreg:$0x10] =	wrdreg s24  }
0x15: {  	s12 =	simm.s32 $0x100;
	s14 =	sadd.s32 $0x3000, s18;
	[dreg:$0x6] =	wrdreg s18  }
0x16: {  	s9 =	sshrl.u32 s9, $0x3;
	s15 =	sadd.s32 $0x6000, s18;
	[dreg:$0x7] =	wrdreg s14  }
0x17: {  	s21 =	sadd.s32 $0x90, s5;
	s16 =	sadd.s32 $0x9000, s18;
	[dreg:$0x8] =	wrdreg s15  }
0x18: {  	s25 =	simm.s32 $0x2;
	s17 =	sadd.s32 $0xC000, s18;
	[dreg:$0x9] =	wrdreg s16  }
0x19: {  	s0 =	sadd.s32 s9, s0;
	s19 =	sadd.s32 $0xF000, s18;
	[dreg:$0xa] =	wrdreg s17  }
0x1a: {  	s10 =	sadd.s32 $0x12000, s18;
	s9 =	sadd.s32 s2, s20;
	[dreg:$0xb] =	wrdreg s19  }
0x1b: {  	s20 =	sor.u32 $0x60, s5;
	s5 =	simm.s32 $0x1A80;
	[dreg:$0xc] =	wrdreg s10  }
0x1c: {  	[dreg:$0xe] =	wrdreg s9;
	s0 =	sadd.s32 $0x53800, s0;
	s10 =	simm.s32 $0x4A80  }
0x1d: {  	s14 =	simm.s32 $0x180;
	s15 =	simm.s32 $0x7A80;
	s16 =	simm.s32 $0x0  }
0x1e: {  	v0 =	vimm.f32 $0.0e+00;
	v1 =	vlaneseq.u32;
	s19 =	simm.s32 $0x0;
	[dreg:$0x11] =	wrdreg s0;
	s0 =	simm.s32 $0x1  }
.LBB2_1:
0x1f: {  	[dreg:$0x14] =	wrdreg s16  }
0x20: {  	s9 =	rddreg [dreg:$0x3];
	s24 =	simm.s32 $0x0;
	s17 =	simm.s32 $0xBA00  }
0x21: {  	[tilespmem:s17], [sflag:$0x7] =	stream.linear.gather [hbm4b:s9+s24], $0x80, $0x38;
	[tilespmem:$0x1F680] =	vst v63  }
0x22: {  	_ =	swait.ge [sflag:s26], $0x80  }
0x23: {  	[sflag:s26] =	ssyncset.done $0x0  }
0x24: {  	[sflag:s26] =	ssyncadd.s32 $0xFFFFFF80  }
0x25: {  	v2 =	vld [tilespmem:$0xBA00]  }
0x26: {  	v3 =	vld [tilespmem:$0xBA10]  }
0x27: {  	v4 =	vld [tilespmem:$0xBA20]  }
0x28: {  	v5 =	vld [tilespmem:$0xBA30]  }
0x29: {  	v6 =	vld [tilespmem:$0xBA40]  }
0x2a: {  	v7 =	vld [tilespmem:$0xBA50]  }
0x2b: {  	v8 =	vld [tilespmem:$0xBA60]  }
0x2c: {  	s16 =	simm.s32 $0x0;
	s17 =	simm.s32 $0x200;
	v9 =	vld [tilespmem:$0xBA70]  }
.LBB2_2:
0x2d: {  	p0 =	sne.s32 s17, $0xBE00;
	[tilespmem:s16+$0x62F0] =	vst v0  }
0x2e: {  	[tilespmem:s16+$0x6280] =	vst v0  }
0x2f: {  	[tilespmem:s16+$0x6290] =	vst v0  }
.Ltmp0:
0x30: {  	[tilespmem:s16+$0x62A0] =	vst v0;
	(pc) =	sbr.rel @p0 .LBB2_2-.Ltmp0, $4  }
0x31: {  	[tilespmem:s16+$0x62B0] =	vst v0  }
0x32: {  	[tilespmem:s16+$0x62C0] =	vst v0  }
0x33: {  	[tilespmem:s16+$0x62D0] =	vst v0  }
0x34: {  	[tilespmem:s16+$0x62E0] =	vst v0;
	s16 =	sshra.s32 s17, $0x2;
	s17 =	sadd.s32 $0x200, s17  }
0x35: {  	[tilespmem:s16+$0x62F0] =	vst v0  }
0x36: {  	[tilespmem:s16+$0x6280] =	vst v0  }
0x37: {  	[tilespmem:s16+$0x6290] =	vst v0  }
0x38: {  	[tilespmem:s16+$0x62A0] =	vst v0  }
0x39: {  	[tilespmem:s16+$0x62B0] =	vst v0  }
0x3a: {  	[tilespmem:s16+$0x62C0] =	vst v0  }
0x3b: {  	[tilespmem:s16+$0x62D0] =	vst v0  }
0x3c: {  	[tilespmem:s16+$0x62E0] =	vst v0;
	s9 =	simm.s32 $0x40;
	s16 =	simm.s32 $0x0  }
.LBB2_4:
0x3d: {  	p0 =	sne.s32 s9, $0x9DC0;
	[tilespmem:s16+$0x9280] =	vst v0;
	s16 =	smov.u32 s9;
	s9 =	sadd.s32 $0x40, s9  }
.Ltmp1:
0x3e: {  	(pc) =	sbr.rel @p0 .LBB2_4-.Ltmp1, $2  }
0x3f: {  	_ =	sdelay $0x2  }
0x40: {  	s16 =	sshra.s32 s16, $0x2  }
0x41: {  	[tilespmem:s16+$0x9280] =	vst v0  }
0x42: {  	[spmem:s18] =	stream.linear.scatter [tilespmem:s28], [sflag:$0x7], $0x3000, $0x38;
	[tilespmem:$0x1F680] =	vst v63  }
0x43: {  	_ =	swait.ge [sflag:s26], $0x3000  }
0x44: {  	[sflag:s26] =	ssyncset.done $0x0  }
0x45: {  	s9 =	rddreg [dreg:$0x7];
	[sflag:s26] =	ssyncadd.s32 $0xFFFFD000  }
0x46: {  	[spmem:s9] =	stream.linear.scatter [tilespmem:s28], [sflag:$0x7], $0x3000, $0x38;
	[tilespmem:$0x1F680] =	vst v63  }
0x47: {  	_ =	swait.ge [sflag:s26], $0x3000  }
0x48: {  	[sflag:s26] =	ssyncset.done $0x0  }
0x49: {  	s22 =	rddreg [dreg:$0x8];
	[sflag:s26] =	ssyncadd.s32 $0xFFFFD000  }
0x4a: {  	[spmem:s22] =	stream.linear.scatter [tilespmem:s28], [sflag:$0x7], $0x3000, $0x38;
	[tilespmem:$0x1F680] =	vst v63  }
0x4b: {  	_ =	swait.ge [sflag:s26], $0x3000  }
0x4c: {  	[sflag:s26] =	ssyncset.done $0x0  }
0x4d: {  	s23 =	rddreg [dreg:$0x9];
	[sflag:s26] =	ssyncadd.s32 $0xFFFFD000  }
0x4e: {  	[spmem:s23] =	stream.linear.scatter [tilespmem:s28], [sflag:$0x7], $0x3000, $0x38;
	[tilespmem:$0x1F680] =	vst v63  }
0x4f: {  	_ =	swait.ge [sflag:s26], $0x3000  }
0x50: {  	[sflag:s26] =	ssyncset.done $0x0  }
0x51: {  	s24 =	rddreg [dreg:$0xa];
	[sflag:s26] =	ssyncadd.s32 $0xFFFFD000  }
0x52: {  	[spmem:s24] =	stream.linear.scatter [tilespmem:s28], [sflag:$0x7], $0x3000, $0x38;
	[tilespmem:$0x1F680] =	vst v63  }
0x53: {  	_ =	swait.ge [sflag:s26], $0x3000  }
0x54: {  	[sflag:s26] =	ssyncset.done $0x0  }
0x55: {  	s16 =	rddreg [dreg:$0xb];
	[sflag:s26] =	ssyncadd.s32 $0xFFFFD000  }
0x56: {  	[spmem:s16] =	stream.linear.scatter [tilespmem:s28], [sflag:$0x7], $0x3000, $0x38;
	[tilespmem:$0x1F680] =	vst v63  }
0x57: {  	_ =	swait.ge [sflag:s26], $0x3000  }
0x58: {  	[sflag:s26] =	ssyncset.done $0x0  }
0x59: {  	s17 =	rddreg [dreg:$0xc];
	[sflag:s26] =	ssyncadd.s32 $0xFFFFD000  }
0x5a: {  	[spmem:s17] =	stream.linear.scatter [tilespmem:s28], [sflag:$0x7], $0x1C00, $0x38;
	[tilespmem:$0x1F680] =	vst v63  }
0x5b: {  	_ =	swait.ge [sflag:s26], $0x1C00  }
0x5c: {  	[sflag:s26] =	ssyncset.done $0x0  }
0x5d: {  	[sflag:s26] =	ssyncadd.s32 $0xFFFFE400  }
0x5e: {  	[bflag:$0x0] =	sbarrier.arrive $0xFFFF  }
0x5f: {  	s18 =	rddreg [dreg:$0xd]  }
0x60: {  	[tilespmem:s19], [sflag:$0x1] =	stream.linear.gather [hbm4b:s18+s19], $0x30, $0x38;
	[tilespmem:$0x1F680] =	vst v63  }
0x61: {  	s22 =	rddreg [dreg:$0xe]  }
0x62: {  	[tilespmem:s29], [sflag:$0x1] =	stream.linear.gather [hbm4b:s22+s19], $0x30, $0x38;
	[tilespmem:$0x1F680] =	vst v63  }
0x63: {  	s23 =	rddreg [dreg:$0xf]  }
0x64: {  	[tilespmem:s30], [sflag:$0x2] =	stream.linear.gather [hbm4b:s23+s19], $0x30, $0x38;
	[tilespmem:$0x1F680] =	vst v63  }
0x65: {  	s24 =	rddreg [dreg:$0x10]  }
0x66: {  	[tilespmem:s31], [sflag:$0x2] =	stream.linear.gather [hbm4b:s24+s19], $0x30, $0x38;
	[tilespmem:$0x1F680] =	vst v63  }
0x67: {  	_ =	swait.ge [sflag:s0], $0x30  }
0x68: {  	[sflag:s0] =	ssyncset.done $0x0  }
0x69: {  	[sflag:s0] =	ssyncadd.s32 $0xFFFFFFD0  }
0x6a: {  	_ =	swait.ge [sflag:s0], $0x30  }
0x6b: {  	[sflag:s0] =	ssyncset.done $0x0  }
0x6c: {  	[sflag:s0] =	ssyncadd.s32 $0xFFFFFFD0  }
0x6d: {  	[tilespmem:s3], [sflag:$0x3] =	stream.indirect.gather [hbm4b:s7+s30], $0x80, s19, s30, $0xb8;
	[tilespmem:$0x1F680] =	vst v63  }
0x6e: {  	s22 =	simm.s32 $0x0  }
0x6f: {  	[tilespmem:s6], [sflag:$0x3] =	stream.indirect.gather [hbm4b:s8+s30], $0x80, s29, s30, $0xb8;
	[tilespmem:$0x1F680] =	vst v63  }
.LBB2_6:
0x70: {  	p0 =	seq.s32 s22, $0x0  }
0x71: {  	s9 =	simm.s32 @!p0 $0x5  }
0x72: {  	_ =	swait.ge @!p0 [sflag:s9], $0x1800  }
0x73: {  	[sflag:s9] =	ssyncset.done @!p0 $0x0  }
0x74: {  	[sflag:s9] =	ssyncadd.s32 @!p0 $0xFFFFE800  }
0x75: {  	_ =	swait.ge [sflag:s25], $0x30  }
0x76: {  	[sflag:s25] =	ssyncset.done $0x0  }
0x77: {  	[sflag:s25] =	ssyncadd.s32 $0xFFFFFFD0  }
0x78: {  	_ =	swait.ge [sflag:s25], $0x30  }
0x79: {  	[sflag:s25] =	ssyncset.done $0x0  }
0x7a: {  	[sflag:s25] =	ssyncadd.s32 $0xFFFFFFD0  }
0x7b: {  	[tilespmem:s5], [sflag:$0x4] =	stream.indirect.gather [hbm4b:s7+s30], $0x80, s30, s30, $0xb8;
	[tilespmem:$0x1F680] =	vst v63  }
0x7c: {  	_ = 	snop  }
0x7d: {  	[tilespmem:s10], [sflag:$0x4] =	stream.indirect.gather [hbm4b:s8+s30], $0x80, s31, s30, $0xb8;
	[tilespmem:$0x1F680] =	vst v63  }
0x7e: {  	_ =	swait.ge [sflag:s11], $0x1800  }
0x7f: {  	[sflag:s11] =	ssyncset.done $0x0  }
0x80: {  	[sflag:s11] =	ssyncadd.s32 $0xFFFFE800  }
0x81: {  	_ =	swait.ge [sflag:s11], $0x1800  }
0x82: {  	[sflag:s11] =	ssyncset.done $0x0  }
0x83: {  	[sflag:s11] =	ssyncadd.s32 $0xFFFFE800  }
0x84: {  	v10 =	vld [tilespmem:$0x80];
	_ =	sdelay $0x1  }
0x85: {  	v11 =	vld [tilespmem:$0x90];
	_ =	sdelay $0x1  }
0x86: {  	v12 =	vld [tilespmem:$0xA0]  }
0x87: {  	[tilespmem:$0x100] =	vst v10  }
0x88: {  	s23 =	smul.u32 $0x60, s22;
	[tilespmem:$0x200] =	vst v10  }
0x89: {  	[tilespmem:$0x110] =	vst v11  }
0x8a: {  	s18 =	sadd.s32 s23, s20;
	[tilespmem:$0x210] =	vst v11  }
0x8b: {  	s9 =	sshrl.u32 s18, $0x3;
	[tilespmem:$0x120] =	vst v12  }
0x8c: {  	s16 =	sadd.s32 s1, s9;
	[tilespmem:$0x220] =	vst v12  }
0x8d: {  	[tilespmem:s19], [sflag:$0x1] =	stream.linear.gather [hbm4b:s16+s19], $0x30, $0x38;
	[tilespmem:$0x1F680] =	vst v63  }
0x8e: {  	s9 =	sadd.s32 s2, s9;
	s16 =	simm.s32 $0x0  }
0x8f: {  	[tilespmem:s29], [sflag:$0x1] =	stream.linear.gather [hbm4b:s9+s19], $0x30, $0x38;
	[tilespmem:$0x1F680] =	vst v63  }
0x90: {  	v10 =	vld [tilespmem:s16+$0x280]  }
0x91: {  	v11 =	vld [tilespmem:s16+$0x3280]  }
0x92: {  	v12 =	vld [tilespmem:s16+$0x3290]  }
0x93: {  	v13 =	vld [tilespmem:s16+$0x290]  }
0x94: {  	v14 =	vld [tilespmem:s16+$0x32A0]  }
0x95: {  	v15 =	vld [tilespmem:s16+$0x2A0]  }
0x96: {  	v16 =	vld [tilespmem:s16+$0x32B0];
	v11 =	vadd.f32 v11, v10  }
0x97: {  	v17 =	vld [tilespmem:s16+$0x2B0]  }
0x98: {  	v19 =	vld [tilespmem:s16+$0x32C0];
	v12 =	vadd.f32 v12, v13;
	v18 =	vmul.f32 $2.000000030e-01, v11  }
0x99: {  	v20 =	vld [tilespmem:s16+$0x2C0]  }
0x9a: {  	v21 =	vld [tilespmem:s16+$0x32D0];
	v14 =	vadd.f32 v14, v15;
	v11 =	vmax.f32 v11, v18;
	v18 =	vmul.f32 $2.000000030e-01, v12  }
0x9b: {  	v22 =	vld [tilespmem:s16+$0x2D0];
	v11 =	vmul.f32 v11, v2  }
0x9c: {  	v23 =	vld [tilespmem:s16+$0x32E0];
	v16 =	vadd.f32 v16, v17;
	v12 =	vmax.f32 v12, v18;
	v18 =	vmul.f32 $2.000000030e-01, v14  }
0x9d: {  	v24 =	vld [tilespmem:s16+$0x2E0];
	v11 =	vadd.f32 $0.0e+00, v11;
	v12 =	vmul.f32 v12, v3  }
0x9e: {  	v25 =	vld [tilespmem:s16+$0x32F0];
	v19 =	vadd.f32 v19, v20;
	v14 =	vmax.f32 v14, v18;
	v18 =	vmul.f32 $2.000000030e-01, v16  }
0x9f: {  	v55 =	vld [tilespmem:s16+$0x2F0];
	v11 =	vadd.f32 v12, v11;
	v54 =	vmul.f32 v14, v4  }
0xa0: {  	v21 =	vadd.f32 v21, v22;
	v16 =	vmax.f32 v16, v18;
	v18 =	vmul.f32 $2.000000030e-01, v19  }
0xa1: {  	v11 =	vadd.f32 v54, v11;
	v56 =	vmul.f32 v16, v5  }
0xa2: {  	v16 =	vmax.f32 v19, v18;
	v18 =	vmul.f32 $2.000000030e-01, v21;
	v19 =	vadd.f32 v23, v24  }
0xa3: {  	v11 =	vadd.f32 v56, v11;
	v57 =	vmul.f32 v16, v6  }
0xa4: {  	v58 =	vadd.f32 v25, v55;
	v16 =	vmax.f32 v21, v18;
	v18 =	vmul.f32 $2.000000030e-01, v19  }
0xa5: {  	v11 =	vadd.f32 v57, v11;
	v59 =	vmul.f32 v16, v7  }
0xa6: {  	v16 =	vmax.f32 v19, v18;
	v18 =	vmul.f32 $2.000000030e-01, v58  }
0xa7: {  	v11 =	vadd.f32 v59, v11;
	v60 =	vmul.f32 v16, v8  }
0xa8: {  	v16 =	vmax.f32 v58, v18  }
0xa9: {  	v11 =	vadd.f32 v60, v11;
	v61 =	vmul.f32 v16, v9;
	_ =	sdelay $0x1  }
0xaa: {  	v11 =	vadd.f32 v61, v11;
	_ =	sdelay $0x1  }
0xab: {  	(v2sf) =	vpush v11, $0x0  }
0xac: {  	(v2sf) =	vpush v11, $0x1;
	_ =	sdelay $0x1  }
0xad: {  	(v2sf) =	vpush v11, $0x2;
	_ =	sdelay $0x1  }
0xae: {  	(v2sf) =	vpush v11, $0x3;
	_ =	sdelay $0x1  }
0xaf: {  	(v2sf) =	vpush v11, $0x4;
	_ =	sdelay $0x1  }
0xb0: {  	(v2sf) =	vpush v11, $0x5;
	_ =	sdelay $0x1  }
0xb1: {  	(v2sf) =	vpush v11, $0x6;
	_ =	sdelay $0x1  }
0xb2: {  	(v2sf) =	vpush v11, $0x7;
	_ =	sdelay $0x1  }
0xb3: {  	s24 =	spop (v2sf);
	(v2sf) =	vpush v11, $0x8  }
0xb4: {  	s17 =	spop (v2sf)  }
0xb5: {  	(v2sf) =	vpush v11, $0x9;
	s9 =	sadd.f32 s17, s24  }
0xb6: {  	s18 =	spop (v2sf)  }
0xb7: {  	(v2sf) =	vpush v11, $0xA;
	s9 =	sadd.f32 s9, s18  }
0xb8: {  	s24 =	spop (v2sf)  }
0xb9: {  	(v2sf) =	vpush v11, $0xB;
	s9 =	sadd.f32 s9, s24  }
0xba: {  	s18 =	spop (v2sf)  }
0xbb: {  	(v2sf) =	vpush v11, $0xC;
	s9 =	sadd.f32 s9, s18  }
0xbc: {  	s24 =	spop (v2sf)  }
0xbd: {  	(v2sf) =	vpush v11, $0xD;
	s9 =	sadd.f32 s9, s24  }
0xbe: {  	s18 =	spop (v2sf)  }
0xbf: {  	(v2sf) =	vpush v11, $0xE;
	s9 =	sadd.f32 s9, s18  }
0xc0: {  	s24 =	spop (v2sf)  }
0xc1: {  	(v2sf) =	vpush v11, $0xF;
	s9 =	sadd.f32 s9, s24  }
0xc2: {  	s18 =	spop (v2sf)  }
0xc3: {  	s9 =	sadd.f32 s9, s18  }
0xc4: {  	s24 =	spop (v2sf)  }
0xc5: {  	s9 =	sadd.f32 s9, s24  }
0xc6: {  	s18 =	spop (v2sf)  }
0xc7: {  	s9 =	sadd.f32 s9, s18  }
0xc8: {  	s24 =	spop (v2sf)  }
0xc9: {  	s9 =	sadd.f32 s9, s24  }
0xca: {  	s18 =	spop (v2sf)  }
0xcb: {  	s9 =	sadd.f32 s9, s18  }
0xcc: {  	s24 =	spop (v2sf)  }
0xcd: {  	s9 =	sadd.f32 s9, s24  }
0xce: {  	s18 =	spop (v2sf)  }
0xcf: {  	s9 =	sadd.f32 s9, s18  }
0xd0: {  	s24 =	spop (v2sf)  }
0xd1: {  	s9 =	sadd.f32 s9, s24;
	_ =	sdelay $0x1  }
0xd2: {  	v11 =	vmov s9  }
0xd3: {  	v11 =	vmul.f32 $1.442695020e+00, v11;
	_ =	sdelay $0x1  }
0xd4: {  	v11 =	vbroadcast v11, $0x0;
	_ =	sdelay $0x1  }
0xd5: {  	(erf) = vpow2.f32 v11;
	_ =	sdelay $0x8  }
0xd6: {  	v18 =	vpop (erf)  }
0xd7: {  	v10 =	vmul.f32 v18, v10  }
0xd8: {  	v11 =	vmul.f32 v18, v13  }
0xd9: {  	v62 =	vmul.f32 v18, v55;
	[tilespmem:s16+$0x6280] =	vst v10  }
0xda: {  	v63 =	vmul.f32 v18, v17;
	[tilespmem:s16+$0x6290] =	vst v11  }
0xdb: {  	v10 =	vmul.f32 v18, v15;
	[tilespmem:s16+$0x62F0] =	vst v62  }
0xdc: {  	v11 =	vmul.f32 v18, v22;
	[tilespmem:s16+$0x62B0] =	vst v63  }
0xdd: {  	[tilespmem:s16+$0x62A0] =	vst v10;
	v10 =	vmul.f32 v18, v20  }
0xde: {  	[tilespmem:s16+$0x62D0] =	vst v11;
	v11 =	vmul.f32 v18, v24  }
0xdf: {  	[tilespmem:s16+$0x62C0] =	vst v10  }
0xe0: {  	s24 =	simm.s32 $0x200;
	[tilespmem:s16+$0x62E0] =	vst v11  }
0xe1: {  	v10 =	vld [tilespmem:s24+$0x0];
	_ =	sdelay $0x4  }
0xe2: {  	(v2sf) =	vpush v10, $0x0;
	_ =	sdelay $0xe  }
0xe3: {  	s17 =	spop (v2sf)  }
0xe4: {  	s16 =	sshra.s32 s17, $0x1F;
	s18 =	sand.u32 $0xF, s17  }
0xe5: {  	p1 =	slt.s32 s17, $0x1;
	s9 =	sshrl.u32 s16, $0x1C;
	p2 =	sne.s32 s18, $0x0  }
0xe6: {  	s9 =	sadd.s32 s9, s17;
	p1 =	por !p1, !p2  }
0xe7: {  	s16 =	simm.s32 $0x200;
	s9 =	sshrl.u32 s9, $0x4;
	p2 =	por !p1, !p1  }
.LBB2_7:
0xe8: {  	s18 =	simm.s32 $0x1  }
0xe9: {  	p1 =	sne.s32 s16, $0x5E00;
	s24 =	sadd.s32 $0x1, s24;
	s18 =	simm.s32 @!p2 $0x0  }
0xea: {  	s9 =	ssub.s32 s9, s18;
	s18 =	smov.u32 s16;
	s16 =	sadd.s32 $0x200, s16  }
0xeb: {  	s9 =	sshll.u32 s9, $0x4  }
0xec: {  	s17 =	ssub.s32 s17, s9;
	v10 =	vld [tilespmem:s9+$0x9280]  }
0xed: {  	v11 =	vmov s17  }
0xee: {  	vm0 =	veq.s32 v11, v1  }
0xef: {  	v11 =	vnsel vm0, $0x0, v18;
	_ =	sdelay $0x1  }
0xf0: {  	v10 =	vadd.f32 v11, v10  }
0xf1: {  	s17 =	sshra.s32 s18, $0x2  }
0xf2: {  	[tilespmem:s9+$0x9280] =	vst v10  }
0xf3: {  	v10 =	vld [tilespmem:s17+$0x280]  }
0xf4: {  	v13 =	vld [tilespmem:s17+$0x3280]  }
0xf5: {  	v14 =	vld [tilespmem:s17+$0x3290]  }
0xf6: {  	v11 =	vld [tilespmem:s17+$0x290]  }
0xf7: {  	v15 =	vld [tilespmem:s17+$0x32A0]  }
0xf8: {  	v12 =	vld [tilespmem:s17+$0x2A0]  }
0xf9: {  	v16 =	vadd.f32 v13, v10;
	v17 =	vld [tilespmem:s17+$0x32B0]  }
0xfa: {  	v13 =	vld [tilespmem:s17+$0x2B0]  }
0xfb: {  	v18 =	vmul.f32 $2.000000030e-01, v16;
	v19 =	vadd.f32 v14, v11;
	v20 =	vld [tilespmem:s17+$0x32C0]  }
0xfc: {  	v14 =	vld [tilespmem:s17+$0x2C0]  }
0xfd: {  	v16 =	vmax.f32 v16, v18;
	v18 =	vmul.f32 $2.000000030e-01, v19;
	v21 =	vadd.f32 v15, v12;
	v22 =	vld [tilespmem:s17+$0x32D0]  }
0xfe: {  	v16 =	vmul.f32 v16, v2;
	v15 =	vld [tilespmem:s17+$0x2D0]  }
0xff: {  	v18 =	vmax.f32 v19, v18;
	v19 =	vmul.f32 $2.000000030e-01, v21;
	v23 =	vadd.f32 v17, v13;
	v24 =	vld [tilespmem:s17+$0x32E0]  }
0x100: {  	v17 =	vadd.f32 $0.0e+00, v16;
	v18 =	vmul.f32 v18, v3;
	v16 =	vld [tilespmem:s17+$0x2E0]  }
0x101: {  	v19 =	vmax.f32 v21, v19;
	v21 =	vmul.f32 $2.000000030e-01, v23;
	v20 =	vadd.f32 v20, v14;
	v25 =	vld [tilespmem:s17+$0x32F0]  }
0x102: {  	v18 =	vadd.f32 v18, v17;
	v19 =	vmul.f32 v19, v4;
	v17 =	vld [tilespmem:s17+$0x2F0]  }
0x103: {  	v21 =	vmax.f32 v23, v21;
	v23 =	vmul.f32 $2.000000030e-01, v20;
	v22 =	vadd.f32 v22, v15  }
0x104: {  	v18 =	vadd.f32 v19, v18;
	v19 =	vmul.f32 v21, v5  }
0x105: {  	v20 =	vmax.f32 v20, v23;
	v21 =	vmul.f32 $2.000000030e-01, v22;
	v23 =	vadd.f32 v24, v16  }
0x106: {  	v18 =	vadd.f32 v19, v18;
	v19 =	vmul.f32 v20, v6  }
0x107: {  	v20 =	vmax.f32 v22, v21;
	v21 =	vmul.f32 $2.000000030e-01, v23;
	v22 =	vadd.f32 v25, v17  }
0x108: {  	v18 =	vadd.f32 v19, v18;
	v19 =	vmul.f32 v20, v7  }
0x109: {  	v20 =	vmax.f32 v23, v21;
	v21 =	vmul.f32 $2.000000030e-01, v22  }
0x10a: {  	v18 =	vadd.f32 v19, v18;
	v19 =	vmul.f32 v20, v8  }
0x10b: {  	v20 =	vmax.f32 v22, v21  }
0x10c: {  	v18 =	vadd.f32 v19, v18;
	v19 =	vmul.f32 v20, v9;
	_ =	sdelay $0x1  }
0x10d: {  	v18 =	vadd.f32 v19, v18;
	_ =	sdelay $0x1  }
0x10e: {  	(v2sf) =	vpush v18, $0x0  }
0x10f: {  	(v2sf) =	vpush v18, $0x1;
	_ =	sdelay $0x1  }
0x110: {  	(v2sf) =	vpush v18, $0x2;
	_ =	sdelay $0x1  }
0x111: {  	(v2sf) =	vpush v18, $0x3;
	_ =	sdelay $0x1  }
0x112: {  	(v2sf) =	vpush v18, $0x4;
	_ =	sdelay $0x1  }
0x113: {  	(v2sf) =	vpush v18, $0x5;
	_ =	sdelay $0x1  }
0x114: {  	(v2sf) =	vpush v18, $0x6;
	_ =	sdelay $0x1  }
0x115: {  	(v2sf) =	vpush v18, $0x7;
	_ =	sdelay $0x1  }
0x116: {  	s9 =	spop (v2sf);
	(v2sf) =	vpush v18, $0x8  }
0x117: {  	s18 =	spop (v2sf)  }
0x118: {  	s9 =	sadd.f32 s18, s9;
	(v2sf) =	vpush v18, $0x9  }
0x119: {  	s18 =	spop (v2sf)  }
0x11a: {  	s9 =	sadd.f32 s9, s18;
	(v2sf) =	vpush v18, $0xA  }
0x11b: {  	s18 =	spop (v2sf)  }
0x11c: {  	s9 =	sadd.f32 s9, s18;
	(v2sf) =	vpush v18, $0xB  }
0x11d: {  	s18 =	spop (v2sf)  }
0x11e: {  	s9 =	sadd.f32 s9, s18;
	(v2sf) =	vpush v18, $0xC  }
0x11f: {  	s18 =	spop (v2sf)  }
0x120: {  	s9 =	sadd.f32 s9, s18;
	(v2sf) =	vpush v18, $0xD  }
0x121: {  	s18 =	spop (v2sf)  }
0x122: {  	s9 =	sadd.f32 s9, s18;
	(v2sf) =	vpush v18, $0xE  }
0x123: {  	s18 =	spop (v2sf)  }
0x124: {  	s9 =	sadd.f32 s9, s18;
	(v2sf) =	vpush v18, $0xF  }
0x125: {  	s18 =	spop (v2sf)  }
0x126: {  	s9 =	sadd.f32 s9, s18  }
0x127: {  	s18 =	spop (v2sf)  }
0x128: {  	s9 =	sadd.f32 s9, s18  }
0x129: {  	s18 =	spop (v2sf)  }
0x12a: {  	s9 =	sadd.f32 s9, s18  }
0x12b: {  	s18 =	spop (v2sf)  }
0x12c: {  	s9 =	sadd.f32 s9, s18  }
0x12d: {  	s18 =	spop (v2sf)  }
0x12e: {  	s9 =	sadd.f32 s9, s18  }
0x12f: {  	s18 =	spop (v2sf)  }
0x130: {  	s9 =	sadd.f32 s9, s18  }
0x131: {  	s18 =	spop (v2sf)  }
0x132: {  	s9 =	sadd.f32 s9, s18  }
0x133: {  	s18 =	spop (v2sf)  }
0x134: {  	s9 =	sadd.f32 s9, s18;
	_ =	sdelay $0x1  }
0x135: {  	v18 =	vmov s9  }
0x136: {  	v18 =	vmul.f32 $1.442695020e+00, v18;
	_ =	sdelay $0x1  }
0x137: {  	v18 =	vbroadcast v18, $0x0;
	_ =	sdelay $0x1  }
0x138: {  	(erf) = vpow2.f32 v18;
	_ =	sdelay $0x8  }
0x139: {  	v18 =	vpop (erf)  }
0x13a: {  	v10 =	vmul.f32 v18, v10;
	v17 =	vmul.f32 v18, v17  }
0x13b: {  	v11 =	vmul.f32 v18, v11;
	v12 =	vmul.f32 v18, v12  }
0x13c: {  	[tilespmem:s17+$0x6280] =	vst v10;
	v10 =	vmul.f32 v18, v13;
	v13 =	vmul.f32 v18, v14  }
0x13d: {  	v14 =	vmul.f32 v18, v16;
	[tilespmem:s17+$0x6290] =	vst v11;
	v11 =	vmul.f32 v18, v15  }
0x13e: {  	[tilespmem:s17+$0x62F0] =	vst v17  }
0x13f: {  	[tilespmem:s17+$0x62A0] =	vst v12  }
0x140: {  	[tilespmem:s17+$0x62D0] =	vst v11  }
0x141: {  	[tilespmem:s17+$0x62B0] =	vst v10  }
0x142: {  	[tilespmem:s17+$0x62C0] =	vst v13  }
0x143: {  	[tilespmem:s17+$0x62E0] =	vst v14  }
0x144: {  	v10 =	vld [tilespmem:s24+$0x0];
	_ =	sdelay $0x4  }
0x145: {  	(v2sf) =	vpush v10, $0x0;
	_ =	sdelay $0xe  }
.Ltmp2:
0x146: {  	s17 =	spop (v2sf);
	(pc) =	sbr.rel @p1 .LBB2_7-.Ltmp2, $4  }
0x147: {  	s9 =	sshra.s32 s17, $0x1F;
	p2 =	slt.s32 s17, $0x1;
	s18 =	sand.u32 $0xF, s17  }
0x148: {  	s9 =	sshrl.u32 s9, $0x1C;
	p3 =	sne.s32 s18, $0x0  }
0x149: {  	s9 =	sadd.s32 s9, s17;
	p2 =	por !p2, !p3  }
0x14a: {  	s9 =	sshrl.u32 s9, $0x4;
	p2 =	por !p2, !p2  }
0x14b: {  	s16 =	simm.s32 $0x1  }
0x14c: {  	s16 =	simm.s32 @!p2 $0x0  }
0x14d: {  	s9 =	ssub.s32 s9, s16  }
0x14e: {  	s9 =	sshll.u32 s9, $0x4  }
0x14f: {  	v10 =	vld [tilespmem:s9+$0x9280]  }
0x150: {  	s17 =	ssub.s32 s17, s9  }
0x151: {  	v11 =	vmov s17  }
0x152: {  	vm0 =	veq.s32 v11, v1  }
0x153: {  	v11 =	vnsel vm0, $0x0, v18  }
0x154: {  	v10 =	vadd.f32 v11, v10;
	_ =	sdelay $0x1  }
0x155: {  	[tilespmem:s9+$0x9280] =	vst v10;
	s9 =	simm.s32 @!p0 $0x6  }
0x156: {  	[spmem:s4] =	stream.indirect.scatter.add.f32 [tilespmem:s28], [sflag:$0x5], $0x80, s12, s30, $0xb8;
	[tilespmem:$0x1F680] =	vst v63  }
0x157: {  	_ =	swait.ge @!p0 [sflag:s9], $0x1800  }
0x158: {  	[sflag:s9] =	ssyncset.done @!p0 $0x0  }
0x159: {  	[sflag:s9] =	ssyncadd.s32 @!p0 $0xFFFFE800  }
0x15a: {  	_ =	swait.ge [sflag:s0], $0x30  }
0x15b: {  	[sflag:s0] =	ssyncset.done $0x0  }
0x15c: {  	[sflag:s0] =	ssyncadd.s32 $0xFFFFFFD0  }
0x15d: {  	_ =	swait.ge [sflag:s0], $0x30  }
0x15e: {  	[sflag:s0] =	ssyncset.done $0x0  }
0x15f: {  	s18 =	simm.s32 $0x0;
	[sflag:s0] =	ssyncadd.s32 $0xFFFFFFD0  }
0x160: {  	[tilespmem:s3], [sflag:$0x3] =	stream.indirect.gather [hbm4b:s7+s30], $0x80, s18, s30, $0xb8;
	[tilespmem:$0x1F680] =	vst v63  }
0x161: {  	_ = 	snop  }
0x162: {  	[tilespmem:s6], [sflag:$0x3] =	stream.indirect.gather [hbm4b:s8+s30], $0x80, s29, s30, $0xb8;
	[tilespmem:$0x1F680] =	vst v63  }
0x163: {  	_ =	swait.ge [sflag:s13], $0x1800  }
0x164: {  	[sflag:s13] =	ssyncset.done $0x0  }
0x165: {  	[sflag:s13] =	ssyncadd.s32 $0xFFFFE800  }
0x166: {  	_ =	swait.ge [sflag:s13], $0x1800  }
0x167: {  	[sflag:s13] =	ssyncset.done $0x0  }
0x168: {  	[sflag:s13] =	ssyncadd.s32 $0xFFFFE800  }
0x169: {  	v10 =	vld [tilespmem:$0xB0];
	_ =	sdelay $0x1  }
0x16a: {  	v11 =	vld [tilespmem:$0xC0];
	_ =	sdelay $0x1  }
0x16b: {  	v12 =	vld [tilespmem:$0xD0]  }
0x16c: {  	[tilespmem:$0x180] =	vst v10  }
0x16d: {  	[tilespmem:$0x230] =	vst v10  }
0x16e: {  	[tilespmem:$0x190] =	vst v11  }
0x16f: {  	s23 =	sadd.s32 s23, s21;
	[tilespmem:$0x240] =	vst v11  }
0x170: {  	s16 =	sshrl.u32 s23, $0x3;
	[tilespmem:$0x1A0] =	vst v12  }
0x171: {  	s24 =	sadd.s32 s1, s16;
	[tilespmem:$0x250] =	vst v12  }
0x172: {  	[tilespmem:s30], [sflag:$0x2] =	stream.linear.gather [hbm4b:s24+s18], $0x30, $0x38;
	[tilespmem:$0x1F680] =	vst v63  }
0x173: {  	s16 =	sadd.s32 s2, s16  }
0x174: {  	[tilespmem:s31], [sflag:$0x2] =	stream.linear.gather [hbm4b:s16+s18], $0x30, $0x38;
	[tilespmem:$0x1F680] =	vst v63  }
0x175: {  	s16 =	simm.s32 $0x0  }
0x176: {  	v10 =	vld [tilespmem:s16+$0x1A80]  }
0x177: {  	v11 =	vld [tilespmem:s16+$0x4A80]  }
0x178: {  	v12 =	vld [tilespmem:s16+$0x4A90]  }
0x179: {  	v13 =	vld [tilespmem:s16+$0x1A90]  }
0x17a: {  	v14 =	vld [tilespmem:s16+$0x4AA0]  }
0x17b: {  	v15 =	vld [tilespmem:s16+$0x1AA0]  }
0x17c: {  	v16 =	vld [tilespmem:s16+$0x4AB0];
	v11 =	vadd.f32 v11, v10  }
0x17d: {  	v17 =	vld [tilespmem:s16+$0x1AB0]  }
0x17e: {  	v19 =	vld [tilespmem:s16+$0x4AC0];
	v12 =	vadd.f32 v12, v13;
	v18 =	vmul.f32 $2.000000030e-01, v11  }
0x17f: {  	v20 =	vld [tilespmem:s16+$0x1AC0]  }
0x180: {  	v21 =	vld [tilespmem:s16+$0x4AD0];
	v14 =	vadd.f32 v14, v15;
	v11 =	vmax.f32 v11, v18;
	v18 =	vmul.f32 $2.000000030e-01, v12  }
0x181: {  	v22 =	vld [tilespmem:s16+$0x1AD0];
	v11 =	vmul.f32 v11, v2  }
0x182: {  	v23 =	vld [tilespmem:s16+$0x4AE0];
	v16 =	vadd.f32 v16, v17;
	v12 =	vmax.f32 v12, v18;
	v18 =	vmul.f32 $2.000000030e-01, v14  }
0x183: {  	v24 =	vld [tilespmem:s16+$0x1AE0];
	v11 =	vadd.f32 $0.0e+00, v11;
	v12 =	vmul.f32 v12, v3  }
0x184: {  	v25 =	vld [tilespmem:s16+$0x4AF0];
	v19 =	vadd.f32 v19, v20;
	v14 =	vmax.f32 v14, v18;
	v18 =	vmul.f32 $2.000000030e-01, v16  }
0x185: {  	v55 =	vld [tilespmem:s16+$0x1AF0];
	v11 =	vadd.f32 v12, v11;
	v54 =	vmul.f32 v14, v4  }
0x186: {  	v21 =	vadd.f32 v21, v22;
	v16 =	vmax.f32 v16, v18;
	v18 =	vmul.f32 $2.000000030e-01, v19  }
0x187: {  	v11 =	vadd.f32 v54, v11;
	v56 =	vmul.f32 v16, v5  }
0x188: {  	v16 =	vmax.f32 v19, v18;
	v18 =	vmul.f32 $2.000000030e-01, v21;
	v19 =	vadd.f32 v23, v24  }
0x189: {  	v11 =	vadd.f32 v56, v11;
	v57 =	vmul.f32 v16, v6  }
0x18a: {  	v58 =	vadd.f32 v25, v55;
	v16 =	vmax.f32 v21, v18;
	v18 =	vmul.f32 $2.000000030e-01, v19  }
0x18b: {  	v11 =	vadd.f32 v57, v11;
	v59 =	vmul.f32 v16, v7  }
0x18c: {  	v16 =	vmax.f32 v19, v18;
	v18 =	vmul.f32 $2.000000030e-01, v58  }
0x18d: {  	v11 =	vadd.f32 v59, v11;
	v60 =	vmul.f32 v16, v8  }
0x18e: {  	v16 =	vmax.f32 v58, v18  }
0x18f: {  	v11 =	vadd.f32 v60, v11;
	v61 =	vmul.f32 v16, v9;
	_ =	sdelay $0x1  }
0x190: {  	v11 =	vadd.f32 v61, v11;
	_ =	sdelay $0x1  }
0x191: {  	(v2sf) =	vpush v11, $0x0  }
0x192: {  	(v2sf) =	vpush v11, $0x1;
	_ =	sdelay $0x1  }
0x193: {  	(v2sf) =	vpush v11, $0x2;
	_ =	sdelay $0x1  }
0x194: {  	(v2sf) =	vpush v11, $0x3;
	_ =	sdelay $0x1  }
0x195: {  	(v2sf) =	vpush v11, $0x4;
	_ =	sdelay $0x1  }
0x196: {  	(v2sf) =	vpush v11, $0x5;
	_ =	sdelay $0x1  }
0x197: {  	(v2sf) =	vpush v11, $0x6;
	_ =	sdelay $0x1  }
0x198: {  	(v2sf) =	vpush v11, $0x7;
	_ =	sdelay $0x1  }
0x199: {  	s17 =	spop (v2sf);
	(v2sf) =	vpush v11, $0x8  }
0x19a: {  	s18 =	spop (v2sf)  }
0x19b: {  	(v2sf) =	vpush v11, $0x9;
	s9 =	sadd.f32 s18, s17  }
0x19c: {  	s23 =	spop (v2sf)  }
0x19d: {  	(v2sf) =	vpush v11, $0xA;
	s9 =	sadd.f32 s9, s23  }
0x19e: {  	s24 =	spop (v2sf)  }
0x19f: {  	(v2sf) =	vpush v11, $0xB;
	s9 =	sadd.f32 s9, s24  }
0x1a0: {  	s18 =	spop (v2sf)  }
0x1a1: {  	(v2sf) =	vpush v11, $0xC;
	s9 =	sadd.f32 s9, s18  }
0x1a2: {  	s23 =	spop (v2sf)  }
0x1a3: {  	(v2sf) =	vpush v11, $0xD;
	s9 =	sadd.f32 s9, s23  }
0x1a4: {  	s24 =	spop (v2sf)  }
0x1a5: {  	(v2sf) =	vpush v11, $0xE;
	s9 =	sadd.f32 s9, s24  }
0x1a6: {  	s18 =	spop (v2sf)  }
0x1a7: {  	(v2sf) =	vpush v11, $0xF;
	s9 =	sadd.f32 s9, s18  }
0x1a8: {  	s23 =	spop (v2sf)  }
0x1a9: {  	s9 =	sadd.f32 s9, s23  }
0x1aa: {  	s24 =	spop (v2sf)  }
0x1ab: {  	s9 =	sadd.f32 s9, s24  }
0x1ac: {  	s18 =	spop (v2sf)  }
0x1ad: {  	s9 =	sadd.f32 s9, s18  }
0x1ae: {  	s23 =	spop (v2sf)  }
0x1af: {  	s9 =	sadd.f32 s9, s23  }
0x1b0: {  	s24 =	spop (v2sf)  }
0x1b1: {  	s9 =	sadd.f32 s9, s24  }
0x1b2: {  	s18 =	spop (v2sf)  }
0x1b3: {  	s9 =	sadd.f32 s9, s18  }
0x1b4: {  	s23 =	spop (v2sf)  }
0x1b5: {  	s9 =	sadd.f32 s9, s23  }
0x1b6: {  	s24 =	spop (v2sf)  }
0x1b7: {  	s9 =	sadd.f32 s9, s24;
	_ =	sdelay $0x1  }
0x1b8: {  	v11 =	vmov s9  }
0x1b9: {  	v11 =	vmul.f32 $1.442695020e+00, v11;
	_ =	sdelay $0x1  }
0x1ba: {  	v11 =	vbroadcast v11, $0x0;
	_ =	sdelay $0x1  }
0x1bb: {  	(erf) = vpow2.f32 v11;
	_ =	sdelay $0x8  }
0x1bc: {  	v18 =	vpop (erf)  }
0x1bd: {  	v10 =	vmul.f32 v18, v10  }
0x1be: {  	v11 =	vmul.f32 v18, v13  }
0x1bf: {  	v62 =	vmul.f32 v18, v55;
	[tilespmem:s16+$0x7A80] =	vst v10  }
0x1c0: {  	v63 =	vmul.f32 v18, v17;
	[tilespmem:s16+$0x7A90] =	vst v11  }
0x1c1: {  	v10 =	vmul.f32 v18, v15;
	[tilespmem:s16+$0x7AF0] =	vst v62  }
0x1c2: {  	v11 =	vmul.f32 v18, v22;
	[tilespmem:s16+$0x7AB0] =	vst v63  }
0x1c3: {  	[tilespmem:s16+$0x7AA0] =	vst v10;
	v10 =	vmul.f32 v18, v20  }
0x1c4: {  	[tilespmem:s16+$0x7AD0] =	vst v11;
	v11 =	vmul.f32 v18, v24  }
0x1c5: {  	[tilespmem:s16+$0x7AC0] =	vst v10  }
0x1c6: {  	s23 =	simm.s32 $0x230;
	[tilespmem:s16+$0x7AE0] =	vst v11  }
0x1c7: {  	v10 =	vld [tilespmem:s23+$0x0];
	_ =	sdelay $0x4  }
0x1c8: {  	(v2sf) =	vpush v10, $0x0;
	_ =	sdelay $0xe  }
0x1c9: {  	s17 =	spop (v2sf)  }
0x1ca: {  	s18 =	sshra.s32 s17, $0x1F;
	s24 =	sand.u32 $0xF, s17  }
0x1cb: {  	p6 =	slt.s32 s17, $0x1;
	s9 =	sshrl.u32 s18, $0x1C;
	p1 =	sne.s32 s24, $0x0  }
0x1cc: {  	s9 =	sadd.s32 s9, s17;
	p0 =	por !p6, !p1  }
0x1cd: {  	s16 =	simm.s32 $0x200;
	s9 =	sshrl.u32 s9, $0x4;
	p1 =	por !p0, !p0  }
.LBB2_9:
0x1ce: {  	s18 =	simm.s32 $0x1  }
0x1cf: {  	p0 =	sne.s32 s16, $0x5E00;
	s23 =	sadd.s32 $0x1, s23;
	s18 =	simm.s32 @!p1 $0x0  }
0x1d0: {  	s9 =	ssub.s32 s9, s18;
	s18 =	smov.u32 s16;
	s16 =	sadd.s32 $0x200, s16  }
0x1d1: {  	s9 =	sshll.u32 s9, $0x4  }
0x1d2: {  	s17 =	ssub.s32 s17, s9;
	v10 =	vld [tilespmem:s9+$0x9280]  }
0x1d3: {  	v11 =	vmov s17  }
0x1d4: {  	vm0 =	veq.s32 v11, v1  }
0x1d5: {  	v11 =	vnsel vm0, $0x0, v18;
	_ =	sdelay $0x1  }
0x1d6: {  	v10 =	vadd.f32 v11, v10  }
0x1d7: {  	s17 =	sshra.s32 s18, $0x2  }
0x1d8: {  	[tilespmem:s9+$0x9280] =	vst v10  }
0x1d9: {  	v10 =	vld [tilespmem:s17+$0x1A80]  }
0x1da: {  	v13 =	vld [tilespmem:s17+$0x4A80]  }
0x1db: {  	v14 =	vld [tilespmem:s17+$0x4A90]  }
0x1dc: {  	v11 =	vld [tilespmem:s17+$0x1A90]  }
0x1dd: {  	v15 =	vld [tilespmem:s17+$0x4AA0]  }
0x1de: {  	v12 =	vld [tilespmem:s17+$0x1AA0]  }
0x1df: {  	v16 =	vadd.f32 v13, v10;
	v17 =	vld [tilespmem:s17+$0x4AB0]  }
0x1e0: {  	v13 =	vld [tilespmem:s17+$0x1AB0]  }
0x1e1: {  	v18 =	vmul.f32 $2.000000030e-01, v16;
	v19 =	vadd.f32 v14, v11;
	v20 =	vld [tilespmem:s17+$0x4AC0]  }
0x1e2: {  	v14 =	vld [tilespmem:s17+$0x1AC0]  }
0x1e3: {  	v16 =	vmax.f32 v16, v18;
	v18 =	vmul.f32 $2.000000030e-01, v19;
	v21 =	vadd.f32 v15, v12;
	v22 =	vld [tilespmem:s17+$0x4AD0]  }
0x1e4: {  	v16 =	vmul.f32 v16, v2;
	v15 =	vld [tilespmem:s17+$0x1AD0]  }
0x1e5: {  	v18 =	vmax.f32 v19, v18;
	v19 =	vmul.f32 $2.000000030e-01, v21;
	v23 =	vadd.f32 v17, v13;
	v24 =	vld [tilespmem:s17+$0x4AE0]  }
0x1e6: {  	v17 =	vadd.f32 $0.0e+00, v16;
	v18 =	vmul.f32 v18, v3;
	v16 =	vld [tilespmem:s17+$0x1AE0]  }
0x1e7: {  	v19 =	vmax.f32 v21, v19;
	v21 =	vmul.f32 $2.000000030e-01, v23;
	v20 =	vadd.f32 v20, v14;
	v25 =	vld [tilespmem:s17+$0x4AF0]  }
0x1e8: {  	v18 =	vadd.f32 v18, v17;
	v19 =	vmul.f32 v19, v4;
	v17 =	vld [tilespmem:s17+$0x1AF0]  }
0x1e9: {  	v21 =	vmax.f32 v23, v21;
	v23 =	vmul.f32 $2.000000030e-01, v20;
	v22 =	vadd.f32 v22, v15  }
0x1ea: {  	v18 =	vadd.f32 v19, v18;
	v19 =	vmul.f32 v21, v5  }
0x1eb: {  	v20 =	vmax.f32 v20, v23;
	v21 =	vmul.f32 $2.000000030e-01, v22;
	v23 =	vadd.f32 v24, v16  }
0x1ec: {  	v18 =	vadd.f32 v19, v18;
	v19 =	vmul.f32 v20, v6  }
0x1ed: {  	v20 =	vmax.f32 v22, v21;
	v21 =	vmul.f32 $2.000000030e-01, v23;
	v22 =	vadd.f32 v25, v17  }
0x1ee: {  	v18 =	vadd.f32 v19, v18;
	v19 =	vmul.f32 v20, v7  }
0x1ef: {  	v20 =	vmax.f32 v23, v21;
	v21 =	vmul.f32 $2.000000030e-01, v22  }
0x1f0: {  	v18 =	vadd.f32 v19, v18;
	v19 =	vmul.f32 v20, v8  }
0x1f1: {  	v20 =	vmax.f32 v22, v21  }
0x1f2: {  	v18 =	vadd.f32 v19, v18;
	v19 =	vmul.f32 v20, v9;
	_ =	sdelay $0x1  }
0x1f3: {  	v18 =	vadd.f32 v19, v18;
	_ =	sdelay $0x1  }
0x1f4: {  	(v2sf) =	vpush v18, $0x0  }
0x1f5: {  	(v2sf) =	vpush v18, $0x1;
	_ =	sdelay $0x1  }
0x1f6: {  	(v2sf) =	vpush v18, $0x2;
	_ =	sdelay $0x1  }
0x1f7: {  	(v2sf) =	vpush v18, $0x3;
	_ =	sdelay $0x1  }
0x1f8: {  	(v2sf) =	vpush v18, $0x4;
	_ =	sdelay $0x1  }
0x1f9: {  	(v2sf) =	vpush v18, $0x5;
	_ =	sdelay $0x1  }
0x1fa: {  	(v2sf) =	vpush v18, $0x6;
	_ =	sdelay $0x1  }
0x1fb: {  	(v2sf) =	vpush v18, $0x7;
	_ =	sdelay $0x1  }
0x1fc: {  	s9 =	spop (v2sf);
	(v2sf) =	vpush v18, $0x8  }
0x1fd: {  	s18 =	spop (v2sf)  }
0x1fe: {  	s9 =	sadd.f32 s18, s9;
	(v2sf) =	vpush v18, $0x9  }
0x1ff: {  	s18 =	spop (v2sf)  }
0x200: {  	s9 =	sadd.f32 s9, s18;
	(v2sf) =	vpush v18, $0xA  }
0x201: {  	s18 =	spop (v2sf)  }
0x202: {  	s9 =	sadd.f32 s9, s18;
	(v2sf) =	vpush v18, $0xB  }
0x203: {  	s18 =	spop (v2sf)  }
0x204: {  	s9 =	sadd.f32 s9, s18;
	(v2sf) =	vpush v18, $0xC  }
0x205: {  	s18 =	spop (v2sf)  }
0x206: {  	s9 =	sadd.f32 s9, s18;
	(v2sf) =	vpush v18, $0xD  }
0x207: {  	s18 =	spop (v2sf)  }
0x208: {  	s9 =	sadd.f32 s9, s18;
	(v2sf) =	vpush v18, $0xE  }
0x209: {  	s18 =	spop (v2sf)  }
0x20a: {  	s9 =	sadd.f32 s9, s18;
	(v2sf) =	vpush v18, $0xF  }
0x20b: {  	s18 =	spop (v2sf)  }
0x20c: {  	s9 =	sadd.f32 s9, s18  }
0x20d: {  	s18 =	spop (v2sf)  }
0x20e: {  	s9 =	sadd.f32 s9, s18  }
0x20f: {  	s18 =	spop (v2sf)  }
0x210: {  	s9 =	sadd.f32 s9, s18  }
0x211: {  	s18 =	spop (v2sf)  }
0x212: {  	s9 =	sadd.f32 s9, s18  }
0x213: {  	s18 =	spop (v2sf)  }
0x214: {  	s9 =	sadd.f32 s9, s18  }
0x215: {  	s18 =	spop (v2sf)  }
0x216: {  	s9 =	sadd.f32 s9, s18  }
0x217: {  	s18 =	spop (v2sf)  }
0x218: {  	s9 =	sadd.f32 s9, s18  }
0x219: {  	s18 =	spop (v2sf)  }
0x21a: {  	s9 =	sadd.f32 s9, s18;
	_ =	sdelay $0x1  }
0x21b: {  	v18 =	vmov s9  }
0x21c: {  	v18 =	vmul.f32 $1.442695020e+00, v18;
	_ =	sdelay $0x1  }
0x21d: {  	v18 =	vbroadcast v18, $0x0;
	_ =	sdelay $0x1  }
0x21e: {  	(erf) = vpow2.f32 v18;
	_ =	sdelay $0x8  }
0x21f: {  	v18 =	vpop (erf)  }
0x220: {  	v10 =	vmul.f32 v18, v10;
	v17 =	vmul.f32 v18, v17  }
0x221: {  	v11 =	vmul.f32 v18, v11;
	v12 =	vmul.f32 v18, v12  }
0x222: {  	[tilespmem:s17+$0x7A80] =	vst v10;
	v10 =	vmul.f32 v18, v13;
	v13 =	vmul.f32 v18, v14  }
0x223: {  	v14 =	vmul.f32 v18, v16;
	[tilespmem:s17+$0x7A90] =	vst v11;
	v11 =	vmul.f32 v18, v15  }
0x224: {  	[tilespmem:s17+$0x7AF0] =	vst v17  }
0x225: {  	[tilespmem:s17+$0x7AA0] =	vst v12  }
0x226: {  	[tilespmem:s17+$0x7AD0] =	vst v11  }
0x227: {  	[tilespmem:s17+$0x7AB0] =	vst v10  }
0x228: {  	[tilespmem:s17+$0x7AC0] =	vst v13  }
0x229: {  	[tilespmem:s17+$0x7AE0] =	vst v14  }
0x22a: {  	v10 =	vld [tilespmem:s23+$0x0];
	_ =	sdelay $0x4  }
0x22b: {  	(v2sf) =	vpush v10, $0x0;
	_ =	sdelay $0xe  }
.Ltmp3:
0x22c: {  	s17 =	spop (v2sf);
	(pc) =	sbr.rel @p0 .LBB2_9-.Ltmp3, $4  }
0x22d: {  	s9 =	sshra.s32 s17, $0x1F;
	p1 =	slt.s32 s17, $0x1;
	s18 =	sand.u32 $0xF, s17  }
0x22e: {  	s9 =	sshrl.u32 s9, $0x1C;
	p2 =	sne.s32 s18, $0x0  }
0x22f: {  	s9 =	sadd.s32 s9, s17;
	p1 =	por !p1, !p2  }
0x230: {  	s9 =	sshrl.u32 s9, $0x4;
	p1 =	por !p1, !p1  }
0x231: {  	s16 =	simm.s32 $0x1  }
0x232: {  	s16 =	simm.s32 @!p1 $0x0  }
0x233: {  	s9 =	ssub.s32 s9, s16  }
0x234: {  	s9 =	sshll.u32 s9, $0x4  }
0x235: {  	v10 =	vld [tilespmem:s9+$0x9280]  }
0x236: {  	s24 =	ssub.s32 s17, s9  }
0x237: {  	s22 =	sadd.s32 $0x1, s22;
	v11 =	vmov s24  }
0x238: {  	p0 =	sne.s32 s22, $0x6C;
	vm0 =	veq.s32 v11, v1  }
.Ltmp4:
0x239: {  	v11 =	vnsel vm0, $0x0, v18;
	(pc) =	sbr.rel @p0 .LBB2_6-.Ltmp4, $3  }
0x23a: {  	v10 =	vadd.f32 v11, v10;
	_ =	sdelay $0x1  }
0x23b: {  	[tilespmem:s9+$0x9280] =	vst v10  }
0x23c: {  	[spmem:s4] =	stream.indirect.scatter.add.f32 [tilespmem:s15], [sflag:$0x6], $0x80, s14, s30, $0xb8;
	[tilespmem:$0x1F680] =	vst v63  }
0x23d: {  	s9 =	simm.s32 $0x5  }
0x23e: {  	_ =	swait.ge [sflag:s9], $0x1800  }
0x23f: {  	[sflag:s9] =	ssyncset.done $0x0  }
0x240: {  	s23 =	simm.s32 $0x6;
	[sflag:s9] =	ssyncadd.s32 $0xFFFFE800  }
0x241: {  	_ =	swait.ge [sflag:s23], $0x1800  }
0x242: {  	[sflag:s23] =	ssyncset.done $0x0  }
0x243: {  	[sflag:s23] =	ssyncadd.s32 $0xFFFFE800  }
0x244: {  	_ =	swait.ge [sflag:s11], $0x1800  }
0x245: {  	[sflag:s11] =	ssyncset.done $0x0  }
0x246: {  	[sflag:s11] =	ssyncadd.s32 $0xFFFFE800  }
0x247: {  	_ =	swait.ge [sflag:s11], $0x1800  }
0x248: {  	[sflag:s11] =	ssyncset.done $0x0  }
0x249: {  	[sflag:s11] =	ssyncadd.s32 $0xFFFFE800  }
0x24a: {  	_ =	swait.ge [sflag:s25], $0x30  }
0x24b: {  	[sflag:s25] =	ssyncset.done $0x0  }
0x24c: {  	[sflag:s25] =	ssyncadd.s32 $0xFFFFFFD0  }
0x24d: {  	_ =	swait.ge [sflag:s25], $0x30  }
0x24e: {  	s16 =	simm.s32 $0x400;
	[sflag:s25] =	ssyncset.done $0x0  }
0x24f: {  	s17 =	simm.s32 $0x9280;
	s24 =	rddreg [dreg:$0x11];
	[sflag:s25] =	ssyncadd.s32 $0xFFFFFFD0  }
0x250: {  	[hbm4b:s24+s29] =	stream.strided.scatter [tilespmem:s17], [sflag:$0x7], $0x2780, s16, s29, $0x38;
	[tilespmem:$0x1F680] =	vst v63  }
0x251: {  	_ =	swait.ge [sflag:s26], $0x2780  }
0x252: {  	[sflag:s26] =	ssyncset.done $0x0  }
0x253: {  	[sflag:s26] =	ssyncadd.s32 $0xFFFFD880  }
0x254: {  	s16 =	stileid.u32;
	[bflag:$0x0] =	sbarrier.arrive $0xFFFF  }
0x255: {  	s9 =	sshll.u32 s16, $0x6;
	s18 =	rddreg [dreg:$0x6]  }
0x256: {  	s9 =	sor.u32 $0x1C07, s9;
	s22 =	rddreg [dreg:$0x12];
	s17 =	sshrl.u32 s18, $0x3  }
0x257: {  	[hbm:s22], [sflag:s9] =	dma.local [spmem:s17], $0x2780  }
0x258: {  	_ =	swait.ge [sflag:s26], $0x2780  }
0x259: {  	s23 =	rddreg [dreg:$0x14]  }
0x25a: {  	s24 =	rddreg [dreg:$0x13];
	s16 =	sadd.s32 $0x1, s23  }
0x25b: {  	p0 =	sne.s32 s16, s24  }
.Ltmp5:
0x25c: {  	_ = 	snop;
	(pc) =	sbr.rel @p0 .LBB2_1-.Ltmp5, $3  }
0x25d: {  	_ =	sdelay $0x1  }
0x25e: {  	[sflag:s26] =	ssyncset.done $0x0  }
0x25f: {  	[sflag:s26] =	ssyncadd.s32 $0xFFFFD880  }
0x260: {  	_ =	sfence.sel $0x180000  }
0x261: {  	[bflag:$0x0] =	sbarrier.arrive $0xFFFF  }
0x262: {  	_ =	strace $0x90000047  }
0x263: {  	s0 =	stileid.u32;
	[bflag:$0x2] =	sbarrier.arrive $0xFFFF  }
0x264: {  	p0 =	sne.s32 s0, $0x0;
	s0 =	rddreg [dreg:$0x5]  }
0x265: {  	s0 =	sadd.s32 @!p0 $0x100000, s0  }
0x266: {  	[sflag:s0] =	ssyncadd.tile.s32 @!p0 $0x1;
	_ =	shalt  }
.Lfunc_end2:
_tile_overlayer_lowered:
.L_overlay_start_2:
0x267: {  	(tag) =	ssettag $0x2  }
0x268: {  	s0 =	rddreg [dreg:$0x0];
	s2 =	stileid.u32  }
0x269: {  	s1 =	rddreg [dreg:$0x1];
	p0 =	sne.s32 s2, $0x0  }
0x26a: {  	s3 =	rddreg [dreg:$0x2];
	[bflag:$0x3] =	sbarrier.arrive $0xFFFF;
	s2 =	simm.s32 @!p0 $0x1C07  }
0x26b: {  	[timem:s3], [sflag:s2] =	dma.local @!p0 [hbm:s0], s1  }
0x26c: {  	s0 =	simm.s32 @!p0 $0x7  }
0x26d: {  	_ =	swait.ge @!p0 [sflag:s0], s1  }
0x26e: {  	s1 =	ssub.s32 @!p0 $0x0, s1;
	[sflag:s0] =	ssyncset.done @!p0 $0x0  }
0x26f: {  	[sflag:s0] =	ssyncadd.s32 @!p0 s1  }
0x270: {  	[bflag:$0x3] =	sbarrier.arrive $0xFFFF  }
0x271: {  	_ =	shalt  }

</sc_bundles>
